<compile_context>
chip_gen: v7x
topology: tpu7x:2x2x1
jax: 0.10.2.dev20260603
libtpu: 0.0.44.dev20260713+nightly
codegen_flags: <defaults>
</compile_context>

<pallas_src>
import jax
import jax.numpy as jnp
from jax import lax
from jax.experimental import pallas as pl
from jax.experimental.pallas import tpu as pltpu
from jax.experimental.pallas import tpu_sc as plsc

_CV = 0.1
_SV = 0.2
_CONF = 0.01
_NMS_T = 0.5
_MAXOUT = 100
_N = 20000
_NP = 20480
_NW = 16
_CHUNK = _NP // _NW
_VPC = _CHUNK // 16
_NBLK = _NP // 16
_NSUP = _NBLK // 16
_SELP = 112
_OUTP = 560
_NEG = -1e9
_BIG = 1 << 30


def _iota16():
    return lax.broadcasted_iota(jnp.int32, (16,), 0)


def _lane(v, lane_idx, fill):
    return jnp.max(jnp.where(_iota16() == lane_idx, v, fill))


def _sc_body(ph, dimh,
             out_hbm,
             b0, b1, b2, b3, b4, b5, b6, b7, b8, b9, dimv, fillb,
             fsc, fx0, fy0, fx1, fy1,
             sx0, sy0, sx1, sy1, ssc,
             sh0, sh1, sh2, sh3, sh4, shb, sem, semb):
    w = lax.axis_index("s")
    base = w * _CHUNK
    it = _iota16()

    cops = tuple(
        pltpu.async_copy(ph.at[pl.ds(f * _NP + base, _CHUNK)], ref, sem)
        for f, ref in enumerate((b0, b1, b2, b3, b4, b5, b6, b7, b8, b9))
    ) + (pltpu.async_copy(dimh, dimv, sem),)
    for c in cops:
        c.wait()
    dv = dimv[...]
    sw = jnp.max(jnp.where(it == 0, dv, _NEG))
    sh = jnp.max(jnp.where(it == 1, dv, _NEG))

    a0 = b0[pl.ds(0, 16)]
    a1 = b1[pl.ds(0, 16)]
    mx0 = jnp.maximum(a0, a1)
    fillb[...] = jnp.exp(a1 - mx0) / (jnp.exp(a0 - mx0) + jnp.exp(a1 - mx0))

    def decode(i, carry):
        off = pl.multiple_of(i * 16, 16)
        sl = pl.ds(off, 16)
        a = b0[sl]
        b = b1[sl]
        tcx = b2[sl]
        tcy = b3[sl]
        tw = b4[sl]
        th = b5[sl]
        acx = b6[sl]
        acy = b7[sl]
        aw = b8[sl]
        ah = b9[sl]
        mx = jnp.maximum(a, b)
        e0 = jnp.exp(a - mx)
        e1 = jnp.exp(b - mx)
        fg = e1 / (e0 + e1)
        cx = tcx * _CV * aw + acx
        cy = tcy * _CV * ah + acy
        bw = jnp.exp(tw * _SV) * aw
        bh = jnp.exp(th * _SV) * ah
        gidx = base + off + it
        masked = jnp.where((fg > _CONF) & (gidx < _N), fg, _NEG)
        b0[sl] = masked
        b1[sl] = (cx - bw / 2.0) * sw
        b2[sl] = (cy - bh / 2.0) * sh
        b3[sl] = (cx + bw / 2.0) * sw
        b4[sl] = (cy + bh / 2.0) * sh
        return carry

    lax.fori_loop(0, _VPC, decode, 0)

    for s in range(_VPC // 16):
        acc = plsc.load_gather(b0, [s * 256 + it * 16])
        for j in range(1, 16):
            acc = jnp.maximum(acc,
                              plsc.load_gather(b0, [s * 256 + it * 16 + j]))
        b5[pl.ds(s * 16, 16)] = acc

    sops = (
        pltpu.async_copy(b0, sh0.at[pl.ds(base, _CHUNK)], sem),
        pltpu.async_copy(b1, sh1.at[pl.ds(base, _CHUNK)], sem),
        pltpu.async_copy(b2, sh2.at[pl.ds(base, _CHUNK)], sem),
        pltpu.async_copy(b3, sh3.at[pl.ds(base, _CHUNK)], sem),
        pltpu.async_copy(b4, sh4.at[pl.ds(base, _CHUNK)], sem),
        pltpu.async_copy(b5.at[pl.ds(0, _VPC)],
                         shb.at[pl.ds(w * _VPC, _VPC)], sem),
    )
    for c in sops:
        c.wait()
    plsc.subcore_barrier()

    @pl.when(w == 0)
    def _phase_b():
        bop = pltpu.async_copy(shb, b0, semb)
        gops = (
            pltpu.async_copy(sh0, fsc, sem),
            pltpu.async_copy(sh1, fx0, sem),
            pltpu.async_copy(sh2, fy0, sem),
            pltpu.async_copy(sh3, fx1, sem),
            pltpu.async_copy(sh4, fy1, sem),
        )
        bop.wait()

        for si in range(_NSUP // 16):
            gbase = si * 256
            acc = plsc.load_gather(b0, [gbase + it * 16])
            for j in range(1, 16):
                acc = jnp.maximum(
                    acc, plsc.load_gather(b0, [gbase + it * 16 + j]))
            b1[pl.ds(si * 16, 16)] = acc

        r0 = jnp.max(b1[pl.ds(0, 16)])
        r1 = jnp.max(b1[pl.ds(16, 16)])
        r2 = jnp.max(b1[pl.ds(32, 16)])
        r3 = jnp.max(b1[pl.ds(48, 16)])
        r4 = jnp.max(b1[pl.ds(64, 16)])

        for c in gops:
            c.wait()

        empty = jnp.broadcast_to(jnp.float32(-1e6), (16,))
        for j in range(_SELP // 16):
            sl = pl.ds(j * 16, 16)
            sx0[sl] = empty
            sy0[sl] = empty
            sx1[sl] = empty
            sy1[sl] = empty
            ssc[sl] = empty

        def cond(state):
            k, m, _, _, _, _, _ = state
            return jnp.logical_and(k < _MAXOUT, m > _NEG)

        def body(state):
            k, m, r0, r1, r2, r3, r4 = state
            sreg = jnp.where(
                r0 == m, 0, jnp.where(
                    r1 == m, 16, jnp.where(
                        r2 == m, 32, jnp.where(r3 == m, 48, 64))))
            soff = pl.multiple_of(sreg, 16)
            v = b1[pl.ds(soff, 16)]
            s = sreg + plsc.all_reduce_ffs(v == m)[0]
            bv = b0[pl.ds(pl.multiple_of(s * 16, 16), 16)]
            bnum = s * 16 + plsc.all_reduce_ffs(bv == m)[0]
            eoff = pl.multiple_of(bnum * 16, 16)
            ev = fsc[pl.ds(eoff, 16)]
            lane_g = plsc.all_reduce_ffs(ev == m)

            hit = it == lane_g
            gidx = eoff + lane_g
            cx0 = plsc.load_gather(fx0, [gidx])
            cy0 = plsc.load_gather(fy0, [gidx])
            cx1 = plsc.load_gather(fx1, [gidx])
            cy1 = plsc.load_gather(fy1, [gidx])
            a1 = (jnp.maximum(cx1 - cx0, 0.0) *
                  jnp.maximum(cy1 - cy0, 0.0))

            def iou_step(j, acc):
                off = pl.multiple_of(j * 16, 16)
                tx0 = sx0[pl.ds(off, 16)]
                ty0 = sy0[pl.ds(off, 16)]
                tx1 = sx1[pl.ds(off, 16)]
                ty1 = sy1[pl.ds(off, 16)]
                iw = jnp.maximum(
                    jnp.minimum(cx1, tx1) - jnp.maximum(cx0, tx0), 0.0)
                ih = jnp.maximum(
                    jnp.minimum(cy1, ty1) - jnp.maximum(cy0, ty0), 0.0)
                inter = iw * ih
                a2 = (jnp.maximum(tx1 - tx0, 0.0) *
                      jnp.maximum(ty1 - ty0, 0.0))
                iou = inter / (a1 + a2 - inter + 1e-9)
                return jnp.maximum(acc, iou)

            iou_max = jnp.zeros((16,), jnp.float32)
            for j in range(_SELP // 16):
                iou_max = iou_step(j, iou_max)
            supp = plsc.all_reduce_population_count(iou_max > _NMS_T)[0] > 0

            @pl.when(jnp.logical_not(supp))
            def _insert():
                koff = pl.multiple_of((k // 16) * 16, 16)
                klane = k & 15
                put = it == klane
                ksl = pl.ds(koff, 16)
                sx0[ksl] = jnp.where(put, cx0, sx0[ksl])
                sy0[ksl] = jnp.where(put, cy0, sy0[ksl])
                sx1[ksl] = jnp.where(put, cx1, sx1[ksl])
                sy1[ksl] = jnp.where(put, cy1, sy1[ksl])
                ssc[ksl] = jnp.where(put, m, ssc[ksl])

            k = k + jnp.where(supp, 0, 1).astype(jnp.int32)

            nev = jnp.where(hit, _NEG, ev)
            fsc[pl.ds(eoff, 16)] = nev
            nbv = jnp.where(it == (bnum & 15), jnp.max(nev), bv)
            b0[pl.ds(pl.multiple_of(s * 16, 16), 16)] = nbv
            nsv = jnp.where(it == (s - sreg), jnp.max(nbv), v)
            b1[pl.ds(soff, 16)] = nsv
            rn = jnp.max(nsv)
            r0 = jnp.where(sreg == 0, rn, r0)
            r1 = jnp.where(sreg == 16, rn, r1)
            r2 = jnp.where(sreg == 32, rn, r2)
            r3 = jnp.where(sreg == 48, rn, r3)
            r4 = jnp.where(sreg == 64, rn, r4)
            m = jnp.maximum(jnp.maximum(jnp.maximum(r0, r1),
                                        jnp.maximum(r2, r3)), r4)
            return k, m, r0, r1, r2, r3, r4

        m0 = jnp.maximum(jnp.maximum(jnp.maximum(r0, r1),
                                     jnp.maximum(r2, r3)), r4)
        fin = lax.while_loop(cond, body,
                             (jnp.int32(0), m0, r0, r1, r2, r3, r4))
        kf = fin[0]

        c0 = _lane(fx0[pl.ds(0, 16)], 0, _NEG)
        c1 = _lane(fy0[pl.ds(0, 16)], 0, _NEG)
        c2 = _lane(fx1[pl.ds(0, 16)], 0, _NEG)
        c3 = _lane(fy1[pl.ds(0, 16)], 0, _NEG)
        c4 = _lane(fillb[...], 0, _NEG)

        for j in range(_SELP // 16):
            sl = pl.ds(j * 16, 16)
            live = (j * 16 + it) < kf
            rowbase = (j * 16 + it) * 5
            plsc.store_scatter(b2, [rowbase], jnp.where(live, sx0[sl], c0))
            plsc.store_scatter(b2, [rowbase + 1], jnp.where(live, sy0[sl], c1))
            plsc.store_scatter(b2, [rowbase + 2], jnp.where(live, sx1[sl], c2))
            plsc.store_scatter(b2, [rowbase + 3], jnp.where(live, sy1[sl], c3))
            plsc.store_scatter(b2, [rowbase + 4], jnp.where(live, ssc[sl], c4))
        pltpu.sync_copy(b2.at[pl.ds(0, _OUTP)], out_hbm)


@jax.jit
def kernel(cls_logits, bbox_pred, anchors, image_h, image_w):
    pad = ((0, 0), (0, _NP - _N))
    allp = jnp.concatenate([
        jnp.pad(cls_logits[0].T, pad),
        jnp.pad(bbox_pred[0].T, pad),
        jnp.pad(anchors.T, pad),
    ], axis=0).reshape(-1)
    dims = jnp.zeros((16,), jnp.float32)
    dims = dims.at[0].set(jnp.float32(image_w)).at[1].set(jnp.float32(image_h))

    mesh = plsc.VectorSubcoreMesh(core_axis_name="c", subcore_axis_name="s",
                                  num_cores=1)
    run = pl.kernel(
        _sc_body,
        out_type=jax.ShapeDtypeStruct((_OUTP,), jnp.float32),
        mesh=mesh,
        compiler_params=pltpu.CompilerParams(needs_layout_passes=False),
        scratch_types=(
            [pltpu.VMEM((_CHUNK,), jnp.float32) for _ in range(10)] +
            [pltpu.VMEM((16,), jnp.float32), pltpu.VMEM((16,), jnp.float32)] +
            [pltpu.VMEM((_NP,), jnp.float32) for _ in range(5)] +
            [pltpu.VMEM((_SELP,), jnp.float32) for _ in range(5)] +
            [pltpu.VMEM_SHARED((_NP,), jnp.float32) for _ in range(5)] +
            [pltpu.VMEM_SHARED((_NBLK,), jnp.float32),
             pltpu.SemaphoreType.DMA, pltpu.SemaphoreType.DMA]
        ),
    )
    out = run(allp, dims)
    return out[:_MAXOUT * 5].reshape(_MAXOUT, 5)

# --- scband reference (transcript-rebuilt; emitter-appended) ---
"""Pipeline reference for scband-rpnbox-head-79903571574970 (READ-ONLY COPY).

The authoritative reference and input builder live on the scoring server;
editing this copy changes nothing except your own understanding.
"""

import jax, jax.numpy as jnp
import numpy as np

CENTER_VARIANCE = 0.1
SIZE_VARIANCE = 0.2
CONF_THRESH = 0.01
NMS_THRESH = 0.5
MAX_OUT = 100
N_ANCHORS = 20000


def setup_inputs(seed: int = 0):
    key = jax.random.key(seed)
    k1, k2, k3, k4 = jax.random.split(key, 4)
    cls_logits = jax.random.normal(k1, (1, N_ANCHORS, 2), dtype=jnp.float32)
    bbox_pred = jax.random.normal(k2, (1, N_ANCHORS, 4), dtype=jnp.float32)
    cxcy = jax.random.uniform(k3, (N_ANCHORS, 2), dtype=jnp.float32)
    wh = jax.random.uniform(k4, (N_ANCHORS, 2), dtype=jnp.float32) * 0.2 + 0.02
    anchors = jnp.concatenate([cxcy, wh], axis=1)
    return {"cls_logits": cls_logits, "bbox_pred": bbox_pred, "anchors": anchors, "image_h": 512, "image_w": 512}


def _iou_one_to_many(box, boxes):
    lt = jnp.maximum(box[:2], boxes[:, :2])
    rb = jnp.minimum(box[2:], boxes[:, 2:])
    wh = jnp.maximum(rb - lt, 0.0)
    inter = wh[:, 0] * wh[:, 1]
    a1 = jnp.maximum(box[2] - box[0], 0.0) * jnp.maximum(box[3] - box[1], 0.0)
    a2 = jnp.maximum(boxes[:, 2] - boxes[:, 0], 0.0) * jnp.maximum(boxes[:, 3] - boxes[:, 1], 0.0)
    return inter / (a1 + a2 - inter + 1e-9)


def _nms(boxes, scores, iou_threshold, max_out):
    def body(i, state):
        scores_w, sel = state
        idx = jnp.argmax(scores_w)
        sel = sel.at[i].set(idx.astype(jnp.int32))
        ious = _iou_one_to_many(boxes[idx], boxes)
        suppress = ious > iou_threshold
        scores_w = jnp.where(suppress, -1e9, scores_w)
        scores_w = scores_w.at[idx].set(-1e9)
        return (scores_w, sel)
    sel0 = jnp.zeros((max_out,), dtype=jnp.int32)
    _, sel = jax.lax.fori_loop(0, max_out, body, (scores, sel0))
    return sel


def reference(cls_logits, bbox_pred, anchors, image_h, image_w):
    # test path: softmax scores, decode SSD locations -> boxes, corner form, scale, NMS
    scores = jax.nn.softmax(cls_logits, axis=2)
    centers = bbox_pred[..., :2] * CENTER_VARIANCE * anchors[None, :, 2:] + anchors[None, :, :2]
    sizes = jnp.exp(bbox_pred[..., 2:] * SIZE_VARIANCE) * anchors[None, :, 2:]
    boxes = jnp.concatenate([centers - sizes / 2.0, centers + sizes / 2.0], axis=-1)
    fg_scores = scores[0, :, 1]
    bx = boxes[0]
    scale = jnp.array([image_w, image_h, image_w, image_h], dtype=jnp.float32)
    bx = bx * scale
    masked = jnp.where(fg_scores > CONF_THRESH, fg_scores, -1e9)
    sel = _nms(bx, masked, NMS_THRESH, MAX_OUT)
    out_boxes = bx[sel]
    out_scores = fg_scores[sel]
    return jnp.concatenate([out_boxes, out_scores[:, None]], axis=1)

if __name__ == "__main__":
    import jax
    _d = setup_inputs()
    print(jax.jit(kernel)(*tuple(_d.values())))

</pallas_src>

<mosaic_0001>
#map = affine_map<(d0, d1) -> (0)>
module attributes {stable_mosaic.version = 14 : i64} {
  func.func @_sc_body(%arg0: i32, %arg1: i32, %arg2: memref<204800xf32, #tpu.memory_space<hbm>>, %arg3: memref<16xf32, #tpu.memory_space<hbm>>, %arg4: memref<560xf32, #tpu.memory_space<hbm>>, %arg5: memref<1280xf32, #tpu.memory_space<vmem>>, %arg6: memref<1280xf32, #tpu.memory_space<vmem>>, %arg7: memref<1280xf32, #tpu.memory_space<vmem>>, %arg8: memref<1280xf32, #tpu.memory_space<vmem>>, %arg9: memref<1280xf32, #tpu.memory_space<vmem>>, %arg10: memref<1280xf32, #tpu.memory_space<vmem>>, %arg11: memref<1280xf32, #tpu.memory_space<vmem>>, %arg12: memref<1280xf32, #tpu.memory_space<vmem>>, %arg13: memref<1280xf32, #tpu.memory_space<vmem>>, %arg14: memref<1280xf32, #tpu.memory_space<vmem>>, %arg15: memref<16xf32, #tpu.memory_space<vmem>>, %arg16: memref<16xf32, #tpu.memory_space<vmem>>, %arg17: memref<20480xf32, #tpu.memory_space<vmem>>, %arg18: memref<20480xf32, #tpu.memory_space<vmem>>, %arg19: memref<20480xf32, #tpu.memory_space<vmem>>, %arg20: memref<20480xf32, #tpu.memory_space<vmem>>, %arg21: memref<20480xf32, #tpu.memory_space<vmem>>, %arg22: memref<112xf32, #tpu.memory_space<vmem>>, %arg23: memref<112xf32, #tpu.memory_space<vmem>>, %arg24: memref<112xf32, #tpu.memory_space<vmem>>, %arg25: memref<112xf32, #tpu.memory_space<vmem>>, %arg26: memref<112xf32, #tpu.memory_space<vmem>>, %arg27: memref<20480xf32, #tpu.memory_space<vmem_shared>>, %arg28: memref<20480xf32, #tpu.memory_space<vmem_shared>>, %arg29: memref<20480xf32, #tpu.memory_space<vmem_shared>>, %arg30: memref<20480xf32, #tpu.memory_space<vmem_shared>>, %arg31: memref<20480xf32, #tpu.memory_space<vmem_shared>>, %arg32: memref<1280xf32, #tpu.memory_space<vmem_shared>>, %arg33: memref<!tpu.dma_semaphore, #tpu.memory_space<semaphore_mem>>, %arg34: memref<!tpu.dma_semaphore, #tpu.memory_space<semaphore_mem>>) attributes {dimension_semantics = [#tpu.dimension_semantics<core_parallel>, #tpu.dimension_semantics<subcore_parallel>], iteration_bounds = array<i64: 1, 16>, scalar_prefetch = 0 : i64, scratch_operands = 30 : i64, tpu.core_type = #tpu.core_type<sc_vector_subcore>, window_params = [{transform_indices = #map}, {transform_indices = #map}, {transform_indices = #map}]} {
    %mul3A = arith.constant 1280 : i32
    %mul3A_0 = arith.muli %arg1, %mul3A : i32
    %iota3A = tpu.iota {dimensions = array<i32: 0>} : vector<16xi32>
    %add3A = arith.constant 0 : i32
    %add3A_1 = arith.addi %add3A, %mul3A_0 : i32
    %dma_start3A = tpu.memref_slice %arg2[%add3A_1] : memref<204800xf32, #tpu.memory_space<hbm>> -> memref<1280xf32, #tpu.memory_space<hbm>>
    %dma_start3A_2 = tpu.memref_slice %arg2[%add3A_1] : memref<204800xf32, #tpu.memory_space<hbm>> -> memref<1280xf32, #tpu.memory_space<hbm>>
    tpu.enqueue_dma source(%dma_start3A_2 : memref<1280xf32, #tpu.memory_space<hbm>>) target(%arg5 : memref<1280xf32, #tpu.memory_space<vmem>>) target_semaphore(%arg33 : memref<!tpu.dma_semaphore, #tpu.memory_space<semaphore_mem>>)
    %add3A_3 = arith.constant 20480 : i32
    %add3A_4 = arith.addi %add3A_3, %mul3A_0 : i32
    %dma_start3A_5 = tpu.memref_slice %arg2[%add3A_4] : memref<204800xf32, #tpu.memory_space<hbm>> -> memref<1280xf32, #tpu.memory_space<hbm>>
    %dma_start3A_6 = tpu.memref_slice %arg2[%add3A_4] : memref<204800xf32, #tpu.memory_space<hbm>> -> memref<1280xf32, #tpu.memory_space<hbm>>
    tpu.enqueue_dma source(%dma_start3A_6 : memref<1280xf32, #tpu.memory_space<hbm>>) target(%arg6 : memref<1280xf32, #tpu.memory_space<vmem>>) target_semaphore(%arg33 : memref<!tpu.dma_semaphore, #tpu.memory_space<semaphore_mem>>)
    %add3A_7 = arith.constant 40960 : i32
    %add3A_8 = arith.addi %add3A_7, %mul3A_0 : i32
    %dma_start3A_9 = tpu.memref_slice %arg2[%add3A_8] : memref<204800xf32, #tpu.memory_space<hbm>> -> memref<1280xf32, #tpu.memory_space<hbm>>
    %dma_start3A_10 = tpu.memref_slice %arg2[%add3A_8] : memref<204800xf32, #tpu.memory_space<hbm>> -> memref<1280xf32, #tpu.memory_space<hbm>>
    tpu.enqueue_dma source(%dma_start3A_10 : memref<1280xf32, #tpu.memory_space<hbm>>) target(%arg7 : memref<1280xf32, #tpu.memory_space<vmem>>) target_semaphore(%arg33 : memref<!tpu.dma_semaphore, #tpu.memory_space<semaphore_mem>>)
    %add3A_11 = arith.constant 61440 : i32
    %add3A_12 = arith.addi %add3A_11, %mul3A_0 : i32
    %dma_start3A_13 = tpu.memref_slice %arg2[%add3A_12] : memref<204800xf32, #tpu.memory_space<hbm>> -> memref<1280xf32, #tpu.memory_space<hbm>>
    %dma_start3A_14 = tpu.memref_slice %arg2[%add3A_12] : memref<204800xf32, #tpu.memory_space<hbm>> -> memref<1280xf32, #tpu.memory_space<hbm>>
    tpu.enqueue_dma source(%dma_start3A_14 : memref<1280xf32, #tpu.memory_space<hbm>>) target(%arg8 : memref<1280xf32, #tpu.memory_space<vmem>>) target_semaphore(%arg33 : memref<!tpu.dma_semaphore, #tpu.memory_space<semaphore_mem>>)
    %add3A_15 = arith.constant 81920 : i32
    %add3A_16 = arith.addi %add3A_15, %mul3A_0 : i32
    %dma_start3A_17 = tpu.memref_slice %arg2[%add3A_16] : memref<204800xf32, #tpu.memory_space<hbm>> -> memref<1280xf32, #tpu.memory_space<hbm>>
    %dma_start3A_18 = tpu.memref_slice %arg2[%add3A_16] : memref<204800xf32, #tpu.memory_space<hbm>> -> memref<1280xf32, #tpu.memory_space<hbm>>
    tpu.enqueue_dma source(%dma_start3A_18 : memref<1280xf32, #tpu.memory_space<hbm>>) target(%arg9 : memref<1280xf32, #tpu.memory_space<vmem>>) target_semaphore(%arg33 : memref<!tpu.dma_semaphore, #tpu.memory_space<semaphore_mem>>)
    %add3A_19 = arith.constant 102400 : i32
    %add3A_20 = arith.addi %add3A_19, %mul3A_0 : i32
    %dma_start3A_21 = tpu.memref_slice %arg2[%add3A_20] : memref<204800xf32, #tpu.memory_space<hbm>> -> memref<1280xf32, #tpu.memory_space<hbm>>
    %dma_start3A_22 = tpu.memref_slice %arg2[%add3A_20] : memref<204800xf32, #tpu.memory_space<hbm>> -> memref<1280xf32, #tpu.memory_space<hbm>>
    tpu.enqueue_dma source(%dma_start3A_22 : memref<1280xf32, #tpu.memory_space<hbm>>) target(%arg10 : memref<1280xf32, #tpu.memory_space<vmem>>) target_semaphore(%arg33 : memref<!tpu.dma_semaphore, #tpu.memory_space<semaphore_mem>>)
    %add3A_23 = arith.constant 122880 : i32
    %add3A_24 = arith.addi %add3A_23, %mul3A_0 : i32
    %dma_start3A_25 = tpu.memref_slice %arg2[%add3A_24] : memref<204800xf32, #tpu.memory_space<hbm>> -> memref<1280xf32, #tpu.memory_space<hbm>>
    %dma_start3A_26 = tpu.memref_slice %arg2[%add3A_24] : memref<204800xf32, #tpu.memory_space<hbm>> -> memref<1280xf32, #tpu.memory_space<hbm>>
    tpu.enqueue_dma source(%dma_start3A_26 : memref<1280xf32, #tpu.memory_space<hbm>>) target(%arg11 : memref<1280xf32, #tpu.memory_space<vmem>>) target_semaphore(%arg33 : memref<!tpu.dma_semaphore, #tpu.memory_space<semaphore_mem>>)
    %add3A_27 = arith.constant 143360 : i32
    %add3A_28 = arith.addi %add3A_27, %mul3A_0 : i32
    %dma_start3A_29 = tpu.memref_slice %arg2[%add3A_28] : memref<204800xf32, #tpu.memory_space<hbm>> -> memref<1280xf32, #tpu.memory_space<hbm>>
    %dma_start3A_30 = tpu.memref_slice %arg2[%add3A_28] : memref<204800xf32, #tpu.memory_space<hbm>> -> memref<1280xf32, #tpu.memory_space<hbm>>
    tpu.enqueue_dma source(%dma_start3A_30 : memref<1280xf32, #tpu.memory_space<hbm>>) target(%arg12 : memref<1280xf32, #tpu.memory_space<vmem>>) target_semaphore(%arg33 : memref<!tpu.dma_semaphore, #tpu.memory_space<semaphore_mem>>)
    %add3A_31 = arith.constant 163840 : i32
    %add3A_32 = arith.addi %add3A_31, %mul3A_0 : i32
    %dma_start3A_33 = tpu.memref_slice %arg2[%add3A_32] : memref<204800xf32, #tpu.memory_space<hbm>> -> memref<1280xf32, #tpu.memory_space<hbm>>
    %dma_start3A_34 = tpu.memref_slice %arg2[%add3A_32] : memref<204800xf32, #tpu.memory_space<hbm>> -> memref<1280xf32, #tpu.memory_space<hbm>>
    tpu.enqueue_dma source(%dma_start3A_34 : memref<1280xf32, #tpu.memory_space<hbm>>) target(%arg13 : memref<1280xf32, #tpu.memory_space<vmem>>) target_semaphore(%arg33 : memref<!tpu.dma_semaphore, #tpu.memory_space<semaphore_mem>>)
    %add3A_35 = arith.constant 184320 : i32
    %add3A_36 = arith.addi %add3A_35, %mul3A_0 : i32
    %dma_start3A_37 = tpu.memref_slice %arg2[%add3A_36] : memref<204800xf32, #tpu.memory_space<hbm>> -> memref<1280xf32, #tpu.memory_space<hbm>>
    %dma_start3A_38 = tpu.memref_slice %arg2[%add3A_36] : memref<204800xf32, #tpu.memory_space<hbm>> -> memref<1280xf32, #tpu.memory_space<hbm>>
    tpu.enqueue_dma source(%dma_start3A_38 : memref<1280xf32, #tpu.memory_space<hbm>>) target(%arg14 : memref<1280xf32, #tpu.memory_space<vmem>>) target_semaphore(%arg33 : memref<!tpu.dma_semaphore, #tpu.memory_space<semaphore_mem>>)
    tpu.enqueue_dma source(%arg3 : memref<16xf32, #tpu.memory_space<hbm>>) target(%arg15 : memref<16xf32, #tpu.memory_space<vmem>>) target_semaphore(%arg33 : memref<!tpu.dma_semaphore, #tpu.memory_space<semaphore_mem>>)
    %dma_wait3A = tpu.memref_slice %arg2[%add3A_1] : memref<204800xf32, #tpu.memory_space<hbm>> -> memref<1280xf32, #tpu.memory_space<hbm>>
    %dma_wait3A_39 = tpu.memref_slice %arg2[%add3A_1] : memref<204800xf32, #tpu.memory_space<hbm>> -> memref<1280xf32, #tpu.memory_space<hbm>>
    tpu.wait_dma2 semaphore(%arg33 : memref<!tpu.dma_semaphore, #tpu.memory_space<semaphore_mem>>) src(%dma_wait3A_39 : memref<1280xf32, #tpu.memory_space<hbm>>) dst(%arg5 : memref<1280xf32, #tpu.memory_space<vmem>>)
    %dma_wait3A_40 = tpu.memref_slice %arg2[%add3A_4] : memref<204800xf32, #tpu.memory_space<hbm>> -> memref<1280xf32, #tpu.memory_space<hbm>>
    %dma_wait3A_41 = tpu.memref_slice %arg2[%add3A_4] : memref<204800xf32, #tpu.memory_space<hbm>> -> memref<1280xf32, #tpu.memory_space<hbm>>
    tpu.wait_dma2 semaphore(%arg33 : memref<!tpu.dma_semaphore, #tpu.memory_space<semaphore_mem>>) src(%dma_wait3A_41 : memref<1280xf32, #tpu.memory_space<hbm>>) dst(%arg6 : memref<1280xf32, #tpu.memory_space<vmem>>)
    %dma_wait3A_42 = tpu.memref_slice %arg2[%add3A_8] : memref<204800xf32, #tpu.memory_space<hbm>> -> memref<1280xf32, #tpu.memory_space<hbm>>
    %dma_wait3A_43 = tpu.memref_slice %arg2[%add3A_8] : memref<204800xf32, #tpu.memory_space<hbm>> -> memref<1280xf32, #tpu.memory_space<hbm>>
    tpu.wait_dma2 semaphore(%arg33 : memref<!tpu.dma_semaphore, #tpu.memory_space<semaphore_mem>>) src(%dma_wait3A_43 : memref<1280xf32, #tpu.memory_space<hbm>>) dst(%arg7 : memref<1280xf32, #tpu.memory_space<vmem>>)
    %dma_wait3A_44 = tpu.memref_slice %arg2[%add3A_12] : memref<204800xf32, #tpu.memory_space<hbm>> -> memref<1280xf32, #tpu.memory_space<hbm>>
    %dma_wait3A_45 = tpu.memref_slice %arg2[%add3A_12] : memref<204800xf32, #tpu.memory_space<hbm>> -> memref<1280xf32, #tpu.memory_space<hbm>>
    tpu.wait_dma2 semaphore(%arg33 : memref<!tpu.dma_semaphore, #tpu.memory_space<semaphore_mem>>) src(%dma_wait3A_45 : memref<1280xf32, #tpu.memory_space<hbm>>) dst(%arg8 : memref<1280xf32, #tpu.memory_space<vmem>>)
    %dma_wait3A_46 = tpu.memref_slice %arg2[%add3A_16] : memref<204800xf32, #tpu.memory_space<hbm>> -> memref<1280xf32, #tpu.memory_space<hbm>>
    %dma_wait3A_47 = tpu.memref_slice %arg2[%add3A_16] : memref<204800xf32, #tpu.memory_space<hbm>> -> memref<1280xf32, #tpu.memory_space<hbm>>
    tpu.wait_dma2 semaphore(%arg33 : memref<!tpu.dma_semaphore, #tpu.memory_space<semaphore_mem>>) src(%dma_wait3A_47 : memref<1280xf32, #tpu.memory_space<hbm>>) dst(%arg9 : memref<1280xf32, #tpu.memory_space<vmem>>)
    %dma_wait3A_48 = tpu.memref_slice %arg2[%add3A_20] : memref<204800xf32, #tpu.memory_space<hbm>> -> memref<1280xf32, #tpu.memory_space<hbm>>
    %dma_wait3A_49 = tpu.memref_slice %arg2[%add3A_20] : memref<204800xf32, #tpu.memory_space<hbm>> -> memref<1280xf32, #tpu.memory_space<hbm>>
    tpu.wait_dma2 semaphore(%arg33 : memref<!tpu.dma_semaphore, #tpu.memory_space<semaphore_mem>>) src(%dma_wait3A_49 : memref<1280xf32, #tpu.memory_space<hbm>>) dst(%arg10 : memref<1280xf32, #tpu.memory_space<vmem>>)
    %dma_wait3A_50 = tpu.memref_slice %arg2[%add3A_24] : memref<204800xf32, #tpu.memory_space<hbm>> -> memref<1280xf32, #tpu.memory_space<hbm>>
    %dma_wait3A_51 = tpu.memref_slice %arg2[%add3A_24] : memref<204800xf32, #tpu.memory_space<hbm>> -> memref<1280xf32, #tpu.memory_space<hbm>>
    tpu.wait_dma2 semaphore(%arg33 : memref<!tpu.dma_semaphore, #tpu.memory_space<semaphore_mem>>) src(%dma_wait3A_51 : memref<1280xf32, #tpu.memory_space<hbm>>) dst(%arg11 : memref<1280xf32, #tpu.memory_space<vmem>>)
    %dma_wait3A_52 = tpu.memref_slice %arg2[%add3A_28] : memref<204800xf32, #tpu.memory_space<hbm>> -> memref<1280xf32, #tpu.memory_space<hbm>>
    %dma_wait3A_53 = tpu.memref_slice %arg2[%add3A_28] : memref<204800xf32, #tpu.memory_space<hbm>> -> memref<1280xf32, #tpu.memory_space<hbm>>
    tpu.wait_dma2 semaphore(%arg33 : memref<!tpu.dma_semaphore, #tpu.memory_space<semaphore_mem>>) src(%dma_wait3A_53 : memref<1280xf32, #tpu.memory_space<hbm>>) dst(%arg12 : memref<1280xf32, #tpu.memory_space<vmem>>)
    %dma_wait3A_54 = tpu.memref_slice %arg2[%add3A_32] : memref<204800xf32, #tpu.memory_space<hbm>> -> memref<1280xf32, #tpu.memory_space<hbm>>
    %dma_wait3A_55 = tpu.memref_slice %arg2[%add3A_32] : memref<204800xf32, #tpu.memory_space<hbm>> -> memref<1280xf32, #tpu.memory_space<hbm>>
    tpu.wait_dma2 semaphore(%arg33 : memref<!tpu.dma_semaphore, #tpu.memory_space<semaphore_mem>>) src(%dma_wait3A_55 : memref<1280xf32, #tpu.memory_space<hbm>>) dst(%arg13 : memref<1280xf32, #tpu.memory_space<vmem>>)
    %dma_wait3A_56 = tpu.memref_slice %arg2[%add3A_36] : memref<204800xf32, #tpu.memory_space<hbm>> -> memref<1280xf32, #tpu.memory_space<hbm>>
    %dma_wait3A_57 = tpu.memref_slice %arg2[%add3A_36] : memref<204800xf32, #tpu.memory_space<hbm>> -> memref<1280xf32, #tpu.memory_space<hbm>>
    tpu.wait_dma2 semaphore(%arg33 : memref<!tpu.dma_semaphore, #tpu.memory_space<semaphore_mem>>) src(%dma_wait3A_57 : memref<1280xf32, #tpu.memory_space<hbm>>) dst(%arg14 : memref<1280xf32, #tpu.memory_space<vmem>>)
    tpu.wait_dma2 semaphore(%arg33 : memref<!tpu.dma_semaphore, #tpu.memory_space<semaphore_mem>>) src(%arg3 : memref<16xf32, #tpu.memory_space<hbm>>) dst(%arg15 : memref<16xf32, #tpu.memory_space<vmem>>)
    %get3A = arith.constant 0 : index
    %get3A_58 = tpu.vector_load %arg15[%get3A] {strides = array<i32>} : memref<16xf32, #tpu.memory_space<vmem>>, vector<16xf32>,
    %eq3A = arith.constant 0 : i32
    %eq3A_59 = vector.broadcast %eq3A : i32 to vector<16xi32>
    %eq3A_60 = arith.cmpi eq, %iota3A, %eq3A_59 : vector<16xi32>
    %jit3A = arith.constant -1.000000e+09 : f32
    %broadcast_in_dim3A = vector.broadcast %jit3A : f32 to vector<16xf32>
    %select_n3A = arith.select %eq3A_60, %get3A_58, %broadcast_in_dim3A : vector<16xi1>, vector<16xf32>
    %reduce_max3A = arith.constant true
    %reduce_max3A_61 = vector.broadcast %reduce_max3A : i1 to vector<16xi1>
    %reduce_max3A_62 = tpu.scan <max>, %select_n3A masked %reduce_max3A_61 : vector<16xf32>, vector<16xi1> -> vector<16xf32>
    %reduce_max3A_63 = vector.extract %reduce_max3A_62[15] : f32 from vector<16xf32>
    %eq3A_64 = arith.constant 1 : i32
    %eq3A_65 = vector.broadcast %eq3A_64 : i32 to vector<16xi32>
    %eq3A_66 = arith.cmpi eq, %iota3A, %eq3A_65 : vector<16xi32>
    %jit3A_67 = arith.constant -1.000000e+09 : f32
    %broadcast_in_dim3A_68 = vector.broadcast %jit3A_67 : f32 to vector<16xf32>
    %select_n3A_69 = arith.select %eq3A_66, %get3A_58, %broadcast_in_dim3A_68 : vector<16xi1>, vector<16xf32>
    %reduce_max3A_70 = arith.constant true
    %reduce_max3A_71 = vector.broadcast %reduce_max3A_70 : i1 to vector<16xi1>
    %reduce_max3A_72 = tpu.scan <max>, %select_n3A_69 masked %reduce_max3A_71 : vector<16xf32>, vector<16xi1> -> vector<16xf32>
    %reduce_max3A_73 = vector.extract %reduce_max3A_72[15] : f32 from vector<16xf32>
    %get3A_74 = arith.constant 0 : index
    %get3A_75 = tpu.vector_load %arg5[%get3A_74] {strides = array<i32>} : memref<1280xf32, #tpu.memory_space<vmem>>, vector<16xf32>,
    %get3A_76 = arith.constant 0 : index
    %get3A_77 = tpu.vector_load %arg6[%get3A_76] {strides = array<i32>} : memref<1280xf32, #tpu.memory_space<vmem>>, vector<16xf32>,
    %max3A = arith.maximumf %get3A_75, %get3A_77 : vector<16xf32>
    %sub3A = arith.subf %get3A_77, %max3A : vector<16xf32>
    %exp3A = math.exp %sub3A : vector<16xf32>
    %sub3A_78 = arith.subf %get3A_75, %max3A : vector<16xf32>
    %exp3A_79 = math.exp %sub3A_78 : vector<16xf32>
    %sub3A_80 = arith.subf %get3A_77, %max3A : vector<16xf32>
    %exp3A_81 = math.exp %sub3A_80 : vector<16xf32>
    %add3A_82 = arith.addf %exp3A_79, %exp3A_81 : vector<16xf32>
    %div3A = arith.divf %exp3A, %add3A_82 : vector<16xf32>
    %swap3A = arith.constant 0 : index
    %swap3A_83 = tpu.vector_load %arg16[%swap3A] {strides = array<i32>} : memref<16xf32, #tpu.memory_space<vmem>>, vector<16xf32>,
    tpu.vector_store %arg16[%swap3A], %div3A {strides = array<i32>} : memref<16xf32, #tpu.memory_space<vmem>>, vector<16xf32>,
    %scan3A = arith.constant 0 : i32
    %scan3A_84 = arith.constant 0 : i32
    %scan3A_85 = arith.constant 80 : i32
    %scan3A_86 = arith.addi %scan3A_84, %scan3A_85 : i32
    %scan3A_87 = arith.constant 1 : i32
    scf.for %scan3A_995 = %scan3A_84 to %scan3A_86 step %scan3A_87  : i32 {
      %mul3A_996 = arith.constant 16 : i32
      %mul3A_997 = arith.muli %scan3A_995, %mul3A_996 : i32
      %multiple_of3A = tpu.assume_multiple %mul3A_997, 16 : i32
      %get3A_998 = arith.index_cast %multiple_of3A : i32 to index
      %get3A_999 = tpu.vector_load %arg5[%get3A_998] {strides = array<i32>} : memref<1280xf32, #tpu.memory_space<vmem>>, vector<16xf32>,
      %get3A_1000 = arith.index_cast %multiple_of3A : i32 to index
      %get3A_1001 = tpu.vector_load %arg6[%get3A_1000] {strides = array<i32>} : memref<1280xf32, #tpu.memory_space<vmem>>, vector<16xf32>,
      %get3A_1002 = arith.index_cast %multiple_of3A : i32 to index
      %get3A_1003 = tpu.vector_load %arg7[%get3A_1002] {strides = array<i32>} : memref<1280xf32, #tpu.memory_space<vmem>>, vector<16xf32>,
      %get3A_1004 = arith.index_cast %multiple_of3A : i32 to index
      %get3A_1005 = tpu.vector_load %arg8[%get3A_1004] {strides = array<i32>} : memref<1280xf32, #tpu.memory_space<vmem>>, vector<16xf32>,
      %get3A_1006 = arith.index_cast %multiple_of3A : i32 to index
      %get3A_1007 = tpu.vector_load %arg9[%get3A_1006] {strides = array<i32>} : memref<1280xf32, #tpu.memory_space<vmem>>, vector<16xf32>,
      %get3A_1008 = arith.index_cast %multiple_of3A : i32 to index
      %get3A_1009 = tpu.vector_load %arg10[%get3A_1008] {strides = array<i32>} : memref<1280xf32, #tpu.memory_space<vmem>>, vector<16xf32>,
      %get3A_1010 = arith.index_cast %multiple_of3A : i32 to index
      %get3A_1011 = tpu.vector_load %arg11[%get3A_1010] {strides = array<i32>} : memref<1280xf32, #tpu.memory_space<vmem>>, vector<16xf32>,
      %get3A_1012 = arith.index_cast %multiple_of3A : i32 to index
      %get3A_1013 = tpu.vector_load %arg12[%get3A_1012] {strides = array<i32>} : memref<1280xf32, #tpu.memory_space<vmem>>, vector<16xf32>,
      %get3A_1014 = arith.index_cast %multiple_of3A : i32 to index
      %get3A_1015 = tpu.vector_load %arg13[%get3A_1014] {strides = array<i32>} : memref<1280xf32, #tpu.memory_space<vmem>>, vector<16xf32>,
      %get3A_1016 = arith.index_cast %multiple_of3A : i32 to index
      %get3A_1017 = tpu.vector_load %arg14[%get3A_1016] {strides = array<i32>} : memref<1280xf32, #tpu.memory_space<vmem>>, vector<16xf32>,
      %max3A_1018 = arith.maximumf %get3A_999, %get3A_1001 : vector<16xf32>
      %sub3A_1019 = arith.subf %get3A_999, %max3A_1018 : vector<16xf32>
      %exp3A_1020 = math.exp %sub3A_1019 : vector<16xf32>
      %sub3A_1021 = arith.subf %get3A_1001, %max3A_1018 : vector<16xf32>
      %exp3A_1022 = math.exp %sub3A_1021 : vector<16xf32>
      %add3A_1023 = arith.addf %exp3A_1020, %exp3A_1022 : vector<16xf32>
      %div3A_1024 = arith.divf %exp3A_1022, %add3A_1023 : vector<16xf32>
      %mul3A_1025 = arith.constant 1.000000e-01 : f32
      %mul3A_1026 = vector.broadcast %mul3A_1025 : f32 to vector<16xf32>
      %mul3A_1027 = arith.mulf %get3A_1003, %mul3A_1026 : vector<16xf32>
      %mul3A_1028 = arith.mulf %mul3A_1027, %get3A_1015 : vector<16xf32>
      %add3A_1029 = arith.addf %mul3A_1028, %get3A_1011 : vector<16xf32>
      %mul3A_1030 = arith.constant 1.000000e-01 : f32
      %mul3A_1031 = vector.broadcast %mul3A_1030 : f32 to vector<16xf32>
      %mul3A_1032 = arith.mulf %get3A_1005, %mul3A_1031 : vector<16xf32>
      %mul3A_1033 = arith.mulf %mul3A_1032, %get3A_1017 : vector<16xf32>
      %add3A_1034 = arith.addf %mul3A_1033, %get3A_1013 : vector<16xf32>
      %mul3A_1035 = arith.constant 2.000000e-01 : f32
      %mul3A_1036 = vector.broadcast %mul3A_1035 : f32 to vector<16xf32>
      %mul3A_1037 = arith.mulf %get3A_1007, %mul3A_1036 : vector<16xf32>
      %exp3A_1038 = math.exp %mul3A_1037 : vector<16xf32>
      %mul3A_1039 = arith.mulf %exp3A_1038, %get3A_1015 : vector<16xf32>
      %mul3A_1040 = arith.constant 2.000000e-01 : f32
      %mul3A_1041 = vector.broadcast %mul3A_1040 : f32 to vector<16xf32>
      %mul3A_1042 = arith.mulf %get3A_1009, %mul3A_1041 : vector<16xf32>
      %exp3A_1043 = math.exp %mul3A_1042 : vector<16xf32>
      %mul3A_1044 = arith.mulf %exp3A_1043, %get3A_1017 : vector<16xf32>
      %add3A_1045 = arith.addi %mul3A_0, %multiple_of3A : i32
      %add3A_1046 = vector.broadcast %add3A_1045 : i32 to vector<16xi32>
      %add3A_1047 = arith.addi %add3A_1046, %iota3A : vector<16xi32>
      %gt3A = arith.constant 0.00999999977 : f32
      %gt3A_1048 = vector.broadcast %gt3A : f32 to vector<16xf32>
      %gt3A_1049 = arith.cmpf ogt, %div3A_1024, %gt3A_1048 : vector<16xf32>
      %lt3A = arith.constant 20000 : i32
      %lt3A_1050 = vector.broadcast %lt3A : i32 to vector<16xi32>
      %lt3A_1051 = arith.cmpi slt, %add3A_1047, %lt3A_1050 : vector<16xi32>
      %and3A = arith.andi %gt3A_1049, %lt3A_1051 : vector<16xi1>
      %jit3A_1052 = arith.constant -1.000000e+09 : f32
      %broadcast_in_dim3A_1053 = vector.broadcast %jit3A_1052 : f32 to vector<16xf32>
      %select_n3A_1054 = arith.select %and3A, %div3A_1024, %broadcast_in_dim3A_1053 : vector<16xi1>, vector<16xf32>
      %swap3A_1055 = arith.index_cast %multiple_of3A : i32 to index
      %swap3A_1056 = tpu.vector_load %arg5[%swap3A_1055] {strides = array<i32>} : memref<1280xf32, #tpu.memory_space<vmem>>, vector<16xf32>,
      tpu.vector_store %arg5[%swap3A_1055], %select_n3A_1054 {strides = array<i32>} : memref<1280xf32, #tpu.memory_space<vmem>>, vector<16xf32>,
      %div3A_1057 = arith.constant 2.000000e+00 : f32
      %div3A_1058 = vector.broadcast %div3A_1057 : f32 to vector<16xf32>
      %div3A_1059 = arith.divf %mul3A_1039, %div3A_1058 : vector<16xf32>
      %sub3A_1060 = arith.subf %add3A_1029, %div3A_1059 : vector<16xf32>
      %mul3A_1061 = vector.broadcast %reduce_max3A_63 : f32 to vector<16xf32>
      %mul3A_1062 = arith.mulf %sub3A_1060, %mul3A_1061 : vector<16xf32>
      %swap3A_1063 = arith.index_cast %multiple_of3A : i32 to index
      %swap3A_1064 = tpu.vector_load %arg6[%swap3A_1063] {strides = array<i32>} : memref<1280xf32, #tpu.memory_space<vmem>>, vector<16xf32>,
      tpu.vector_store %arg6[%swap3A_1063], %mul3A_1062 {strides = array<i32>} : memref<1280xf32, #tpu.memory_space<vmem>>, vector<16xf32>,
      %div3A_1065 = arith.constant 2.000000e+00 : f32
      %div3A_1066 = vector.broadcast %div3A_1065 : f32 to vector<16xf32>
      %div3A_1067 = arith.divf %mul3A_1044, %div3A_1066 : vector<16xf32>
      %sub3A_1068 = arith.subf %add3A_1034, %div3A_1067 : vector<16xf32>
      %mul3A_1069 = vector.broadcast %reduce_max3A_73 : f32 to vector<16xf32>
      %mul3A_1070 = arith.mulf %sub3A_1068, %mul3A_1069 : vector<16xf32>
      %swap3A_1071 = arith.index_cast %multiple_of3A : i32 to index
      %swap3A_1072 = tpu.vector_load %arg7[%swap3A_1071] {strides = array<i32>} : memref<1280xf32, #tpu.memory_space<vmem>>, vector<16xf32>,
      tpu.vector_store %arg7[%swap3A_1071], %mul3A_1070 {strides = array<i32>} : memref<1280xf32, #tpu.memory_space<vmem>>, vector<16xf32>,
      %div3A_1073 = arith.constant 2.000000e+00 : f32
      %div3A_1074 = vector.broadcast %div3A_1073 : f32 to vector<16xf32>
      %div3A_1075 = arith.divf %mul3A_1039, %div3A_1074 : vector<16xf32>
      %add3A_1076 = arith.addf %add3A_1029, %div3A_1075 : vector<16xf32>
      %mul3A_1077 = vector.broadcast %reduce_max3A_63 : f32 to vector<16xf32>
      %mul3A_1078 = arith.mulf %add3A_1076, %mul3A_1077 : vector<16xf32>
      %swap3A_1079 = arith.index_cast %multiple_of3A : i32 to index
      %swap3A_1080 = tpu.vector_load %arg8[%swap3A_1079] {strides = array<i32>} : memref<1280xf32, #tpu.memory_space<vmem>>, vector<16xf32>,
      tpu.vector_store %arg8[%swap3A_1079], %mul3A_1078 {strides = array<i32>} : memref<1280xf32, #tpu.memory_space<vmem>>, vector<16xf32>,
      %div3A_1081 = arith.constant 2.000000e+00 : f32
      %div3A_1082 = vector.broadcast %div3A_1081 : f32 to vector<16xf32>
      %div3A_1083 = arith.divf %mul3A_1044, %div3A_1082 : vector<16xf32>
      %add3A_1084 = arith.addf %add3A_1034, %div3A_1083 : vector<16xf32>
      %mul3A_1085 = vector.broadcast %reduce_max3A_73 : f32 to vector<16xf32>
      %mul3A_1086 = arith.mulf %add3A_1084, %mul3A_1085 : vector<16xf32>
      %swap3A_1087 = arith.index_cast %multiple_of3A : i32 to index
      %swap3A_1088 = tpu.vector_load %arg9[%swap3A_1087] {strides = array<i32>} : memref<1280xf32, #tpu.memory_space<vmem>>, vector<16xf32>,
      tpu.vector_store %arg9[%swap3A_1087], %mul3A_1086 {strides = array<i32>} : memref<1280xf32, #tpu.memory_space<vmem>>, vector<16xf32>,
    }
    %scan3A_88 = arith.constant 80 : i32
    %mul3A_89 = arith.constant 16 : i32
    %mul3A_90 = vector.broadcast %mul3A_89 : i32 to vector<16xi32>
    %mul3A_91 = arith.muli %iota3A, %mul3A_90 : vector<16xi32>
    %add3A_92 = arith.constant 0 : i32
    %add3A_93 = vector.broadcast %add3A_92 : i32 to vector<16xi32>
    %add3A_94 = arith.addi %add3A_93, %mul3A_91 : vector<16xi32>
    %gather3A = tpu.vector_load_idx %arg5[%add3A_94] : memref<1280xf32, #tpu.memory_space<vmem>>[vector<16xi32>], vector<16xf32>,
    %mul3A_95 = arith.constant 16 : i32
    %mul3A_96 = vector.broadcast %mul3A_95 : i32 to vector<16xi32>
    %mul3A_97 = arith.muli %iota3A, %mul3A_96 : vector<16xi32>
    %add3A_98 = arith.constant 0 : i32
    %add3A_99 = vector.broadcast %add3A_98 : i32 to vector<16xi32>
    %add3A_100 = arith.addi %add3A_99, %mul3A_97 : vector<16xi32>
    %add3A_101 = arith.constant 1 : i32
    %add3A_102 = vector.broadcast %add3A_101 : i32 to vector<16xi32>
    %add3A_103 = arith.addi %add3A_100, %add3A_102 : vector<16xi32>
    %gather3A_104 = tpu.vector_load_idx %arg5[%add3A_103] : memref<1280xf32, #tpu.memory_space<vmem>>[vector<16xi32>], vector<16xf32>,
    %max3A_105 = arith.maximumf %gather3A, %gather3A_104 : vector<16xf32>
    %mul3A_106 = arith.constant 16 : i32
    %mul3A_107 = vector.broadcast %mul3A_106 : i32 to vector<16xi32>
    %mul3A_108 = arith.muli %iota3A, %mul3A_107 : vector<16xi32>
    %add3A_109 = arith.constant 0 : i32
    %add3A_110 = vector.broadcast %add3A_109 : i32 to vector<16xi32>
    %add3A_111 = arith.addi %add3A_110, %mul3A_108 : vector<16xi32>
    %add3A_112 = arith.constant 2 : i32
    %add3A_113 = vector.broadcast %add3A_112 : i32 to vector<16xi32>
    %add3A_114 = arith.addi %add3A_111, %add3A_113 : vector<16xi32>
    %gather3A_115 = tpu.vector_load_idx %arg5[%add3A_114] : memref<1280xf32, #tpu.memory_space<vmem>>[vector<16xi32>], vector<16xf32>,
    %max3A_116 = arith.maximumf %max3A_105, %gather3A_115 : vector<16xf32>
    %mul3A_117 = arith.constant 16 : i32
    %mul3A_118 = vector.broadcast %mul3A_117 : i32 to vector<16xi32>
    %mul3A_119 = arith.muli %iota3A, %mul3A_118 : vector<16xi32>
    %add3A_120 = arith.constant 0 : i32
    %add3A_121 = vector.broadcast %add3A_120 : i32 to vector<16xi32>
    %add3A_122 = arith.addi %add3A_121, %mul3A_119 : vector<16xi32>
    %add3A_123 = arith.constant 3 : i32
    %add3A_124 = vector.broadcast %add3A_123 : i32 to vector<16xi32>
    %add3A_125 = arith.addi %add3A_122, %add3A_124 : vector<16xi32>
    %gather3A_126 = tpu.vector_load_idx %arg5[%add3A_125] : memref<1280xf32, #tpu.memory_space<vmem>>[vector<16xi32>], vector<16xf32>,
    %max3A_127 = arith.maximumf %max3A_116, %gather3A_126 : vector<16xf32>
    %mul3A_128 = arith.constant 16 : i32
    %mul3A_129 = vector.broadcast %mul3A_128 : i32 to vector<16xi32>
    %mul3A_130 = arith.muli %iota3A, %mul3A_129 : vector<16xi32>
    %add3A_131 = arith.constant 0 : i32
    %add3A_132 = vector.broadcast %add3A_131 : i32 to vector<16xi32>
    %add3A_133 = arith.addi %add3A_132, %mul3A_130 : vector<16xi32>
    %add3A_134 = arith.constant 4 : i32
    %add3A_135 = vector.broadcast %add3A_134 : i32 to vector<16xi32>
    %add3A_136 = arith.addi %add3A_133, %add3A_135 : vector<16xi32>
    %gather3A_137 = tpu.vector_load_idx %arg5[%add3A_136] : memref<1280xf32, #tpu.memory_space<vmem>>[vector<16xi32>], vector<16xf32>,
    %max3A_138 = arith.maximumf %max3A_127, %gather3A_137 : vector<16xf32>
    %mul3A_139 = arith.constant 16 : i32
    %mul3A_140 = vector.broadcast %mul3A_139 : i32 to vector<16xi32>
    %mul3A_141 = arith.muli %iota3A, %mul3A_140 : vector<16xi32>
    %add3A_142 = arith.constant 0 : i32
    %add3A_143 = vector.broadcast %add3A_142 : i32 to vector<16xi32>
    %add3A_144 = arith.addi %add3A_143, %mul3A_141 : vector<16xi32>
    %add3A_145 = arith.constant 5 : i32
    %add3A_146 = vector.broadcast %add3A_145 : i32 to vector<16xi32>
    %add3A_147 = arith.addi %add3A_144, %add3A_146 : vector<16xi32>
    %gather3A_148 = tpu.vector_load_idx %arg5[%add3A_147] : memref<1280xf32, #tpu.memory_space<vmem>>[vector<16xi32>], vector<16xf32>,
    %max3A_149 = arith.maximumf %max3A_138, %gather3A_148 : vector<16xf32>
    %mul3A_150 = arith.constant 16 : i32
    %mul3A_151 = vector.broadcast %mul3A_150 : i32 to vector<16xi32>
    %mul3A_152 = arith.muli %iota3A, %mul3A_151 : vector<16xi32>
    %add3A_153 = arith.constant 0 : i32
    %add3A_154 = vector.broadcast %add3A_153 : i32 to vector<16xi32>
    %add3A_155 = arith.addi %add3A_154, %mul3A_152 : vector<16xi32>
    %add3A_156 = arith.constant 6 : i32
    %add3A_157 = vector.broadcast %add3A_156 : i32 to vector<16xi32>
    %add3A_158 = arith.addi %add3A_155, %add3A_157 : vector<16xi32>
    %gather3A_159 = tpu.vector_load_idx %arg5[%add3A_158] : memref<1280xf32, #tpu.memory_space<vmem>>[vector<16xi32>], vector<16xf32>,
    %max3A_160 = arith.maximumf %max3A_149, %gather3A_159 : vector<16xf32>
    %mul3A_161 = arith.constant 16 : i32
    %mul3A_162 = vector.broadcast %mul3A_161 : i32 to vector<16xi32>
    %mul3A_163 = arith.muli %iota3A, %mul3A_162 : vector<16xi32>
    %add3A_164 = arith.constant 0 : i32
    %add3A_165 = vector.broadcast %add3A_164 : i32 to vector<16xi32>
    %add3A_166 = arith.addi %add3A_165, %mul3A_163 : vector<16xi32>
    %add3A_167 = arith.constant 7 : i32
    %add3A_168 = vector.broadcast %add3A_167 : i32 to vector<16xi32>
    %add3A_169 = arith.addi %add3A_166, %add3A_168 : vector<16xi32>
    %gather3A_170 = tpu.vector_load_idx %arg5[%add3A_169] : memref<1280xf32, #tpu.memory_space<vmem>>[vector<16xi32>], vector<16xf32>,
    %max3A_171 = arith.maximumf %max3A_160, %gather3A_170 : vector<16xf32>
    %mul3A_172 = arith.constant 16 : i32
    %mul3A_173 = vector.broadcast %mul3A_172 : i32 to vector<16xi32>
    %mul3A_174 = arith.muli %iota3A, %mul3A_173 : vector<16xi32>
    %add3A_175 = arith.constant 0 : i32
    %add3A_176 = vector.broadcast %add3A_175 : i32 to vector<16xi32>
    %add3A_177 = arith.addi %add3A_176, %mul3A_174 : vector<16xi32>
    %add3A_178 = arith.constant 8 : i32
    %add3A_179 = vector.broadcast %add3A_178 : i32 to vector<16xi32>
    %add3A_180 = arith.addi %add3A_177, %add3A_179 : vector<16xi32>
    %gather3A_181 = tpu.vector_load_idx %arg5[%add3A_180] : memref<1280xf32, #tpu.memory_space<vmem>>[vector<16xi32>], vector<16xf32>,
    %max3A_182 = arith.maximumf %max3A_171, %gather3A_181 : vector<16xf32>
    %mul3A_183 = arith.constant 16 : i32
    %mul3A_184 = vector.broadcast %mul3A_183 : i32 to vector<16xi32>
    %mul3A_185 = arith.muli %iota3A, %mul3A_184 : vector<16xi32>
    %add3A_186 = arith.constant 0 : i32
    %add3A_187 = vector.broadcast %add3A_186 : i32 to vector<16xi32>
    %add3A_188 = arith.addi %add3A_187, %mul3A_185 : vector<16xi32>
    %add3A_189 = arith.constant 9 : i32
    %add3A_190 = vector.broadcast %add3A_189 : i32 to vector<16xi32>
    %add3A_191 = arith.addi %add3A_188, %add3A_190 : vector<16xi32>
    %gather3A_192 = tpu.vector_load_idx %arg5[%add3A_191] : memref<1280xf32, #tpu.memory_space<vmem>>[vector<16xi32>], vector<16xf32>,
    %max3A_193 = arith.maximumf %max3A_182, %gather3A_192 : vector<16xf32>
    %mul3A_194 = arith.constant 16 : i32
    %mul3A_195 = vector.broadcast %mul3A_194 : i32 to vector<16xi32>
    %mul3A_196 = arith.muli %iota3A, %mul3A_195 : vector<16xi32>
    %add3A_197 = arith.constant 0 : i32
    %add3A_198 = vector.broadcast %add3A_197 : i32 to vector<16xi32>
    %add3A_199 = arith.addi %add3A_198, %mul3A_196 : vector<16xi32>
    %add3A_200 = arith.constant 10 : i32
    %add3A_201 = vector.broadcast %add3A_200 : i32 to vector<16xi32>
    %add3A_202 = arith.addi %add3A_199, %add3A_201 : vector<16xi32>
    %gather3A_203 = tpu.vector_load_idx %arg5[%add3A_202] : memref<1280xf32, #tpu.memory_space<vmem>>[vector<16xi32>], vector<16xf32>,
    %max3A_204 = arith.maximumf %max3A_193, %gather3A_203 : vector<16xf32>
    %mul3A_205 = arith.constant 16 : i32
    %mul3A_206 = vector.broadcast %mul3A_205 : i32 to vector<16xi32>
    %mul3A_207 = arith.muli %iota3A, %mul3A_206 : vector<16xi32>
    %add3A_208 = arith.constant 0 : i32
    %add3A_209 = vector.broadcast %add3A_208 : i32 to vector<16xi32>
    %add3A_210 = arith.addi %add3A_209, %mul3A_207 : vector<16xi32>
    %add3A_211 = arith.constant 11 : i32
    %add3A_212 = vector.broadcast %add3A_211 : i32 to vector<16xi32>
    %add3A_213 = arith.addi %add3A_210, %add3A_212 : vector<16xi32>
    %gather3A_214 = tpu.vector_load_idx %arg5[%add3A_213] : memref<1280xf32, #tpu.memory_space<vmem>>[vector<16xi32>], vector<16xf32>,
    %max3A_215 = arith.maximumf %max3A_204, %gather3A_214 : vector<16xf32>
    %mul3A_216 = arith.constant 16 : i32
    %mul3A_217 = vector.broadcast %mul3A_216 : i32 to vector<16xi32>
    %mul3A_218 = arith.muli %iota3A, %mul3A_217 : vector<16xi32>
    %add3A_219 = arith.constant 0 : i32
    %add3A_220 = vector.broadcast %add3A_219 : i32 to vector<16xi32>
    %add3A_221 = arith.addi %add3A_220, %mul3A_218 : vector<16xi32>
    %add3A_222 = arith.constant 12 : i32
    %add3A_223 = vector.broadcast %add3A_222 : i32 to vector<16xi32>
    %add3A_224 = arith.addi %add3A_221, %add3A_223 : vector<16xi32>
    %gather3A_225 = tpu.vector_load_idx %arg5[%add3A_224] : memref<1280xf32, #tpu.memory_space<vmem>>[vector<16xi32>], vector<16xf32>,
    %max3A_226 = arith.maximumf %max3A_215, %gather3A_225 : vector<16xf32>
    %mul3A_227 = arith.constant 16 : i32
    %mul3A_228 = vector.broadcast %mul3A_227 : i32 to vector<16xi32>
    %mul3A_229 = arith.muli %iota3A, %mul3A_228 : vector<16xi32>
    %add3A_230 = arith.constant 0 : i32
    %add3A_231 = vector.broadcast %add3A_230 : i32 to vector<16xi32>
    %add3A_232 = arith.addi %add3A_231, %mul3A_229 : vector<16xi32>
    %add3A_233 = arith.constant 13 : i32
    %add3A_234 = vector.broadcast %add3A_233 : i32 to vector<16xi32>
    %add3A_235 = arith.addi %add3A_232, %add3A_234 : vector<16xi32>
    %gather3A_236 = tpu.vector_load_idx %arg5[%add3A_235] : memref<1280xf32, #tpu.memory_space<vmem>>[vector<16xi32>], vector<16xf32>,
    %max3A_237 = arith.maximumf %max3A_226, %gather3A_236 : vector<16xf32>
    %mul3A_238 = arith.constant 16 : i32
    %mul3A_239 = vector.broadcast %mul3A_238 : i32 to vector<16xi32>
    %mul3A_240 = arith.muli %iota3A, %mul3A_239 : vector<16xi32>
    %add3A_241 = arith.constant 0 : i32
    %add3A_242 = vector.broadcast %add3A_241 : i32 to vector<16xi32>
    %add3A_243 = arith.addi %add3A_242, %mul3A_240 : vector<16xi32>
    %add3A_244 = arith.constant 14 : i32
    %add3A_245 = vector.broadcast %add3A_244 : i32 to vector<16xi32>
    %add3A_246 = arith.addi %add3A_243, %add3A_245 : vector<16xi32>
    %gather3A_247 = tpu.vector_load_idx %arg5[%add3A_246] : memref<1280xf32, #tpu.memory_space<vmem>>[vector<16xi32>], vector<16xf32>,
    %max3A_248 = arith.maximumf %max3A_237, %gather3A_247 : vector<16xf32>
    %mul3A_249 = arith.constant 16 : i32
    %mul3A_250 = vector.broadcast %mul3A_249 : i32 to vector<16xi32>
    %mul3A_251 = arith.muli %iota3A, %mul3A_250 : vector<16xi32>
    %add3A_252 = arith.constant 0 : i32
    %add3A_253 = vector.broadcast %add3A_252 : i32 to vector<16xi32>
    %add3A_254 = arith.addi %add3A_253, %mul3A_251 : vector<16xi32>
    %add3A_255 = arith.constant 15 : i32
    %add3A_256 = vector.broadcast %add3A_255 : i32 to vector<16xi32>
    %add3A_257 = arith.addi %add3A_254, %add3A_256 : vector<16xi32>
    %gather3A_258 = tpu.vector_load_idx %arg5[%add3A_257] : memref<1280xf32, #tpu.memory_space<vmem>>[vector<16xi32>], vector<16xf32>,
    %max3A_259 = arith.maximumf %max3A_248, %gather3A_258 : vector<16xf32>
    %swap3A_260 = arith.constant 0 : index
    %swap3A_261 = tpu.vector_load %arg10[%swap3A_260] {strides = array<i32>} : memref<1280xf32, #tpu.memory_space<vmem>>, vector<16xf32>,
    tpu.vector_store %arg10[%swap3A_260], %max3A_259 {strides = array<i32>} : memref<1280xf32, #tpu.memory_space<vmem>>, vector<16xf32>,
    %mul3A_262 = arith.constant 16 : i32
    %mul3A_263 = vector.broadcast %mul3A_262 : i32 to vector<16xi32>
    %mul3A_264 = arith.muli %iota3A, %mul3A_263 : vector<16xi32>
    %add3A_265 = arith.constant 256 : i32
    %add3A_266 = vector.broadcast %add3A_265 : i32 to vector<16xi32>
    %add3A_267 = arith.addi %add3A_266, %mul3A_264 : vector<16xi32>
    %gather3A_268 = tpu.vector_load_idx %arg5[%add3A_267] : memref<1280xf32, #tpu.memory_space<vmem>>[vector<16xi32>], vector<16xf32>,
    %mul3A_269 = arith.constant 16 : i32
    %mul3A_270 = vector.broadcast %mul3A_269 : i32 to vector<16xi32>
    %mul3A_271 = arith.muli %iota3A, %mul3A_270 : vector<16xi32>
    %add3A_272 = arith.constant 256 : i32
    %add3A_273 = vector.broadcast %add3A_272 : i32 to vector<16xi32>
    %add3A_274 = arith.addi %add3A_273, %mul3A_271 : vector<16xi32>
    %add3A_275 = arith.constant 1 : i32
    %add3A_276 = vector.broadcast %add3A_275 : i32 to vector<16xi32>
    %add3A_277 = arith.addi %add3A_274, %add3A_276 : vector<16xi32>
    %gather3A_278 = tpu.vector_load_idx %arg5[%add3A_277] : memref<1280xf32, #tpu.memory_space<vmem>>[vector<16xi32>], vector<16xf32>,
    %max3A_279 = arith.maximumf %gather3A_268, %gather3A_278 : vector<16xf32>
    %mul3A_280 = arith.constant 16 : i32
    %mul3A_281 = vector.broadcast %mul3A_280 : i32 to vector<16xi32>
    %mul3A_282 = arith.muli %iota3A, %mul3A_281 : vector<16xi32>
    %add3A_283 = arith.constant 256 : i32
    %add3A_284 = vector.broadcast %add3A_283 : i32 to vector<16xi32>
    %add3A_285 = arith.addi %add3A_284, %mul3A_282 : vector<16xi32>
    %add3A_286 = arith.constant 2 : i32
    %add3A_287 = vector.broadcast %add3A_286 : i32 to vector<16xi32>
    %add3A_288 = arith.addi %add3A_285, %add3A_287 : vector<16xi32>
    %gather3A_289 = tpu.vector_load_idx %arg5[%add3A_288] : memref<1280xf32, #tpu.memory_space<vmem>>[vector<16xi32>], vector<16xf32>,
    %max3A_290 = arith.maximumf %max3A_279, %gather3A_289 : vector<16xf32>
    %mul3A_291 = arith.constant 16 : i32
    %mul3A_292 = vector.broadcast %mul3A_291 : i32 to vector<16xi32>
    %mul3A_293 = arith.muli %iota3A, %mul3A_292 : vector<16xi32>
    %add3A_294 = arith.constant 256 : i32
    %add3A_295 = vector.broadcast %add3A_294 : i32 to vector<16xi32>
    %add3A_296 = arith.addi %add3A_295, %mul3A_293 : vector<16xi32>
    %add3A_297 = arith.constant 3 : i32
    %add3A_298 = vector.broadcast %add3A_297 : i32 to vector<16xi32>
    %add3A_299 = arith.addi %add3A_296, %add3A_298 : vector<16xi32>
    %gather3A_300 = tpu.vector_load_idx %arg5[%add3A_299] : memref<1280xf32, #tpu.memory_space<vmem>>[vector<16xi32>], vector<16xf32>,
    %max3A_301 = arith.maximumf %max3A_290, %gather3A_300 : vector<16xf32>
    %mul3A_302 = arith.constant 16 : i32
    %mul3A_303 = vector.broadcast %mul3A_302 : i32 to vector<16xi32>
    %mul3A_304 = arith.muli %iota3A, %mul3A_303 : vector<16xi32>
    %add3A_305 = arith.constant 256 : i32
    %add3A_306 = vector.broadcast %add3A_305 : i32 to vector<16xi32>
    %add3A_307 = arith.addi %add3A_306, %mul3A_304 : vector<16xi32>
    %add3A_308 = arith.constant 4 : i32
    %add3A_309 = vector.broadcast %add3A_308 : i32 to vector<16xi32>
    %add3A_310 = arith.addi %add3A_307, %add3A_309 : vector<16xi32>
    %gather3A_311 = tpu.vector_load_idx %arg5[%add3A_310] : memref<1280xf32, #tpu.memory_space<vmem>>[vector<16xi32>], vector<16xf32>,
    %max3A_312 = arith.maximumf %max3A_301, %gather3A_311 : vector<16xf32>
    %mul3A_313 = arith.constant 16 : i32
    %mul3A_314 = vector.broadcast %mul3A_313 : i32 to vector<16xi32>
    %mul3A_315 = arith.muli %iota3A, %mul3A_314 : vector<16xi32>
    %add3A_316 = arith.constant 256 : i32
    %add3A_317 = vector.broadcast %add3A_316 : i32 to vector<16xi32>
    %add3A_318 = arith.addi %add3A_317, %mul3A_315 : vector<16xi32>
    %add3A_319 = arith.constant 5 : i32
    %add3A_320 = vector.broadcast %add3A_319 : i32 to vector<16xi32>
    %add3A_321 = arith.addi %add3A_318, %add3A_320 : vector<16xi32>
    %gather3A_322 = tpu.vector_load_idx %arg5[%add3A_321] : memref<1280xf32, #tpu.memory_space<vmem>>[vector<16xi32>], vector<16xf32>,
    %max3A_323 = arith.maximumf %max3A_312, %gather3A_322 : vector<16xf32>
    %mul3A_324 = arith.constant 16 : i32
    %mul3A_325 = vector.broadcast %mul3A_324 : i32 to vector<16xi32>
    %mul3A_326 = arith.muli %iota3A, %mul3A_325 : vector<16xi32>
    %add3A_327 = arith.constant 256 : i32
    %add3A_328 = vector.broadcast %add3A_327 : i32 to vector<16xi32>
    %add3A_329 = arith.addi %add3A_328, %mul3A_326 : vector<16xi32>
    %add3A_330 = arith.constant 6 : i32
    %add3A_331 = vector.broadcast %add3A_330 : i32 to vector<16xi32>
    %add3A_332 = arith.addi %add3A_329, %add3A_331 : vector<16xi32>
    %gather3A_333 = tpu.vector_load_idx %arg5[%add3A_332] : memref<1280xf32, #tpu.memory_space<vmem>>[vector<16xi32>], vector<16xf32>,
    %max3A_334 = arith.maximumf %max3A_323, %gather3A_333 : vector<16xf32>
    %mul3A_335 = arith.constant 16 : i32
    %mul3A_336 = vector.broadcast %mul3A_335 : i32 to vector<16xi32>
    %mul3A_337 = arith.muli %iota3A, %mul3A_336 : vector<16xi32>
    %add3A_338 = arith.constant 256 : i32
    %add3A_339 = vector.broadcast %add3A_338 : i32 to vector<16xi32>
    %add3A_340 = arith.addi %add3A_339, %mul3A_337 : vector<16xi32>
    %add3A_341 = arith.constant 7 : i32
    %add3A_342 = vector.broadcast %add3A_341 : i32 to vector<16xi32>
    %add3A_343 = arith.addi %add3A_340, %add3A_342 : vector<16xi32>
    %gather3A_344 = tpu.vector_load_idx %arg5[%add3A_343] : memref<1280xf32, #tpu.memory_space<vmem>>[vector<16xi32>], vector<16xf32>,
    %max3A_345 = arith.maximumf %max3A_334, %gather3A_344 : vector<16xf32>
    %mul3A_346 = arith.constant 16 : i32
    %mul3A_347 = vector.broadcast %mul3A_346 : i32 to vector<16xi32>
    %mul3A_348 = arith.muli %iota3A, %mul3A_347 : vector<16xi32>
    %add3A_349 = arith.constant 256 : i32
    %add3A_350 = vector.broadcast %add3A_349 : i32 to vector<16xi32>
    %add3A_351 = arith.addi %add3A_350, %mul3A_348 : vector<16xi32>
    %add3A_352 = arith.constant 8 : i32
    %add3A_353 = vector.broadcast %add3A_352 : i32 to vector<16xi32>
    %add3A_354 = arith.addi %add3A_351, %add3A_353 : vector<16xi32>
    %gather3A_355 = tpu.vector_load_idx %arg5[%add3A_354] : memref<1280xf32, #tpu.memory_space<vmem>>[vector<16xi32>], vector<16xf32>,
    %max3A_356 = arith.maximumf %max3A_345, %gather3A_355 : vector<16xf32>
    %mul3A_357 = arith.constant 16 : i32
    %mul3A_358 = vector.broadcast %mul3A_357 : i32 to vector<16xi32>
    %mul3A_359 = arith.muli %iota3A, %mul3A_358 : vector<16xi32>
    %add3A_360 = arith.constant 256 : i32
    %add3A_361 = vector.broadcast %add3A_360 : i32 to vector<16xi32>
    %add3A_362 = arith.addi %add3A_361, %mul3A_359 : vector<16xi32>
    %add3A_363 = arith.constant 9 : i32
    %add3A_364 = vector.broadcast %add3A_363 : i32 to vector<16xi32>
    %add3A_365 = arith.addi %add3A_362, %add3A_364 : vector<16xi32>
    %gather3A_366 = tpu.vector_load_idx %arg5[%add3A_365] : memref<1280xf32, #tpu.memory_space<vmem>>[vector<16xi32>], vector<16xf32>,
    %max3A_367 = arith.maximumf %max3A_356, %gather3A_366 : vector<16xf32>
    %mul3A_368 = arith.constant 16 : i32
    %mul3A_369 = vector.broadcast %mul3A_368 : i32 to vector<16xi32>
    %mul3A_370 = arith.muli %iota3A, %mul3A_369 : vector<16xi32>
    %add3A_371 = arith.constant 256 : i32
    %add3A_372 = vector.broadcast %add3A_371 : i32 to vector<16xi32>
    %add3A_373 = arith.addi %add3A_372, %mul3A_370 : vector<16xi32>
    %add3A_374 = arith.constant 10 : i32
    %add3A_375 = vector.broadcast %add3A_374 : i32 to vector<16xi32>
    %add3A_376 = arith.addi %add3A_373, %add3A_375 : vector<16xi32>
    %gather3A_377 = tpu.vector_load_idx %arg5[%add3A_376] : memref<1280xf32, #tpu.memory_space<vmem>>[vector<16xi32>], vector<16xf32>,
    %max3A_378 = arith.maximumf %max3A_367, %gather3A_377 : vector<16xf32>
    %mul3A_379 = arith.constant 16 : i32
    %mul3A_380 = vector.broadcast %mul3A_379 : i32 to vector<16xi32>
    %mul3A_381 = arith.muli %iota3A, %mul3A_380 : vector<16xi32>
    %add3A_382 = arith.constant 256 : i32
    %add3A_383 = vector.broadcast %add3A_382 : i32 to vector<16xi32>
    %add3A_384 = arith.addi %add3A_383, %mul3A_381 : vector<16xi32>
    %add3A_385 = arith.constant 11 : i32
    %add3A_386 = vector.broadcast %add3A_385 : i32 to vector<16xi32>
    %add3A_387 = arith.addi %add3A_384, %add3A_386 : vector<16xi32>
    %gather3A_388 = tpu.vector_load_idx %arg5[%add3A_387] : memref<1280xf32, #tpu.memory_space<vmem>>[vector<16xi32>], vector<16xf32>,
    %max3A_389 = arith.maximumf %max3A_378, %gather3A_388 : vector<16xf32>
    %mul3A_390 = arith.constant 16 : i32
    %mul3A_391 = vector.broadcast %mul3A_390 : i32 to vector<16xi32>
    %mul3A_392 = arith.muli %iota3A, %mul3A_391 : vector<16xi32>
    %add3A_393 = arith.constant 256 : i32
    %add3A_394 = vector.broadcast %add3A_393 : i32 to vector<16xi32>
    %add3A_395 = arith.addi %add3A_394, %mul3A_392 : vector<16xi32>
    %add3A_396 = arith.constant 12 : i32
    %add3A_397 = vector.broadcast %add3A_396 : i32 to vector<16xi32>
    %add3A_398 = arith.addi %add3A_395, %add3A_397 : vector<16xi32>
    %gather3A_399 = tpu.vector_load_idx %arg5[%add3A_398] : memref<1280xf32, #tpu.memory_space<vmem>>[vector<16xi32>], vector<16xf32>,
    %max3A_400 = arith.maximumf %max3A_389, %gather3A_399 : vector<16xf32>
    %mul3A_401 = arith.constant 16 : i32
    %mul3A_402 = vector.broadcast %mul3A_401 : i32 to vector<16xi32>
    %mul3A_403 = arith.muli %iota3A, %mul3A_402 : vector<16xi32>
    %add3A_404 = arith.constant 256 : i32
    %add3A_405 = vector.broadcast %add3A_404 : i32 to vector<16xi32>
    %add3A_406 = arith.addi %add3A_405, %mul3A_403 : vector<16xi32>
    %add3A_407 = arith.constant 13 : i32
    %add3A_408 = vector.broadcast %add3A_407 : i32 to vector<16xi32>
    %add3A_409 = arith.addi %add3A_406, %add3A_408 : vector<16xi32>
    %gather3A_410 = tpu.vector_load_idx %arg5[%add3A_409] : memref<1280xf32, #tpu.memory_space<vmem>>[vector<16xi32>], vector<16xf32>,
    %max3A_411 = arith.maximumf %max3A_400, %gather3A_410 : vector<16xf32>
    %mul3A_412 = arith.constant 16 : i32
    %mul3A_413 = vector.broadcast %mul3A_412 : i32 to vector<16xi32>
    %mul3A_414 = arith.muli %iota3A, %mul3A_413 : vector<16xi32>
    %add3A_415 = arith.constant 256 : i32
    %add3A_416 = vector.broadcast %add3A_415 : i32 to vector<16xi32>
    %add3A_417 = arith.addi %add3A_416, %mul3A_414 : vector<16xi32>
    %add3A_418 = arith.constant 14 : i32
    %add3A_419 = vector.broadcast %add3A_418 : i32 to vector<16xi32>
    %add3A_420 = arith.addi %add3A_417, %add3A_419 : vector<16xi32>
    %gather3A_421 = tpu.vector_load_idx %arg5[%add3A_420] : memref<1280xf32, #tpu.memory_space<vmem>>[vector<16xi32>], vector<16xf32>,
    %max3A_422 = arith.maximumf %max3A_411, %gather3A_421 : vector<16xf32>
    %mul3A_423 = arith.constant 16 : i32
    %mul3A_424 = vector.broadcast %mul3A_423 : i32 to vector<16xi32>
    %mul3A_425 = arith.muli %iota3A, %mul3A_424 : vector<16xi32>
    %add3A_426 = arith.constant 256 : i32
    %add3A_427 = vector.broadcast %add3A_426 : i32 to vector<16xi32>
    %add3A_428 = arith.addi %add3A_427, %mul3A_425 : vector<16xi32>
    %add3A_429 = arith.constant 15 : i32
    %add3A_430 = vector.broadcast %add3A_429 : i32 to vector<16xi32>
    %add3A_431 = arith.addi %add3A_428, %add3A_430 : vector<16xi32>
    %gather3A_432 = tpu.vector_load_idx %arg5[%add3A_431] : memref<1280xf32, #tpu.memory_space<vmem>>[vector<16xi32>], vector<16xf32>,
    %max3A_433 = arith.maximumf %max3A_422, %gather3A_432 : vector<16xf32>
    %swap3A_434 = arith.constant 16 : index
    %swap3A_435 = tpu.vector_load %arg10[%swap3A_434] {strides = array<i32>} : memref<1280xf32, #tpu.memory_space<vmem>>, vector<16xf32>,
    tpu.vector_store %arg10[%swap3A_434], %max3A_433 {strides = array<i32>} : memref<1280xf32, #tpu.memory_space<vmem>>, vector<16xf32>,
    %mul3A_436 = arith.constant 16 : i32
    %mul3A_437 = vector.broadcast %mul3A_436 : i32 to vector<16xi32>
    %mul3A_438 = arith.muli %iota3A, %mul3A_437 : vector<16xi32>
    %add3A_439 = arith.constant 512 : i32
    %add3A_440 = vector.broadcast %add3A_439 : i32 to vector<16xi32>
    %add3A_441 = arith.addi %add3A_440, %mul3A_438 : vector<16xi32>
    %gather3A_442 = tpu.vector_load_idx %arg5[%add3A_441] : memref<1280xf32, #tpu.memory_space<vmem>>[vector<16xi32>], vector<16xf32>,
    %mul3A_443 = arith.constant 16 : i32
    %mul3A_444 = vector.broadcast %mul3A_443 : i32 to vector<16xi32>
    %mul3A_445 = arith.muli %iota3A, %mul3A_444 : vector<16xi32>
    %add3A_446 = arith.constant 512 : i32
    %add3A_447 = vector.broadcast %add3A_446 : i32 to vector<16xi32>
    %add3A_448 = arith.addi %add3A_447, %mul3A_445 : vector<16xi32>
    %add3A_449 = arith.constant 1 : i32
    %add3A_450 = vector.broadcast %add3A_449 : i32 to vector<16xi32>
    %add3A_451 = arith.addi %add3A_448, %add3A_450 : vector<16xi32>
    %gather3A_452 = tpu.vector_load_idx %arg5[%add3A_451] : memref<1280xf32, #tpu.memory_space<vmem>>[vector<16xi32>], vector<16xf32>,
    %max3A_453 = arith.maximumf %gather3A_442, %gather3A_452 : vector<16xf32>
    %mul3A_454 = arith.constant 16 : i32
    %mul3A_455 = vector.broadcast %mul3A_454 : i32 to vector<16xi32>
    %mul3A_456 = arith.muli %iota3A, %mul3A_455 : vector<16xi32>
    %add3A_457 = arith.constant 512 : i32
    %add3A_458 = vector.broadcast %add3A_457 : i32 to vector<16xi32>
    %add3A_459 = arith.addi %add3A_458, %mul3A_456 : vector<16xi32>
    %add3A_460 = arith.constant 2 : i32
    %add3A_461 = vector.broadcast %add3A_460 : i32 to vector<16xi32>
    %add3A_462 = arith.addi %add3A_459, %add3A_461 : vector<16xi32>
    %gather3A_463 = tpu.vector_load_idx %arg5[%add3A_462] : memref<1280xf32, #tpu.memory_space<vmem>>[vector<16xi32>], vector<16xf32>,
    %max3A_464 = arith.maximumf %max3A_453, %gather3A_463 : vector<16xf32>
    %mul3A_465 = arith.constant 16 : i32
    %mul3A_466 = vector.broadcast %mul3A_465 : i32 to vector<16xi32>
    %mul3A_467 = arith.muli %iota3A, %mul3A_466 : vector<16xi32>
    %add3A_468 = arith.constant 512 : i32
    %add3A_469 = vector.broadcast %add3A_468 : i32 to vector<16xi32>
    %add3A_470 = arith.addi %add3A_469, %mul3A_467 : vector<16xi32>
    %add3A_471 = arith.constant 3 : i32
    %add3A_472 = vector.broadcast %add3A_471 : i32 to vector<16xi32>
    %add3A_473 = arith.addi %add3A_470, %add3A_472 : vector<16xi32>
    %gather3A_474 = tpu.vector_load_idx %arg5[%add3A_473] : memref<1280xf32, #tpu.memory_space<vmem>>[vector<16xi32>], vector<16xf32>,
    %max3A_475 = arith.maximumf %max3A_464, %gather3A_474 : vector<16xf32>
    %mul3A_476 = arith.constant 16 : i32
    %mul3A_477 = vector.broadcast %mul3A_476 : i32 to vector<16xi32>
    %mul3A_478 = arith.muli %iota3A, %mul3A_477 : vector<16xi32>
    %add3A_479 = arith.constant 512 : i32
    %add3A_480 = vector.broadcast %add3A_479 : i32 to vector<16xi32>
    %add3A_481 = arith.addi %add3A_480, %mul3A_478 : vector<16xi32>
    %add3A_482 = arith.constant 4 : i32
    %add3A_483 = vector.broadcast %add3A_482 : i32 to vector<16xi32>
    %add3A_484 = arith.addi %add3A_481, %add3A_483 : vector<16xi32>
    %gather3A_485 = tpu.vector_load_idx %arg5[%add3A_484] : memref<1280xf32, #tpu.memory_space<vmem>>[vector<16xi32>], vector<16xf32>,
    %max3A_486 = arith.maximumf %max3A_475, %gather3A_485 : vector<16xf32>
    %mul3A_487 = arith.constant 16 : i32
    %mul3A_488 = vector.broadcast %mul3A_487 : i32 to vector<16xi32>
    %mul3A_489 = arith.muli %iota3A, %mul3A_488 : vector<16xi32>
    %add3A_490 = arith.constant 512 : i32
    %add3A_491 = vector.broadcast %add3A_490 : i32 to vector<16xi32>
    %add3A_492 = arith.addi %add3A_491, %mul3A_489 : vector<16xi32>
    %add3A_493 = arith.constant 5 : i32
    %add3A_494 = vector.broadcast %add3A_493 : i32 to vector<16xi32>
    %add3A_495 = arith.addi %add3A_492, %add3A_494 : vector<16xi32>
    %gather3A_496 = tpu.vector_load_idx %arg5[%add3A_495] : memref<1280xf32, #tpu.memory_space<vmem>>[vector<16xi32>], vector<16xf32>,
    %max3A_497 = arith.maximumf %max3A_486, %gather3A_496 : vector<16xf32>
    %mul3A_498 = arith.constant 16 : i32
    %mul3A_499 = vector.broadcast %mul3A_498 : i32 to vector<16xi32>
    %mul3A_500 = arith.muli %iota3A, %mul3A_499 : vector<16xi32>
    %add3A_501 = arith.constant 512 : i32
    %add3A_502 = vector.broadcast %add3A_501 : i32 to vector<16xi32>
    %add3A_503 = arith.addi %add3A_502, %mul3A_500 : vector<16xi32>
    %add3A_504 = arith.constant 6 : i32
    %add3A_505 = vector.broadcast %add3A_504 : i32 to vector<16xi32>
    %add3A_506 = arith.addi %add3A_503, %add3A_505 : vector<16xi32>
    %gather3A_507 = tpu.vector_load_idx %arg5[%add3A_506] : memref<1280xf32, #tpu.memory_space<vmem>>[vector<16xi32>], vector<16xf32>,
    %max3A_508 = arith.maximumf %max3A_497, %gather3A_507 : vector<16xf32>
    %mul3A_509 = arith.constant 16 : i32
    %mul3A_510 = vector.broadcast %mul3A_509 : i32 to vector<16xi32>
    %mul3A_511 = arith.muli %iota3A, %mul3A_510 : vector<16xi32>
    %add3A_512 = arith.constant 512 : i32
    %add3A_513 = vector.broadcast %add3A_512 : i32 to vector<16xi32>
    %add3A_514 = arith.addi %add3A_513, %mul3A_511 : vector<16xi32>
    %add3A_515 = arith.constant 7 : i32
    %add3A_516 = vector.broadcast %add3A_515 : i32 to vector<16xi32>
    %add3A_517 = arith.addi %add3A_514, %add3A_516 : vector<16xi32>
    %gather3A_518 = tpu.vector_load_idx %arg5[%add3A_517] : memref<1280xf32, #tpu.memory_space<vmem>>[vector<16xi32>], vector<16xf32>,
    %max3A_519 = arith.maximumf %max3A_508, %gather3A_518 : vector<16xf32>
    %mul3A_520 = arith.constant 16 : i32
    %mul3A_521 = vector.broadcast %mul3A_520 : i32 to vector<16xi32>
    %mul3A_522 = arith.muli %iota3A, %mul3A_521 : vector<16xi32>
    %add3A_523 = arith.constant 512 : i32
    %add3A_524 = vector.broadcast %add3A_523 : i32 to vector<16xi32>
    %add3A_525 = arith.addi %add3A_524, %mul3A_522 : vector<16xi32>
    %add3A_526 = arith.constant 8 : i32
    %add3A_527 = vector.broadcast %add3A_526 : i32 to vector<16xi32>
    %add3A_528 = arith.addi %add3A_525, %add3A_527 : vector<16xi32>
    %gather3A_529 = tpu.vector_load_idx %arg5[%add3A_528] : memref<1280xf32, #tpu.memory_space<vmem>>[vector<16xi32>], vector<16xf32>,
    %max3A_530 = arith.maximumf %max3A_519, %gather3A_529 : vector<16xf32>
    %mul3A_531 = arith.constant 16 : i32
    %mul3A_532 = vector.broadcast %mul3A_531 : i32 to vector<16xi32>
    %mul3A_533 = arith.muli %iota3A, %mul3A_532 : vector<16xi32>
    %add3A_534 = arith.constant 512 : i32
    %add3A_535 = vector.broadcast %add3A_534 : i32 to vector<16xi32>
    %add3A_536 = arith.addi %add3A_535, %mul3A_533 : vector<16xi32>
    %add3A_537 = arith.constant 9 : i32
    %add3A_538 = vector.broadcast %add3A_537 : i32 to vector<16xi32>
    %add3A_539 = arith.addi %add3A_536, %add3A_538 : vector<16xi32>
    %gather3A_540 = tpu.vector_load_idx %arg5[%add3A_539] : memref<1280xf32, #tpu.memory_space<vmem>>[vector<16xi32>], vector<16xf32>,
    %max3A_541 = arith.maximumf %max3A_530, %gather3A_540 : vector<16xf32>
    %mul3A_542 = arith.constant 16 : i32
    %mul3A_543 = vector.broadcast %mul3A_542 : i32 to vector<16xi32>
    %mul3A_544 = arith.muli %iota3A, %mul3A_543 : vector<16xi32>
    %add3A_545 = arith.constant 512 : i32
    %add3A_546 = vector.broadcast %add3A_545 : i32 to vector<16xi32>
    %add3A_547 = arith.addi %add3A_546, %mul3A_544 : vector<16xi32>
    %add3A_548 = arith.constant 10 : i32
    %add3A_549 = vector.broadcast %add3A_548 : i32 to vector<16xi32>
    %add3A_550 = arith.addi %add3A_547, %add3A_549 : vector<16xi32>
    %gather3A_551 = tpu.vector_load_idx %arg5[%add3A_550] : memref<1280xf32, #tpu.memory_space<vmem>>[vector<16xi32>], vector<16xf32>,
    %max3A_552 = arith.maximumf %max3A_541, %gather3A_551 : vector<16xf32>
    %mul3A_553 = arith.constant 16 : i32
    %mul3A_554 = vector.broadcast %mul3A_553 : i32 to vector<16xi32>
    %mul3A_555 = arith.muli %iota3A, %mul3A_554 : vector<16xi32>
    %add3A_556 = arith.constant 512 : i32
    %add3A_557 = vector.broadcast %add3A_556 : i32 to vector<16xi32>
    %add3A_558 = arith.addi %add3A_557, %mul3A_555 : vector<16xi32>
    %add3A_559 = arith.constant 11 : i32
    %add3A_560 = vector.broadcast %add3A_559 : i32 to vector<16xi32>
    %add3A_561 = arith.addi %add3A_558, %add3A_560 : vector<16xi32>
    %gather3A_562 = tpu.vector_load_idx %arg5[%add3A_561] : memref<1280xf32, #tpu.memory_space<vmem>>[vector<16xi32>], vector<16xf32>,
    %max3A_563 = arith.maximumf %max3A_552, %gather3A_562 : vector<16xf32>
    %mul3A_564 = arith.constant 16 : i32
    %mul3A_565 = vector.broadcast %mul3A_564 : i32 to vector<16xi32>
    %mul3A_566 = arith.muli %iota3A, %mul3A_565 : vector<16xi32>
    %add3A_567 = arith.constant 512 : i32
    %add3A_568 = vector.broadcast %add3A_567 : i32 to vector<16xi32>
    %add3A_569 = arith.addi %add3A_568, %mul3A_566 : vector<16xi32>
    %add3A_570 = arith.constant 12 : i32
    %add3A_571 = vector.broadcast %add3A_570 : i32 to vector<16xi32>
    %add3A_572 = arith.addi %add3A_569, %add3A_571 : vector<16xi32>
    %gather3A_573 = tpu.vector_load_idx %arg5[%add3A_572] : memref<1280xf32, #tpu.memory_space<vmem>>[vector<16xi32>], vector<16xf32>,
    %max3A_574 = arith.maximumf %max3A_563, %gather3A_573 : vector<16xf32>
    %mul3A_575 = arith.constant 16 : i32
    %mul3A_576 = vector.broadcast %mul3A_575 : i32 to vector<16xi32>
    %mul3A_577 = arith.muli %iota3A, %mul3A_576 : vector<16xi32>
    %add3A_578 = arith.constant 512 : i32
    %add3A_579 = vector.broadcast %add3A_578 : i32 to vector<16xi32>
    %add3A_580 = arith.addi %add3A_579, %mul3A_577 : vector<16xi32>
    %add3A_581 = arith.constant 13 : i32
    %add3A_582 = vector.broadcast %add3A_581 : i32 to vector<16xi32>
    %add3A_583 = arith.addi %add3A_580, %add3A_582 : vector<16xi32>
    %gather3A_584 = tpu.vector_load_idx %arg5[%add3A_583] : memref<1280xf32, #tpu.memory_space<vmem>>[vector<16xi32>], vector<16xf32>,
    %max3A_585 = arith.maximumf %max3A_574, %gather3A_584 : vector<16xf32>
    %mul3A_586 = arith.constant 16 : i32
    %mul3A_587 = vector.broadcast %mul3A_586 : i32 to vector<16xi32>
    %mul3A_588 = arith.muli %iota3A, %mul3A_587 : vector<16xi32>
    %add3A_589 = arith.constant 512 : i32
    %add3A_590 = vector.broadcast %add3A_589 : i32 to vector<16xi32>
    %add3A_591 = arith.addi %add3A_590, %mul3A_588 : vector<16xi32>
    %add3A_592 = arith.constant 14 : i32
    %add3A_593 = vector.broadcast %add3A_592 : i32 to vector<16xi32>
    %add3A_594 = arith.addi %add3A_591, %add3A_593 : vector<16xi32>
    %gather3A_595 = tpu.vector_load_idx %arg5[%add3A_594] : memref<1280xf32, #tpu.memory_space<vmem>>[vector<16xi32>], vector<16xf32>,
    %max3A_596 = arith.maximumf %max3A_585, %gather3A_595 : vector<16xf32>
    %mul3A_597 = arith.constant 16 : i32
    %mul3A_598 = vector.broadcast %mul3A_597 : i32 to vector<16xi32>
    %mul3A_599 = arith.muli %iota3A, %mul3A_598 : vector<16xi32>
    %add3A_600 = arith.constant 512 : i32
    %add3A_601 = vector.broadcast %add3A_600 : i32 to vector<16xi32>
    %add3A_602 = arith.addi %add3A_601, %mul3A_599 : vector<16xi32>
    %add3A_603 = arith.constant 15 : i32
    %add3A_604 = vector.broadcast %add3A_603 : i32 to vector<16xi32>
    %add3A_605 = arith.addi %add3A_602, %add3A_604 : vector<16xi32>
    %gather3A_606 = tpu.vector_load_idx %arg5[%add3A_605] : memref<1280xf32, #tpu.memory_space<vmem>>[vector<16xi32>], vector<16xf32>,
    %max3A_607 = arith.maximumf %max3A_596, %gather3A_606 : vector<16xf32>
    %swap3A_608 = arith.constant 32 : index
    %swap3A_609 = tpu.vector_load %arg10[%swap3A_608] {strides = array<i32>} : memref<1280xf32, #tpu.memory_space<vmem>>, vector<16xf32>,
    tpu.vector_store %arg10[%swap3A_608], %max3A_607 {strides = array<i32>} : memref<1280xf32, #tpu.memory_space<vmem>>, vector<16xf32>,
    %mul3A_610 = arith.constant 16 : i32
    %mul3A_611 = vector.broadcast %mul3A_610 : i32 to vector<16xi32>
    %mul3A_612 = arith.muli %iota3A, %mul3A_611 : vector<16xi32>
    %add3A_613 = arith.constant 768 : i32
    %add3A_614 = vector.broadcast %add3A_613 : i32 to vector<16xi32>
    %add3A_615 = arith.addi %add3A_614, %mul3A_612 : vector<16xi32>
    %gather3A_616 = tpu.vector_load_idx %arg5[%add3A_615] : memref<1280xf32, #tpu.memory_space<vmem>>[vector<16xi32>], vector<16xf32>,
    %mul3A_617 = arith.constant 16 : i32
    %mul3A_618 = vector.broadcast %mul3A_617 : i32 to vector<16xi32>
    %mul3A_619 = arith.muli %iota3A, %mul3A_618 : vector<16xi32>
    %add3A_620 = arith.constant 768 : i32
    %add3A_621 = vector.broadcast %add3A_620 : i32 to vector<16xi32>
    %add3A_622 = arith.addi %add3A_621, %mul3A_619 : vector<16xi32>
    %add3A_623 = arith.constant 1 : i32
    %add3A_624 = vector.broadcast %add3A_623 : i32 to vector<16xi32>
    %add3A_625 = arith.addi %add3A_622, %add3A_624 : vector<16xi32>
    %gather3A_626 = tpu.vector_load_idx %arg5[%add3A_625] : memref<1280xf32, #tpu.memory_space<vmem>>[vector<16xi32>], vector<16xf32>,
    %max3A_627 = arith.maximumf %gather3A_616, %gather3A_626 : vector<16xf32>
    %mul3A_628 = arith.constant 16 : i32
    %mul3A_629 = vector.broadcast %mul3A_628 : i32 to vector<16xi32>
    %mul3A_630 = arith.muli %iota3A, %mul3A_629 : vector<16xi32>
    %add3A_631 = arith.constant 768 : i32
    %add3A_632 = vector.broadcast %add3A_631 : i32 to vector<16xi32>
    %add3A_633 = arith.addi %add3A_632, %mul3A_630 : vector<16xi32>
    %add3A_634 = arith.constant 2 : i32
    %add3A_635 = vector.broadcast %add3A_634 : i32 to vector<16xi32>
    %add3A_636 = arith.addi %add3A_633, %add3A_635 : vector<16xi32>
    %gather3A_637 = tpu.vector_load_idx %arg5[%add3A_636] : memref<1280xf32, #tpu.memory_space<vmem>>[vector<16xi32>], vector<16xf32>,
    %max3A_638 = arith.maximumf %max3A_627, %gather3A_637 : vector<16xf32>
    %mul3A_639 = arith.constant 16 : i32
    %mul3A_640 = vector.broadcast %mul3A_639 : i32 to vector<16xi32>
    %mul3A_641 = arith.muli %iota3A, %mul3A_640 : vector<16xi32>
    %add3A_642 = arith.constant 768 : i32
    %add3A_643 = vector.broadcast %add3A_642 : i32 to vector<16xi32>
    %add3A_644 = arith.addi %add3A_643, %mul3A_641 : vector<16xi32>
    %add3A_645 = arith.constant 3 : i32
    %add3A_646 = vector.broadcast %add3A_645 : i32 to vector<16xi32>
    %add3A_647 = arith.addi %add3A_644, %add3A_646 : vector<16xi32>
    %gather3A_648 = tpu.vector_load_idx %arg5[%add3A_647] : memref<1280xf32, #tpu.memory_space<vmem>>[vector<16xi32>], vector<16xf32>,
    %max3A_649 = arith.maximumf %max3A_638, %gather3A_648 : vector<16xf32>
    %mul3A_650 = arith.constant 16 : i32
    %mul3A_651 = vector.broadcast %mul3A_650 : i32 to vector<16xi32>
    %mul3A_652 = arith.muli %iota3A, %mul3A_651 : vector<16xi32>
    %add3A_653 = arith.constant 768 : i32
    %add3A_654 = vector.broadcast %add3A_653 : i32 to vector<16xi32>
    %add3A_655 = arith.addi %add3A_654, %mul3A_652 : vector<16xi32>
    %add3A_656 = arith.constant 4 : i32
    %add3A_657 = vector.broadcast %add3A_656 : i32 to vector<16xi32>
    %add3A_658 = arith.addi %add3A_655, %add3A_657 : vector<16xi32>
    %gather3A_659 = tpu.vector_load_idx %arg5[%add3A_658] : memref<1280xf32, #tpu.memory_space<vmem>>[vector<16xi32>], vector<16xf32>,
    %max3A_660 = arith.maximumf %max3A_649, %gather3A_659 : vector<16xf32>
    %mul3A_661 = arith.constant 16 : i32
    %mul3A_662 = vector.broadcast %mul3A_661 : i32 to vector<16xi32>
    %mul3A_663 = arith.muli %iota3A, %mul3A_662 : vector<16xi32>
    %add3A_664 = arith.constant 768 : i32
    %add3A_665 = vector.broadcast %add3A_664 : i32 to vector<16xi32>
    %add3A_666 = arith.addi %add3A_665, %mul3A_663 : vector<16xi32>
    %add3A_667 = arith.constant 5 : i32
    %add3A_668 = vector.broadcast %add3A_667 : i32 to vector<16xi32>
    %add3A_669 = arith.addi %add3A_666, %add3A_668 : vector<16xi32>
    %gather3A_670 = tpu.vector_load_idx %arg5[%add3A_669] : memref<1280xf32, #tpu.memory_space<vmem>>[vector<16xi32>], vector<16xf32>,
    %max3A_671 = arith.maximumf %max3A_660, %gather3A_670 : vector<16xf32>
    %mul3A_672 = arith.constant 16 : i32
    %mul3A_673 = vector.broadcast %mul3A_672 : i32 to vector<16xi32>
    %mul3A_674 = arith.muli %iota3A, %mul3A_673 : vector<16xi32>
    %add3A_675 = arith.constant 768 : i32
    %add3A_676 = vector.broadcast %add3A_675 : i32 to vector<16xi32>
    %add3A_677 = arith.addi %add3A_676, %mul3A_674 : vector<16xi32>
    %add3A_678 = arith.constant 6 : i32
    %add3A_679 = vector.broadcast %add3A_678 : i32 to vector<16xi32>
    %add3A_680 = arith.addi %add3A_677, %add3A_679 : vector<16xi32>
    %gather3A_681 = tpu.vector_load_idx %arg5[%add3A_680] : memref<1280xf32, #tpu.memory_space<vmem>>[vector<16xi32>], vector<16xf32>,
    %max3A_682 = arith.maximumf %max3A_671, %gather3A_681 : vector<16xf32>
    %mul3A_683 = arith.constant 16 : i32
    %mul3A_684 = vector.broadcast %mul3A_683 : i32 to vector<16xi32>
    %mul3A_685 = arith.muli %iota3A, %mul3A_684 : vector<16xi32>
    %add3A_686 = arith.constant 768 : i32
    %add3A_687 = vector.broadcast %add3A_686 : i32 to vector<16xi32>
    %add3A_688 = arith.addi %add3A_687, %mul3A_685 : vector<16xi32>
    %add3A_689 = arith.constant 7 : i32
    %add3A_690 = vector.broadcast %add3A_689 : i32 to vector<16xi32>
    %add3A_691 = arith.addi %add3A_688, %add3A_690 : vector<16xi32>
    %gather3A_692 = tpu.vector_load_idx %arg5[%add3A_691] : memref<1280xf32, #tpu.memory_space<vmem>>[vector<16xi32>], vector<16xf32>,
    %max3A_693 = arith.maximumf %max3A_682, %gather3A_692 : vector<16xf32>
    %mul3A_694 = arith.constant 16 : i32
    %mul3A_695 = vector.broadcast %mul3A_694 : i32 to vector<16xi32>
    %mul3A_696 = arith.muli %iota3A, %mul3A_695 : vector<16xi32>
    %add3A_697 = arith.constant 768 : i32
    %add3A_698 = vector.broadcast %add3A_697 : i32 to vector<16xi32>
    %add3A_699 = arith.addi %add3A_698, %mul3A_696 : vector<16xi32>
    %add3A_700 = arith.constant 8 : i32
    %add3A_701 = vector.broadcast %add3A_700 : i32 to vector<16xi32>
    %add3A_702 = arith.addi %add3A_699, %add3A_701 : vector<16xi32>
    %gather3A_703 = tpu.vector_load_idx %arg5[%add3A_702] : memref<1280xf32, #tpu.memory_space<vmem>>[vector<16xi32>], vector<16xf32>,
    %max3A_704 = arith.maximumf %max3A_693, %gather3A_703 : vector<16xf32>
    %mul3A_705 = arith.constant 16 : i32
    %mul3A_706 = vector.broadcast %mul3A_705 : i32 to vector<16xi32>
    %mul3A_707 = arith.muli %iota3A, %mul3A_706 : vector<16xi32>
    %add3A_708 = arith.constant 768 : i32
    %add3A_709 = vector.broadcast %add3A_708 : i32 to vector<16xi32>
    %add3A_710 = arith.addi %add3A_709, %mul3A_707 : vector<16xi32>
    %add3A_711 = arith.constant 9 : i32
    %add3A_712 = vector.broadcast %add3A_711 : i32 to vector<16xi32>
    %add3A_713 = arith.addi %add3A_710, %add3A_712 : vector<16xi32>
    %gather3A_714 = tpu.vector_load_idx %arg5[%add3A_713] : memref<1280xf32, #tpu.memory_space<vmem>>[vector<16xi32>], vector<16xf32>,
    %max3A_715 = arith.maximumf %max3A_704, %gather3A_714 : vector<16xf32>
    %mul3A_716 = arith.constant 16 : i32
    %mul3A_717 = vector.broadcast %mul3A_716 : i32 to vector<16xi32>
    %mul3A_718 = arith.muli %iota3A, %mul3A_717 : vector<16xi32>
    %add3A_719 = arith.constant 768 : i32
    %add3A_720 = vector.broadcast %add3A_719 : i32 to vector<16xi32>
    %add3A_721 = arith.addi %add3A_720, %mul3A_718 : vector<16xi32>
    %add3A_722 = arith.constant 10 : i32
    %add3A_723 = vector.broadcast %add3A_722 : i32 to vector<16xi32>
    %add3A_724 = arith.addi %add3A_721, %add3A_723 : vector<16xi32>
    %gather3A_725 = tpu.vector_load_idx %arg5[%add3A_724] : memref<1280xf32, #tpu.memory_space<vmem>>[vector<16xi32>], vector<16xf32>,
    %max3A_726 = arith.maximumf %max3A_715, %gather3A_725 : vector<16xf32>
    %mul3A_727 = arith.constant 16 : i32
    %mul3A_728 = vector.broadcast %mul3A_727 : i32 to vector<16xi32>
    %mul3A_729 = arith.muli %iota3A, %mul3A_728 : vector<16xi32>
    %add3A_730 = arith.constant 768 : i32
    %add3A_731 = vector.broadcast %add3A_730 : i32 to vector<16xi32>
    %add3A_732 = arith.addi %add3A_731, %mul3A_729 : vector<16xi32>
    %add3A_733 = arith.constant 11 : i32
    %add3A_734 = vector.broadcast %add3A_733 : i32 to vector<16xi32>
    %add3A_735 = arith.addi %add3A_732, %add3A_734 : vector<16xi32>
    %gather3A_736 = tpu.vector_load_idx %arg5[%add3A_735] : memref<1280xf32, #tpu.memory_space<vmem>>[vector<16xi32>], vector<16xf32>,
    %max3A_737 = arith.maximumf %max3A_726, %gather3A_736 : vector<16xf32>
    %mul3A_738 = arith.constant 16 : i32
    %mul3A_739 = vector.broadcast %mul3A_738 : i32 to vector<16xi32>
    %mul3A_740 = arith.muli %iota3A, %mul3A_739 : vector<16xi32>
    %add3A_741 = arith.constant 768 : i32
    %add3A_742 = vector.broadcast %add3A_741 : i32 to vector<16xi32>
    %add3A_743 = arith.addi %add3A_742, %mul3A_740 : vector<16xi32>
    %add3A_744 = arith.constant 12 : i32
    %add3A_745 = vector.broadcast %add3A_744 : i32 to vector<16xi32>
    %add3A_746 = arith.addi %add3A_743, %add3A_745 : vector<16xi32>
    %gather3A_747 = tpu.vector_load_idx %arg5[%add3A_746] : memref<1280xf32, #tpu.memory_space<vmem>>[vector<16xi32>], vector<16xf32>,
    %max3A_748 = arith.maximumf %max3A_737, %gather3A_747 : vector<16xf32>
    %mul3A_749 = arith.constant 16 : i32
    %mul3A_750 = vector.broadcast %mul3A_749 : i32 to vector<16xi32>
    %mul3A_751 = arith.muli %iota3A, %mul3A_750 : vector<16xi32>
    %add3A_752 = arith.constant 768 : i32
    %add3A_753 = vector.broadcast %add3A_752 : i32 to vector<16xi32>
    %add3A_754 = arith.addi %add3A_753, %mul3A_751 : vector<16xi32>
    %add3A_755 = arith.constant 13 : i32
    %add3A_756 = vector.broadcast %add3A_755 : i32 to vector<16xi32>
    %add3A_757 = arith.addi %add3A_754, %add3A_756 : vector<16xi32>
    %gather3A_758 = tpu.vector_load_idx %arg5[%add3A_757] : memref<1280xf32, #tpu.memory_space<vmem>>[vector<16xi32>], vector<16xf32>,
    %max3A_759 = arith.maximumf %max3A_748, %gather3A_758 : vector<16xf32>
    %mul3A_760 = arith.constant 16 : i32
    %mul3A_761 = vector.broadcast %mul3A_760 : i32 to vector<16xi32>
    %mul3A_762 = arith.muli %iota3A, %mul3A_761 : vector<16xi32>
    %add3A_763 = arith.constant 768 : i32
    %add3A_764 = vector.broadcast %add3A_763 : i32 to vector<16xi32>
    %add3A_765 = arith.addi %add3A_764, %mul3A_762 : vector<16xi32>
    %add3A_766 = arith.constant 14 : i32
    %add3A_767 = vector.broadcast %add3A_766 : i32 to vector<16xi32>
    %add3A_768 = arith.addi %add3A_765, %add3A_767 : vector<16xi32>
    %gather3A_769 = tpu.vector_load_idx %arg5[%add3A_768] : memref<1280xf32, #tpu.memory_space<vmem>>[vector<16xi32>], vector<16xf32>,
    %max3A_770 = arith.maximumf %max3A_759, %gather3A_769 : vector<16xf32>
    %mul3A_771 = arith.constant 16 : i32
    %mul3A_772 = vector.broadcast %mul3A_771 : i32 to vector<16xi32>
    %mul3A_773 = arith.muli %iota3A, %mul3A_772 : vector<16xi32>
    %add3A_774 = arith.constant 768 : i32
    %add3A_775 = vector.broadcast %add3A_774 : i32 to vector<16xi32>
    %add3A_776 = arith.addi %add3A_775, %mul3A_773 : vector<16xi32>
    %add3A_777 = arith.constant 15 : i32
    %add3A_778 = vector.broadcast %add3A_777 : i32 to vector<16xi32>
    %add3A_779 = arith.addi %add3A_776, %add3A_778 : vector<16xi32>
    %gather3A_780 = tpu.vector_load_idx %arg5[%add3A_779] : memref<1280xf32, #tpu.memory_space<vmem>>[vector<16xi32>], vector<16xf32>,
    %max3A_781 = arith.maximumf %max3A_770, %gather3A_780 : vector<16xf32>
    %swap3A_782 = arith.constant 48 : index
    %swap3A_783 = tpu.vector_load %arg10[%swap3A_782] {strides = array<i32>} : memref<1280xf32, #tpu.memory_space<vmem>>, vector<16xf32>,
    tpu.vector_store %arg10[%swap3A_782], %max3A_781 {strides = array<i32>} : memref<1280xf32, #tpu.memory_space<vmem>>, vector<16xf32>,
    %mul3A_784 = arith.constant 16 : i32
    %mul3A_785 = vector.broadcast %mul3A_784 : i32 to vector<16xi32>
    %mul3A_786 = arith.muli %iota3A, %mul3A_785 : vector<16xi32>
    %add3A_787 = arith.constant 1024 : i32
    %add3A_788 = vector.broadcast %add3A_787 : i32 to vector<16xi32>
    %add3A_789 = arith.addi %add3A_788, %mul3A_786 : vector<16xi32>
    %gather3A_790 = tpu.vector_load_idx %arg5[%add3A_789] : memref<1280xf32, #tpu.memory_space<vmem>>[vector<16xi32>], vector<16xf32>,
    %mul3A_791 = arith.constant 16 : i32
    %mul3A_792 = vector.broadcast %mul3A_791 : i32 to vector<16xi32>
    %mul3A_793 = arith.muli %iota3A, %mul3A_792 : vector<16xi32>
    %add3A_794 = arith.constant 1024 : i32
    %add3A_795 = vector.broadcast %add3A_794 : i32 to vector<16xi32>
    %add3A_796 = arith.addi %add3A_795, %mul3A_793 : vector<16xi32>
    %add3A_797 = arith.constant 1 : i32
    %add3A_798 = vector.broadcast %add3A_797 : i32 to vector<16xi32>
    %add3A_799 = arith.addi %add3A_796, %add3A_798 : vector<16xi32>
    %gather3A_800 = tpu.vector_load_idx %arg5[%add3A_799] : memref<1280xf32, #tpu.memory_space<vmem>>[vector<16xi32>], vector<16xf32>,
    %max3A_801 = arith.maximumf %gather3A_790, %gather3A_800 : vector<16xf32>
    %mul3A_802 = arith.constant 16 : i32
    %mul3A_803 = vector.broadcast %mul3A_802 : i32 to vector<16xi32>
    %mul3A_804 = arith.muli %iota3A, %mul3A_803 : vector<16xi32>
    %add3A_805 = arith.constant 1024 : i32
    %add3A_806 = vector.broadcast %add3A_805 : i32 to vector<16xi32>
    %add3A_807 = arith.addi %add3A_806, %mul3A_804 : vector<16xi32>
    %add3A_808 = arith.constant 2 : i32
    %add3A_809 = vector.broadcast %add3A_808 : i32 to vector<16xi32>
    %add3A_810 = arith.addi %add3A_807, %add3A_809 : vector<16xi32>
    %gather3A_811 = tpu.vector_load_idx %arg5[%add3A_810] : memref<1280xf32, #tpu.memory_space<vmem>>[vector<16xi32>], vector<16xf32>,
    %max3A_812 = arith.maximumf %max3A_801, %gather3A_811 : vector<16xf32>
    %mul3A_813 = arith.constant 16 : i32
    %mul3A_814 = vector.broadcast %mul3A_813 : i32 to vector<16xi32>
    %mul3A_815 = arith.muli %iota3A, %mul3A_814 : vector<16xi32>
    %add3A_816 = arith.constant 1024 : i32
    %add3A_817 = vector.broadcast %add3A_816 : i32 to vector<16xi32>
    %add3A_818 = arith.addi %add3A_817, %mul3A_815 : vector<16xi32>
    %add3A_819 = arith.constant 3 : i32
    %add3A_820 = vector.broadcast %add3A_819 : i32 to vector<16xi32>
    %add3A_821 = arith.addi %add3A_818, %add3A_820 : vector<16xi32>
    %gather3A_822 = tpu.vector_load_idx %arg5[%add3A_821] : memref<1280xf32, #tpu.memory_space<vmem>>[vector<16xi32>], vector<16xf32>,
    %max3A_823 = arith.maximumf %max3A_812, %gather3A_822 : vector<16xf32>
    %mul3A_824 = arith.constant 16 : i32
    %mul3A_825 = vector.broadcast %mul3A_824 : i32 to vector<16xi32>
    %mul3A_826 = arith.muli %iota3A, %mul3A_825 : vector<16xi32>
    %add3A_827 = arith.constant 1024 : i32
    %add3A_828 = vector.broadcast %add3A_827 : i32 to vector<16xi32>
    %add3A_829 = arith.addi %add3A_828, %mul3A_826 : vector<16xi32>
    %add3A_830 = arith.constant 4 : i32
    %add3A_831 = vector.broadcast %add3A_830 : i32 to vector<16xi32>
    %add3A_832 = arith.addi %add3A_829, %add3A_831 : vector<16xi32>
    %gather3A_833 = tpu.vector_load_idx %arg5[%add3A_832] : memref<1280xf32, #tpu.memory_space<vmem>>[vector<16xi32>], vector<16xf32>,
    %max3A_834 = arith.maximumf %max3A_823, %gather3A_833 : vector<16xf32>
    %mul3A_835 = arith.constant 16 : i32
    %mul3A_836 = vector.broadcast %mul3A_835 : i32 to vector<16xi32>
    %mul3A_837 = arith.muli %iota3A, %mul3A_836 : vector<16xi32>
    %add3A_838 = arith.constant 1024 : i32
    %add3A_839 = vector.broadcast %add3A_838 : i32 to vector<16xi32>
    %add3A_840 = arith.addi %add3A_839, %mul3A_837 : vector<16xi32>
    %add3A_841 = arith.constant 5 : i32
    %add3A_842 = vector.broadcast %add3A_841 : i32 to vector<16xi32>
    %add3A_843 = arith.addi %add3A_840, %add3A_842 : vector<16xi32>
    %gather3A_844 = tpu.vector_load_idx %arg5[%add3A_843] : memref<1280xf32, #tpu.memory_space<vmem>>[vector<16xi32>], vector<16xf32>,
    %max3A_845 = arith.maximumf %max3A_834, %gather3A_844 : vector<16xf32>
    %mul3A_846 = arith.constant 16 : i32
    %mul3A_847 = vector.broadcast %mul3A_846 : i32 to vector<16xi32>
    %mul3A_848 = arith.muli %iota3A, %mul3A_847 : vector<16xi32>
    %add3A_849 = arith.constant 1024 : i32
    %add3A_850 = vector.broadcast %add3A_849 : i32 to vector<16xi32>
    %add3A_851 = arith.addi %add3A_850, %mul3A_848 : vector<16xi32>
    %add3A_852 = arith.constant 6 : i32
    %add3A_853 = vector.broadcast %add3A_852 : i32 to vector<16xi32>
    %add3A_854 = arith.addi %add3A_851, %add3A_853 : vector<16xi32>
    %gather3A_855 = tpu.vector_load_idx %arg5[%add3A_854] : memref<1280xf32, #tpu.memory_space<vmem>>[vector<16xi32>], vector<16xf32>,
    %max3A_856 = arith.maximumf %max3A_845, %gather3A_855 : vector<16xf32>
    %mul3A_857 = arith.constant 16 : i32
    %mul3A_858 = vector.broadcast %mul3A_857 : i32 to vector<16xi32>
    %mul3A_859 = arith.muli %iota3A, %mul3A_858 : vector<16xi32>
    %add3A_860 = arith.constant 1024 : i32
    %add3A_861 = vector.broadcast %add3A_860 : i32 to vector<16xi32>
    %add3A_862 = arith.addi %add3A_861, %mul3A_859 : vector<16xi32>
    %add3A_863 = arith.constant 7 : i32
    %add3A_864 = vector.broadcast %add3A_863 : i32 to vector<16xi32>
    %add3A_865 = arith.addi %add3A_862, %add3A_864 : vector<16xi32>
    %gather3A_866 = tpu.vector_load_idx %arg5[%add3A_865] : memref<1280xf32, #tpu.memory_space<vmem>>[vector<16xi32>], vector<16xf32>,
    %max3A_867 = arith.maximumf %max3A_856, %gather3A_866 : vector<16xf32>
    %mul3A_868 = arith.constant 16 : i32
    %mul3A_869 = vector.broadcast %mul3A_868 : i32 to vector<16xi32>
    %mul3A_870 = arith.muli %iota3A, %mul3A_869 : vector<16xi32>
    %add3A_871 = arith.constant 1024 : i32
    %add3A_872 = vector.broadcast %add3A_871 : i32 to vector<16xi32>
    %add3A_873 = arith.addi %add3A_872, %mul3A_870 : vector<16xi32>
    %add3A_874 = arith.constant 8 : i32
    %add3A_875 = vector.broadcast %add3A_874 : i32 to vector<16xi32>
    %add3A_876 = arith.addi %add3A_873, %add3A_875 : vector<16xi32>
    %gather3A_877 = tpu.vector_load_idx %arg5[%add3A_876] : memref<1280xf32, #tpu.memory_space<vmem>>[vector<16xi32>], vector<16xf32>,
    %max3A_878 = arith.maximumf %max3A_867, %gather3A_877 : vector<16xf32>
    %mul3A_879 = arith.constant 16 : i32
    %mul3A_880 = vector.broadcast %mul3A_879 : i32 to vector<16xi32>
    %mul3A_881 = arith.muli %iota3A, %mul3A_880 : vector<16xi32>
    %add3A_882 = arith.constant 1024 : i32
    %add3A_883 = vector.broadcast %add3A_882 : i32 to vector<16xi32>
    %add3A_884 = arith.addi %add3A_883, %mul3A_881 : vector<16xi32>
    %add3A_885 = arith.constant 9 : i32
    %add3A_886 = vector.broadcast %add3A_885 : i32 to vector<16xi32>
    %add3A_887 = arith.addi %add3A_884, %add3A_886 : vector<16xi32>
    %gather3A_888 = tpu.vector_load_idx %arg5[%add3A_887] : memref<1280xf32, #tpu.memory_space<vmem>>[vector<16xi32>], vector<16xf32>,
    %max3A_889 = arith.maximumf %max3A_878, %gather3A_888 : vector<16xf32>
    %mul3A_890 = arith.constant 16 : i32
    %mul3A_891 = vector.broadcast %mul3A_890 : i32 to vector<16xi32>
    %mul3A_892 = arith.muli %iota3A, %mul3A_891 : vector<16xi32>
    %add3A_893 = arith.constant 1024 : i32
    %add3A_894 = vector.broadcast %add3A_893 : i32 to vector<16xi32>
    %add3A_895 = arith.addi %add3A_894, %mul3A_892 : vector<16xi32>
    %add3A_896 = arith.constant 10 : i32
    %add3A_897 = vector.broadcast %add3A_896 : i32 to vector<16xi32>
    %add3A_898 = arith.addi %add3A_895, %add3A_897 : vector<16xi32>
    %gather3A_899 = tpu.vector_load_idx %arg5[%add3A_898] : memref<1280xf32, #tpu.memory_space<vmem>>[vector<16xi32>], vector<16xf32>,
    %max3A_900 = arith.maximumf %max3A_889, %gather3A_899 : vector<16xf32>
    %mul3A_901 = arith.constant 16 : i32
    %mul3A_902 = vector.broadcast %mul3A_901 : i32 to vector<16xi32>
    %mul3A_903 = arith.muli %iota3A, %mul3A_902 : vector<16xi32>
    %add3A_904 = arith.constant 1024 : i32
    %add3A_905 = vector.broadcast %add3A_904 : i32 to vector<16xi32>
    %add3A_906 = arith.addi %add3A_905, %mul3A_903 : vector<16xi32>
    %add3A_907 = arith.constant 11 : i32
    %add3A_908 = vector.broadcast %add3A_907 : i32 to vector<16xi32>
    %add3A_909 = arith.addi %add3A_906, %add3A_908 : vector<16xi32>
    %gather3A_910 = tpu.vector_load_idx %arg5[%add3A_909] : memref<1280xf32, #tpu.memory_space<vmem>>[vector<16xi32>], vector<16xf32>,
    %max3A_911 = arith.maximumf %max3A_900, %gather3A_910 : vector<16xf32>
    %mul3A_912 = arith.constant 16 : i32
    %mul3A_913 = vector.broadcast %mul3A_912 : i32 to vector<16xi32>
    %mul3A_914 = arith.muli %iota3A, %mul3A_913 : vector<16xi32>
    %add3A_915 = arith.constant 1024 : i32
    %add3A_916 = vector.broadcast %add3A_915 : i32 to vector<16xi32>
    %add3A_917 = arith.addi %add3A_916, %mul3A_914 : vector<16xi32>
    %add3A_918 = arith.constant 12 : i32
    %add3A_919 = vector.broadcast %add3A_918 : i32 to vector<16xi32>
    %add3A_920 = arith.addi %add3A_917, %add3A_919 : vector<16xi32>
    %gather3A_921 = tpu.vector_load_idx %arg5[%add3A_920] : memref<1280xf32, #tpu.memory_space<vmem>>[vector<16xi32>], vector<16xf32>,
    %max3A_922 = arith.maximumf %max3A_911, %gather3A_921 : vector<16xf32>
    %mul3A_923 = arith.constant 16 : i32
    %mul3A_924 = vector.broadcast %mul3A_923 : i32 to vector<16xi32>
    %mul3A_925 = arith.muli %iota3A, %mul3A_924 : vector<16xi32>
    %add3A_926 = arith.constant 1024 : i32
    %add3A_927 = vector.broadcast %add3A_926 : i32 to vector<16xi32>
    %add3A_928 = arith.addi %add3A_927, %mul3A_925 : vector<16xi32>
    %add3A_929 = arith.constant 13 : i32
    %add3A_930 = vector.broadcast %add3A_929 : i32 to vector<16xi32>
    %add3A_931 = arith.addi %add3A_928, %add3A_930 : vector<16xi32>
    %gather3A_932 = tpu.vector_load_idx %arg5[%add3A_931] : memref<1280xf32, #tpu.memory_space<vmem>>[vector<16xi32>], vector<16xf32>,
    %max3A_933 = arith.maximumf %max3A_922, %gather3A_932 : vector<16xf32>
    %mul3A_934 = arith.constant 16 : i32
    %mul3A_935 = vector.broadcast %mul3A_934 : i32 to vector<16xi32>
    %mul3A_936 = arith.muli %iota3A, %mul3A_935 : vector<16xi32>
    %add3A_937 = arith.constant 1024 : i32
    %add3A_938 = vector.broadcast %add3A_937 : i32 to vector<16xi32>
    %add3A_939 = arith.addi %add3A_938, %mul3A_936 : vector<16xi32>
    %add3A_940 = arith.constant 14 : i32
    %add3A_941 = vector.broadcast %add3A_940 : i32 to vector<16xi32>
    %add3A_942 = arith.addi %add3A_939, %add3A_941 : vector<16xi32>
    %gather3A_943 = tpu.vector_load_idx %arg5[%add3A_942] : memref<1280xf32, #tpu.memory_space<vmem>>[vector<16xi32>], vector<16xf32>,
    %max3A_944 = arith.maximumf %max3A_933, %gather3A_943 : vector<16xf32>
    %mul3A_945 = arith.constant 16 : i32
    %mul3A_946 = vector.broadcast %mul3A_945 : i32 to vector<16xi32>
    %mul3A_947 = arith.muli %iota3A, %mul3A_946 : vector<16xi32>
    %add3A_948 = arith.constant 1024 : i32
    %add3A_949 = vector.broadcast %add3A_948 : i32 to vector<16xi32>
    %add3A_950 = arith.addi %add3A_949, %mul3A_947 : vector<16xi32>
    %add3A_951 = arith.constant 15 : i32
    %add3A_952 = vector.broadcast %add3A_951 : i32 to vector<16xi32>
    %add3A_953 = arith.addi %add3A_950, %add3A_952 : vector<16xi32>
    %gather3A_954 = tpu.vector_load_idx %arg5[%add3A_953] : memref<1280xf32, #tpu.memory_space<vmem>>[vector<16xi32>], vector<16xf32>,
    %max3A_955 = arith.maximumf %max3A_944, %gather3A_954 : vector<16xf32>
    %swap3A_956 = arith.constant 64 : index
    %swap3A_957 = tpu.vector_load %arg10[%swap3A_956] {strides = array<i32>} : memref<1280xf32, #tpu.memory_space<vmem>>, vector<16xf32>,
    tpu.vector_store %arg10[%swap3A_956], %max3A_955 {strides = array<i32>} : memref<1280xf32, #tpu.memory_space<vmem>>, vector<16xf32>,
    %dma_start3A_958 = tpu.memref_slice %arg27[%mul3A_0] : memref<20480xf32, #tpu.memory_space<vmem_shared>> -> memref<1280xf32, #tpu.memory_space<vmem_shared>>
    %dma_start3A_959 = tpu.memref_slice %arg27[%mul3A_0] : memref<20480xf32, #tpu.memory_space<vmem_shared>> -> memref<1280xf32, #tpu.memory_space<vmem_shared>>
    tpu.enqueue_dma source(%arg5 : memref<1280xf32, #tpu.memory_space<vmem>>) target(%dma_start3A_959 : memref<1280xf32, #tpu.memory_space<vmem_shared>>) target_semaphore(%arg33 : memref<!tpu.dma_semaphore, #tpu.memory_space<semaphore_mem>>)
    %dma_start3A_960 = tpu.memref_slice %arg28[%mul3A_0] : memref<20480xf32, #tpu.memory_space<vmem_shared>> -> memref<1280xf32, #tpu.memory_space<vmem_shared>>
    %dma_start3A_961 = tpu.memref_slice %arg28[%mul3A_0] : memref<20480xf32, #tpu.memory_space<vmem_shared>> -> memref<1280xf32, #tpu.memory_space<vmem_shared>>
    tpu.enqueue_dma source(%arg6 : memref<1280xf32, #tpu.memory_space<vmem>>) target(%dma_start3A_961 : memref<1280xf32, #tpu.memory_space<vmem_shared>>) target_semaphore(%arg33 : memref<!tpu.dma_semaphore, #tpu.memory_space<semaphore_mem>>)
    %dma_start3A_962 = tpu.memref_slice %arg29[%mul3A_0] : memref<20480xf32, #tpu.memory_space<vmem_shared>> -> memref<1280xf32, #tpu.memory_space<vmem_shared>>
    %dma_start3A_963 = tpu.memref_slice %arg29[%mul3A_0] : memref<20480xf32, #tpu.memory_space<vmem_shared>> -> memref<1280xf32, #tpu.memory_space<vmem_shared>>
    tpu.enqueue_dma source(%arg7 : memref<1280xf32, #tpu.memory_space<vmem>>) target(%dma_start3A_963 : memref<1280xf32, #tpu.memory_space<vmem_shared>>) target_semaphore(%arg33 : memref<!tpu.dma_semaphore, #tpu.memory_space<semaphore_mem>>)
    %dma_start3A_964 = tpu.memref_slice %arg30[%mul3A_0] : memref<20480xf32, #tpu.memory_space<vmem_shared>> -> memref<1280xf32, #tpu.memory_space<vmem_shared>>
    %dma_start3A_965 = tpu.memref_slice %arg30[%mul3A_0] : memref<20480xf32, #tpu.memory_space<vmem_shared>> -> memref<1280xf32, #tpu.memory_space<vmem_shared>>
    tpu.enqueue_dma source(%arg8 : memref<1280xf32, #tpu.memory_space<vmem>>) target(%dma_start3A_965 : memref<1280xf32, #tpu.memory_space<vmem_shared>>) target_semaphore(%arg33 : memref<!tpu.dma_semaphore, #tpu.memory_space<semaphore_mem>>)
    %dma_start3A_966 = tpu.memref_slice %arg31[%mul3A_0] : memref<20480xf32, #tpu.memory_space<vmem_shared>> -> memref<1280xf32, #tpu.memory_space<vmem_shared>>
    %dma_start3A_967 = tpu.memref_slice %arg31[%mul3A_0] : memref<20480xf32, #tpu.memory_space<vmem_shared>> -> memref<1280xf32, #tpu.memory_space<vmem_shared>>
    tpu.enqueue_dma source(%arg9 : memref<1280xf32, #tpu.memory_space<vmem>>) target(%dma_start3A_967 : memref<1280xf32, #tpu.memory_space<vmem_shared>>) target_semaphore(%arg33 : memref<!tpu.dma_semaphore, #tpu.memory_space<semaphore_mem>>)
    %mul3A_968 = arith.constant 80 : i32
    %mul3A_969 = arith.muli %arg1, %mul3A_968 : i32
    %dma_start3A_970 = arith.constant 0 : i32
    %dma_start3A_971 = tpu.memref_slice %arg10[%dma_start3A_970] : memref<1280xf32, #tpu.memory_space<vmem>> -> memref<80xf32, #tpu.memory_space<vmem>>
    %dma_start3A_972 = tpu.memref_slice %arg32[%mul3A_969] : memref<1280xf32, #tpu.memory_space<vmem_shared>> -> memref<80xf32, #tpu.memory_space<vmem_shared>>
    %dma_start3A_973 = tpu.memref_slice %arg32[%mul3A_969] : memref<1280xf32, #tpu.memory_space<vmem_shared>> -> memref<80xf32, #tpu.memory_space<vmem_shared>>
    %dma_start3A_974 = arith.constant 0 : i32
    %dma_start3A_975 = tpu.memref_slice %arg10[%dma_start3A_974] : memref<1280xf32, #tpu.memory_space<vmem>> -> memref<80xf32, #tpu.memory_space<vmem>>
    tpu.enqueue_dma source(%dma_start3A_975 : memref<80xf32, #tpu.memory_space<vmem>>) target(%dma_start3A_973 : memref<80xf32, #tpu.memory_space<vmem_shared>>) target_semaphore(%arg33 : memref<!tpu.dma_semaphore, #tpu.memory_space<semaphore_mem>>)
    %dma_wait3A_976 = tpu.memref_slice %arg27[%mul3A_0] : memref<20480xf32, #tpu.memory_space<vmem_shared>> -> memref<1280xf32, #tpu.memory_space<vmem_shared>>
    %dma_wait3A_977 = tpu.memref_slice %arg27[%mul3A_0] : memref<20480xf32, #tpu.memory_space<vmem_shared>> -> memref<1280xf32, #tpu.memory_space<vmem_shared>>
    tpu.wait_dma2 semaphore(%arg33 : memref<!tpu.dma_semaphore, #tpu.memory_space<semaphore_mem>>) src(%arg5 : memref<1280xf32, #tpu.memory_space<vmem>>) dst(%dma_wait3A_977 : memref<1280xf32, #tpu.memory_space<vmem_shared>>)
    %dma_wait3A_978 = tpu.memref_slice %arg28[%mul3A_0] : memref<20480xf32, #tpu.memory_space<vmem_shared>> -> memref<1280xf32, #tpu.memory_space<vmem_shared>>
    %dma_wait3A_979 = tpu.memref_slice %arg28[%mul3A_0] : memref<20480xf32, #tpu.memory_space<vmem_shared>> -> memref<1280xf32, #tpu.memory_space<vmem_shared>>
    tpu.wait_dma2 semaphore(%arg33 : memref<!tpu.dma_semaphore, #tpu.memory_space<semaphore_mem>>) src(%arg6 : memref<1280xf32, #tpu.memory_space<vmem>>) dst(%dma_wait3A_979 : memref<1280xf32, #tpu.memory_space<vmem_shared>>)
    %dma_wait3A_980 = tpu.memref_slice %arg29[%mul3A_0] : memref<20480xf32, #tpu.memory_space<vmem_shared>> -> memref<1280xf32, #tpu.memory_space<vmem_shared>>
    %dma_wait3A_981 = tpu.memref_slice %arg29[%mul3A_0] : memref<20480xf32, #tpu.memory_space<vmem_shared>> -> memref<1280xf32, #tpu.memory_space<vmem_shared>>
    tpu.wait_dma2 semaphore(%arg33 : memref<!tpu.dma_semaphore, #tpu.memory_space<semaphore_mem>>) src(%arg7 : memref<1280xf32, #tpu.memory_space<vmem>>) dst(%dma_wait3A_981 : memref<1280xf32, #tpu.memory_space<vmem_shared>>)
    %dma_wait3A_982 = tpu.memref_slice %arg30[%mul3A_0] : memref<20480xf32, #tpu.memory_space<vmem_shared>> -> memref<1280xf32, #tpu.memory_space<vmem_shared>>
    %dma_wait3A_983 = tpu.memref_slice %arg30[%mul3A_0] : memref<20480xf32, #tpu.memory_space<vmem_shared>> -> memref<1280xf32, #tpu.memory_space<vmem_shared>>
    tpu.wait_dma2 semaphore(%arg33 : memref<!tpu.dma_semaphore, #tpu.memory_space<semaphore_mem>>) src(%arg8 : memref<1280xf32, #tpu.memory_space<vmem>>) dst(%dma_wait3A_983 : memref<1280xf32, #tpu.memory_space<vmem_shared>>)
    %dma_wait3A_984 = tpu.memref_slice %arg31[%mul3A_0] : memref<20480xf32, #tpu.memory_space<vmem_shared>> -> memref<1280xf32, #tpu.memory_space<vmem_shared>>
    %dma_wait3A_985 = tpu.memref_slice %arg31[%mul3A_0] : memref<20480xf32, #tpu.memory_space<vmem_shared>> -> memref<1280xf32, #tpu.memory_space<vmem_shared>>
    tpu.wait_dma2 semaphore(%arg33 : memref<!tpu.dma_semaphore, #tpu.memory_space<semaphore_mem>>) src(%arg9 : memref<1280xf32, #tpu.memory_space<vmem>>) dst(%dma_wait3A_985 : memref<1280xf32, #tpu.memory_space<vmem_shared>>)
    %dma_wait3A_986 = arith.constant 0 : i32
    %dma_wait3A_987 = tpu.memref_slice %arg10[%dma_wait3A_986] : memref<1280xf32, #tpu.memory_space<vmem>> -> memref<80xf32, #tpu.memory_space<vmem>>
    %dma_wait3A_988 = tpu.memref_slice %arg32[%mul3A_969] : memref<1280xf32, #tpu.memory_space<vmem_shared>> -> memref<80xf32, #tpu.memory_space<vmem_shared>>
    %dma_wait3A_989 = tpu.memref_slice %arg32[%mul3A_969] : memref<1280xf32, #tpu.memory_space<vmem_shared>> -> memref<80xf32, #tpu.memory_space<vmem_shared>>
    %dma_wait3A_990 = arith.constant 0 : i32
    %dma_wait3A_991 = tpu.memref_slice %arg10[%dma_wait3A_990] : memref<1280xf32, #tpu.memory_space<vmem>> -> memref<80xf32, #tpu.memory_space<vmem>>
    tpu.wait_dma2 semaphore(%arg33 : memref<!tpu.dma_semaphore, #tpu.memory_space<semaphore_mem>>) src(%dma_wait3A_991 : memref<80xf32, #tpu.memory_space<vmem>>) dst(%dma_wait3A_989 : memref<80xf32, #tpu.memory_space<vmem_shared>>)
    %barrier3A = arith.constant 0 : index
    tpu.barrier barrier_id(%barrier3A)
    %eq3A_992 = arith.constant 0 : i32
    %eq3A_993 = arith.cmpi eq, %arg1, %eq3A_992 : i32
    %convert_element_type3A = arith.extui %eq3A_993 : i1 to i32
    %cond3A = arith.constant 0 : i32
    %cond3A_994 = arith.cmpi ne, %convert_element_type3A, %cond3A : i32
    scf.if %cond3A_994 {
      tpu.enqueue_dma source(%arg32 : memref<1280xf32, #tpu.memory_space<vmem_shared>>) target(%arg5 : memref<1280xf32, #tpu.memory_space<vmem>>) target_semaphore(%arg34 : memref<!tpu.dma_semaphore, #tpu.memory_space<semaphore_mem>>)
      tpu.enqueue_dma source(%arg27 : memref<20480xf32, #tpu.memory_space<vmem_shared>>) target(%arg17 : memref<20480xf32, #tpu.memory_space<vmem>>) target_semaphore(%arg33 : memref<!tpu.dma_semaphore, #tpu.memory_space<semaphore_mem>>)
      tpu.enqueue_dma source(%arg28 : memref<20480xf32, #tpu.memory_space<vmem_shared>>) target(%arg18 : memref<20480xf32, #tpu.memory_space<vmem>>) target_semaphore(%arg33 : memref<!tpu.dma_semaphore, #tpu.memory_space<semaphore_mem>>)
      tpu.enqueue_dma source(%arg29 : memref<20480xf32, #tpu.memory_space<vmem_shared>>) target(%arg19 : memref<20480xf32, #tpu.memory_space<vmem>>) target_semaphore(%arg33 : memref<!tpu.dma_semaphore, #tpu.memory_space<semaphore_mem>>)
      tpu.enqueue_dma source(%arg30 : memref<20480xf32, #tpu.memory_space<vmem_shared>>) target(%arg20 : memref<20480xf32, #tpu.memory_space<vmem>>) target_semaphore(%arg33 : memref<!tpu.dma_semaphore, #tpu.memory_space<semaphore_mem>>)
      tpu.enqueue_dma source(%arg31 : memref<20480xf32, #tpu.memory_space<vmem_shared>>) target(%arg21 : memref<20480xf32, #tpu.memory_space<vmem>>) target_semaphore(%arg33 : memref<!tpu.dma_semaphore, #tpu.memory_space<semaphore_mem>>)
      tpu.wait_dma2 semaphore(%arg34 : memref<!tpu.dma_semaphore, #tpu.memory_space<semaphore_mem>>) src(%arg32 : memref<1280xf32, #tpu.memory_space<vmem_shared>>) dst(%arg5 : memref<1280xf32, #tpu.memory_space<vmem>>)
      %mul3A_995 = arith.constant 16 : i32
      %mul3A_996 = vector.broadcast %mul3A_995 : i32 to vector<16xi32>
      %mul3A_997 = arith.muli %iota3A, %mul3A_996 : vector<16xi32>
      %add3A_998 = arith.constant 0 : i32
      %add3A_999 = vector.broadcast %add3A_998 : i32 to vector<16xi32>
      %add3A_1000 = arith.addi %add3A_999, %mul3A_997 : vector<16xi32>
      %gather3A_1001 = tpu.vector_load_idx %arg5[%add3A_1000] : memref<1280xf32, #tpu.memory_space<vmem>>[vector<16xi32>], vector<16xf32>,
      %mul3A_1002 = arith.constant 16 : i32
      %mul3A_1003 = vector.broadcast %mul3A_1002 : i32 to vector<16xi32>
      %mul3A_1004 = arith.muli %iota3A, %mul3A_1003 : vector<16xi32>
      %add3A_1005 = arith.constant 0 : i32
      %add3A_1006 = vector.broadcast %add3A_1005 : i32 to vector<16xi32>
      %add3A_1007 = arith.addi %add3A_1006, %mul3A_1004 : vector<16xi32>
      %add3A_1008 = arith.constant 1 : i32
      %add3A_1009 = vector.broadcast %add3A_1008 : i32 to vector<16xi32>
      %add3A_1010 = arith.addi %add3A_1007, %add3A_1009 : vector<16xi32>
      %gather3A_1011 = tpu.vector_load_idx %arg5[%add3A_1010] : memref<1280xf32, #tpu.memory_space<vmem>>[vector<16xi32>], vector<16xf32>,
      %max3A_1012 = arith.maximumf %gather3A_1001, %gather3A_1011 : vector<16xf32>
      %mul3A_1013 = arith.constant 16 : i32
      %mul3A_1014 = vector.broadcast %mul3A_1013 : i32 to vector<16xi32>
      %mul3A_1015 = arith.muli %iota3A, %mul3A_1014 : vector<16xi32>
      %add3A_1016 = arith.constant 0 : i32
      %add3A_1017 = vector.broadcast %add3A_1016 : i32 to vector<16xi32>
      %add3A_1018 = arith.addi %add3A_1017, %mul3A_1015 : vector<16xi32>
      %add3A_1019 = arith.constant 2 : i32
      %add3A_1020 = vector.broadcast %add3A_1019 : i32 to vector<16xi32>
      %add3A_1021 = arith.addi %add3A_1018, %add3A_1020 : vector<16xi32>
      %gather3A_1022 = tpu.vector_load_idx %arg5[%add3A_1021] : memref<1280xf32, #tpu.memory_space<vmem>>[vector<16xi32>], vector<16xf32>,
      %max3A_1023 = arith.maximumf %max3A_1012, %gather3A_1022 : vector<16xf32>
      %mul3A_1024 = arith.constant 16 : i32
      %mul3A_1025 = vector.broadcast %mul3A_1024 : i32 to vector<16xi32>
      %mul3A_1026 = arith.muli %iota3A, %mul3A_1025 : vector<16xi32>
      %add3A_1027 = arith.constant 0 : i32
      %add3A_1028 = vector.broadcast %add3A_1027 : i32 to vector<16xi32>
      %add3A_1029 = arith.addi %add3A_1028, %mul3A_1026 : vector<16xi32>
      %add3A_1030 = arith.constant 3 : i32
      %add3A_1031 = vector.broadcast %add3A_1030 : i32 to vector<16xi32>
      %add3A_1032 = arith.addi %add3A_1029, %add3A_1031 : vector<16xi32>
      %gather3A_1033 = tpu.vector_load_idx %arg5[%add3A_1032] : memref<1280xf32, #tpu.memory_space<vmem>>[vector<16xi32>], vector<16xf32>,
      %max3A_1034 = arith.maximumf %max3A_1023, %gather3A_1033 : vector<16xf32>
      %mul3A_1035 = arith.constant 16 : i32
      %mul3A_1036 = vector.broadcast %mul3A_1035 : i32 to vector<16xi32>
      %mul3A_1037 = arith.muli %iota3A, %mul3A_1036 : vector<16xi32>
      %add3A_1038 = arith.constant 0 : i32
      %add3A_1039 = vector.broadcast %add3A_1038 : i32 to vector<16xi32>
      %add3A_1040 = arith.addi %add3A_1039, %mul3A_1037 : vector<16xi32>
      %add3A_1041 = arith.constant 4 : i32
      %add3A_1042 = vector.broadcast %add3A_1041 : i32 to vector<16xi32>
      %add3A_1043 = arith.addi %add3A_1040, %add3A_1042 : vector<16xi32>
      %gather3A_1044 = tpu.vector_load_idx %arg5[%add3A_1043] : memref<1280xf32, #tpu.memory_space<vmem>>[vector<16xi32>], vector<16xf32>,
      %max3A_1045 = arith.maximumf %max3A_1034, %gather3A_1044 : vector<16xf32>
      %mul3A_1046 = arith.constant 16 : i32
      %mul3A_1047 = vector.broadcast %mul3A_1046 : i32 to vector<16xi32>
      %mul3A_1048 = arith.muli %iota3A, %mul3A_1047 : vector<16xi32>
      %add3A_1049 = arith.constant 0 : i32
      %add3A_1050 = vector.broadcast %add3A_1049 : i32 to vector<16xi32>
      %add3A_1051 = arith.addi %add3A_1050, %mul3A_1048 : vector<16xi32>
      %add3A_1052 = arith.constant 5 : i32
      %add3A_1053 = vector.broadcast %add3A_1052 : i32 to vector<16xi32>
      %add3A_1054 = arith.addi %add3A_1051, %add3A_1053 : vector<16xi32>
      %gather3A_1055 = tpu.vector_load_idx %arg5[%add3A_1054] : memref<1280xf32, #tpu.memory_space<vmem>>[vector<16xi32>], vector<16xf32>,
      %max3A_1056 = arith.maximumf %max3A_1045, %gather3A_1055 : vector<16xf32>
      %mul3A_1057 = arith.constant 16 : i32
      %mul3A_1058 = vector.broadcast %mul3A_1057 : i32 to vector<16xi32>
      %mul3A_1059 = arith.muli %iota3A, %mul3A_1058 : vector<16xi32>
      %add3A_1060 = arith.constant 0 : i32
      %add3A_1061 = vector.broadcast %add3A_1060 : i32 to vector<16xi32>
      %add3A_1062 = arith.addi %add3A_1061, %mul3A_1059 : vector<16xi32>
      %add3A_1063 = arith.constant 6 : i32
      %add3A_1064 = vector.broadcast %add3A_1063 : i32 to vector<16xi32>
      %add3A_1065 = arith.addi %add3A_1062, %add3A_1064 : vector<16xi32>
      %gather3A_1066 = tpu.vector_load_idx %arg5[%add3A_1065] : memref<1280xf32, #tpu.memory_space<vmem>>[vector<16xi32>], vector<16xf32>,
      %max3A_1067 = arith.maximumf %max3A_1056, %gather3A_1066 : vector<16xf32>
      %mul3A_1068 = arith.constant 16 : i32
      %mul3A_1069 = vector.broadcast %mul3A_1068 : i32 to vector<16xi32>
      %mul3A_1070 = arith.muli %iota3A, %mul3A_1069 : vector<16xi32>
      %add3A_1071 = arith.constant 0 : i32
      %add3A_1072 = vector.broadcast %add3A_1071 : i32 to vector<16xi32>
      %add3A_1073 = arith.addi %add3A_1072, %mul3A_1070 : vector<16xi32>
      %add3A_1074 = arith.constant 7 : i32
      %add3A_1075 = vector.broadcast %add3A_1074 : i32 to vector<16xi32>
      %add3A_1076 = arith.addi %add3A_1073, %add3A_1075 : vector<16xi32>
      %gather3A_1077 = tpu.vector_load_idx %arg5[%add3A_1076] : memref<1280xf32, #tpu.memory_space<vmem>>[vector<16xi32>], vector<16xf32>,
      %max3A_1078 = arith.maximumf %max3A_1067, %gather3A_1077 : vector<16xf32>
      %mul3A_1079 = arith.constant 16 : i32
      %mul3A_1080 = vector.broadcast %mul3A_1079 : i32 to vector<16xi32>
      %mul3A_1081 = arith.muli %iota3A, %mul3A_1080 : vector<16xi32>
      %add3A_1082 = arith.constant 0 : i32
      %add3A_1083 = vector.broadcast %add3A_1082 : i32 to vector<16xi32>
      %add3A_1084 = arith.addi %add3A_1083, %mul3A_1081 : vector<16xi32>
      %add3A_1085 = arith.constant 8 : i32
      %add3A_1086 = vector.broadcast %add3A_1085 : i32 to vector<16xi32>
      %add3A_1087 = arith.addi %add3A_1084, %add3A_1086 : vector<16xi32>
      %gather3A_1088 = tpu.vector_load_idx %arg5[%add3A_1087] : memref<1280xf32, #tpu.memory_space<vmem>>[vector<16xi32>], vector<16xf32>,
      %max3A_1089 = arith.maximumf %max3A_1078, %gather3A_1088 : vector<16xf32>
      %mul3A_1090 = arith.constant 16 : i32
      %mul3A_1091 = vector.broadcast %mul3A_1090 : i32 to vector<16xi32>
      %mul3A_1092 = arith.muli %iota3A, %mul3A_1091 : vector<16xi32>
      %add3A_1093 = arith.constant 0 : i32
      %add3A_1094 = vector.broadcast %add3A_1093 : i32 to vector<16xi32>
      %add3A_1095 = arith.addi %add3A_1094, %mul3A_1092 : vector<16xi32>
      %add3A_1096 = arith.constant 9 : i32
      %add3A_1097 = vector.broadcast %add3A_1096 : i32 to vector<16xi32>
      %add3A_1098 = arith.addi %add3A_1095, %add3A_1097 : vector<16xi32>
      %gather3A_1099 = tpu.vector_load_idx %arg5[%add3A_1098] : memref<1280xf32, #tpu.memory_space<vmem>>[vector<16xi32>], vector<16xf32>,
      %max3A_1100 = arith.maximumf %max3A_1089, %gather3A_1099 : vector<16xf32>
      %mul3A_1101 = arith.constant 16 : i32
      %mul3A_1102 = vector.broadcast %mul3A_1101 : i32 to vector<16xi32>
      %mul3A_1103 = arith.muli %iota3A, %mul3A_1102 : vector<16xi32>
      %add3A_1104 = arith.constant 0 : i32
      %add3A_1105 = vector.broadcast %add3A_1104 : i32 to vector<16xi32>
      %add3A_1106 = arith.addi %add3A_1105, %mul3A_1103 : vector<16xi32>
      %add3A_1107 = arith.constant 10 : i32
      %add3A_1108 = vector.broadcast %add3A_1107 : i32 to vector<16xi32>
      %add3A_1109 = arith.addi %add3A_1106, %add3A_1108 : vector<16xi32>
      %gather3A_1110 = tpu.vector_load_idx %arg5[%add3A_1109] : memref<1280xf32, #tpu.memory_space<vmem>>[vector<16xi32>], vector<16xf32>,
      %max3A_1111 = arith.maximumf %max3A_1100, %gather3A_1110 : vector<16xf32>
      %mul3A_1112 = arith.constant 16 : i32
      %mul3A_1113 = vector.broadcast %mul3A_1112 : i32 to vector<16xi32>
      %mul3A_1114 = arith.muli %iota3A, %mul3A_1113 : vector<16xi32>
      %add3A_1115 = arith.constant 0 : i32
      %add3A_1116 = vector.broadcast %add3A_1115 : i32 to vector<16xi32>
      %add3A_1117 = arith.addi %add3A_1116, %mul3A_1114 : vector<16xi32>
      %add3A_1118 = arith.constant 11 : i32
      %add3A_1119 = vector.broadcast %add3A_1118 : i32 to vector<16xi32>
      %add3A_1120 = arith.addi %add3A_1117, %add3A_1119 : vector<16xi32>
      %gather3A_1121 = tpu.vector_load_idx %arg5[%add3A_1120] : memref<1280xf32, #tpu.memory_space<vmem>>[vector<16xi32>], vector<16xf32>,
      %max3A_1122 = arith.maximumf %max3A_1111, %gather3A_1121 : vector<16xf32>
      %mul3A_1123 = arith.constant 16 : i32
      %mul3A_1124 = vector.broadcast %mul3A_1123 : i32 to vector<16xi32>
      %mul3A_1125 = arith.muli %iota3A, %mul3A_1124 : vector<16xi32>
      %add3A_1126 = arith.constant 0 : i32
      %add3A_1127 = vector.broadcast %add3A_1126 : i32 to vector<16xi32>
      %add3A_1128 = arith.addi %add3A_1127, %mul3A_1125 : vector<16xi32>
      %add3A_1129 = arith.constant 12 : i32
      %add3A_1130 = vector.broadcast %add3A_1129 : i32 to vector<16xi32>
      %add3A_1131 = arith.addi %add3A_1128, %add3A_1130 : vector<16xi32>
      %gather3A_1132 = tpu.vector_load_idx %arg5[%add3A_1131] : memref<1280xf32, #tpu.memory_space<vmem>>[vector<16xi32>], vector<16xf32>,
      %max3A_1133 = arith.maximumf %max3A_1122, %gather3A_1132 : vector<16xf32>
      %mul3A_1134 = arith.constant 16 : i32
      %mul3A_1135 = vector.broadcast %mul3A_1134 : i32 to vector<16xi32>
      %mul3A_1136 = arith.muli %iota3A, %mul3A_1135 : vector<16xi32>
      %add3A_1137 = arith.constant 0 : i32
      %add3A_1138 = vector.broadcast %add3A_1137 : i32 to vector<16xi32>
      %add3A_1139 = arith.addi %add3A_1138, %mul3A_1136 : vector<16xi32>
      %add3A_1140 = arith.constant 13 : i32
      %add3A_1141 = vector.broadcast %add3A_1140 : i32 to vector<16xi32>
      %add3A_1142 = arith.addi %add3A_1139, %add3A_1141 : vector<16xi32>
      %gather3A_1143 = tpu.vector_load_idx %arg5[%add3A_1142] : memref<1280xf32, #tpu.memory_space<vmem>>[vector<16xi32>], vector<16xf32>,
      %max3A_1144 = arith.maximumf %max3A_1133, %gather3A_1143 : vector<16xf32>
      %mul3A_1145 = arith.constant 16 : i32
      %mul3A_1146 = vector.broadcast %mul3A_1145 : i32 to vector<16xi32>
      %mul3A_1147 = arith.muli %iota3A, %mul3A_1146 : vector<16xi32>
      %add3A_1148 = arith.constant 0 : i32
      %add3A_1149 = vector.broadcast %add3A_1148 : i32 to vector<16xi32>
      %add3A_1150 = arith.addi %add3A_1149, %mul3A_1147 : vector<16xi32>
      %add3A_1151 = arith.constant 14 : i32
      %add3A_1152 = vector.broadcast %add3A_1151 : i32 to vector<16xi32>
      %add3A_1153 = arith.addi %add3A_1150, %add3A_1152 : vector<16xi32>
      %gather3A_1154 = tpu.vector_load_idx %arg5[%add3A_1153] : memref<1280xf32, #tpu.memory_space<vmem>>[vector<16xi32>], vector<16xf32>,
      %max3A_1155 = arith.maximumf %max3A_1144, %gather3A_1154 : vector<16xf32>
      %mul3A_1156 = arith.constant 16 : i32
      %mul3A_1157 = vector.broadcast %mul3A_1156 : i32 to vector<16xi32>
      %mul3A_1158 = arith.muli %iota3A, %mul3A_1157 : vector<16xi32>
      %add3A_1159 = arith.constant 0 : i32
      %add3A_1160 = vector.broadcast %add3A_1159 : i32 to vector<16xi32>
      %add3A_1161 = arith.addi %add3A_1160, %mul3A_1158 : vector<16xi32>
      %add3A_1162 = arith.constant 15 : i32
      %add3A_1163 = vector.broadcast %add3A_1162 : i32 to vector<16xi32>
      %add3A_1164 = arith.addi %add3A_1161, %add3A_1163 : vector<16xi32>
      %gather3A_1165 = tpu.vector_load_idx %arg5[%add3A_1164] : memref<1280xf32, #tpu.memory_space<vmem>>[vector<16xi32>], vector<16xf32>,
      %max3A_1166 = arith.maximumf %max3A_1155, %gather3A_1165 : vector<16xf32>
      %swap3A_1167 = arith.constant 0 : index
      %swap3A_1168 = tpu.vector_load %arg6[%swap3A_1167] {strides = array<i32>} : memref<1280xf32, #tpu.memory_space<vmem>>, vector<16xf32>,
      tpu.vector_store %arg6[%swap3A_1167], %max3A_1166 {strides = array<i32>} : memref<1280xf32, #tpu.memory_space<vmem>>, vector<16xf32>,
      %mul3A_1169 = arith.constant 16 : i32
      %mul3A_1170 = vector.broadcast %mul3A_1169 : i32 to vector<16xi32>
      %mul3A_1171 = arith.muli %iota3A, %mul3A_1170 : vector<16xi32>
      %add3A_1172 = arith.constant 256 : i32
      %add3A_1173 = vector.broadcast %add3A_1172 : i32 to vector<16xi32>
      %add3A_1174 = arith.addi %add3A_1173, %mul3A_1171 : vector<16xi32>
      %gather3A_1175 = tpu.vector_load_idx %arg5[%add3A_1174] : memref<1280xf32, #tpu.memory_space<vmem>>[vector<16xi32>], vector<16xf32>,
      %mul3A_1176 = arith.constant 16 : i32
      %mul3A_1177 = vector.broadcast %mul3A_1176 : i32 to vector<16xi32>
      %mul3A_1178 = arith.muli %iota3A, %mul3A_1177 : vector<16xi32>
      %add3A_1179 = arith.constant 256 : i32
      %add3A_1180 = vector.broadcast %add3A_1179 : i32 to vector<16xi32>
      %add3A_1181 = arith.addi %add3A_1180, %mul3A_1178 : vector<16xi32>
      %add3A_1182 = arith.constant 1 : i32
      %add3A_1183 = vector.broadcast %add3A_1182 : i32 to vector<16xi32>
      %add3A_1184 = arith.addi %add3A_1181, %add3A_1183 : vector<16xi32>
      %gather3A_1185 = tpu.vector_load_idx %arg5[%add3A_1184] : memref<1280xf32, #tpu.memory_space<vmem>>[vector<16xi32>], vector<16xf32>,
      %max3A_1186 = arith.maximumf %gather3A_1175, %gather3A_1185 : vector<16xf32>
      %mul3A_1187 = arith.constant 16 : i32
      %mul3A_1188 = vector.broadcast %mul3A_1187 : i32 to vector<16xi32>
      %mul3A_1189 = arith.muli %iota3A, %mul3A_1188 : vector<16xi32>
      %add3A_1190 = arith.constant 256 : i32
      %add3A_1191 = vector.broadcast %add3A_1190 : i32 to vector<16xi32>
      %add3A_1192 = arith.addi %add3A_1191, %mul3A_1189 : vector<16xi32>
      %add3A_1193 = arith.constant 2 : i32
      %add3A_1194 = vector.broadcast %add3A_1193 : i32 to vector<16xi32>
      %add3A_1195 = arith.addi %add3A_1192, %add3A_1194 : vector<16xi32>
      %gather3A_1196 = tpu.vector_load_idx %arg5[%add3A_1195] : memref<1280xf32, #tpu.memory_space<vmem>>[vector<16xi32>], vector<16xf32>,
      %max3A_1197 = arith.maximumf %max3A_1186, %gather3A_1196 : vector<16xf32>
      %mul3A_1198 = arith.constant 16 : i32
      %mul3A_1199 = vector.broadcast %mul3A_1198 : i32 to vector<16xi32>
      %mul3A_1200 = arith.muli %iota3A, %mul3A_1199 : vector<16xi32>
      %add3A_1201 = arith.constant 256 : i32
      %add3A_1202 = vector.broadcast %add3A_1201 : i32 to vector<16xi32>
      %add3A_1203 = arith.addi %add3A_1202, %mul3A_1200 : vector<16xi32>
      %add3A_1204 = arith.constant 3 : i32
      %add3A_1205 = vector.broadcast %add3A_1204 : i32 to vector<16xi32>
      %add3A_1206 = arith.addi %add3A_1203, %add3A_1205 : vector<16xi32>
      %gather3A_1207 = tpu.vector_load_idx %arg5[%add3A_1206] : memref<1280xf32, #tpu.memory_space<vmem>>[vector<16xi32>], vector<16xf32>,
      %max3A_1208 = arith.maximumf %max3A_1197, %gather3A_1207 : vector<16xf32>
      %mul3A_1209 = arith.constant 16 : i32
      %mul3A_1210 = vector.broadcast %mul3A_1209 : i32 to vector<16xi32>
      %mul3A_1211 = arith.muli %iota3A, %mul3A_1210 : vector<16xi32>
      %add3A_1212 = arith.constant 256 : i32
      %add3A_1213 = vector.broadcast %add3A_1212 : i32 to vector<16xi32>
      %add3A_1214 = arith.addi %add3A_1213, %mul3A_1211 : vector<16xi32>
      %add3A_1215 = arith.constant 4 : i32
      %add3A_1216 = vector.broadcast %add3A_1215 : i32 to vector<16xi32>
      %add3A_1217 = arith.addi %add3A_1214, %add3A_1216 : vector<16xi32>
      %gather3A_1218 = tpu.vector_load_idx %arg5[%add3A_1217] : memref<1280xf32, #tpu.memory_space<vmem>>[vector<16xi32>], vector<16xf32>,
      %max3A_1219 = arith.maximumf %max3A_1208, %gather3A_1218 : vector<16xf32>
      %mul3A_1220 = arith.constant 16 : i32
      %mul3A_1221 = vector.broadcast %mul3A_1220 : i32 to vector<16xi32>
      %mul3A_1222 = arith.muli %iota3A, %mul3A_1221 : vector<16xi32>
      %add3A_1223 = arith.constant 256 : i32
      %add3A_1224 = vector.broadcast %add3A_1223 : i32 to vector<16xi32>
      %add3A_1225 = arith.addi %add3A_1224, %mul3A_1222 : vector<16xi32>
      %add3A_1226 = arith.constant 5 : i32
      %add3A_1227 = vector.broadcast %add3A_1226 : i32 to vector<16xi32>
      %add3A_1228 = arith.addi %add3A_1225, %add3A_1227 : vector<16xi32>
      %gather3A_1229 = tpu.vector_load_idx %arg5[%add3A_1228] : memref<1280xf32, #tpu.memory_space<vmem>>[vector<16xi32>], vector<16xf32>,
      %max3A_1230 = arith.maximumf %max3A_1219, %gather3A_1229 : vector<16xf32>
      %mul3A_1231 = arith.constant 16 : i32
      %mul3A_1232 = vector.broadcast %mul3A_1231 : i32 to vector<16xi32>
      %mul3A_1233 = arith.muli %iota3A, %mul3A_1232 : vector<16xi32>
      %add3A_1234 = arith.constant 256 : i32
      %add3A_1235 = vector.broadcast %add3A_1234 : i32 to vector<16xi32>
      %add3A_1236 = arith.addi %add3A_1235, %mul3A_1233 : vector<16xi32>
      %add3A_1237 = arith.constant 6 : i32
      %add3A_1238 = vector.broadcast %add3A_1237 : i32 to vector<16xi32>
      %add3A_1239 = arith.addi %add3A_1236, %add3A_1238 : vector<16xi32>
      %gather3A_1240 = tpu.vector_load_idx %arg5[%add3A_1239] : memref<1280xf32, #tpu.memory_space<vmem>>[vector<16xi32>], vector<16xf32>,
      %max3A_1241 = arith.maximumf %max3A_1230, %gather3A_1240 : vector<16xf32>
      %mul3A_1242 = arith.constant 16 : i32
      %mul3A_1243 = vector.broadcast %mul3A_1242 : i32 to vector<16xi32>
      %mul3A_1244 = arith.muli %iota3A, %mul3A_1243 : vector<16xi32>
      %add3A_1245 = arith.constant 256 : i32
      %add3A_1246 = vector.broadcast %add3A_1245 : i32 to vector<16xi32>
      %add3A_1247 = arith.addi %add3A_1246, %mul3A_1244 : vector<16xi32>
      %add3A_1248 = arith.constant 7 : i32
      %add3A_1249 = vector.broadcast %add3A_1248 : i32 to vector<16xi32>
      %add3A_1250 = arith.addi %add3A_1247, %add3A_1249 : vector<16xi32>
      %gather3A_1251 = tpu.vector_load_idx %arg5[%add3A_1250] : memref<1280xf32, #tpu.memory_space<vmem>>[vector<16xi32>], vector<16xf32>,
      %max3A_1252 = arith.maximumf %max3A_1241, %gather3A_1251 : vector<16xf32>
      %mul3A_1253 = arith.constant 16 : i32
      %mul3A_1254 = vector.broadcast %mul3A_1253 : i32 to vector<16xi32>
      %mul3A_1255 = arith.muli %iota3A, %mul3A_1254 : vector<16xi32>
      %add3A_1256 = arith.constant 256 : i32
      %add3A_1257 = vector.broadcast %add3A_1256 : i32 to vector<16xi32>
      %add3A_1258 = arith.addi %add3A_1257, %mul3A_1255 : vector<16xi32>
      %add3A_1259 = arith.constant 8 : i32
      %add3A_1260 = vector.broadcast %add3A_1259 : i32 to vector<16xi32>
      %add3A_1261 = arith.addi %add3A_1258, %add3A_1260 : vector<16xi32>
      %gather3A_1262 = tpu.vector_load_idx %arg5[%add3A_1261] : memref<1280xf32, #tpu.memory_space<vmem>>[vector<16xi32>], vector<16xf32>,
      %max3A_1263 = arith.maximumf %max3A_1252, %gather3A_1262 : vector<16xf32>
      %mul3A_1264 = arith.constant 16 : i32
      %mul3A_1265 = vector.broadcast %mul3A_1264 : i32 to vector<16xi32>
      %mul3A_1266 = arith.muli %iota3A, %mul3A_1265 : vector<16xi32>
      %add3A_1267 = arith.constant 256 : i32
      %add3A_1268 = vector.broadcast %add3A_1267 : i32 to vector<16xi32>
      %add3A_1269 = arith.addi %add3A_1268, %mul3A_1266 : vector<16xi32>
      %add3A_1270 = arith.constant 9 : i32
      %add3A_1271 = vector.broadcast %add3A_1270 : i32 to vector<16xi32>
      %add3A_1272 = arith.addi %add3A_1269, %add3A_1271 : vector<16xi32>
      %gather3A_1273 = tpu.vector_load_idx %arg5[%add3A_1272] : memref<1280xf32, #tpu.memory_space<vmem>>[vector<16xi32>], vector<16xf32>,
      %max3A_1274 = arith.maximumf %max3A_1263, %gather3A_1273 : vector<16xf32>
      %mul3A_1275 = arith.constant 16 : i32
      %mul3A_1276 = vector.broadcast %mul3A_1275 : i32 to vector<16xi32>
      %mul3A_1277 = arith.muli %iota3A, %mul3A_1276 : vector<16xi32>
      %add3A_1278 = arith.constant 256 : i32
      %add3A_1279 = vector.broadcast %add3A_1278 : i32 to vector<16xi32>
      %add3A_1280 = arith.addi %add3A_1279, %mul3A_1277 : vector<16xi32>
      %add3A_1281 = arith.constant 10 : i32
      %add3A_1282 = vector.broadcast %add3A_1281 : i32 to vector<16xi32>
      %add3A_1283 = arith.addi %add3A_1280, %add3A_1282 : vector<16xi32>
      %gather3A_1284 = tpu.vector_load_idx %arg5[%add3A_1283] : memref<1280xf32, #tpu.memory_space<vmem>>[vector<16xi32>], vector<16xf32>,
      %max3A_1285 = arith.maximumf %max3A_1274, %gather3A_1284 : vector<16xf32>
      %mul3A_1286 = arith.constant 16 : i32
      %mul3A_1287 = vector.broadcast %mul3A_1286 : i32 to vector<16xi32>
      %mul3A_1288 = arith.muli %iota3A, %mul3A_1287 : vector<16xi32>
      %add3A_1289 = arith.constant 256 : i32
      %add3A_1290 = vector.broadcast %add3A_1289 : i32 to vector<16xi32>
      %add3A_1291 = arith.addi %add3A_1290, %mul3A_1288 : vector<16xi32>
      %add3A_1292 = arith.constant 11 : i32
      %add3A_1293 = vector.broadcast %add3A_1292 : i32 to vector<16xi32>
      %add3A_1294 = arith.addi %add3A_1291, %add3A_1293 : vector<16xi32>
      %gather3A_1295 = tpu.vector_load_idx %arg5[%add3A_1294] : memref<1280xf32, #tpu.memory_space<vmem>>[vector<16xi32>], vector<16xf32>,
      %max3A_1296 = arith.maximumf %max3A_1285, %gather3A_1295 : vector<16xf32>
      %mul3A_1297 = arith.constant 16 : i32
      %mul3A_1298 = vector.broadcast %mul3A_1297 : i32 to vector<16xi32>
      %mul3A_1299 = arith.muli %iota3A, %mul3A_1298 : vector<16xi32>
      %add3A_1300 = arith.constant 256 : i32
      %add3A_1301 = vector.broadcast %add3A_1300 : i32 to vector<16xi32>
      %add3A_1302 = arith.addi %add3A_1301, %mul3A_1299 : vector<16xi32>
      %add3A_1303 = arith.constant 12 : i32
      %add3A_1304 = vector.broadcast %add3A_1303 : i32 to vector<16xi32>
      %add3A_1305 = arith.addi %add3A_1302, %add3A_1304 : vector<16xi32>
      %gather3A_1306 = tpu.vector_load_idx %arg5[%add3A_1305] : memref<1280xf32, #tpu.memory_space<vmem>>[vector<16xi32>], vector<16xf32>,
      %max3A_1307 = arith.maximumf %max3A_1296, %gather3A_1306 : vector<16xf32>
      %mul3A_1308 = arith.constant 16 : i32
      %mul3A_1309 = vector.broadcast %mul3A_1308 : i32 to vector<16xi32>
      %mul3A_1310 = arith.muli %iota3A, %mul3A_1309 : vector<16xi32>
      %add3A_1311 = arith.constant 256 : i32
      %add3A_1312 = vector.broadcast %add3A_1311 : i32 to vector<16xi32>
      %add3A_1313 = arith.addi %add3A_1312, %mul3A_1310 : vector<16xi32>
      %add3A_1314 = arith.constant 13 : i32
      %add3A_1315 = vector.broadcast %add3A_1314 : i32 to vector<16xi32>
      %add3A_1316 = arith.addi %add3A_1313, %add3A_1315 : vector<16xi32>
      %gather3A_1317 = tpu.vector_load_idx %arg5[%add3A_1316] : memref<1280xf32, #tpu.memory_space<vmem>>[vector<16xi32>], vector<16xf32>,
      %max3A_1318 = arith.maximumf %max3A_1307, %gather3A_1317 : vector<16xf32>
      %mul3A_1319 = arith.constant 16 : i32
      %mul3A_1320 = vector.broadcast %mul3A_1319 : i32 to vector<16xi32>
      %mul3A_1321 = arith.muli %iota3A, %mul3A_1320 : vector<16xi32>
      %add3A_1322 = arith.constant 256 : i32
      %add3A_1323 = vector.broadcast %add3A_1322 : i32 to vector<16xi32>
      %add3A_1324 = arith.addi %add3A_1323, %mul3A_1321 : vector<16xi32>
      %add3A_1325 = arith.constant 14 : i32
      %add3A_1326 = vector.broadcast %add3A_1325 : i32 to vector<16xi32>
      %add3A_1327 = arith.addi %add3A_1324, %add3A_1326 : vector<16xi32>
      %gather3A_1328 = tpu.vector_load_idx %arg5[%add3A_1327] : memref<1280xf32, #tpu.memory_space<vmem>>[vector<16xi32>], vector<16xf32>,
      %max3A_1329 = arith.maximumf %max3A_1318, %gather3A_1328 : vector<16xf32>
      %mul3A_1330 = arith.constant 16 : i32
      %mul3A_1331 = vector.broadcast %mul3A_1330 : i32 to vector<16xi32>
      %mul3A_1332 = arith.muli %iota3A, %mul3A_1331 : vector<16xi32>
      %add3A_1333 = arith.constant 256 : i32
      %add3A_1334 = vector.broadcast %add3A_1333 : i32 to vector<16xi32>
      %add3A_1335 = arith.addi %add3A_1334, %mul3A_1332 : vector<16xi32>
      %add3A_1336 = arith.constant 15 : i32
      %add3A_1337 = vector.broadcast %add3A_1336 : i32 to vector<16xi32>
      %add3A_1338 = arith.addi %add3A_1335, %add3A_1337 : vector<16xi32>
      %gather3A_1339 = tpu.vector_load_idx %arg5[%add3A_1338] : memref<1280xf32, #tpu.memory_space<vmem>>[vector<16xi32>], vector<16xf32>,
      %max3A_1340 = arith.maximumf %max3A_1329, %gather3A_1339 : vector<16xf32>
      %swap3A_1341 = arith.constant 16 : index
      %swap3A_1342 = tpu.vector_load %arg6[%swap3A_1341] {strides = array<i32>} : memref<1280xf32, #tpu.memory_space<vmem>>, vector<16xf32>,
      tpu.vector_store %arg6[%swap3A_1341], %max3A_1340 {strides = array<i32>} : memref<1280xf32, #tpu.memory_space<vmem>>, vector<16xf32>,
      %mul3A_1343 = arith.constant 16 : i32
      %mul3A_1344 = vector.broadcast %mul3A_1343 : i32 to vector<16xi32>
      %mul3A_1345 = arith.muli %iota3A, %mul3A_1344 : vector<16xi32>
      %add3A_1346 = arith.constant 512 : i32
      %add3A_1347 = vector.broadcast %add3A_1346 : i32 to vector<16xi32>
      %add3A_1348 = arith.addi %add3A_1347, %mul3A_1345 : vector<16xi32>
      %gather3A_1349 = tpu.vector_load_idx %arg5[%add3A_1348] : memref<1280xf32, #tpu.memory_space<vmem>>[vector<16xi32>], vector<16xf32>,
      %mul3A_1350 = arith.constant 16 : i32
      %mul3A_1351 = vector.broadcast %mul3A_1350 : i32 to vector<16xi32>
      %mul3A_1352 = arith.muli %iota3A, %mul3A_1351 : vector<16xi32>
      %add3A_1353 = arith.constant 512 : i32
      %add3A_1354 = vector.broadcast %add3A_1353 : i32 to vector<16xi32>
      %add3A_1355 = arith.addi %add3A_1354, %mul3A_1352 : vector<16xi32>
      %add3A_1356 = arith.constant 1 : i32
      %add3A_1357 = vector.broadcast %add3A_1356 : i32 to vector<16xi32>
      %add3A_1358 = arith.addi %add3A_1355, %add3A_1357 : vector<16xi32>
      %gather3A_1359 = tpu.vector_load_idx %arg5[%add3A_1358] : memref<1280xf32, #tpu.memory_space<vmem>>[vector<16xi32>], vector<16xf32>,
      %max3A_1360 = arith.maximumf %gather3A_1349, %gather3A_1359 : vector<16xf32>
      %mul3A_1361 = arith.constant 16 : i32
      %mul3A_1362 = vector.broadcast %mul3A_1361 : i32 to vector<16xi32>
      %mul3A_1363 = arith.muli %iota3A, %mul3A_1362 : vector<16xi32>
      %add3A_1364 = arith.constant 512 : i32
      %add3A_1365 = vector.broadcast %add3A_1364 : i32 to vector<16xi32>
      %add3A_1366 = arith.addi %add3A_1365, %mul3A_1363 : vector<16xi32>
      %add3A_1367 = arith.constant 2 : i32
      %add3A_1368 = vector.broadcast %add3A_1367 : i32 to vector<16xi32>
      %add3A_1369 = arith.addi %add3A_1366, %add3A_1368 : vector<16xi32>
      %gather3A_1370 = tpu.vector_load_idx %arg5[%add3A_1369] : memref<1280xf32, #tpu.memory_space<vmem>>[vector<16xi32>], vector<16xf32>,
      %max3A_1371 = arith.maximumf %max3A_1360, %gather3A_1370 : vector<16xf32>
      %mul3A_1372 = arith.constant 16 : i32
      %mul3A_1373 = vector.broadcast %mul3A_1372 : i32 to vector<16xi32>
      %mul3A_1374 = arith.muli %iota3A, %mul3A_1373 : vector<16xi32>
      %add3A_1375 = arith.constant 512 : i32
      %add3A_1376 = vector.broadcast %add3A_1375 : i32 to vector<16xi32>
      %add3A_1377 = arith.addi %add3A_1376, %mul3A_1374 : vector<16xi32>
      %add3A_1378 = arith.constant 3 : i32
      %add3A_1379 = vector.broadcast %add3A_1378 : i32 to vector<16xi32>
      %add3A_1380 = arith.addi %add3A_1377, %add3A_1379 : vector<16xi32>
      %gather3A_1381 = tpu.vector_load_idx %arg5[%add3A_1380] : memref<1280xf32, #tpu.memory_space<vmem>>[vector<16xi32>], vector<16xf32>,
      %max3A_1382 = arith.maximumf %max3A_1371, %gather3A_1381 : vector<16xf32>
      %mul3A_1383 = arith.constant 16 : i32
      %mul3A_1384 = vector.broadcast %mul3A_1383 : i32 to vector<16xi32>
      %mul3A_1385 = arith.muli %iota3A, %mul3A_1384 : vector<16xi32>
      %add3A_1386 = arith.constant 512 : i32
      %add3A_1387 = vector.broadcast %add3A_1386 : i32 to vector<16xi32>
      %add3A_1388 = arith.addi %add3A_1387, %mul3A_1385 : vector<16xi32>
      %add3A_1389 = arith.constant 4 : i32
      %add3A_1390 = vector.broadcast %add3A_1389 : i32 to vector<16xi32>
      %add3A_1391 = arith.addi %add3A_1388, %add3A_1390 : vector<16xi32>
      %gather3A_1392 = tpu.vector_load_idx %arg5[%add3A_1391] : memref<1280xf32, #tpu.memory_space<vmem>>[vector<16xi32>], vector<16xf32>,
      %max3A_1393 = arith.maximumf %max3A_1382, %gather3A_1392 : vector<16xf32>
      %mul3A_1394 = arith.constant 16 : i32
      %mul3A_1395 = vector.broadcast %mul3A_1394 : i32 to vector<16xi32>
      %mul3A_1396 = arith.muli %iota3A, %mul3A_1395 : vector<16xi32>
      %add3A_1397 = arith.constant 512 : i32
      %add3A_1398 = vector.broadcast %add3A_1397 : i32 to vector<16xi32>
      %add3A_1399 = arith.addi %add3A_1398, %mul3A_1396 : vector<16xi32>
      %add3A_1400 = arith.constant 5 : i32
      %add3A_1401 = vector.broadcast %add3A_1400 : i32 to vector<16xi32>
      %add3A_1402 = arith.addi %add3A_1399, %add3A_1401 : vector<16xi32>
      %gather3A_1403 = tpu.vector_load_idx %arg5[%add3A_1402] : memref<1280xf32, #tpu.memory_space<vmem>>[vector<16xi32>], vector<16xf32>,
      %max3A_1404 = arith.maximumf %max3A_1393, %gather3A_1403 : vector<16xf32>
      %mul3A_1405 = arith.constant 16 : i32
      %mul3A_1406 = vector.broadcast %mul3A_1405 : i32 to vector<16xi32>
      %mul3A_1407 = arith.muli %iota3A, %mul3A_1406 : vector<16xi32>
      %add3A_1408 = arith.constant 512 : i32
      %add3A_1409 = vector.broadcast %add3A_1408 : i32 to vector<16xi32>
      %add3A_1410 = arith.addi %add3A_1409, %mul3A_1407 : vector<16xi32>
      %add3A_1411 = arith.constant 6 : i32
      %add3A_1412 = vector.broadcast %add3A_1411 : i32 to vector<16xi32>
      %add3A_1413 = arith.addi %add3A_1410, %add3A_1412 : vector<16xi32>
      %gather3A_1414 = tpu.vector_load_idx %arg5[%add3A_1413] : memref<1280xf32, #tpu.memory_space<vmem>>[vector<16xi32>], vector<16xf32>,
      %max3A_1415 = arith.maximumf %max3A_1404, %gather3A_1414 : vector<16xf32>
      %mul3A_1416 = arith.constant 16 : i32
      %mul3A_1417 = vector.broadcast %mul3A_1416 : i32 to vector<16xi32>
      %mul3A_1418 = arith.muli %iota3A, %mul3A_1417 : vector<16xi32>
      %add3A_1419 = arith.constant 512 : i32
      %add3A_1420 = vector.broadcast %add3A_1419 : i32 to vector<16xi32>
      %add3A_1421 = arith.addi %add3A_1420, %mul3A_1418 : vector<16xi32>
      %add3A_1422 = arith.constant 7 : i32
      %add3A_1423 = vector.broadcast %add3A_1422 : i32 to vector<16xi32>
      %add3A_1424 = arith.addi %add3A_1421, %add3A_1423 : vector<16xi32>
      %gather3A_1425 = tpu.vector_load_idx %arg5[%add3A_1424] : memref<1280xf32, #tpu.memory_space<vmem>>[vector<16xi32>], vector<16xf32>,
      %max3A_1426 = arith.maximumf %max3A_1415, %gather3A_1425 : vector<16xf32>
      %mul3A_1427 = arith.constant 16 : i32
      %mul3A_1428 = vector.broadcast %mul3A_1427 : i32 to vector<16xi32>
      %mul3A_1429 = arith.muli %iota3A, %mul3A_1428 : vector<16xi32>
      %add3A_1430 = arith.constant 512 : i32
      %add3A_1431 = vector.broadcast %add3A_1430 : i32 to vector<16xi32>
      %add3A_1432 = arith.addi %add3A_1431, %mul3A_1429 : vector<16xi32>
      %add3A_1433 = arith.constant 8 : i32
      %add3A_1434 = vector.broadcast %add3A_1433 : i32 to vector<16xi32>
      %add3A_1435 = arith.addi %add3A_1432, %add3A_1434 : vector<16xi32>
      %gather3A_1436 = tpu.vector_load_idx %arg5[%add3A_1435] : memref<1280xf32, #tpu.memory_space<vmem>>[vector<16xi32>], vector<16xf32>,
      %max3A_1437 = arith.maximumf %max3A_1426, %gather3A_1436 : vector<16xf32>
      %mul3A_1438 = arith.constant 16 : i32
      %mul3A_1439 = vector.broadcast %mul3A_1438 : i32 to vector<16xi32>
      %mul3A_1440 = arith.muli %iota3A, %mul3A_1439 : vector<16xi32>
      %add3A_1441 = arith.constant 512 : i32
      %add3A_1442 = vector.broadcast %add3A_1441 : i32 to vector<16xi32>
      %add3A_1443 = arith.addi %add3A_1442, %mul3A_1440 : vector<16xi32>
      %add3A_1444 = arith.constant 9 : i32
      %add3A_1445 = vector.broadcast %add3A_1444 : i32 to vector<16xi32>
      %add3A_1446 = arith.addi %add3A_1443, %add3A_1445 : vector<16xi32>
      %gather3A_1447 = tpu.vector_load_idx %arg5[%add3A_1446] : memref<1280xf32, #tpu.memory_space<vmem>>[vector<16xi32>], vector<16xf32>,
      %max3A_1448 = arith.maximumf %max3A_1437, %gather3A_1447 : vector<16xf32>
      %mul3A_1449 = arith.constant 16 : i32
      %mul3A_1450 = vector.broadcast %mul3A_1449 : i32 to vector<16xi32>
      %mul3A_1451 = arith.muli %iota3A, %mul3A_1450 : vector<16xi32>
      %add3A_1452 = arith.constant 512 : i32
      %add3A_1453 = vector.broadcast %add3A_1452 : i32 to vector<16xi32>
      %add3A_1454 = arith.addi %add3A_1453, %mul3A_1451 : vector<16xi32>
      %add3A_1455 = arith.constant 10 : i32
      %add3A_1456 = vector.broadcast %add3A_1455 : i32 to vector<16xi32>
      %add3A_1457 = arith.addi %add3A_1454, %add3A_1456 : vector<16xi32>
      %gather3A_1458 = tpu.vector_load_idx %arg5[%add3A_1457] : memref<1280xf32, #tpu.memory_space<vmem>>[vector<16xi32>], vector<16xf32>,
      %max3A_1459 = arith.maximumf %max3A_1448, %gather3A_1458 : vector<16xf32>
      %mul3A_1460 = arith.constant 16 : i32
      %mul3A_1461 = vector.broadcast %mul3A_1460 : i32 to vector<16xi32>
      %mul3A_1462 = arith.muli %iota3A, %mul3A_1461 : vector<16xi32>
      %add3A_1463 = arith.constant 512 : i32
      %add3A_1464 = vector.broadcast %add3A_1463 : i32 to vector<16xi32>
      %add3A_1465 = arith.addi %add3A_1464, %mul3A_1462 : vector<16xi32>
      %add3A_1466 = arith.constant 11 : i32
      %add3A_1467 = vector.broadcast %add3A_1466 : i32 to vector<16xi32>
      %add3A_1468 = arith.addi %add3A_1465, %add3A_1467 : vector<16xi32>
      %gather3A_1469 = tpu.vector_load_idx %arg5[%add3A_1468] : memref<1280xf32, #tpu.memory_space<vmem>>[vector<16xi32>], vector<16xf32>,
      %max3A_1470 = arith.maximumf %max3A_1459, %gather3A_1469 : vector<16xf32>
      %mul3A_1471 = arith.constant 16 : i32
      %mul3A_1472 = vector.broadcast %mul3A_1471 : i32 to vector<16xi32>
      %mul3A_1473 = arith.muli %iota3A, %mul3A_1472 : vector<16xi32>
      %add3A_1474 = arith.constant 512 : i32
      %add3A_1475 = vector.broadcast %add3A_1474 : i32 to vector<16xi32>
      %add3A_1476 = arith.addi %add3A_1475, %mul3A_1473 : vector<16xi32>
      %add3A_1477 = arith.constant 12 : i32
      %add3A_1478 = vector.broadcast %add3A_1477 : i32 to vector<16xi32>
      %add3A_1479 = arith.addi %add3A_1476, %add3A_1478 : vector<16xi32>
      %gather3A_1480 = tpu.vector_load_idx %arg5[%add3A_1479] : memref<1280xf32, #tpu.memory_space<vmem>>[vector<16xi32>], vector<16xf32>,
      %max3A_1481 = arith.maximumf %max3A_1470, %gather3A_1480 : vector<16xf32>
      %mul3A_1482 = arith.constant 16 : i32
      %mul3A_1483 = vector.broadcast %mul3A_1482 : i32 to vector<16xi32>
      %mul3A_1484 = arith.muli %iota3A, %mul3A_1483 : vector<16xi32>
      %add3A_1485 = arith.constant 512 : i32
      %add3A_1486 = vector.broadcast %add3A_1485 : i32 to vector<16xi32>
      %add3A_1487 = arith.addi %add3A_1486, %mul3A_1484 : vector<16xi32>
      %add3A_1488 = arith.constant 13 : i32
      %add3A_1489 = vector.broadcast %add3A_1488 : i32 to vector<16xi32>
      %add3A_1490 = arith.addi %add3A_1487, %add3A_1489 : vector<16xi32>
      %gather3A_1491 = tpu.vector_load_idx %arg5[%add3A_1490] : memref<1280xf32, #tpu.memory_space<vmem>>[vector<16xi32>], vector<16xf32>,
      %max3A_1492 = arith.maximumf %max3A_1481, %gather3A_1491 : vector<16xf32>
      %mul3A_1493 = arith.constant 16 : i32
      %mul3A_1494 = vector.broadcast %mul3A_1493 : i32 to vector<16xi32>
      %mul3A_1495 = arith.muli %iota3A, %mul3A_1494 : vector<16xi32>
      %add3A_1496 = arith.constant 512 : i32
      %add3A_1497 = vector.broadcast %add3A_1496 : i32 to vector<16xi32>
      %add3A_1498 = arith.addi %add3A_1497, %mul3A_1495 : vector<16xi32>
      %add3A_1499 = arith.constant 14 : i32
      %add3A_1500 = vector.broadcast %add3A_1499 : i32 to vector<16xi32>
      %add3A_1501 = arith.addi %add3A_1498, %add3A_1500 : vector<16xi32>
      %gather3A_1502 = tpu.vector_load_idx %arg5[%add3A_1501] : memref<1280xf32, #tpu.memory_space<vmem>>[vector<16xi32>], vector<16xf32>,
      %max3A_1503 = arith.maximumf %max3A_1492, %gather3A_1502 : vector<16xf32>
      %mul3A_1504 = arith.constant 16 : i32
      %mul3A_1505 = vector.broadcast %mul3A_1504 : i32 to vector<16xi32>
      %mul3A_1506 = arith.muli %iota3A, %mul3A_1505 : vector<16xi32>
      %add3A_1507 = arith.constant 512 : i32
      %add3A_1508 = vector.broadcast %add3A_1507 : i32 to vector<16xi32>
      %add3A_1509 = arith.addi %add3A_1508, %mul3A_1506 : vector<16xi32>
      %add3A_1510 = arith.constant 15 : i32
      %add3A_1511 = vector.broadcast %add3A_1510 : i32 to vector<16xi32>
      %add3A_1512 = arith.addi %add3A_1509, %add3A_1511 : vector<16xi32>
      %gather3A_1513 = tpu.vector_load_idx %arg5[%add3A_1512] : memref<1280xf32, #tpu.memory_space<vmem>>[vector<16xi32>], vector<16xf32>,
      %max3A_1514 = arith.maximumf %max3A_1503, %gather3A_1513 : vector<16xf32>
      %swap3A_1515 = arith.constant 32 : index
      %swap3A_1516 = tpu.vector_load %arg6[%swap3A_1515] {strides = array<i32>} : memref<1280xf32, #tpu.memory_space<vmem>>, vector<16xf32>,
      tpu.vector_store %arg6[%swap3A_1515], %max3A_1514 {strides = array<i32>} : memref<1280xf32, #tpu.memory_space<vmem>>, vector<16xf32>,
      %mul3A_1517 = arith.constant 16 : i32
      %mul3A_1518 = vector.broadcast %mul3A_1517 : i32 to vector<16xi32>
      %mul3A_1519 = arith.muli %iota3A, %mul3A_1518 : vector<16xi32>
      %add3A_1520 = arith.constant 768 : i32
      %add3A_1521 = vector.broadcast %add3A_1520 : i32 to vector<16xi32>
      %add3A_1522 = arith.addi %add3A_1521, %mul3A_1519 : vector<16xi32>
      %gather3A_1523 = tpu.vector_load_idx %arg5[%add3A_1522] : memref<1280xf32, #tpu.memory_space<vmem>>[vector<16xi32>], vector<16xf32>,
      %mul3A_1524 = arith.constant 16 : i32
      %mul3A_1525 = vector.broadcast %mul3A_1524 : i32 to vector<16xi32>
      %mul3A_1526 = arith.muli %iota3A, %mul3A_1525 : vector<16xi32>
      %add3A_1527 = arith.constant 768 : i32
      %add3A_1528 = vector.broadcast %add3A_1527 : i32 to vector<16xi32>
      %add3A_1529 = arith.addi %add3A_1528, %mul3A_1526 : vector<16xi32>
      %add3A_1530 = arith.constant 1 : i32
      %add3A_1531 = vector.broadcast %add3A_1530 : i32 to vector<16xi32>
      %add3A_1532 = arith.addi %add3A_1529, %add3A_1531 : vector<16xi32>
      %gather3A_1533 = tpu.vector_load_idx %arg5[%add3A_1532] : memref<1280xf32, #tpu.memory_space<vmem>>[vector<16xi32>], vector<16xf32>,
      %max3A_1534 = arith.maximumf %gather3A_1523, %gather3A_1533 : vector<16xf32>
      %mul3A_1535 = arith.constant 16 : i32
      %mul3A_1536 = vector.broadcast %mul3A_1535 : i32 to vector<16xi32>
      %mul3A_1537 = arith.muli %iota3A, %mul3A_1536 : vector<16xi32>
      %add3A_1538 = arith.constant 768 : i32
      %add3A_1539 = vector.broadcast %add3A_1538 : i32 to vector<16xi32>
      %add3A_1540 = arith.addi %add3A_1539, %mul3A_1537 : vector<16xi32>
      %add3A_1541 = arith.constant 2 : i32
      %add3A_1542 = vector.broadcast %add3A_1541 : i32 to vector<16xi32>
      %add3A_1543 = arith.addi %add3A_1540, %add3A_1542 : vector<16xi32>
      %gather3A_1544 = tpu.vector_load_idx %arg5[%add3A_1543] : memref<1280xf32, #tpu.memory_space<vmem>>[vector<16xi32>], vector<16xf32>,
      %max3A_1545 = arith.maximumf %max3A_1534, %gather3A_1544 : vector<16xf32>
      %mul3A_1546 = arith.constant 16 : i32
      %mul3A_1547 = vector.broadcast %mul3A_1546 : i32 to vector<16xi32>
      %mul3A_1548 = arith.muli %iota3A, %mul3A_1547 : vector<16xi32>
      %add3A_1549 = arith.constant 768 : i32
      %add3A_1550 = vector.broadcast %add3A_1549 : i32 to vector<16xi32>
      %add3A_1551 = arith.addi %add3A_1550, %mul3A_1548 : vector<16xi32>
      %add3A_1552 = arith.constant 3 : i32
      %add3A_1553 = vector.broadcast %add3A_1552 : i32 to vector<16xi32>
      %add3A_1554 = arith.addi %add3A_1551, %add3A_1553 : vector<16xi32>
      %gather3A_1555 = tpu.vector_load_idx %arg5[%add3A_1554] : memref<1280xf32, #tpu.memory_space<vmem>>[vector<16xi32>], vector<16xf32>,
      %max3A_1556 = arith.maximumf %max3A_1545, %gather3A_1555 : vector<16xf32>
      %mul3A_1557 = arith.constant 16 : i32
      %mul3A_1558 = vector.broadcast %mul3A_1557 : i32 to vector<16xi32>
      %mul3A_1559 = arith.muli %iota3A, %mul3A_1558 : vector<16xi32>
      %add3A_1560 = arith.constant 768 : i32
      %add3A_1561 = vector.broadcast %add3A_1560 : i32 to vector<16xi32>
      %add3A_1562 = arith.addi %add3A_1561, %mul3A_1559 : vector<16xi32>
      %add3A_1563 = arith.constant 4 : i32
      %add3A_1564 = vector.broadcast %add3A_1563 : i32 to vector<16xi32>
      %add3A_1565 = arith.addi %add3A_1562, %add3A_1564 : vector<16xi32>
      %gather3A_1566 = tpu.vector_load_idx %arg5[%add3A_1565] : memref<1280xf32, #tpu.memory_space<vmem>>[vector<16xi32>], vector<16xf32>,
      %max3A_1567 = arith.maximumf %max3A_1556, %gather3A_1566 : vector<16xf32>
      %mul3A_1568 = arith.constant 16 : i32
      %mul3A_1569 = vector.broadcast %mul3A_1568 : i32 to vector<16xi32>
      %mul3A_1570 = arith.muli %iota3A, %mul3A_1569 : vector<16xi32>
      %add3A_1571 = arith.constant 768 : i32
      %add3A_1572 = vector.broadcast %add3A_1571 : i32 to vector<16xi32>
      %add3A_1573 = arith.addi %add3A_1572, %mul3A_1570 : vector<16xi32>
      %add3A_1574 = arith.constant 5 : i32
      %add3A_1575 = vector.broadcast %add3A_1574 : i32 to vector<16xi32>
      %add3A_1576 = arith.addi %add3A_1573, %add3A_1575 : vector<16xi32>
      %gather3A_1577 = tpu.vector_load_idx %arg5[%add3A_1576] : memref<1280xf32, #tpu.memory_space<vmem>>[vector<16xi32>], vector<16xf32>,
      %max3A_1578 = arith.maximumf %max3A_1567, %gather3A_1577 : vector<16xf32>
      %mul3A_1579 = arith.constant 16 : i32
      %mul3A_1580 = vector.broadcast %mul3A_1579 : i32 to vector<16xi32>
      %mul3A_1581 = arith.muli %iota3A, %mul3A_1580 : vector<16xi32>
      %add3A_1582 = arith.constant 768 : i32
      %add3A_1583 = vector.broadcast %add3A_1582 : i32 to vector<16xi32>
      %add3A_1584 = arith.addi %add3A_1583, %mul3A_1581 : vector<16xi32>
      %add3A_1585 = arith.constant 6 : i32
      %add3A_1586 = vector.broadcast %add3A_1585 : i32 to vector<16xi32>
      %add3A_1587 = arith.addi %add3A_1584, %add3A_1586 : vector<16xi32>
      %gather3A_1588 = tpu.vector_load_idx %arg5[%add3A_1587] : memref<1280xf32, #tpu.memory_space<vmem>>[vector<16xi32>], vector<16xf32>,
      %max3A_1589 = arith.maximumf %max3A_1578, %gather3A_1588 : vector<16xf32>
      %mul3A_1590 = arith.constant 16 : i32
      %mul3A_1591 = vector.broadcast %mul3A_1590 : i32 to vector<16xi32>
      %mul3A_1592 = arith.muli %iota3A, %mul3A_1591 : vector<16xi32>
      %add3A_1593 = arith.constant 768 : i32
      %add3A_1594 = vector.broadcast %add3A_1593 : i32 to vector<16xi32>
      %add3A_1595 = arith.addi %add3A_1594, %mul3A_1592 : vector<16xi32>
      %add3A_1596 = arith.constant 7 : i32
      %add3A_1597 = vector.broadcast %add3A_1596 : i32 to vector<16xi32>
      %add3A_1598 = arith.addi %add3A_1595, %add3A_1597 : vector<16xi32>
      %gather3A_1599 = tpu.vector_load_idx %arg5[%add3A_1598] : memref<1280xf32, #tpu.memory_space<vmem>>[vector<16xi32>], vector<16xf32>,
      %max3A_1600 = arith.maximumf %max3A_1589, %gather3A_1599 : vector<16xf32>
      %mul3A_1601 = arith.constant 16 : i32
      %mul3A_1602 = vector.broadcast %mul3A_1601 : i32 to vector<16xi32>
      %mul3A_1603 = arith.muli %iota3A, %mul3A_1602 : vector<16xi32>
      %add3A_1604 = arith.constant 768 : i32
      %add3A_1605 = vector.broadcast %add3A_1604 : i32 to vector<16xi32>
      %add3A_1606 = arith.addi %add3A_1605, %mul3A_1603 : vector<16xi32>
      %add3A_1607 = arith.constant 8 : i32
      %add3A_1608 = vector.broadcast %add3A_1607 : i32 to vector<16xi32>
      %add3A_1609 = arith.addi %add3A_1606, %add3A_1608 : vector<16xi32>
      %gather3A_1610 = tpu.vector_load_idx %arg5[%add3A_1609] : memref<1280xf32, #tpu.memory_space<vmem>>[vector<16xi32>], vector<16xf32>,
      %max3A_1611 = arith.maximumf %max3A_1600, %gather3A_1610 : vector<16xf32>
      %mul3A_1612 = arith.constant 16 : i32
      %mul3A_1613 = vector.broadcast %mul3A_1612 : i32 to vector<16xi32>
      %mul3A_1614 = arith.muli %iota3A, %mul3A_1613 : vector<16xi32>
      %add3A_1615 = arith.constant 768 : i32
      %add3A_1616 = vector.broadcast %add3A_1615 : i32 to vector<16xi32>
      %add3A_1617 = arith.addi %add3A_1616, %mul3A_1614 : vector<16xi32>
      %add3A_1618 = arith.constant 9 : i32
      %add3A_1619 = vector.broadcast %add3A_1618 : i32 to vector<16xi32>
      %add3A_1620 = arith.addi %add3A_1617, %add3A_1619 : vector<16xi32>
      %gather3A_1621 = tpu.vector_load_idx %arg5[%add3A_1620] : memref<1280xf32, #tpu.memory_space<vmem>>[vector<16xi32>], vector<16xf32>,
      %max3A_1622 = arith.maximumf %max3A_1611, %gather3A_1621 : vector<16xf32>
      %mul3A_1623 = arith.constant 16 : i32
      %mul3A_1624 = vector.broadcast %mul3A_1623 : i32 to vector<16xi32>
      %mul3A_1625 = arith.muli %iota3A, %mul3A_1624 : vector<16xi32>
      %add3A_1626 = arith.constant 768 : i32
      %add3A_1627 = vector.broadcast %add3A_1626 : i32 to vector<16xi32>
      %add3A_1628 = arith.addi %add3A_1627, %mul3A_1625 : vector<16xi32>
      %add3A_1629 = arith.constant 10 : i32
      %add3A_1630 = vector.broadcast %add3A_1629 : i32 to vector<16xi32>
      %add3A_1631 = arith.addi %add3A_1628, %add3A_1630 : vector<16xi32>
      %gather3A_1632 = tpu.vector_load_idx %arg5[%add3A_1631] : memref<1280xf32, #tpu.memory_space<vmem>>[vector<16xi32>], vector<16xf32>,
      %max3A_1633 = arith.maximumf %max3A_1622, %gather3A_1632 : vector<16xf32>
      %mul3A_1634 = arith.constant 16 : i32
      %mul3A_1635 = vector.broadcast %mul3A_1634 : i32 to vector<16xi32>
      %mul3A_1636 = arith.muli %iota3A, %mul3A_1635 : vector<16xi32>
      %add3A_1637 = arith.constant 768 : i32
      %add3A_1638 = vector.broadcast %add3A_1637 : i32 to vector<16xi32>
      %add3A_1639 = arith.addi %add3A_1638, %mul3A_1636 : vector<16xi32>
      %add3A_1640 = arith.constant 11 : i32
      %add3A_1641 = vector.broadcast %add3A_1640 : i32 to vector<16xi32>
      %add3A_1642 = arith.addi %add3A_1639, %add3A_1641 : vector<16xi32>
      %gather3A_1643 = tpu.vector_load_idx %arg5[%add3A_1642] : memref<1280xf32, #tpu.memory_space<vmem>>[vector<16xi32>], vector<16xf32>,
      %max3A_1644 = arith.maximumf %max3A_1633, %gather3A_1643 : vector<16xf32>
      %mul3A_1645 = arith.constant 16 : i32
      %mul3A_1646 = vector.broadcast %mul3A_1645 : i32 to vector<16xi32>
      %mul3A_1647 = arith.muli %iota3A, %mul3A_1646 : vector<16xi32>
      %add3A_1648 = arith.constant 768 : i32
      %add3A_1649 = vector.broadcast %add3A_1648 : i32 to vector<16xi32>
      %add3A_1650 = arith.addi %add3A_1649, %mul3A_1647 : vector<16xi32>
      %add3A_1651 = arith.constant 12 : i32
      %add3A_1652 = vector.broadcast %add3A_1651 : i32 to vector<16xi32>
      %add3A_1653 = arith.addi %add3A_1650, %add3A_1652 : vector<16xi32>
      %gather3A_1654 = tpu.vector_load_idx %arg5[%add3A_1653] : memref<1280xf32, #tpu.memory_space<vmem>>[vector<16xi32>], vector<16xf32>,
      %max3A_1655 = arith.maximumf %max3A_1644, %gather3A_1654 : vector<16xf32>
      %mul3A_1656 = arith.constant 16 : i32
      %mul3A_1657 = vector.broadcast %mul3A_1656 : i32 to vector<16xi32>
      %mul3A_1658 = arith.muli %iota3A, %mul3A_1657 : vector<16xi32>
      %add3A_1659 = arith.constant 768 : i32
      %add3A_1660 = vector.broadcast %add3A_1659 : i32 to vector<16xi32>
      %add3A_1661 = arith.addi %add3A_1660, %mul3A_1658 : vector<16xi32>
      %add3A_1662 = arith.constant 13 : i32
      %add3A_1663 = vector.broadcast %add3A_1662 : i32 to vector<16xi32>
      %add3A_1664 = arith.addi %add3A_1661, %add3A_1663 : vector<16xi32>
      %gather3A_1665 = tpu.vector_load_idx %arg5[%add3A_1664] : memref<1280xf32, #tpu.memory_space<vmem>>[vector<16xi32>], vector<16xf32>,
      %max3A_1666 = arith.maximumf %max3A_1655, %gather3A_1665 : vector<16xf32>
      %mul3A_1667 = arith.constant 16 : i32
      %mul3A_1668 = vector.broadcast %mul3A_1667 : i32 to vector<16xi32>
      %mul3A_1669 = arith.muli %iota3A, %mul3A_1668 : vector<16xi32>
      %add3A_1670 = arith.constant 768 : i32
      %add3A_1671 = vector.broadcast %add3A_1670 : i32 to vector<16xi32>
      %add3A_1672 = arith.addi %add3A_1671, %mul3A_1669 : vector<16xi32>
      %add3A_1673 = arith.constant 14 : i32
      %add3A_1674 = vector.broadcast %add3A_1673 : i32 to vector<16xi32>
      %add3A_1675 = arith.addi %add3A_1672, %add3A_1674 : vector<16xi32>
      %gather3A_1676 = tpu.vector_load_idx %arg5[%add3A_1675] : memref<1280xf32, #tpu.memory_space<vmem>>[vector<16xi32>], vector<16xf32>,
      %max3A_1677 = arith.maximumf %max3A_1666, %gather3A_1676 : vector<16xf32>
      %mul3A_1678 = arith.constant 16 : i32
      %mul3A_1679 = vector.broadcast %mul3A_1678 : i32 to vector<16xi32>
      %mul3A_1680 = arith.muli %iota3A, %mul3A_1679 : vector<16xi32>
      %add3A_1681 = arith.constant 768 : i32
      %add3A_1682 = vector.broadcast %add3A_1681 : i32 to vector<16xi32>
      %add3A_1683 = arith.addi %add3A_1682, %mul3A_1680 : vector<16xi32>
      %add3A_1684 = arith.constant 15 : i32
      %add3A_1685 = vector.broadcast %add3A_1684 : i32 to vector<16xi32>
      %add3A_1686 = arith.addi %add3A_1683, %add3A_1685 : vector<16xi32>
      %gather3A_1687 = tpu.vector_load_idx %arg5[%add3A_1686] : memref<1280xf32, #tpu.memory_space<vmem>>[vector<16xi32>], vector<16xf32>,
      %max3A_1688 = arith.maximumf %max3A_1677, %gather3A_1687 : vector<16xf32>
      %swap3A_1689 = arith.constant 48 : index
      %swap3A_1690 = tpu.vector_load %arg6[%swap3A_1689] {strides = array<i32>} : memref<1280xf32, #tpu.memory_space<vmem>>, vector<16xf32>,
      tpu.vector_store %arg6[%swap3A_1689], %max3A_1688 {strides = array<i32>} : memref<1280xf32, #tpu.memory_space<vmem>>, vector<16xf32>,
      %mul3A_1691 = arith.constant 16 : i32
      %mul3A_1692 = vector.broadcast %mul3A_1691 : i32 to vector<16xi32>
      %mul3A_1693 = arith.muli %iota3A, %mul3A_1692 : vector<16xi32>
      %add3A_1694 = arith.constant 1024 : i32
      %add3A_1695 = vector.broadcast %add3A_1694 : i32 to vector<16xi32>
      %add3A_1696 = arith.addi %add3A_1695, %mul3A_1693 : vector<16xi32>
      %gather3A_1697 = tpu.vector_load_idx %arg5[%add3A_1696] : memref<1280xf32, #tpu.memory_space<vmem>>[vector<16xi32>], vector<16xf32>,
      %mul3A_1698 = arith.constant 16 : i32
      %mul3A_1699 = vector.broadcast %mul3A_1698 : i32 to vector<16xi32>
      %mul3A_1700 = arith.muli %iota3A, %mul3A_1699 : vector<16xi32>
      %add3A_1701 = arith.constant 1024 : i32
      %add3A_1702 = vector.broadcast %add3A_1701 : i32 to vector<16xi32>
      %add3A_1703 = arith.addi %add3A_1702, %mul3A_1700 : vector<16xi32>
      %add3A_1704 = arith.constant 1 : i32
      %add3A_1705 = vector.broadcast %add3A_1704 : i32 to vector<16xi32>
      %add3A_1706 = arith.addi %add3A_1703, %add3A_1705 : vector<16xi32>
      %gather3A_1707 = tpu.vector_load_idx %arg5[%add3A_1706] : memref<1280xf32, #tpu.memory_space<vmem>>[vector<16xi32>], vector<16xf32>,
      %max3A_1708 = arith.maximumf %gather3A_1697, %gather3A_1707 : vector<16xf32>
      %mul3A_1709 = arith.constant 16 : i32
      %mul3A_1710 = vector.broadcast %mul3A_1709 : i32 to vector<16xi32>
      %mul3A_1711 = arith.muli %iota3A, %mul3A_1710 : vector<16xi32>
      %add3A_1712 = arith.constant 1024 : i32
      %add3A_1713 = vector.broadcast %add3A_1712 : i32 to vector<16xi32>
      %add3A_1714 = arith.addi %add3A_1713, %mul3A_1711 : vector<16xi32>
      %add3A_1715 = arith.constant 2 : i32
      %add3A_1716 = vector.broadcast %add3A_1715 : i32 to vector<16xi32>
      %add3A_1717 = arith.addi %add3A_1714, %add3A_1716 : vector<16xi32>
      %gather3A_1718 = tpu.vector_load_idx %arg5[%add3A_1717] : memref<1280xf32, #tpu.memory_space<vmem>>[vector<16xi32>], vector<16xf32>,
      %max3A_1719 = arith.maximumf %max3A_1708, %gather3A_1718 : vector<16xf32>
      %mul3A_1720 = arith.constant 16 : i32
      %mul3A_1721 = vector.broadcast %mul3A_1720 : i32 to vector<16xi32>
      %mul3A_1722 = arith.muli %iota3A, %mul3A_1721 : vector<16xi32>
      %add3A_1723 = arith.constant 1024 : i32
      %add3A_1724 = vector.broadcast %add3A_1723 : i32 to vector<16xi32>
      %add3A_1725 = arith.addi %add3A_1724, %mul3A_1722 : vector<16xi32>
      %add3A_1726 = arith.constant 3 : i32
      %add3A_1727 = vector.broadcast %add3A_1726 : i32 to vector<16xi32>
      %add3A_1728 = arith.addi %add3A_1725, %add3A_1727 : vector<16xi32>
      %gather3A_1729 = tpu.vector_load_idx %arg5[%add3A_1728] : memref<1280xf32, #tpu.memory_space<vmem>>[vector<16xi32>], vector<16xf32>,
      %max3A_1730 = arith.maximumf %max3A_1719, %gather3A_1729 : vector<16xf32>
      %mul3A_1731 = arith.constant 16 : i32
      %mul3A_1732 = vector.broadcast %mul3A_1731 : i32 to vector<16xi32>
      %mul3A_1733 = arith.muli %iota3A, %mul3A_1732 : vector<16xi32>
      %add3A_1734 = arith.constant 1024 : i32
      %add3A_1735 = vector.broadcast %add3A_1734 : i32 to vector<16xi32>
      %add3A_1736 = arith.addi %add3A_1735, %mul3A_1733 : vector<16xi32>
      %add3A_1737 = arith.constant 4 : i32
      %add3A_1738 = vector.broadcast %add3A_1737 : i32 to vector<16xi32>
      %add3A_1739 = arith.addi %add3A_1736, %add3A_1738 : vector<16xi32>
      %gather3A_1740 = tpu.vector_load_idx %arg5[%add3A_1739] : memref<1280xf32, #tpu.memory_space<vmem>>[vector<16xi32>], vector<16xf32>,
      %max3A_1741 = arith.maximumf %max3A_1730, %gather3A_1740 : vector<16xf32>
      %mul3A_1742 = arith.constant 16 : i32
      %mul3A_1743 = vector.broadcast %mul3A_1742 : i32 to vector<16xi32>
      %mul3A_1744 = arith.muli %iota3A, %mul3A_1743 : vector<16xi32>
      %add3A_1745 = arith.constant 1024 : i32
      %add3A_1746 = vector.broadcast %add3A_1745 : i32 to vector<16xi32>
      %add3A_1747 = arith.addi %add3A_1746, %mul3A_1744 : vector<16xi32>
      %add3A_1748 = arith.constant 5 : i32
      %add3A_1749 = vector.broadcast %add3A_1748 : i32 to vector<16xi32>
      %add3A_1750 = arith.addi %add3A_1747, %add3A_1749 : vector<16xi32>
      %gather3A_1751 = tpu.vector_load_idx %arg5[%add3A_1750] : memref<1280xf32, #tpu.memory_space<vmem>>[vector<16xi32>], vector<16xf32>,
      %max3A_1752 = arith.maximumf %max3A_1741, %gather3A_1751 : vector<16xf32>
      %mul3A_1753 = arith.constant 16 : i32
      %mul3A_1754 = vector.broadcast %mul3A_1753 : i32 to vector<16xi32>
      %mul3A_1755 = arith.muli %iota3A, %mul3A_1754 : vector<16xi32>
      %add3A_1756 = arith.constant 1024 : i32
      %add3A_1757 = vector.broadcast %add3A_1756 : i32 to vector<16xi32>
      %add3A_1758 = arith.addi %add3A_1757, %mul3A_1755 : vector<16xi32>
      %add3A_1759 = arith.constant 6 : i32
      %add3A_1760 = vector.broadcast %add3A_1759 : i32 to vector<16xi32>
      %add3A_1761 = arith.addi %add3A_1758, %add3A_1760 : vector<16xi32>
      %gather3A_1762 = tpu.vector_load_idx %arg5[%add3A_1761] : memref<1280xf32, #tpu.memory_space<vmem>>[vector<16xi32>], vector<16xf32>,
      %max3A_1763 = arith.maximumf %max3A_1752, %gather3A_1762 : vector<16xf32>
      %mul3A_1764 = arith.constant 16 : i32
      %mul3A_1765 = vector.broadcast %mul3A_1764 : i32 to vector<16xi32>
      %mul3A_1766 = arith.muli %iota3A, %mul3A_1765 : vector<16xi32>
      %add3A_1767 = arith.constant 1024 : i32
      %add3A_1768 = vector.broadcast %add3A_1767 : i32 to vector<16xi32>
      %add3A_1769 = arith.addi %add3A_1768, %mul3A_1766 : vector<16xi32>
      %add3A_1770 = arith.constant 7 : i32
      %add3A_1771 = vector.broadcast %add3A_1770 : i32 to vector<16xi32>
      %add3A_1772 = arith.addi %add3A_1769, %add3A_1771 : vector<16xi32>
      %gather3A_1773 = tpu.vector_load_idx %arg5[%add3A_1772] : memref<1280xf32, #tpu.memory_space<vmem>>[vector<16xi32>], vector<16xf32>,
      %max3A_1774 = arith.maximumf %max3A_1763, %gather3A_1773 : vector<16xf32>
      %mul3A_1775 = arith.constant 16 : i32
      %mul3A_1776 = vector.broadcast %mul3A_1775 : i32 to vector<16xi32>
      %mul3A_1777 = arith.muli %iota3A, %mul3A_1776 : vector<16xi32>
      %add3A_1778 = arith.constant 1024 : i32
      %add3A_1779 = vector.broadcast %add3A_1778 : i32 to vector<16xi32>
      %add3A_1780 = arith.addi %add3A_1779, %mul3A_1777 : vector<16xi32>
      %add3A_1781 = arith.constant 8 : i32
      %add3A_1782 = vector.broadcast %add3A_1781 : i32 to vector<16xi32>
      %add3A_1783 = arith.addi %add3A_1780, %add3A_1782 : vector<16xi32>
      %gather3A_1784 = tpu.vector_load_idx %arg5[%add3A_1783] : memref<1280xf32, #tpu.memory_space<vmem>>[vector<16xi32>], vector<16xf32>,
      %max3A_1785 = arith.maximumf %max3A_1774, %gather3A_1784 : vector<16xf32>
      %mul3A_1786 = arith.constant 16 : i32
      %mul3A_1787 = vector.broadcast %mul3A_1786 : i32 to vector<16xi32>
      %mul3A_1788 = arith.muli %iota3A, %mul3A_1787 : vector<16xi32>
      %add3A_1789 = arith.constant 1024 : i32
      %add3A_1790 = vector.broadcast %add3A_1789 : i32 to vector<16xi32>
      %add3A_1791 = arith.addi %add3A_1790, %mul3A_1788 : vector<16xi32>
      %add3A_1792 = arith.constant 9 : i32
      %add3A_1793 = vector.broadcast %add3A_1792 : i32 to vector<16xi32>
      %add3A_1794 = arith.addi %add3A_1791, %add3A_1793 : vector<16xi32>
      %gather3A_1795 = tpu.vector_load_idx %arg5[%add3A_1794] : memref<1280xf32, #tpu.memory_space<vmem>>[vector<16xi32>], vector<16xf32>,
      %max3A_1796 = arith.maximumf %max3A_1785, %gather3A_1795 : vector<16xf32>
      %mul3A_1797 = arith.constant 16 : i32
      %mul3A_1798 = vector.broadcast %mul3A_1797 : i32 to vector<16xi32>
      %mul3A_1799 = arith.muli %iota3A, %mul3A_1798 : vector<16xi32>
      %add3A_1800 = arith.constant 1024 : i32
      %add3A_1801 = vector.broadcast %add3A_1800 : i32 to vector<16xi32>
      %add3A_1802 = arith.addi %add3A_1801, %mul3A_1799 : vector<16xi32>
      %add3A_1803 = arith.constant 10 : i32
      %add3A_1804 = vector.broadcast %add3A_1803 : i32 to vector<16xi32>
      %add3A_1805 = arith.addi %add3A_1802, %add3A_1804 : vector<16xi32>
      %gather3A_1806 = tpu.vector_load_idx %arg5[%add3A_1805] : memref<1280xf32, #tpu.memory_space<vmem>>[vector<16xi32>], vector<16xf32>,
      %max3A_1807 = arith.maximumf %max3A_1796, %gather3A_1806 : vector<16xf32>
      %mul3A_1808 = arith.constant 16 : i32
      %mul3A_1809 = vector.broadcast %mul3A_1808 : i32 to vector<16xi32>
      %mul3A_1810 = arith.muli %iota3A, %mul3A_1809 : vector<16xi32>
      %add3A_1811 = arith.constant 1024 : i32
      %add3A_1812 = vector.broadcast %add3A_1811 : i32 to vector<16xi32>
      %add3A_1813 = arith.addi %add3A_1812, %mul3A_1810 : vector<16xi32>
      %add3A_1814 = arith.constant 11 : i32
      %add3A_1815 = vector.broadcast %add3A_1814 : i32 to vector<16xi32>
      %add3A_1816 = arith.addi %add3A_1813, %add3A_1815 : vector<16xi32>
      %gather3A_1817 = tpu.vector_load_idx %arg5[%add3A_1816] : memref<1280xf32, #tpu.memory_space<vmem>>[vector<16xi32>], vector<16xf32>,
      %max3A_1818 = arith.maximumf %max3A_1807, %gather3A_1817 : vector<16xf32>
      %mul3A_1819 = arith.constant 16 : i32
      %mul3A_1820 = vector.broadcast %mul3A_1819 : i32 to vector<16xi32>
      %mul3A_1821 = arith.muli %iota3A, %mul3A_1820 : vector<16xi32>
      %add3A_1822 = arith.constant 1024 : i32
      %add3A_1823 = vector.broadcast %add3A_1822 : i32 to vector<16xi32>
      %add3A_1824 = arith.addi %add3A_1823, %mul3A_1821 : vector<16xi32>
      %add3A_1825 = arith.constant 12 : i32
      %add3A_1826 = vector.broadcast %add3A_1825 : i32 to vector<16xi32>
      %add3A_1827 = arith.addi %add3A_1824, %add3A_1826 : vector<16xi32>
      %gather3A_1828 = tpu.vector_load_idx %arg5[%add3A_1827] : memref<1280xf32, #tpu.memory_space<vmem>>[vector<16xi32>], vector<16xf32>,
      %max3A_1829 = arith.maximumf %max3A_1818, %gather3A_1828 : vector<16xf32>
      %mul3A_1830 = arith.constant 16 : i32
      %mul3A_1831 = vector.broadcast %mul3A_1830 : i32 to vector<16xi32>
      %mul3A_1832 = arith.muli %iota3A, %mul3A_1831 : vector<16xi32>
      %add3A_1833 = arith.constant 1024 : i32
      %add3A_1834 = vector.broadcast %add3A_1833 : i32 to vector<16xi32>
      %add3A_1835 = arith.addi %add3A_1834, %mul3A_1832 : vector<16xi32>
      %add3A_1836 = arith.constant 13 : i32
      %add3A_1837 = vector.broadcast %add3A_1836 : i32 to vector<16xi32>
      %add3A_1838 = arith.addi %add3A_1835, %add3A_1837 : vector<16xi32>
      %gather3A_1839 = tpu.vector_load_idx %arg5[%add3A_1838] : memref<1280xf32, #tpu.memory_space<vmem>>[vector<16xi32>], vector<16xf32>,
      %max3A_1840 = arith.maximumf %max3A_1829, %gather3A_1839 : vector<16xf32>
      %mul3A_1841 = arith.constant 16 : i32
      %mul3A_1842 = vector.broadcast %mul3A_1841 : i32 to vector<16xi32>
      %mul3A_1843 = arith.muli %iota3A, %mul3A_1842 : vector<16xi32>
      %add3A_1844 = arith.constant 1024 : i32
      %add3A_1845 = vector.broadcast %add3A_1844 : i32 to vector<16xi32>
      %add3A_1846 = arith.addi %add3A_1845, %mul3A_1843 : vector<16xi32>
      %add3A_1847 = arith.constant 14 : i32
      %add3A_1848 = vector.broadcast %add3A_1847 : i32 to vector<16xi32>
      %add3A_1849 = arith.addi %add3A_1846, %add3A_1848 : vector<16xi32>
      %gather3A_1850 = tpu.vector_load_idx %arg5[%add3A_1849] : memref<1280xf32, #tpu.memory_space<vmem>>[vector<16xi32>], vector<16xf32>,
      %max3A_1851 = arith.maximumf %max3A_1840, %gather3A_1850 : vector<16xf32>
      %mul3A_1852 = arith.constant 16 : i32
      %mul3A_1853 = vector.broadcast %mul3A_1852 : i32 to vector<16xi32>
      %mul3A_1854 = arith.muli %iota3A, %mul3A_1853 : vector<16xi32>
      %add3A_1855 = arith.constant 1024 : i32
      %add3A_1856 = vector.broadcast %add3A_1855 : i32 to vector<16xi32>
      %add3A_1857 = arith.addi %add3A_1856, %mul3A_1854 : vector<16xi32>
      %add3A_1858 = arith.constant 15 : i32
      %add3A_1859 = vector.broadcast %add3A_1858 : i32 to vector<16xi32>
      %add3A_1860 = arith.addi %add3A_1857, %add3A_1859 : vector<16xi32>
      %gather3A_1861 = tpu.vector_load_idx %arg5[%add3A_1860] : memref<1280xf32, #tpu.memory_space<vmem>>[vector<16xi32>], vector<16xf32>,
      %max3A_1862 = arith.maximumf %max3A_1851, %gather3A_1861 : vector<16xf32>
      %swap3A_1863 = arith.constant 64 : index
      %swap3A_1864 = tpu.vector_load %arg6[%swap3A_1863] {strides = array<i32>} : memref<1280xf32, #tpu.memory_space<vmem>>, vector<16xf32>,
      tpu.vector_store %arg6[%swap3A_1863], %max3A_1862 {strides = array<i32>} : memref<1280xf32, #tpu.memory_space<vmem>>, vector<16xf32>,
      %get3A_1865 = arith.constant 0 : index
      %get3A_1866 = tpu.vector_load %arg6[%get3A_1865] {strides = array<i32>} : memref<1280xf32, #tpu.memory_space<vmem>>, vector<16xf32>,
      %reduce_max3A_1867 = arith.constant true
      %reduce_max3A_1868 = vector.broadcast %reduce_max3A_1867 : i1 to vector<16xi1>
      %reduce_max3A_1869 = tpu.scan <max>, %get3A_1866 masked %reduce_max3A_1868 : vector<16xf32>, vector<16xi1> -> vector<16xf32>
      %reduce_max3A_1870 = vector.extract %reduce_max3A_1869[15] : f32 from vector<16xf32>
      %get3A_1871 = arith.constant 16 : index
      %get3A_1872 = tpu.vector_load %arg6[%get3A_1871] {strides = array<i32>} : memref<1280xf32, #tpu.memory_space<vmem>>, vector<16xf32>,
      %reduce_max3A_1873 = arith.constant true
      %reduce_max3A_1874 = vector.broadcast %reduce_max3A_1873 : i1 to vector<16xi1>
      %reduce_max3A_1875 = tpu.scan <max>, %get3A_1872 masked %reduce_max3A_1874 : vector<16xf32>, vector<16xi1> -> vector<16xf32>
      %reduce_max3A_1876 = vector.extract %reduce_max3A_1875[15] : f32 from vector<16xf32>
      %get3A_1877 = arith.constant 32 : index
      %get3A_1878 = tpu.vector_load %arg6[%get3A_1877] {strides = array<i32>} : memref<1280xf32, #tpu.memory_space<vmem>>, vector<16xf32>,
      %reduce_max3A_1879 = arith.constant true
      %reduce_max3A_1880 = vector.broadcast %reduce_max3A_1879 : i1 to vector<16xi1>
      %reduce_max3A_1881 = tpu.scan <max>, %get3A_1878 masked %reduce_max3A_1880 : vector<16xf32>, vector<16xi1> -> vector<16xf32>
      %reduce_max3A_1882 = vector.extract %reduce_max3A_1881[15] : f32 from vector<16xf32>
      %get3A_1883 = arith.constant 48 : index
      %get3A_1884 = tpu.vector_load %arg6[%get3A_1883] {strides = array<i32>} : memref<1280xf32, #tpu.memory_space<vmem>>, vector<16xf32>,
      %reduce_max3A_1885 = arith.constant true
      %reduce_max3A_1886 = vector.broadcast %reduce_max3A_1885 : i1 to vector<16xi1>
      %reduce_max3A_1887 = tpu.scan <max>, %get3A_1884 masked %reduce_max3A_1886 : vector<16xf32>, vector<16xi1> -> vector<16xf32>
      %reduce_max3A_1888 = vector.extract %reduce_max3A_1887[15] : f32 from vector<16xf32>
      %get3A_1889 = arith.constant 64 : index
      %get3A_1890 = tpu.vector_load %arg6[%get3A_1889] {strides = array<i32>} : memref<1280xf32, #tpu.memory_space<vmem>>, vector<16xf32>,
      %reduce_max3A_1891 = arith.constant true
      %reduce_max3A_1892 = vector.broadcast %reduce_max3A_1891 : i1 to vector<16xi1>
      %reduce_max3A_1893 = tpu.scan <max>, %get3A_1890 masked %reduce_max3A_1892 : vector<16xf32>, vector<16xi1> -> vector<16xf32>
      %reduce_max3A_1894 = vector.extract %reduce_max3A_1893[15] : f32 from vector<16xf32>
      tpu.wait_dma2 semaphore(%arg33 : memref<!tpu.dma_semaphore, #tpu.memory_space<semaphore_mem>>) src(%arg27 : memref<20480xf32, #tpu.memory_space<vmem_shared>>) dst(%arg17 : memref<20480xf32, #tpu.memory_space<vmem>>)
      tpu.wait_dma2 semaphore(%arg33 : memref<!tpu.dma_semaphore, #tpu.memory_space<semaphore_mem>>) src(%arg28 : memref<20480xf32, #tpu.memory_space<vmem_shared>>) dst(%arg18 : memref<20480xf32, #tpu.memory_space<vmem>>)
      tpu.wait_dma2 semaphore(%arg33 : memref<!tpu.dma_semaphore, #tpu.memory_space<semaphore_mem>>) src(%arg29 : memref<20480xf32, #tpu.memory_space<vmem_shared>>) dst(%arg19 : memref<20480xf32, #tpu.memory_space<vmem>>)
      tpu.wait_dma2 semaphore(%arg33 : memref<!tpu.dma_semaphore, #tpu.memory_space<semaphore_mem>>) src(%arg30 : memref<20480xf32, #tpu.memory_space<vmem_shared>>) dst(%arg20 : memref<20480xf32, #tpu.memory_space<vmem>>)
      tpu.wait_dma2 semaphore(%arg33 : memref<!tpu.dma_semaphore, #tpu.memory_space<semaphore_mem>>) src(%arg31 : memref<20480xf32, #tpu.memory_space<vmem_shared>>) dst(%arg21 : memref<20480xf32, #tpu.memory_space<vmem>>)
      %broadcast_in_dim3A_1895 = arith.constant -1.000000e+06 : f32
      %broadcast_in_dim3A_1896 = vector.broadcast %broadcast_in_dim3A_1895 : f32 to vector<16xf32>
      %swap3A_1897 = arith.constant 0 : index
      %swap3A_1898 = tpu.vector_load %arg22[%swap3A_1897] {strides = array<i32>} : memref<112xf32, #tpu.memory_space<vmem>>, vector<16xf32>,
      tpu.vector_store %arg22[%swap3A_1897], %broadcast_in_dim3A_1896 {strides = array<i32>} : memref<112xf32, #tpu.memory_space<vmem>>, vector<16xf32>,
      %swap3A_1899 = arith.constant 0 : index
      %swap3A_1900 = tpu.vector_load %arg23[%swap3A_1899] {strides = array<i32>} : memref<112xf32, #tpu.memory_space<vmem>>, vector<16xf32>,
      tpu.vector_store %arg23[%swap3A_1899], %broadcast_in_dim3A_1896 {strides = array<i32>} : memref<112xf32, #tpu.memory_space<vmem>>, vector<16xf32>,
      %swap3A_1901 = arith.constant 0 : index
      %swap3A_1902 = tpu.vector_load %arg24[%swap3A_1901] {strides = array<i32>} : memref<112xf32, #tpu.memory_space<vmem>>, vector<16xf32>,
      tpu.vector_store %arg24[%swap3A_1901], %broadcast_in_dim3A_1896 {strides = array<i32>} : memref<112xf32, #tpu.memory_space<vmem>>, vector<16xf32>,
      %swap3A_1903 = arith.constant 0 : index
      %swap3A_1904 = tpu.vector_load %arg25[%swap3A_1903] {strides = array<i32>} : memref<112xf32, #tpu.memory_space<vmem>>, vector<16xf32>,
      tpu.vector_store %arg25[%swap3A_1903], %broadcast_in_dim3A_1896 {strides = array<i32>} : memref<112xf32, #tpu.memory_space<vmem>>, vector<16xf32>,
      %swap3A_1905 = arith.constant 0 : index
      %swap3A_1906 = tpu.vector_load %arg26[%swap3A_1905] {strides = array<i32>} : memref<112xf32, #tpu.memory_space<vmem>>, vector<16xf32>,
      tpu.vector_store %arg26[%swap3A_1905], %broadcast_in_dim3A_1896 {strides = array<i32>} : memref<112xf32, #tpu.memory_space<vmem>>, vector<16xf32>,
      %swap3A_1907 = arith.constant 16 : index
      %swap3A_1908 = tpu.vector_load %arg22[%swap3A_1907] {strides = array<i32>} : memref<112xf32, #tpu.memory_space<vmem>>, vector<16xf32>,
      tpu.vector_store %arg22[%swap3A_1907], %broadcast_in_dim3A_1896 {strides = array<i32>} : memref<112xf32, #tpu.memory_space<vmem>>, vector<16xf32>,
      %swap3A_1909 = arith.constant 16 : index
      %swap3A_1910 = tpu.vector_load %arg23[%swap3A_1909] {strides = array<i32>} : memref<112xf32, #tpu.memory_space<vmem>>, vector<16xf32>,
      tpu.vector_store %arg23[%swap3A_1909], %broadcast_in_dim3A_1896 {strides = array<i32>} : memref<112xf32, #tpu.memory_space<vmem>>, vector<16xf32>,
      %swap3A_1911 = arith.constant 16 : index
      %swap3A_1912 = tpu.vector_load %arg24[%swap3A_1911] {strides = array<i32>} : memref<112xf32, #tpu.memory_space<vmem>>, vector<16xf32>,
      tpu.vector_store %arg24[%swap3A_1911], %broadcast_in_dim3A_1896 {strides = array<i32>} : memref<112xf32, #tpu.memory_space<vmem>>, vector<16xf32>,
      %swap3A_1913 = arith.constant 16 : index
      %swap3A_1914 = tpu.vector_load %arg25[%swap3A_1913] {strides = array<i32>} : memref<112xf32, #tpu.memory_space<vmem>>, vector<16xf32>,
      tpu.vector_store %arg25[%swap3A_1913], %broadcast_in_dim3A_1896 {strides = array<i32>} : memref<112xf32, #tpu.memory_space<vmem>>, vector<16xf32>,
      %swap3A_1915 = arith.constant 16 : index
      %swap3A_1916 = tpu.vector_load %arg26[%swap3A_1915] {strides = array<i32>} : memref<112xf32, #tpu.memory_space<vmem>>, vector<16xf32>,
      tpu.vector_store %arg26[%swap3A_1915], %broadcast_in_dim3A_1896 {strides = array<i32>} : memref<112xf32, #tpu.memory_space<vmem>>, vector<16xf32>,
      %swap3A_1917 = arith.constant 32 : index
      %swap3A_1918 = tpu.vector_load %arg22[%swap3A_1917] {strides = array<i32>} : memref<112xf32, #tpu.memory_space<vmem>>, vector<16xf32>,
      tpu.vector_store %arg22[%swap3A_1917], %broadcast_in_dim3A_1896 {strides = array<i32>} : memref<112xf32, #tpu.memory_space<vmem>>, vector<16xf32>,
      %swap3A_1919 = arith.constant 32 : index
      %swap3A_1920 = tpu.vector_load %arg23[%swap3A_1919] {strides = array<i32>} : memref<112xf32, #tpu.memory_space<vmem>>, vector<16xf32>,
      tpu.vector_store %arg23[%swap3A_1919], %broadcast_in_dim3A_1896 {strides = array<i32>} : memref<112xf32, #tpu.memory_space<vmem>>, vector<16xf32>,
      %swap3A_1921 = arith.constant 32 : index
      %swap3A_1922 = tpu.vector_load %arg24[%swap3A_1921] {strides = array<i32>} : memref<112xf32, #tpu.memory_space<vmem>>, vector<16xf32>,
      tpu.vector_store %arg24[%swap3A_1921], %broadcast_in_dim3A_1896 {strides = array<i32>} : memref<112xf32, #tpu.memory_space<vmem>>, vector<16xf32>,
      %swap3A_1923 = arith.constant 32 : index
      %swap3A_1924 = tpu.vector_load %arg25[%swap3A_1923] {strides = array<i32>} : memref<112xf32, #tpu.memory_space<vmem>>, vector<16xf32>,
      tpu.vector_store %arg25[%swap3A_1923], %broadcast_in_dim3A_1896 {strides = array<i32>} : memref<112xf32, #tpu.memory_space<vmem>>, vector<16xf32>,
      %swap3A_1925 = arith.constant 32 : index
      %swap3A_1926 = tpu.vector_load %arg26[%swap3A_1925] {strides = array<i32>} : memref<112xf32, #tpu.memory_space<vmem>>, vector<16xf32>,
      tpu.vector_store %arg26[%swap3A_1925], %broadcast_in_dim3A_1896 {strides = array<i32>} : memref<112xf32, #tpu.memory_space<vmem>>, vector<16xf32>,
      %swap3A_1927 = arith.constant 48 : index
      %swap3A_1928 = tpu.vector_load %arg22[%swap3A_1927] {strides = array<i32>} : memref<112xf32, #tpu.memory_space<vmem>>, vector<16xf32>,
      tpu.vector_store %arg22[%swap3A_1927], %broadcast_in_dim3A_1896 {strides = array<i32>} : memref<112xf32, #tpu.memory_space<vmem>>, vector<16xf32>,
      %swap3A_1929 = arith.constant 48 : index
      %swap3A_1930 = tpu.vector_load %arg23[%swap3A_1929] {strides = array<i32>} : memref<112xf32, #tpu.memory_space<vmem>>, vector<16xf32>,
      tpu.vector_store %arg23[%swap3A_1929], %broadcast_in_dim3A_1896 {strides = array<i32>} : memref<112xf32, #tpu.memory_space<vmem>>, vector<16xf32>,
      %swap3A_1931 = arith.constant 48 : index
      %swap3A_1932 = tpu.vector_load %arg24[%swap3A_1931] {strides = array<i32>} : memref<112xf32, #tpu.memory_space<vmem>>, vector<16xf32>,
      tpu.vector_store %arg24[%swap3A_1931], %broadcast_in_dim3A_1896 {strides = array<i32>} : memref<112xf32, #tpu.memory_space<vmem>>, vector<16xf32>,
      %swap3A_1933 = arith.constant 48 : index
      %swap3A_1934 = tpu.vector_load %arg25[%swap3A_1933] {strides = array<i32>} : memref<112xf32, #tpu.memory_space<vmem>>, vector<16xf32>,
      tpu.vector_store %arg25[%swap3A_1933], %broadcast_in_dim3A_1896 {strides = array<i32>} : memref<112xf32, #tpu.memory_space<vmem>>, vector<16xf32>,
      %swap3A_1935 = arith.constant 48 : index
      %swap3A_1936 = tpu.vector_load %arg26[%swap3A_1935] {strides = array<i32>} : memref<112xf32, #tpu.memory_space<vmem>>, vector<16xf32>,
      tpu.vector_store %arg26[%swap3A_1935], %broadcast_in_dim3A_1896 {strides = array<i32>} : memref<112xf32, #tpu.memory_space<vmem>>, vector<16xf32>,
      %swap3A_1937 = arith.constant 64 : index
      %swap3A_1938 = tpu.vector_load %arg22[%swap3A_1937] {strides = array<i32>} : memref<112xf32, #tpu.memory_space<vmem>>, vector<16xf32>,
      tpu.vector_store %arg22[%swap3A_1937], %broadcast_in_dim3A_1896 {strides = array<i32>} : memref<112xf32, #tpu.memory_space<vmem>>, vector<16xf32>,
      %swap3A_1939 = arith.constant 64 : index
      %swap3A_1940 = tpu.vector_load %arg23[%swap3A_1939] {strides = array<i32>} : memref<112xf32, #tpu.memory_space<vmem>>, vector<16xf32>,
      tpu.vector_store %arg23[%swap3A_1939], %broadcast_in_dim3A_1896 {strides = array<i32>} : memref<112xf32, #tpu.memory_space<vmem>>, vector<16xf32>,
      %swap3A_1941 = arith.constant 64 : index
      %swap3A_1942 = tpu.vector_load %arg24[%swap3A_1941] {strides = array<i32>} : memref<112xf32, #tpu.memory_space<vmem>>, vector<16xf32>,
      tpu.vector_store %arg24[%swap3A_1941], %broadcast_in_dim3A_1896 {strides = array<i32>} : memref<112xf32, #tpu.memory_space<vmem>>, vector<16xf32>,
      %swap3A_1943 = arith.constant 64 : index
      %swap3A_1944 = tpu.vector_load %arg25[%swap3A_1943] {strides = array<i32>} : memref<112xf32, #tpu.memory_space<vmem>>, vector<16xf32>,
      tpu.vector_store %arg25[%swap3A_1943], %broadcast_in_dim3A_1896 {strides = array<i32>} : memref<112xf32, #tpu.memory_space<vmem>>, vector<16xf32>,
      %swap3A_1945 = arith.constant 64 : index
      %swap3A_1946 = tpu.vector_load %arg26[%swap3A_1945] {strides = array<i32>} : memref<112xf32, #tpu.memory_space<vmem>>, vector<16xf32>,
      tpu.vector_store %arg26[%swap3A_1945], %broadcast_in_dim3A_1896 {strides = array<i32>} : memref<112xf32, #tpu.memory_space<vmem>>, vector<16xf32>,
      %swap3A_1947 = arith.constant 80 : index
      %swap3A_1948 = tpu.vector_load %arg22[%swap3A_1947] {strides = array<i32>} : memref<112xf32, #tpu.memory_space<vmem>>, vector<16xf32>,
      tpu.vector_store %arg22[%swap3A_1947], %broadcast_in_dim3A_1896 {strides = array<i32>} : memref<112xf32, #tpu.memory_space<vmem>>, vector<16xf32>,
      %swap3A_1949 = arith.constant 80 : index
      %swap3A_1950 = tpu.vector_load %arg23[%swap3A_1949] {strides = array<i32>} : memref<112xf32, #tpu.memory_space<vmem>>, vector<16xf32>,
      tpu.vector_store %arg23[%swap3A_1949], %broadcast_in_dim3A_1896 {strides = array<i32>} : memref<112xf32, #tpu.memory_space<vmem>>, vector<16xf32>,
      %swap3A_1951 = arith.constant 80 : index
      %swap3A_1952 = tpu.vector_load %arg24[%swap3A_1951] {strides = array<i32>} : memref<112xf32, #tpu.memory_space<vmem>>, vector<16xf32>,
      tpu.vector_store %arg24[%swap3A_1951], %broadcast_in_dim3A_1896 {strides = array<i32>} : memref<112xf32, #tpu.memory_space<vmem>>, vector<16xf32>,
      %swap3A_1953 = arith.constant 80 : index
      %swap3A_1954 = tpu.vector_load %arg25[%swap3A_1953] {strides = array<i32>} : memref<112xf32, #tpu.memory_space<vmem>>, vector<16xf32>,
      tpu.vector_store %arg25[%swap3A_1953], %broadcast_in_dim3A_1896 {strides = array<i32>} : memref<112xf32, #tpu.memory_space<vmem>>, vector<16xf32>,
      %swap3A_1955 = arith.constant 80 : index
      %swap3A_1956 = tpu.vector_load %arg26[%swap3A_1955] {strides = array<i32>} : memref<112xf32, #tpu.memory_space<vmem>>, vector<16xf32>,
      tpu.vector_store %arg26[%swap3A_1955], %broadcast_in_dim3A_1896 {strides = array<i32>} : memref<112xf32, #tpu.memory_space<vmem>>, vector<16xf32>,
      %swap3A_1957 = arith.constant 96 : index
      %swap3A_1958 = tpu.vector_load %arg22[%swap3A_1957] {strides = array<i32>} : memref<112xf32, #tpu.memory_space<vmem>>, vector<16xf32>,
      tpu.vector_store %arg22[%swap3A_1957], %broadcast_in_dim3A_1896 {strides = array<i32>} : memref<112xf32, #tpu.memory_space<vmem>>, vector<16xf32>,
      %swap3A_1959 = arith.constant 96 : index
      %swap3A_1960 = tpu.vector_load %arg23[%swap3A_1959] {strides = array<i32>} : memref<112xf32, #tpu.memory_space<vmem>>, vector<16xf32>,
      tpu.vector_store %arg23[%swap3A_1959], %broadcast_in_dim3A_1896 {strides = array<i32>} : memref<112xf32, #tpu.memory_space<vmem>>, vector<16xf32>,
      %swap3A_1961 = arith.constant 96 : index
      %swap3A_1962 = tpu.vector_load %arg24[%swap3A_1961] {strides = array<i32>} : memref<112xf32, #tpu.memory_space<vmem>>, vector<16xf32>,
      tpu.vector_store %arg24[%swap3A_1961], %broadcast_in_dim3A_1896 {strides = array<i32>} : memref<112xf32, #tpu.memory_space<vmem>>, vector<16xf32>,
      %swap3A_1963 = arith.constant 96 : index
      %swap3A_1964 = tpu.vector_load %arg25[%swap3A_1963] {strides = array<i32>} : memref<112xf32, #tpu.memory_space<vmem>>, vector<16xf32>,
      tpu.vector_store %arg25[%swap3A_1963], %broadcast_in_dim3A_1896 {strides = array<i32>} : memref<112xf32, #tpu.memory_space<vmem>>, vector<16xf32>,
      %swap3A_1965 = arith.constant 96 : index
      %swap3A_1966 = tpu.vector_load %arg26[%swap3A_1965] {strides = array<i32>} : memref<112xf32, #tpu.memory_space<vmem>>, vector<16xf32>,
      tpu.vector_store %arg26[%swap3A_1965], %broadcast_in_dim3A_1896 {strides = array<i32>} : memref<112xf32, #tpu.memory_space<vmem>>, vector<16xf32>,
      %max3A_1967 = arith.maximumf %reduce_max3A_1870, %reduce_max3A_1876 : f32
      %max3A_1968 = arith.maximumf %reduce_max3A_1882, %reduce_max3A_1888 : f32
      %max3A_1969 = arith.maximumf %max3A_1967, %max3A_1968 : f32
      %max3A_1970 = arith.maximumf %max3A_1969, %reduce_max3A_1894 : f32
      %while3A = arith.constant 0 : i32
      %while3A_1971:7 = scf.while (%while3A_2337 = %while3A, %while3A_2338 = %max3A_1970, %while3A_2339 = %reduce_max3A_1870, %while3A_2340 = %reduce_max3A_1876, %while3A_2341 = %reduce_max3A_1882, %while3A_2342 = %reduce_max3A_1888, %while3A_2343 = %reduce_max3A_1894) : (i32, f32, f32, f32, f32, f32, f32) -> (i32, f32, f32, f32, f32, f32, f32) {
        %lt3A_2344 = arith.constant 100 : i32
        %lt3A_2345 = arith.cmpi slt, %while3A_2337, %lt3A_2344 : i32
        %gt3A = arith.constant -1.000000e+09 : f32
        %gt3A_2346 = arith.cmpf ogt, %while3A_2338, %gt3A : f32
        %and3A = arith.andi %lt3A_2345, %gt3A_2346 : i1
        scf.condition(%and3A) %while3A_2337, %while3A_2338, %while3A_2339, %while3A_2340, %while3A_2341, %while3A_2342, %while3A_2343 : i32, f32, f32, f32, f32, f32, f32
      } do {
      ^bb0(%while3A_2337: i32, %while3A_2338: f32, %while3A_2339: f32, %while3A_2340: f32, %while3A_2341: f32, %while3A_2342: f32, %while3A_2343: f32):
        %eq3A_2344 = arith.cmpf oeq, %while3A_2339, %while3A_2338 : f32
        %eq3A_2345 = arith.cmpf oeq, %while3A_2340, %while3A_2338 : f32
        %eq3A_2346 = arith.cmpf oeq, %while3A_2341, %while3A_2338 : f32
        %eq3A_2347 = arith.cmpf oeq, %while3A_2342, %while3A_2338 : f32
        %jit3A_2348 = arith.constant 48 : i32
        %jit3A_2349 = arith.constant 64 : i32
        %select_n3A_2350 = arith.select %eq3A_2347, %jit3A_2348, %jit3A_2349 : i32
        %jit3A_2351 = arith.constant 32 : i32
        %select_n3A_2352 = arith.select %eq3A_2346, %jit3A_2351, %select_n3A_2350 : i32
        %jit3A_2353 = arith.constant 16 : i32
        %select_n3A_2354 = arith.select %eq3A_2345, %jit3A_2353, %select_n3A_2352 : i32
        %jit3A_2355 = arith.constant 0 : i32
        %select_n3A_2356 = arith.select %eq3A_2344, %jit3A_2355, %select_n3A_2354 : i32
        %multiple_of3A = tpu.assume_multiple %select_n3A_2356, 16 : i32
        %get3A_2357 = arith.index_cast %multiple_of3A : i32 to index
        %get3A_2358 = tpu.vector_load %arg6[%get3A_2357] {strides = array<i32>} : memref<1280xf32, #tpu.memory_space<vmem>>, vector<16xf32>,
        %eq3A_2359 = vector.broadcast %while3A_2338 : f32 to vector<16xf32>
        %eq3A_2360 = arith.cmpf oeq, %get3A_2358, %eq3A_2359 : vector<16xf32>
        %all_reduce_ffs3A = tpu.all_reduce %eq3A_2360 {dim = 0 : i64, kind = #tpu.reduction_kind<find_first_set>} : vector<16xi1> -> vector<16xi32>
        %slice3A = vector.extract_strided_slice %all_reduce_ffs3A {offsets = [0], sizes = [1], strides = [1]} : vector<16xi32> to vector<1xi32>
        %squeeze3A = vector.extract %slice3A[0] : i32 from vector<1xi32>
        %add3A_2361 = arith.addi %select_n3A_2356, %squeeze3A : i32
        %mul3A_2362 = arith.constant 16 : i32
        %mul3A_2363 = arith.muli %add3A_2361, %mul3A_2362 : i32
        %multiple_of3A_2364 = tpu.assume_multiple %mul3A_2363, 16 : i32
        %get3A_2365 = arith.index_cast %multiple_of3A_2364 : i32 to index
        %get3A_2366 = tpu.vector_load %arg5[%get3A_2365] {strides = array<i32>} : memref<1280xf32, #tpu.memory_space<vmem>>, vector<16xf32>,
        %mul3A_2367 = arith.constant 16 : i32
        %mul3A_2368 = arith.muli %add3A_2361, %mul3A_2367 : i32
        %eq3A_2369 = vector.broadcast %while3A_2338 : f32 to vector<16xf32>
        %eq3A_2370 = arith.cmpf oeq, %get3A_2366, %eq3A_2369 : vector<16xf32>
        %all_reduce_ffs3A_2371 = tpu.all_reduce %eq3A_2370 {dim = 0 : i64, kind = #tpu.reduction_kind<find_first_set>} : vector<16xi1> -> vector<16xi32>
        %slice3A_2372 = vector.extract_strided_slice %all_reduce_ffs3A_2371 {offsets = [0], sizes = [1], strides = [1]} : vector<16xi32> to vector<1xi32>
        %squeeze3A_2373 = vector.extract %slice3A_2372[0] : i32 from vector<1xi32>
        %add3A_2374 = arith.addi %mul3A_2368, %squeeze3A_2373 : i32
        %mul3A_2375 = arith.constant 16 : i32
        %mul3A_2376 = arith.muli %add3A_2374, %mul3A_2375 : i32
        %multiple_of3A_2377 = tpu.assume_multiple %mul3A_2376, 16 : i32
        %get3A_2378 = arith.index_cast %multiple_of3A_2377 : i32 to index
        %get3A_2379 = tpu.vector_load %arg17[%get3A_2378] {strides = array<i32>} : memref<20480xf32, #tpu.memory_space<vmem>>, vector<16xf32>,
        %eq3A_2380 = vector.broadcast %while3A_2338 : f32 to vector<16xf32>
        %eq3A_2381 = arith.cmpf oeq, %get3A_2379, %eq3A_2380 : vector<16xf32>
        %all_reduce_ffs3A_2382 = tpu.all_reduce %eq3A_2381 {dim = 0 : i64, kind = #tpu.reduction_kind<find_first_set>} : vector<16xi1> -> vector<16xi32>
        %eq3A_2383 = arith.cmpi eq, %iota3A, %all_reduce_ffs3A_2382 : vector<16xi32>
        %add3A_2384 = vector.broadcast %multiple_of3A_2377 : i32 to vector<16xi32>
        %add3A_2385 = arith.addi %add3A_2384, %all_reduce_ffs3A_2382 : vector<16xi32>
        %gather3A_2386 = tpu.vector_load_idx %arg18[%add3A_2385] : memref<20480xf32, #tpu.memory_space<vmem>>[vector<16xi32>], vector<16xf32>,
        %gather3A_2387 = tpu.vector_load_idx %arg19[%add3A_2385] : memref<20480xf32, #tpu.memory_space<vmem>>[vector<16xi32>], vector<16xf32>,
        %gather3A_2388 = tpu.vector_load_idx %arg20[%add3A_2385] : memref<20480xf32, #tpu.memory_space<vmem>>[vector<16xi32>], vector<16xf32>,
        %gather3A_2389 = tpu.vector_load_idx %arg21[%add3A_2385] : memref<20480xf32, #tpu.memory_space<vmem>>[vector<16xi32>], vector<16xf32>,
        %sub3A_2390 = arith.subf %gather3A_2388, %gather3A_2386 : vector<16xf32>
        %max3A_2391 = arith.constant 0.000000e+00 : f32
        %max3A_2392 = vector.broadcast %max3A_2391 : f32 to vector<16xf32>
        %max3A_2393 = arith.maximumf %sub3A_2390, %max3A_2392 : vector<16xf32>
        %sub3A_2394 = arith.subf %gather3A_2389, %gather3A_2387 : vector<16xf32>
        %max3A_2395 = arith.constant 0.000000e+00 : f32
        %max3A_2396 = vector.broadcast %max3A_2395 : f32 to vector<16xf32>
        %max3A_2397 = arith.maximumf %sub3A_2394, %max3A_2396 : vector<16xf32>
        %mul3A_2398 = arith.mulf %max3A_2393, %max3A_2397 : vector<16xf32>
        %broadcast_in_dim3A_2399 = arith.constant 0.000000e+00 : f32
        %broadcast_in_dim3A_2400 = vector.broadcast %broadcast_in_dim3A_2399 : f32 to vector<16xf32>
        %multiple_of3A_2401 = arith.constant 0 : i32
        %multiple_of3A_2402 = tpu.assume_multiple %multiple_of3A_2401, 16 : i32
        %get3A_2403 = arith.index_cast %multiple_of3A_2402 : i32 to index
        %get3A_2404 = tpu.vector_load %arg22[%get3A_2403] {strides = array<i32>} : memref<112xf32, #tpu.memory_space<vmem>>, vector<16xf32>,
        %get3A_2405 = arith.index_cast %multiple_of3A_2402 : i32 to index
        %get3A_2406 = tpu.vector_load %arg23[%get3A_2405] {strides = array<i32>} : memref<112xf32, #tpu.memory_space<vmem>>, vector<16xf32>,
        %get3A_2407 = arith.index_cast %multiple_of3A_2402 : i32 to index
        %get3A_2408 = tpu.vector_load %arg24[%get3A_2407] {strides = array<i32>} : memref<112xf32, #tpu.memory_space<vmem>>, vector<16xf32>,
        %get3A_2409 = arith.index_cast %multiple_of3A_2402 : i32 to index
        %get3A_2410 = tpu.vector_load %arg25[%get3A_2409] {strides = array<i32>} : memref<112xf32, #tpu.memory_space<vmem>>, vector<16xf32>,
        %min3A = arith.minimumf %gather3A_2388, %get3A_2408 : vector<16xf32>
        %max3A_2411 = arith.maximumf %gather3A_2386, %get3A_2404 : vector<16xf32>
        %sub3A_2412 = arith.subf %min3A, %max3A_2411 : vector<16xf32>
        %max3A_2413 = arith.constant 0.000000e+00 : f32
        %max3A_2414 = vector.broadcast %max3A_2413 : f32 to vector<16xf32>
        %max3A_2415 = arith.maximumf %sub3A_2412, %max3A_2414 : vector<16xf32>
        %min3A_2416 = arith.minimumf %gather3A_2389, %get3A_2410 : vector<16xf32>
        %max3A_2417 = arith.maximumf %gather3A_2387, %get3A_2406 : vector<16xf32>
        %sub3A_2418 = arith.subf %min3A_2416, %max3A_2417 : vector<16xf32>
        %max3A_2419 = arith.constant 0.000000e+00 : f32
        %max3A_2420 = vector.broadcast %max3A_2419 : f32 to vector<16xf32>
        %max3A_2421 = arith.maximumf %sub3A_2418, %max3A_2420 : vector<16xf32>
        %mul3A_2422 = arith.mulf %max3A_2415, %max3A_2421 : vector<16xf32>
        %sub3A_2423 = arith.subf %get3A_2408, %get3A_2404 : vector<16xf32>
        %max3A_2424 = arith.constant 0.000000e+00 : f32
        %max3A_2425 = vector.broadcast %max3A_2424 : f32 to vector<16xf32>
        %max3A_2426 = arith.maximumf %sub3A_2423, %max3A_2425 : vector<16xf32>
        %sub3A_2427 = arith.subf %get3A_2410, %get3A_2406 : vector<16xf32>
        %max3A_2428 = arith.constant 0.000000e+00 : f32
        %max3A_2429 = vector.broadcast %max3A_2428 : f32 to vector<16xf32>
        %max3A_2430 = arith.maximumf %sub3A_2427, %max3A_2429 : vector<16xf32>
        %mul3A_2431 = arith.mulf %max3A_2426, %max3A_2430 : vector<16xf32>
        %add3A_2432 = arith.addf %mul3A_2398, %mul3A_2431 : vector<16xf32>
        %sub3A_2433 = arith.subf %add3A_2432, %mul3A_2422 : vector<16xf32>
        %add3A_2434 = arith.constant 9.99999971E-10 : f32
        %add3A_2435 = vector.broadcast %add3A_2434 : f32 to vector<16xf32>
        %add3A_2436 = arith.addf %sub3A_2433, %add3A_2435 : vector<16xf32>
        %div3A_2437 = arith.divf %mul3A_2422, %add3A_2436 : vector<16xf32>
        %max3A_2438 = arith.maximumf %broadcast_in_dim3A_2400, %div3A_2437 : vector<16xf32>
        %multiple_of3A_2439 = arith.constant 16 : i32
        %multiple_of3A_2440 = tpu.assume_multiple %multiple_of3A_2439, 16 : i32
        %get3A_2441 = arith.index_cast %multiple_of3A_2440 : i32 to index
        %get3A_2442 = tpu.vector_load %arg22[%get3A_2441] {strides = array<i32>} : memref<112xf32, #tpu.memory_space<vmem>>, vector<16xf32>,
        %get3A_2443 = arith.index_cast %multiple_of3A_2440 : i32 to index
        %get3A_2444 = tpu.vector_load %arg23[%get3A_2443] {strides = array<i32>} : memref<112xf32, #tpu.memory_space<vmem>>, vector<16xf32>,
        %get3A_2445 = arith.index_cast %multiple_of3A_2440 : i32 to index
        %get3A_2446 = tpu.vector_load %arg24[%get3A_2445] {strides = array<i32>} : memref<112xf32, #tpu.memory_space<vmem>>, vector<16xf32>,
        %get3A_2447 = arith.index_cast %multiple_of3A_2440 : i32 to index
        %get3A_2448 = tpu.vector_load %arg25[%get3A_2447] {strides = array<i32>} : memref<112xf32, #tpu.memory_space<vmem>>, vector<16xf32>,
        %min3A_2449 = arith.minimumf %gather3A_2388, %get3A_2446 : vector<16xf32>
        %max3A_2450 = arith.maximumf %gather3A_2386, %get3A_2442 : vector<16xf32>
        %sub3A_2451 = arith.subf %min3A_2449, %max3A_2450 : vector<16xf32>
        %max3A_2452 = arith.constant 0.000000e+00 : f32
        %max3A_2453 = vector.broadcast %max3A_2452 : f32 to vector<16xf32>
        %max3A_2454 = arith.maximumf %sub3A_2451, %max3A_2453 : vector<16xf32>
        %min3A_2455 = arith.minimumf %gather3A_2389, %get3A_2448 : vector<16xf32>
        %max3A_2456 = arith.maximumf %gather3A_2387, %get3A_2444 : vector<16xf32>
        %sub3A_2457 = arith.subf %min3A_2455, %max3A_2456 : vector<16xf32>
        %max3A_2458 = arith.constant 0.000000e+00 : f32
        %max3A_2459 = vector.broadcast %max3A_2458 : f32 to vector<16xf32>
        %max3A_2460 = arith.maximumf %sub3A_2457, %max3A_2459 : vector<16xf32>
        %mul3A_2461 = arith.mulf %max3A_2454, %max3A_2460 : vector<16xf32>
        %sub3A_2462 = arith.subf %get3A_2446, %get3A_2442 : vector<16xf32>
        %max3A_2463 = arith.constant 0.000000e+00 : f32
        %max3A_2464 = vector.broadcast %max3A_2463 : f32 to vector<16xf32>
        %max3A_2465 = arith.maximumf %sub3A_2462, %max3A_2464 : vector<16xf32>
        %sub3A_2466 = arith.subf %get3A_2448, %get3A_2444 : vector<16xf32>
        %max3A_2467 = arith.constant 0.000000e+00 : f32
        %max3A_2468 = vector.broadcast %max3A_2467 : f32 to vector<16xf32>
        %max3A_2469 = arith.maximumf %sub3A_2466, %max3A_2468 : vector<16xf32>
        %mul3A_2470 = arith.mulf %max3A_2465, %max3A_2469 : vector<16xf32>
        %add3A_2471 = arith.addf %mul3A_2398, %mul3A_2470 : vector<16xf32>
        %sub3A_2472 = arith.subf %add3A_2471, %mul3A_2461 : vector<16xf32>
        %add3A_2473 = arith.constant 9.99999971E-10 : f32
        %add3A_2474 = vector.broadcast %add3A_2473 : f32 to vector<16xf32>
        %add3A_2475 = arith.addf %sub3A_2472, %add3A_2474 : vector<16xf32>
        %div3A_2476 = arith.divf %mul3A_2461, %add3A_2475 : vector<16xf32>
        %max3A_2477 = arith.maximumf %max3A_2438, %div3A_2476 : vector<16xf32>
        %multiple_of3A_2478 = arith.constant 32 : i32
        %multiple_of3A_2479 = tpu.assume_multiple %multiple_of3A_2478, 16 : i32
        %get3A_2480 = arith.index_cast %multiple_of3A_2479 : i32 to index
        %get3A_2481 = tpu.vector_load %arg22[%get3A_2480] {strides = array<i32>} : memref<112xf32, #tpu.memory_space<vmem>>, vector<16xf32>,
        %get3A_2482 = arith.index_cast %multiple_of3A_2479 : i32 to index
        %get3A_2483 = tpu.vector_load %arg23[%get3A_2482] {strides = array<i32>} : memref<112xf32, #tpu.memory_space<vmem>>, vector<16xf32>,
        %get3A_2484 = arith.index_cast %multiple_of3A_2479 : i32 to index
        %get3A_2485 = tpu.vector_load %arg24[%get3A_2484] {strides = array<i32>} : memref<112xf32, #tpu.memory_space<vmem>>, vector<16xf32>,
        %get3A_2486 = arith.index_cast %multiple_of3A_2479 : i32 to index
        %get3A_2487 = tpu.vector_load %arg25[%get3A_2486] {strides = array<i32>} : memref<112xf32, #tpu.memory_space<vmem>>, vector<16xf32>,
        %min3A_2488 = arith.minimumf %gather3A_2388, %get3A_2485 : vector<16xf32>
        %max3A_2489 = arith.maximumf %gather3A_2386, %get3A_2481 : vector<16xf32>
        %sub3A_2490 = arith.subf %min3A_2488, %max3A_2489 : vector<16xf32>
        %max3A_2491 = arith.constant 0.000000e+00 : f32
        %max3A_2492 = vector.broadcast %max3A_2491 : f32 to vector<16xf32>
        %max3A_2493 = arith.maximumf %sub3A_2490, %max3A_2492 : vector<16xf32>
        %min3A_2494 = arith.minimumf %gather3A_2389, %get3A_2487 : vector<16xf32>
        %max3A_2495 = arith.maximumf %gather3A_2387, %get3A_2483 : vector<16xf32>
        %sub3A_2496 = arith.subf %min3A_2494, %max3A_2495 : vector<16xf32>
        %max3A_2497 = arith.constant 0.000000e+00 : f32
        %max3A_2498 = vector.broadcast %max3A_2497 : f32 to vector<16xf32>
        %max3A_2499 = arith.maximumf %sub3A_2496, %max3A_2498 : vector<16xf32>
        %mul3A_2500 = arith.mulf %max3A_2493, %max3A_2499 : vector<16xf32>
        %sub3A_2501 = arith.subf %get3A_2485, %get3A_2481 : vector<16xf32>
        %max3A_2502 = arith.constant 0.000000e+00 : f32
        %max3A_2503 = vector.broadcast %max3A_2502 : f32 to vector<16xf32>
        %max3A_2504 = arith.maximumf %sub3A_2501, %max3A_2503 : vector<16xf32>
        %sub3A_2505 = arith.subf %get3A_2487, %get3A_2483 : vector<16xf32>
        %max3A_2506 = arith.constant 0.000000e+00 : f32
        %max3A_2507 = vector.broadcast %max3A_2506 : f32 to vector<16xf32>
        %max3A_2508 = arith.maximumf %sub3A_2505, %max3A_2507 : vector<16xf32>
        %mul3A_2509 = arith.mulf %max3A_2504, %max3A_2508 : vector<16xf32>
        %add3A_2510 = arith.addf %mul3A_2398, %mul3A_2509 : vector<16xf32>
        %sub3A_2511 = arith.subf %add3A_2510, %mul3A_2500 : vector<16xf32>
        %add3A_2512 = arith.constant 9.99999971E-10 : f32
        %add3A_2513 = vector.broadcast %add3A_2512 : f32 to vector<16xf32>
        %add3A_2514 = arith.addf %sub3A_2511, %add3A_2513 : vector<16xf32>
        %div3A_2515 = arith.divf %mul3A_2500, %add3A_2514 : vector<16xf32>
        %max3A_2516 = arith.maximumf %max3A_2477, %div3A_2515 : vector<16xf32>
        %multiple_of3A_2517 = arith.constant 48 : i32
        %multiple_of3A_2518 = tpu.assume_multiple %multiple_of3A_2517, 16 : i32
        %get3A_2519 = arith.index_cast %multiple_of3A_2518 : i32 to index
        %get3A_2520 = tpu.vector_load %arg22[%get3A_2519] {strides = array<i32>} : memref<112xf32, #tpu.memory_space<vmem>>, vector<16xf32>,
        %get3A_2521 = arith.index_cast %multiple_of3A_2518 : i32 to index
        %get3A_2522 = tpu.vector_load %arg23[%get3A_2521] {strides = array<i32>} : memref<112xf32, #tpu.memory_space<vmem>>, vector<16xf32>,
        %get3A_2523 = arith.index_cast %multiple_of3A_2518 : i32 to index
        %get3A_2524 = tpu.vector_load %arg24[%get3A_2523] {strides = array<i32>} : memref<112xf32, #tpu.memory_space<vmem>>, vector<16xf32>,
        %get3A_2525 = arith.index_cast %multiple_of3A_2518 : i32 to index
        %get3A_2526 = tpu.vector_load %arg25[%get3A_2525] {strides = array<i32>} : memref<112xf32, #tpu.memory_space<vmem>>, vector<16xf32>,
        %min3A_2527 = arith.minimumf %gather3A_2388, %get3A_2524 : vector<16xf32>
        %max3A_2528 = arith.maximumf %gather3A_2386, %get3A_2520 : vector<16xf32>
        %sub3A_2529 = arith.subf %min3A_2527, %max3A_2528 : vector<16xf32>
        %max3A_2530 = arith.constant 0.000000e+00 : f32
        %max3A_2531 = vector.broadcast %max3A_2530 : f32 to vector<16xf32>
        %max3A_2532 = arith.maximumf %sub3A_2529, %max3A_2531 : vector<16xf32>
        %min3A_2533 = arith.minimumf %gather3A_2389, %get3A_2526 : vector<16xf32>
        %max3A_2534 = arith.maximumf %gather3A_2387, %get3A_2522 : vector<16xf32>
        %sub3A_2535 = arith.subf %min3A_2533, %max3A_2534 : vector<16xf32>
        %max3A_2536 = arith.constant 0.000000e+00 : f32
        %max3A_2537 = vector.broadcast %max3A_2536 : f32 to vector<16xf32>
        %max3A_2538 = arith.maximumf %sub3A_2535, %max3A_2537 : vector<16xf32>
        %mul3A_2539 = arith.mulf %max3A_2532, %max3A_2538 : vector<16xf32>
        %sub3A_2540 = arith.subf %get3A_2524, %get3A_2520 : vector<16xf32>
        %max3A_2541 = arith.constant 0.000000e+00 : f32
        %max3A_2542 = vector.broadcast %max3A_2541 : f32 to vector<16xf32>
        %max3A_2543 = arith.maximumf %sub3A_2540, %max3A_2542 : vector<16xf32>
        %sub3A_2544 = arith.subf %get3A_2526, %get3A_2522 : vector<16xf32>
        %max3A_2545 = arith.constant 0.000000e+00 : f32
        %max3A_2546 = vector.broadcast %max3A_2545 : f32 to vector<16xf32>
        %max3A_2547 = arith.maximumf %sub3A_2544, %max3A_2546 : vector<16xf32>
        %mul3A_2548 = arith.mulf %max3A_2543, %max3A_2547 : vector<16xf32>
        %add3A_2549 = arith.addf %mul3A_2398, %mul3A_2548 : vector<16xf32>
        %sub3A_2550 = arith.subf %add3A_2549, %mul3A_2539 : vector<16xf32>
        %add3A_2551 = arith.constant 9.99999971E-10 : f32
        %add3A_2552 = vector.broadcast %add3A_2551 : f32 to vector<16xf32>
        %add3A_2553 = arith.addf %sub3A_2550, %add3A_2552 : vector<16xf32>
        %div3A_2554 = arith.divf %mul3A_2539, %add3A_2553 : vector<16xf32>
        %max3A_2555 = arith.maximumf %max3A_2516, %div3A_2554 : vector<16xf32>
        %multiple_of3A_2556 = arith.constant 64 : i32
        %multiple_of3A_2557 = tpu.assume_multiple %multiple_of3A_2556, 16 : i32
        %get3A_2558 = arith.index_cast %multiple_of3A_2557 : i32 to index
        %get3A_2559 = tpu.vector_load %arg22[%get3A_2558] {strides = array<i32>} : memref<112xf32, #tpu.memory_space<vmem>>, vector<16xf32>,
        %get3A_2560 = arith.index_cast %multiple_of3A_2557 : i32 to index
        %get3A_2561 = tpu.vector_load %arg23[%get3A_2560] {strides = array<i32>} : memref<112xf32, #tpu.memory_space<vmem>>, vector<16xf32>,
        %get3A_2562 = arith.index_cast %multiple_of3A_2557 : i32 to index
        %get3A_2563 = tpu.vector_load %arg24[%get3A_2562] {strides = array<i32>} : memref<112xf32, #tpu.memory_space<vmem>>, vector<16xf32>,
        %get3A_2564 = arith.index_cast %multiple_of3A_2557 : i32 to index
        %get3A_2565 = tpu.vector_load %arg25[%get3A_2564] {strides = array<i32>} : memref<112xf32, #tpu.memory_space<vmem>>, vector<16xf32>,
        %min3A_2566 = arith.minimumf %gather3A_2388, %get3A_2563 : vector<16xf32>
        %max3A_2567 = arith.maximumf %gather3A_2386, %get3A_2559 : vector<16xf32>
        %sub3A_2568 = arith.subf %min3A_2566, %max3A_2567 : vector<16xf32>
        %max3A_2569 = arith.constant 0.000000e+00 : f32
        %max3A_2570 = vector.broadcast %max3A_2569 : f32 to vector<16xf32>
        %max3A_2571 = arith.maximumf %sub3A_2568, %max3A_2570 : vector<16xf32>
        %min3A_2572 = arith.minimumf %gather3A_2389, %get3A_2565 : vector<16xf32>
        %max3A_2573 = arith.maximumf %gather3A_2387, %get3A_2561 : vector<16xf32>
        %sub3A_2574 = arith.subf %min3A_2572, %max3A_2573 : vector<16xf32>
        %max3A_2575 = arith.constant 0.000000e+00 : f32
        %max3A_2576 = vector.broadcast %max3A_2575 : f32 to vector<16xf32>
        %max3A_2577 = arith.maximumf %sub3A_2574, %max3A_2576 : vector<16xf32>
        %mul3A_2578 = arith.mulf %max3A_2571, %max3A_2577 : vector<16xf32>
        %sub3A_2579 = arith.subf %get3A_2563, %get3A_2559 : vector<16xf32>
        %max3A_2580 = arith.constant 0.000000e+00 : f32
        %max3A_2581 = vector.broadcast %max3A_2580 : f32 to vector<16xf32>
        %max3A_2582 = arith.maximumf %sub3A_2579, %max3A_2581 : vector<16xf32>
        %sub3A_2583 = arith.subf %get3A_2565, %get3A_2561 : vector<16xf32>
        %max3A_2584 = arith.constant 0.000000e+00 : f32
        %max3A_2585 = vector.broadcast %max3A_2584 : f32 to vector<16xf32>
        %max3A_2586 = arith.maximumf %sub3A_2583, %max3A_2585 : vector<16xf32>
        %mul3A_2587 = arith.mulf %max3A_2582, %max3A_2586 : vector<16xf32>
        %add3A_2588 = arith.addf %mul3A_2398, %mul3A_2587 : vector<16xf32>
        %sub3A_2589 = arith.subf %add3A_2588, %mul3A_2578 : vector<16xf32>
        %add3A_2590 = arith.constant 9.99999971E-10 : f32
        %add3A_2591 = vector.broadcast %add3A_2590 : f32 to vector<16xf32>
        %add3A_2592 = arith.addf %sub3A_2589, %add3A_2591 : vector<16xf32>
        %div3A_2593 = arith.divf %mul3A_2578, %add3A_2592 : vector<16xf32>
        %max3A_2594 = arith.maximumf %max3A_2555, %div3A_2593 : vector<16xf32>
        %multiple_of3A_2595 = arith.constant 80 : i32
        %multiple_of3A_2596 = tpu.assume_multiple %multiple_of3A_2595, 16 : i32
        %get3A_2597 = arith.index_cast %multiple_of3A_2596 : i32 to index
        %get3A_2598 = tpu.vector_load %arg22[%get3A_2597] {strides = array<i32>} : memref<112xf32, #tpu.memory_space<vmem>>, vector<16xf32>,
        %get3A_2599 = arith.index_cast %multiple_of3A_2596 : i32 to index
        %get3A_2600 = tpu.vector_load %arg23[%get3A_2599] {strides = array<i32>} : memref<112xf32, #tpu.memory_space<vmem>>, vector<16xf32>,
        %get3A_2601 = arith.index_cast %multiple_of3A_2596 : i32 to index
        %get3A_2602 = tpu.vector_load %arg24[%get3A_2601] {strides = array<i32>} : memref<112xf32, #tpu.memory_space<vmem>>, vector<16xf32>,
        %get3A_2603 = arith.index_cast %multiple_of3A_2596 : i32 to index
        %get3A_2604 = tpu.vector_load %arg25[%get3A_2603] {strides = array<i32>} : memref<112xf32, #tpu.memory_space<vmem>>, vector<16xf32>,
        %min3A_2605 = arith.minimumf %gather3A_2388, %get3A_2602 : vector<16xf32>
        %max3A_2606 = arith.maximumf %gather3A_2386, %get3A_2598 : vector<16xf32>
        %sub3A_2607 = arith.subf %min3A_2605, %max3A_2606 : vector<16xf32>
        %max3A_2608 = arith.constant 0.000000e+00 : f32
        %max3A_2609 = vector.broadcast %max3A_2608 : f32 to vector<16xf32>
        %max3A_2610 = arith.maximumf %sub3A_2607, %max3A_2609 : vector<16xf32>
        %min3A_2611 = arith.minimumf %gather3A_2389, %get3A_2604 : vector<16xf32>
        %max3A_2612 = arith.maximumf %gather3A_2387, %get3A_2600 : vector<16xf32>
        %sub3A_2613 = arith.subf %min3A_2611, %max3A_2612 : vector<16xf32>
        %max3A_2614 = arith.constant 0.000000e+00 : f32
        %max3A_2615 = vector.broadcast %max3A_2614 : f32 to vector<16xf32>
        %max3A_2616 = arith.maximumf %sub3A_2613, %max3A_2615 : vector<16xf32>
        %mul3A_2617 = arith.mulf %max3A_2610, %max3A_2616 : vector<16xf32>
        %sub3A_2618 = arith.subf %get3A_2602, %get3A_2598 : vector<16xf32>
        %max3A_2619 = arith.constant 0.000000e+00 : f32
        %max3A_2620 = vector.broadcast %max3A_2619 : f32 to vector<16xf32>
        %max3A_2621 = arith.maximumf %sub3A_2618, %max3A_2620 : vector<16xf32>
        %sub3A_2622 = arith.subf %get3A_2604, %get3A_2600 : vector<16xf32>
        %max3A_2623 = arith.constant 0.000000e+00 : f32
        %max3A_2624 = vector.broadcast %max3A_2623 : f32 to vector<16xf32>
        %max3A_2625 = arith.maximumf %sub3A_2622, %max3A_2624 : vector<16xf32>
        %mul3A_2626 = arith.mulf %max3A_2621, %max3A_2625 : vector<16xf32>
        %add3A_2627 = arith.addf %mul3A_2398, %mul3A_2626 : vector<16xf32>
        %sub3A_2628 = arith.subf %add3A_2627, %mul3A_2617 : vector<16xf32>
        %add3A_2629 = arith.constant 9.99999971E-10 : f32
        %add3A_2630 = vector.broadcast %add3A_2629 : f32 to vector<16xf32>
        %add3A_2631 = arith.addf %sub3A_2628, %add3A_2630 : vector<16xf32>
        %div3A_2632 = arith.divf %mul3A_2617, %add3A_2631 : vector<16xf32>
        %max3A_2633 = arith.maximumf %max3A_2594, %div3A_2632 : vector<16xf32>
        %multiple_of3A_2634 = arith.constant 96 : i32
        %multiple_of3A_2635 = tpu.assume_multiple %multiple_of3A_2634, 16 : i32
        %get3A_2636 = arith.index_cast %multiple_of3A_2635 : i32 to index
        %get3A_2637 = tpu.vector_load %arg22[%get3A_2636] {strides = array<i32>} : memref<112xf32, #tpu.memory_space<vmem>>, vector<16xf32>,
        %get3A_2638 = arith.index_cast %multiple_of3A_2635 : i32 to index
        %get3A_2639 = tpu.vector_load %arg23[%get3A_2638] {strides = array<i32>} : memref<112xf32, #tpu.memory_space<vmem>>, vector<16xf32>,
        %get3A_2640 = arith.index_cast %multiple_of3A_2635 : i32 to index
        %get3A_2641 = tpu.vector_load %arg24[%get3A_2640] {strides = array<i32>} : memref<112xf32, #tpu.memory_space<vmem>>, vector<16xf32>,
        %get3A_2642 = arith.index_cast %multiple_of3A_2635 : i32 to index
        %get3A_2643 = tpu.vector_load %arg25[%get3A_2642] {strides = array<i32>} : memref<112xf32, #tpu.memory_space<vmem>>, vector<16xf32>,
        %min3A_2644 = arith.minimumf %gather3A_2388, %get3A_2641 : vector<16xf32>
        %max3A_2645 = arith.maximumf %gather3A_2386, %get3A_2637 : vector<16xf32>
        %sub3A_2646 = arith.subf %min3A_2644, %max3A_2645 : vector<16xf32>
        %max3A_2647 = arith.constant 0.000000e+00 : f32
        %max3A_2648 = vector.broadcast %max3A_2647 : f32 to vector<16xf32>
        %max3A_2649 = arith.maximumf %sub3A_2646, %max3A_2648 : vector<16xf32>
        %min3A_2650 = arith.minimumf %gather3A_2389, %get3A_2643 : vector<16xf32>
        %max3A_2651 = arith.maximumf %gather3A_2387, %get3A_2639 : vector<16xf32>
        %sub3A_2652 = arith.subf %min3A_2650, %max3A_2651 : vector<16xf32>
        %max3A_2653 = arith.constant 0.000000e+00 : f32
        %max3A_2654 = vector.broadcast %max3A_2653 : f32 to vector<16xf32>
        %max3A_2655 = arith.maximumf %sub3A_2652, %max3A_2654 : vector<16xf32>
        %mul3A_2656 = arith.mulf %max3A_2649, %max3A_2655 : vector<16xf32>
        %sub3A_2657 = arith.subf %get3A_2641, %get3A_2637 : vector<16xf32>
        %max3A_2658 = arith.constant 0.000000e+00 : f32
        %max3A_2659 = vector.broadcast %max3A_2658 : f32 to vector<16xf32>
        %max3A_2660 = arith.maximumf %sub3A_2657, %max3A_2659 : vector<16xf32>
        %sub3A_2661 = arith.subf %get3A_2643, %get3A_2639 : vector<16xf32>
        %max3A_2662 = arith.constant 0.000000e+00 : f32
        %max3A_2663 = vector.broadcast %max3A_2662 : f32 to vector<16xf32>
        %max3A_2664 = arith.maximumf %sub3A_2661, %max3A_2663 : vector<16xf32>
        %mul3A_2665 = arith.mulf %max3A_2660, %max3A_2664 : vector<16xf32>
        %add3A_2666 = arith.addf %mul3A_2398, %mul3A_2665 : vector<16xf32>
        %sub3A_2667 = arith.subf %add3A_2666, %mul3A_2656 : vector<16xf32>
        %add3A_2668 = arith.constant 9.99999971E-10 : f32
        %add3A_2669 = vector.broadcast %add3A_2668 : f32 to vector<16xf32>
        %add3A_2670 = arith.addf %sub3A_2667, %add3A_2669 : vector<16xf32>
        %div3A_2671 = arith.divf %mul3A_2656, %add3A_2670 : vector<16xf32>
        %max3A_2672 = arith.maximumf %max3A_2633, %div3A_2671 : vector<16xf32>
        %gt3A = arith.constant 5.000000e-01 : f32
        %gt3A_2673 = vector.broadcast %gt3A : f32 to vector<16xf32>
        %gt3A_2674 = arith.cmpf ogt, %max3A_2672, %gt3A_2673 : vector<16xf32>
        %all_reduce_population_count3A = tpu.all_reduce %gt3A_2674 {dim = 0 : i64, kind = #tpu.reduction_kind<sum>} : vector<16xi1> -> vector<16xi32>
        %slice3A_2675 = vector.extract_strided_slice %all_reduce_population_count3A {offsets = [0], sizes = [1], strides = [1]} : vector<16xi32> to vector<1xi32>
        %squeeze3A_2676 = vector.extract %slice3A_2675[0] : i32 from vector<1xi32>
        %gt3A_2677 = arith.constant 0 : i32
        %gt3A_2678 = arith.cmpi sgt, %squeeze3A_2676, %gt3A_2677 : i32
        %not3A = arith.constant true
        %not3A_2679 = arith.xori %gt3A_2678, %not3A : i1
        %convert_element_type3A_2680 = arith.extui %not3A_2679 : i1 to i32
        %cond3A_2681 = arith.constant 0 : i32
        %cond3A_2682 = arith.cmpi ne, %convert_element_type3A_2680, %cond3A_2681 : i32
        scf.if %cond3A_2682 {
          %jit3A_2740 = arith.constant 16 : i32
          %div3A_2741 = arith.divsi %while3A_2337, %jit3A_2740 : i32
          %sign3A = arith.constant 0 : i32
          %sign3A_2742 = arith.cmpi sgt, %while3A_2337, %sign3A : i32
          %sign3A_2743 = arith.extui %sign3A_2742 : i1 to i32
          %sign3A_2744 = arith.constant 0 : i32
          %sign3A_2745 = arith.cmpi slt, %while3A_2337, %sign3A_2744 : i32
          %sign3A_2746 = arith.extui %sign3A_2745 : i1 to i32
          %sign3A_2747 = arith.subi %sign3A_2743, %sign3A_2746 : i32
          %sign3A_2748 = arith.constant 0 : i32
          %sign3A_2749 = arith.cmpi sgt, %jit3A_2740, %sign3A_2748 : i32
          %sign3A_2750 = arith.extui %sign3A_2749 : i1 to i32
          %sign3A_2751 = arith.constant 0 : i32
          %sign3A_2752 = arith.cmpi slt, %jit3A_2740, %sign3A_2751 : i32
          %sign3A_2753 = arith.extui %sign3A_2752 : i1 to i32
          %sign3A_2754 = arith.subi %sign3A_2750, %sign3A_2753 : i32
          %ne3A = arith.cmpi ne, %sign3A_2747, %sign3A_2754 : i32
          %rem3A = arith.remsi %while3A_2337, %jit3A_2740 : i32
          %ne3A_2755 = arith.constant 0 : i32
          %ne3A_2756 = arith.cmpi ne, %rem3A, %ne3A_2755 : i32
          %and3A_2757 = arith.andi %ne3A, %ne3A_2756 : i1
          %sub3A_2758 = arith.constant 1 : i32
          %sub3A_2759 = arith.subi %div3A_2741, %sub3A_2758 : i32
          %select_n3A_2760 = arith.select %and3A_2757, %sub3A_2759, %div3A_2741 : i32
          %mul3A_2761 = arith.constant 16 : i32
          %mul3A_2762 = arith.muli %select_n3A_2760, %mul3A_2761 : i32
          %multiple_of3A_2763 = tpu.assume_multiple %mul3A_2762, 16 : i32
          %and3A_2764 = arith.constant 15 : i32
          %and3A_2765 = arith.andi %while3A_2337, %and3A_2764 : i32
          %eq3A_2766 = vector.broadcast %and3A_2765 : i32 to vector<16xi32>
          %eq3A_2767 = arith.cmpi eq, %iota3A, %eq3A_2766 : vector<16xi32>
          %get3A_2768 = arith.index_cast %multiple_of3A_2763 : i32 to index
          %get3A_2769 = tpu.vector_load %arg22[%get3A_2768] {strides = array<i32>} : memref<112xf32, #tpu.memory_space<vmem>>, vector<16xf32>,
          %select_n3A_2770 = arith.select %eq3A_2767, %gather3A_2386, %get3A_2769 : vector<16xi1>, vector<16xf32>
          %swap3A_2771 = arith.index_cast %multiple_of3A_2763 : i32 to index
          %swap3A_2772 = tpu.vector_load %arg22[%swap3A_2771] {strides = array<i32>} : memref<112xf32, #tpu.memory_space<vmem>>, vector<16xf32>,
          tpu.vector_store %arg22[%swap3A_2771], %select_n3A_2770 {strides = array<i32>} : memref<112xf32, #tpu.memory_space<vmem>>, vector<16xf32>,
          %get3A_2773 = arith.index_cast %multiple_of3A_2763 : i32 to index
          %get3A_2774 = tpu.vector_load %arg23[%get3A_2773] {strides = array<i32>} : memref<112xf32, #tpu.memory_space<vmem>>, vector<16xf32>,
          %select_n3A_2775 = arith.select %eq3A_2767, %gather3A_2387, %get3A_2774 : vector<16xi1>, vector<16xf32>
          %swap3A_2776 = arith.index_cast %multiple_of3A_2763 : i32 to index
          %swap3A_2777 = tpu.vector_load %arg23[%swap3A_2776] {strides = array<i32>} : memref<112xf32, #tpu.memory_space<vmem>>, vector<16xf32>,
          tpu.vector_store %arg23[%swap3A_2776], %select_n3A_2775 {strides = array<i32>} : memref<112xf32, #tpu.memory_space<vmem>>, vector<16xf32>,
          %get3A_2778 = arith.index_cast %multiple_of3A_2763 : i32 to index
          %get3A_2779 = tpu.vector_load %arg24[%get3A_2778] {strides = array<i32>} : memref<112xf32, #tpu.memory_space<vmem>>, vector<16xf32>,
          %select_n3A_2780 = arith.select %eq3A_2767, %gather3A_2388, %get3A_2779 : vector<16xi1>, vector<16xf32>
          %swap3A_2781 = arith.index_cast %multiple_of3A_2763 : i32 to index
          %swap3A_2782 = tpu.vector_load %arg24[%swap3A_2781] {strides = array<i32>} : memref<112xf32, #tpu.memory_space<vmem>>, vector<16xf32>,
          tpu.vector_store %arg24[%swap3A_2781], %select_n3A_2780 {strides = array<i32>} : memref<112xf32, #tpu.memory_space<vmem>>, vector<16xf32>,
          %get3A_2783 = arith.index_cast %multiple_of3A_2763 : i32 to index
          %get3A_2784 = tpu.vector_load %arg25[%get3A_2783] {strides = array<i32>} : memref<112xf32, #tpu.memory_space<vmem>>, vector<16xf32>,
          %select_n3A_2785 = arith.select %eq3A_2767, %gather3A_2389, %get3A_2784 : vector<16xi1>, vector<16xf32>
          %swap3A_2786 = arith.index_cast %multiple_of3A_2763 : i32 to index
          %swap3A_2787 = tpu.vector_load %arg25[%swap3A_2786] {strides = array<i32>} : memref<112xf32, #tpu.memory_space<vmem>>, vector<16xf32>,
          tpu.vector_store %arg25[%swap3A_2786], %select_n3A_2785 {strides = array<i32>} : memref<112xf32, #tpu.memory_space<vmem>>, vector<16xf32>,
          %get3A_2788 = arith.index_cast %multiple_of3A_2763 : i32 to index
          %get3A_2789 = tpu.vector_load %arg26[%get3A_2788] {strides = array<i32>} : memref<112xf32, #tpu.memory_space<vmem>>, vector<16xf32>,
          %broadcast_in_dim3A_2790 = vector.broadcast %while3A_2338 : f32 to vector<16xf32>
          %select_n3A_2791 = arith.select %eq3A_2767, %broadcast_in_dim3A_2790, %get3A_2789 : vector<16xi1>, vector<16xf32>
          %swap3A_2792 = arith.index_cast %multiple_of3A_2763 : i32 to index
          %swap3A_2793 = tpu.vector_load %arg26[%swap3A_2792] {strides = array<i32>} : memref<112xf32, #tpu.memory_space<vmem>>, vector<16xf32>,
          tpu.vector_store %arg26[%swap3A_2792], %select_n3A_2791 {strides = array<i32>} : memref<112xf32, #tpu.memory_space<vmem>>, vector<16xf32>,
        } else {
        }
        %jit3A_2683 = arith.constant 0 : i32
        %jit3A_2684 = arith.constant 1 : i32
        %select_n3A_2685 = arith.select %gt3A_2678, %jit3A_2683, %jit3A_2684 : i32
        %add3A_2686 = arith.addi %while3A_2337, %select_n3A_2685 : i32
        %jit3A_2687 = arith.constant -1.000000e+09 : f32
        %broadcast_in_dim3A_2688 = vector.broadcast %jit3A_2687 : f32 to vector<16xf32>
        %select_n3A_2689 = arith.select %eq3A_2383, %broadcast_in_dim3A_2688, %get3A_2379 : vector<16xi1>, vector<16xf32>
        %swap3A_2690 = arith.index_cast %multiple_of3A_2377 : i32 to index
        %swap3A_2691 = tpu.vector_load %arg17[%swap3A_2690] {strides = array<i32>} : memref<20480xf32, #tpu.memory_space<vmem>>, vector<16xf32>,
        tpu.vector_store %arg17[%swap3A_2690], %select_n3A_2689 {strides = array<i32>} : memref<20480xf32, #tpu.memory_space<vmem>>, vector<16xf32>,
        %and3A = arith.constant 15 : i32
        %and3A_2692 = arith.andi %add3A_2374, %and3A : i32
        %eq3A_2693 = vector.broadcast %and3A_2692 : i32 to vector<16xi32>
        %eq3A_2694 = arith.cmpi eq, %iota3A, %eq3A_2693 : vector<16xi32>
        %reduce_max3A_2695 = arith.constant true
        %reduce_max3A_2696 = vector.broadcast %reduce_max3A_2695 : i1 to vector<16xi1>
        %reduce_max3A_2697 = tpu.scan <max>, %select_n3A_2689 masked %reduce_max3A_2696 : vector<16xf32>, vector<16xi1> -> vector<16xf32>
        %reduce_max3A_2698 = vector.extract %reduce_max3A_2697[15] : f32 from vector<16xf32>
        %broadcast_in_dim3A_2699 = vector.broadcast %reduce_max3A_2698 : f32 to vector<16xf32>
        %select_n3A_2700 = arith.select %eq3A_2694, %broadcast_in_dim3A_2699, %get3A_2366 : vector<16xi1>, vector<16xf32>
        %mul3A_2701 = arith.constant 16 : i32
        %mul3A_2702 = arith.muli %add3A_2361, %mul3A_2701 : i32
        %multiple_of3A_2703 = tpu.assume_multiple %mul3A_2702, 16 : i32
        %swap3A_2704 = arith.index_cast %multiple_of3A_2703 : i32 to index
        %swap3A_2705 = tpu.vector_load %arg5[%swap3A_2704] {strides = array<i32>} : memref<1280xf32, #tpu.memory_space<vmem>>, vector<16xf32>,
        tpu.vector_store %arg5[%swap3A_2704], %select_n3A_2700 {strides = array<i32>} : memref<1280xf32, #tpu.memory_space<vmem>>, vector<16xf32>,
        %sub3A_2706 = arith.subi %add3A_2361, %select_n3A_2356 : i32
        %eq3A_2707 = vector.broadcast %sub3A_2706 : i32 to vector<16xi32>
        %eq3A_2708 = arith.cmpi eq, %iota3A, %eq3A_2707 : vector<16xi32>
        %reduce_max3A_2709 = arith.constant true
        %reduce_max3A_2710 = vector.broadcast %reduce_max3A_2709 : i1 to vector<16xi1>
        %reduce_max3A_2711 = tpu.scan <max>, %select_n3A_2700 masked %reduce_max3A_2710 : vector<16xf32>, vector<16xi1> -> vector<16xf32>
        %reduce_max3A_2712 = vector.extract %reduce_max3A_2711[15] : f32 from vector<16xf32>
        %broadcast_in_dim3A_2713 = vector.broadcast %reduce_max3A_2712 : f32 to vector<16xf32>
        %select_n3A_2714 = arith.select %eq3A_2708, %broadcast_in_dim3A_2713, %get3A_2358 : vector<16xi1>, vector<16xf32>
        %swap3A_2715 = arith.index_cast %multiple_of3A : i32 to index
        %swap3A_2716 = tpu.vector_load %arg6[%swap3A_2715] {strides = array<i32>} : memref<1280xf32, #tpu.memory_space<vmem>>, vector<16xf32>,
        tpu.vector_store %arg6[%swap3A_2715], %select_n3A_2714 {strides = array<i32>} : memref<1280xf32, #tpu.memory_space<vmem>>, vector<16xf32>,
        %reduce_max3A_2717 = arith.constant true
        %reduce_max3A_2718 = vector.broadcast %reduce_max3A_2717 : i1 to vector<16xi1>
        %reduce_max3A_2719 = tpu.scan <max>, %select_n3A_2714 masked %reduce_max3A_2718 : vector<16xf32>, vector<16xi1> -> vector<16xf32>
        %reduce_max3A_2720 = vector.extract %reduce_max3A_2719[15] : f32 from vector<16xf32>
        %eq3A_2721 = arith.constant 0 : i32
        %eq3A_2722 = arith.cmpi eq, %select_n3A_2356, %eq3A_2721 : i32
        %select_n3A_2723 = arith.select %eq3A_2722, %reduce_max3A_2720, %while3A_2339 : f32
        %eq3A_2724 = arith.constant 16 : i32
        %eq3A_2725 = arith.cmpi eq, %select_n3A_2356, %eq3A_2724 : i32
        %select_n3A_2726 = arith.select %eq3A_2725, %reduce_max3A_2720, %while3A_2340 : f32
        %eq3A_2727 = arith.constant 32 : i32
        %eq3A_2728 = arith.cmpi eq, %select_n3A_2356, %eq3A_2727 : i32
        %select_n3A_2729 = arith.select %eq3A_2728, %reduce_max3A_2720, %while3A_2341 : f32
        %eq3A_2730 = arith.constant 48 : i32
        %eq3A_2731 = arith.cmpi eq, %select_n3A_2356, %eq3A_2730 : i32
        %select_n3A_2732 = arith.select %eq3A_2731, %reduce_max3A_2720, %while3A_2342 : f32
        %eq3A_2733 = arith.constant 64 : i32
        %eq3A_2734 = arith.cmpi eq, %select_n3A_2356, %eq3A_2733 : i32
        %select_n3A_2735 = arith.select %eq3A_2734, %reduce_max3A_2720, %while3A_2343 : f32
        %max3A_2736 = arith.maximumf %select_n3A_2723, %select_n3A_2726 : f32
        %max3A_2737 = arith.maximumf %select_n3A_2729, %select_n3A_2732 : f32
        %max3A_2738 = arith.maximumf %max3A_2736, %max3A_2737 : f32
        %max3A_2739 = arith.maximumf %max3A_2738, %select_n3A_2735 : f32
        scf.yield %add3A_2686, %max3A_2739, %select_n3A_2723, %select_n3A_2726, %select_n3A_2729, %select_n3A_2732, %select_n3A_2735 : i32, f32, f32, f32, f32, f32, f32
      }
      %get3A_1972 = arith.constant 0 : index
      %get3A_1973 = tpu.vector_load %arg18[%get3A_1972] {strides = array<i32>} : memref<20480xf32, #tpu.memory_space<vmem>>, vector<16xf32>,
      %iota3A_1974 = tpu.iota {dimensions = array<i32: 0>} : vector<16xi32>
      %eq3A_1975 = arith.constant 0 : i32
      %eq3A_1976 = vector.broadcast %eq3A_1975 : i32 to vector<16xi32>
      %eq3A_1977 = arith.cmpi eq, %iota3A_1974, %eq3A_1976 : vector<16xi32>
      %jit3A_1978 = arith.constant -1.000000e+09 : f32
      %broadcast_in_dim3A_1979 = vector.broadcast %jit3A_1978 : f32 to vector<16xf32>
      %select_n3A_1980 = arith.select %eq3A_1977, %get3A_1973, %broadcast_in_dim3A_1979 : vector<16xi1>, vector<16xf32>
      %reduce_max3A_1981 = arith.constant true
      %reduce_max3A_1982 = vector.broadcast %reduce_max3A_1981 : i1 to vector<16xi1>
      %reduce_max3A_1983 = tpu.scan <max>, %select_n3A_1980 masked %reduce_max3A_1982 : vector<16xf32>, vector<16xi1> -> vector<16xf32>
      %reduce_max3A_1984 = vector.extract %reduce_max3A_1983[15] : f32 from vector<16xf32>
      %get3A_1985 = arith.constant 0 : index
      %get3A_1986 = tpu.vector_load %arg19[%get3A_1985] {strides = array<i32>} : memref<20480xf32, #tpu.memory_space<vmem>>, vector<16xf32>,
      %iota3A_1987 = tpu.iota {dimensions = array<i32: 0>} : vector<16xi32>
      %eq3A_1988 = arith.constant 0 : i32
      %eq3A_1989 = vector.broadcast %eq3A_1988 : i32 to vector<16xi32>
      %eq3A_1990 = arith.cmpi eq, %iota3A_1987, %eq3A_1989 : vector<16xi32>
      %jit3A_1991 = arith.constant -1.000000e+09 : f32
      %broadcast_in_dim3A_1992 = vector.broadcast %jit3A_1991 : f32 to vector<16xf32>
      %select_n3A_1993 = arith.select %eq3A_1990, %get3A_1986, %broadcast_in_dim3A_1992 : vector<16xi1>, vector<16xf32>
      %reduce_max3A_1994 = arith.constant true
      %reduce_max3A_1995 = vector.broadcast %reduce_max3A_1994 : i1 to vector<16xi1>
      %reduce_max3A_1996 = tpu.scan <max>, %select_n3A_1993 masked %reduce_max3A_1995 : vector<16xf32>, vector<16xi1> -> vector<16xf32>
      %reduce_max3A_1997 = vector.extract %reduce_max3A_1996[15] : f32 from vector<16xf32>
      %get3A_1998 = arith.constant 0 : index
      %get3A_1999 = tpu.vector_load %arg20[%get3A_1998] {strides = array<i32>} : memref<20480xf32, #tpu.memory_space<vmem>>, vector<16xf32>,
      %iota3A_2000 = tpu.iota {dimensions = array<i32: 0>} : vector<16xi32>
      %eq3A_2001 = arith.constant 0 : i32
      %eq3A_2002 = vector.broadcast %eq3A_2001 : i32 to vector<16xi32>
      %eq3A_2003 = arith.cmpi eq, %iota3A_2000, %eq3A_2002 : vector<16xi32>
      %jit3A_2004 = arith.constant -1.000000e+09 : f32
      %broadcast_in_dim3A_2005 = vector.broadcast %jit3A_2004 : f32 to vector<16xf32>
      %select_n3A_2006 = arith.select %eq3A_2003, %get3A_1999, %broadcast_in_dim3A_2005 : vector<16xi1>, vector<16xf32>
      %reduce_max3A_2007 = arith.constant true
      %reduce_max3A_2008 = vector.broadcast %reduce_max3A_2007 : i1 to vector<16xi1>
      %reduce_max3A_2009 = tpu.scan <max>, %select_n3A_2006 masked %reduce_max3A_2008 : vector<16xf32>, vector<16xi1> -> vector<16xf32>
      %reduce_max3A_2010 = vector.extract %reduce_max3A_2009[15] : f32 from vector<16xf32>
      %get3A_2011 = arith.constant 0 : index
      %get3A_2012 = tpu.vector_load %arg21[%get3A_2011] {strides = array<i32>} : memref<20480xf32, #tpu.memory_space<vmem>>, vector<16xf32>,
      %iota3A_2013 = tpu.iota {dimensions = array<i32: 0>} : vector<16xi32>
      %eq3A_2014 = arith.constant 0 : i32
      %eq3A_2015 = vector.broadcast %eq3A_2014 : i32 to vector<16xi32>
      %eq3A_2016 = arith.cmpi eq, %iota3A_2013, %eq3A_2015 : vector<16xi32>
      %jit3A_2017 = arith.constant -1.000000e+09 : f32
      %broadcast_in_dim3A_2018 = vector.broadcast %jit3A_2017 : f32 to vector<16xf32>
      %select_n3A_2019 = arith.select %eq3A_2016, %get3A_2012, %broadcast_in_dim3A_2018 : vector<16xi1>, vector<16xf32>
      %reduce_max3A_2020 = arith.constant true
      %reduce_max3A_2021 = vector.broadcast %reduce_max3A_2020 : i1 to vector<16xi1>
      %reduce_max3A_2022 = tpu.scan <max>, %select_n3A_2019 masked %reduce_max3A_2021 : vector<16xf32>, vector<16xi1> -> vector<16xf32>
      %reduce_max3A_2023 = vector.extract %reduce_max3A_2022[15] : f32 from vector<16xf32>
      %get3A_2024 = arith.constant 0 : index
      %get3A_2025 = tpu.vector_load %arg16[%get3A_2024] {strides = array<i32>} : memref<16xf32, #tpu.memory_space<vmem>>, vector<16xf32>,
      %iota3A_2026 = tpu.iota {dimensions = array<i32: 0>} : vector<16xi32>
      %eq3A_2027 = arith.constant 0 : i32
      %eq3A_2028 = vector.broadcast %eq3A_2027 : i32 to vector<16xi32>
      %eq3A_2029 = arith.cmpi eq, %iota3A_2026, %eq3A_2028 : vector<16xi32>
      %jit3A_2030 = arith.constant -1.000000e+09 : f32
      %broadcast_in_dim3A_2031 = vector.broadcast %jit3A_2030 : f32 to vector<16xf32>
      %select_n3A_2032 = arith.select %eq3A_2029, %get3A_2025, %broadcast_in_dim3A_2031 : vector<16xi1>, vector<16xf32>
      %reduce_max3A_2033 = arith.constant true
      %reduce_max3A_2034 = vector.broadcast %reduce_max3A_2033 : i1 to vector<16xi1>
      %reduce_max3A_2035 = tpu.scan <max>, %select_n3A_2032 masked %reduce_max3A_2034 : vector<16xf32>, vector<16xi1> -> vector<16xf32>
      %reduce_max3A_2036 = vector.extract %reduce_max3A_2035[15] : f32 from vector<16xf32>
      %add3A_2037 = arith.constant 0 : i32
      %add3A_2038 = vector.broadcast %add3A_2037 : i32 to vector<16xi32>
      %add3A_2039 = arith.addi %add3A_2038, %iota3A : vector<16xi32>
      %lt3A = vector.broadcast %while3A_1971#0 : i32 to vector<16xi32>
      %lt3A_2040 = arith.cmpi slt, %add3A_2039, %lt3A : vector<16xi32>
      %add3A_2041 = arith.constant 0 : i32
      %add3A_2042 = vector.broadcast %add3A_2041 : i32 to vector<16xi32>
      %add3A_2043 = arith.addi %add3A_2042, %iota3A : vector<16xi32>
      %mul3A_2044 = arith.constant 5 : i32
      %mul3A_2045 = vector.broadcast %mul3A_2044 : i32 to vector<16xi32>
      %mul3A_2046 = arith.muli %add3A_2043, %mul3A_2045 : vector<16xi32>
      %get3A_2047 = arith.constant 0 : index
      %get3A_2048 = tpu.vector_load %arg22[%get3A_2047] {strides = array<i32>} : memref<112xf32, #tpu.memory_space<vmem>>, vector<16xf32>,
      %broadcast_in_dim3A_2049 = vector.broadcast %reduce_max3A_1984 : f32 to vector<16xf32>
      %select_n3A_2050 = arith.select %lt3A_2040, %get3A_2048, %broadcast_in_dim3A_2049 : vector<16xi1>, vector<16xf32>
      tpu.vector_store_idx %arg7[%mul3A_2046], %select_n3A_2050 : memref<1280xf32, #tpu.memory_space<vmem>>[vector<16xi32>], vector<16xf32>,
      %add3A_2051 = arith.constant 1 : i32
      %add3A_2052 = vector.broadcast %add3A_2051 : i32 to vector<16xi32>
      %add3A_2053 = arith.addi %mul3A_2046, %add3A_2052 : vector<16xi32>
      %get3A_2054 = arith.constant 0 : index
      %get3A_2055 = tpu.vector_load %arg23[%get3A_2054] {strides = array<i32>} : memref<112xf32, #tpu.memory_space<vmem>>, vector<16xf32>,
      %broadcast_in_dim3A_2056 = vector.broadcast %reduce_max3A_1997 : f32 to vector<16xf32>
      %select_n3A_2057 = arith.select %lt3A_2040, %get3A_2055, %broadcast_in_dim3A_2056 : vector<16xi1>, vector<16xf32>
      tpu.vector_store_idx %arg7[%add3A_2053], %select_n3A_2057 : memref<1280xf32, #tpu.memory_space<vmem>>[vector<16xi32>], vector<16xf32>,
      %add3A_2058 = arith.constant 2 : i32
      %add3A_2059 = vector.broadcast %add3A_2058 : i32 to vector<16xi32>
      %add3A_2060 = arith.addi %mul3A_2046, %add3A_2059 : vector<16xi32>
      %get3A_2061 = arith.constant 0 : index
      %get3A_2062 = tpu.vector_load %arg24[%get3A_2061] {strides = array<i32>} : memref<112xf32, #tpu.memory_space<vmem>>, vector<16xf32>,
      %broadcast_in_dim3A_2063 = vector.broadcast %reduce_max3A_2010 : f32 to vector<16xf32>
      %select_n3A_2064 = arith.select %lt3A_2040, %get3A_2062, %broadcast_in_dim3A_2063 : vector<16xi1>, vector<16xf32>
      tpu.vector_store_idx %arg7[%add3A_2060], %select_n3A_2064 : memref<1280xf32, #tpu.memory_space<vmem>>[vector<16xi32>], vector<16xf32>,
      %add3A_2065 = arith.constant 3 : i32
      %add3A_2066 = vector.broadcast %add3A_2065 : i32 to vector<16xi32>
      %add3A_2067 = arith.addi %mul3A_2046, %add3A_2066 : vector<16xi32>
      %get3A_2068 = arith.constant 0 : index
      %get3A_2069 = tpu.vector_load %arg25[%get3A_2068] {strides = array<i32>} : memref<112xf32, #tpu.memory_space<vmem>>, vector<16xf32>,
      %broadcast_in_dim3A_2070 = vector.broadcast %reduce_max3A_2023 : f32 to vector<16xf32>
      %select_n3A_2071 = arith.select %lt3A_2040, %get3A_2069, %broadcast_in_dim3A_2070 : vector<16xi1>, vector<16xf32>
      tpu.vector_store_idx %arg7[%add3A_2067], %select_n3A_2071 : memref<1280xf32, #tpu.memory_space<vmem>>[vector<16xi32>], vector<16xf32>,
      %add3A_2072 = arith.constant 4 : i32
      %add3A_2073 = vector.broadcast %add3A_2072 : i32 to vector<16xi32>
      %add3A_2074 = arith.addi %mul3A_2046, %add3A_2073 : vector<16xi32>
      %get3A_2075 = arith.constant 0 : index
      %get3A_2076 = tpu.vector_load %arg26[%get3A_2075] {strides = array<i32>} : memref<112xf32, #tpu.memory_space<vmem>>, vector<16xf32>,
      %broadcast_in_dim3A_2077 = vector.broadcast %reduce_max3A_2036 : f32 to vector<16xf32>
      %select_n3A_2078 = arith.select %lt3A_2040, %get3A_2076, %broadcast_in_dim3A_2077 : vector<16xi1>, vector<16xf32>
      tpu.vector_store_idx %arg7[%add3A_2074], %select_n3A_2078 : memref<1280xf32, #tpu.memory_space<vmem>>[vector<16xi32>], vector<16xf32>,
      %add3A_2079 = arith.constant 16 : i32
      %add3A_2080 = vector.broadcast %add3A_2079 : i32 to vector<16xi32>
      %add3A_2081 = arith.addi %add3A_2080, %iota3A : vector<16xi32>
      %lt3A_2082 = vector.broadcast %while3A_1971#0 : i32 to vector<16xi32>
      %lt3A_2083 = arith.cmpi slt, %add3A_2081, %lt3A_2082 : vector<16xi32>
      %add3A_2084 = arith.constant 16 : i32
      %add3A_2085 = vector.broadcast %add3A_2084 : i32 to vector<16xi32>
      %add3A_2086 = arith.addi %add3A_2085, %iota3A : vector<16xi32>
      %mul3A_2087 = arith.constant 5 : i32
      %mul3A_2088 = vector.broadcast %mul3A_2087 : i32 to vector<16xi32>
      %mul3A_2089 = arith.muli %add3A_2086, %mul3A_2088 : vector<16xi32>
      %get3A_2090 = arith.constant 16 : index
      %get3A_2091 = tpu.vector_load %arg22[%get3A_2090] {strides = array<i32>} : memref<112xf32, #tpu.memory_space<vmem>>, vector<16xf32>,
      %broadcast_in_dim3A_2092 = vector.broadcast %reduce_max3A_1984 : f32 to vector<16xf32>
      %select_n3A_2093 = arith.select %lt3A_2083, %get3A_2091, %broadcast_in_dim3A_2092 : vector<16xi1>, vector<16xf32>
      tpu.vector_store_idx %arg7[%mul3A_2089], %select_n3A_2093 : memref<1280xf32, #tpu.memory_space<vmem>>[vector<16xi32>], vector<16xf32>,
      %add3A_2094 = arith.constant 1 : i32
      %add3A_2095 = vector.broadcast %add3A_2094 : i32 to vector<16xi32>
      %add3A_2096 = arith.addi %mul3A_2089, %add3A_2095 : vector<16xi32>
      %get3A_2097 = arith.constant 16 : index
      %get3A_2098 = tpu.vector_load %arg23[%get3A_2097] {strides = array<i32>} : memref<112xf32, #tpu.memory_space<vmem>>, vector<16xf32>,
      %broadcast_in_dim3A_2099 = vector.broadcast %reduce_max3A_1997 : f32 to vector<16xf32>
      %select_n3A_2100 = arith.select %lt3A_2083, %get3A_2098, %broadcast_in_dim3A_2099 : vector<16xi1>, vector<16xf32>
      tpu.vector_store_idx %arg7[%add3A_2096], %select_n3A_2100 : memref<1280xf32, #tpu.memory_space<vmem>>[vector<16xi32>], vector<16xf32>,
      %add3A_2101 = arith.constant 2 : i32
      %add3A_2102 = vector.broadcast %add3A_2101 : i32 to vector<16xi32>
      %add3A_2103 = arith.addi %mul3A_2089, %add3A_2102 : vector<16xi32>
      %get3A_2104 = arith.constant 16 : index
      %get3A_2105 = tpu.vector_load %arg24[%get3A_2104] {strides = array<i32>} : memref<112xf32, #tpu.memory_space<vmem>>, vector<16xf32>,
      %broadcast_in_dim3A_2106 = vector.broadcast %reduce_max3A_2010 : f32 to vector<16xf32>
      %select_n3A_2107 = arith.select %lt3A_2083, %get3A_2105, %broadcast_in_dim3A_2106 : vector<16xi1>, vector<16xf32>
      tpu.vector_store_idx %arg7[%add3A_2103], %select_n3A_2107 : memref<1280xf32, #tpu.memory_space<vmem>>[vector<16xi32>], vector<16xf32>,
      %add3A_2108 = arith.constant 3 : i32
      %add3A_2109 = vector.broadcast %add3A_2108 : i32 to vector<16xi32>
      %add3A_2110 = arith.addi %mul3A_2089, %add3A_2109 : vector<16xi32>
      %get3A_2111 = arith.constant 16 : index
      %get3A_2112 = tpu.vector_load %arg25[%get3A_2111] {strides = array<i32>} : memref<112xf32, #tpu.memory_space<vmem>>, vector<16xf32>,
      %broadcast_in_dim3A_2113 = vector.broadcast %reduce_max3A_2023 : f32 to vector<16xf32>
      %select_n3A_2114 = arith.select %lt3A_2083, %get3A_2112, %broadcast_in_dim3A_2113 : vector<16xi1>, vector<16xf32>
      tpu.vector_store_idx %arg7[%add3A_2110], %select_n3A_2114 : memref<1280xf32, #tpu.memory_space<vmem>>[vector<16xi32>], vector<16xf32>,
      %add3A_2115 = arith.constant 4 : i32
      %add3A_2116 = vector.broadcast %add3A_2115 : i32 to vector<16xi32>
      %add3A_2117 = arith.addi %mul3A_2089, %add3A_2116 : vector<16xi32>
      %get3A_2118 = arith.constant 16 : index
      %get3A_2119 = tpu.vector_load %arg26[%get3A_2118] {strides = array<i32>} : memref<112xf32, #tpu.memory_space<vmem>>, vector<16xf32>,
      %broadcast_in_dim3A_2120 = vector.broadcast %reduce_max3A_2036 : f32 to vector<16xf32>
      %select_n3A_2121 = arith.select %lt3A_2083, %get3A_2119, %broadcast_in_dim3A_2120 : vector<16xi1>, vector<16xf32>
      tpu.vector_store_idx %arg7[%add3A_2117], %select_n3A_2121 : memref<1280xf32, #tpu.memory_space<vmem>>[vector<16xi32>], vector<16xf32>,
      %add3A_2122 = arith.constant 32 : i32
      %add3A_2123 = vector.broadcast %add3A_2122 : i32 to vector<16xi32>
      %add3A_2124 = arith.addi %add3A_2123, %iota3A : vector<16xi32>
      %lt3A_2125 = vector.broadcast %while3A_1971#0 : i32 to vector<16xi32>
      %lt3A_2126 = arith.cmpi slt, %add3A_2124, %lt3A_2125 : vector<16xi32>
      %add3A_2127 = arith.constant 32 : i32
      %add3A_2128 = vector.broadcast %add3A_2127 : i32 to vector<16xi32>
      %add3A_2129 = arith.addi %add3A_2128, %iota3A : vector<16xi32>
      %mul3A_2130 = arith.constant 5 : i32
      %mul3A_2131 = vector.broadcast %mul3A_2130 : i32 to vector<16xi32>
      %mul3A_2132 = arith.muli %add3A_2129, %mul3A_2131 : vector<16xi32>
      %get3A_2133 = arith.constant 32 : index
      %get3A_2134 = tpu.vector_load %arg22[%get3A_2133] {strides = array<i32>} : memref<112xf32, #tpu.memory_space<vmem>>, vector<16xf32>,
      %broadcast_in_dim3A_2135 = vector.broadcast %reduce_max3A_1984 : f32 to vector<16xf32>
      %select_n3A_2136 = arith.select %lt3A_2126, %get3A_2134, %broadcast_in_dim3A_2135 : vector<16xi1>, vector<16xf32>
      tpu.vector_store_idx %arg7[%mul3A_2132], %select_n3A_2136 : memref<1280xf32, #tpu.memory_space<vmem>>[vector<16xi32>], vector<16xf32>,
      %add3A_2137 = arith.constant 1 : i32
      %add3A_2138 = vector.broadcast %add3A_2137 : i32 to vector<16xi32>
      %add3A_2139 = arith.addi %mul3A_2132, %add3A_2138 : vector<16xi32>
      %get3A_2140 = arith.constant 32 : index
      %get3A_2141 = tpu.vector_load %arg23[%get3A_2140] {strides = array<i32>} : memref<112xf32, #tpu.memory_space<vmem>>, vector<16xf32>,
      %broadcast_in_dim3A_2142 = vector.broadcast %reduce_max3A_1997 : f32 to vector<16xf32>
      %select_n3A_2143 = arith.select %lt3A_2126, %get3A_2141, %broadcast_in_dim3A_2142 : vector<16xi1>, vector<16xf32>
      tpu.vector_store_idx %arg7[%add3A_2139], %select_n3A_2143 : memref<1280xf32, #tpu.memory_space<vmem>>[vector<16xi32>], vector<16xf32>,
      %add3A_2144 = arith.constant 2 : i32
      %add3A_2145 = vector.broadcast %add3A_2144 : i32 to vector<16xi32>
      %add3A_2146 = arith.addi %mul3A_2132, %add3A_2145 : vector<16xi32>
      %get3A_2147 = arith.constant 32 : index
      %get3A_2148 = tpu.vector_load %arg24[%get3A_2147] {strides = array<i32>} : memref<112xf32, #tpu.memory_space<vmem>>, vector<16xf32>,
      %broadcast_in_dim3A_2149 = vector.broadcast %reduce_max3A_2010 : f32 to vector<16xf32>
      %select_n3A_2150 = arith.select %lt3A_2126, %get3A_2148, %broadcast_in_dim3A_2149 : vector<16xi1>, vector<16xf32>
      tpu.vector_store_idx %arg7[%add3A_2146], %select_n3A_2150 : memref<1280xf32, #tpu.memory_space<vmem>>[vector<16xi32>], vector<16xf32>,
      %add3A_2151 = arith.constant 3 : i32
      %add3A_2152 = vector.broadcast %add3A_2151 : i32 to vector<16xi32>
      %add3A_2153 = arith.addi %mul3A_2132, %add3A_2152 : vector<16xi32>
      %get3A_2154 = arith.constant 32 : index
      %get3A_2155 = tpu.vector_load %arg25[%get3A_2154] {strides = array<i32>} : memref<112xf32, #tpu.memory_space<vmem>>, vector<16xf32>,
      %broadcast_in_dim3A_2156 = vector.broadcast %reduce_max3A_2023 : f32 to vector<16xf32>
      %select_n3A_2157 = arith.select %lt3A_2126, %get3A_2155, %broadcast_in_dim3A_2156 : vector<16xi1>, vector<16xf32>
      tpu.vector_store_idx %arg7[%add3A_2153], %select_n3A_2157 : memref<1280xf32, #tpu.memory_space<vmem>>[vector<16xi32>], vector<16xf32>,
      %add3A_2158 = arith.constant 4 : i32
      %add3A_2159 = vector.broadcast %add3A_2158 : i32 to vector<16xi32>
      %add3A_2160 = arith.addi %mul3A_2132, %add3A_2159 : vector<16xi32>
      %get3A_2161 = arith.constant 32 : index
      %get3A_2162 = tpu.vector_load %arg26[%get3A_2161] {strides = array<i32>} : memref<112xf32, #tpu.memory_space<vmem>>, vector<16xf32>,
      %broadcast_in_dim3A_2163 = vector.broadcast %reduce_max3A_2036 : f32 to vector<16xf32>
      %select_n3A_2164 = arith.select %lt3A_2126, %get3A_2162, %broadcast_in_dim3A_2163 : vector<16xi1>, vector<16xf32>
      tpu.vector_store_idx %arg7[%add3A_2160], %select_n3A_2164 : memref<1280xf32, #tpu.memory_space<vmem>>[vector<16xi32>], vector<16xf32>,
      %add3A_2165 = arith.constant 48 : i32
      %add3A_2166 = vector.broadcast %add3A_2165 : i32 to vector<16xi32>
      %add3A_2167 = arith.addi %add3A_2166, %iota3A : vector<16xi32>
      %lt3A_2168 = vector.broadcast %while3A_1971#0 : i32 to vector<16xi32>
      %lt3A_2169 = arith.cmpi slt, %add3A_2167, %lt3A_2168 : vector<16xi32>
      %add3A_2170 = arith.constant 48 : i32
      %add3A_2171 = vector.broadcast %add3A_2170 : i32 to vector<16xi32>
      %add3A_2172 = arith.addi %add3A_2171, %iota3A : vector<16xi32>
      %mul3A_2173 = arith.constant 5 : i32
      %mul3A_2174 = vector.broadcast %mul3A_2173 : i32 to vector<16xi32>
      %mul3A_2175 = arith.muli %add3A_2172, %mul3A_2174 : vector<16xi32>
      %get3A_2176 = arith.constant 48 : index
      %get3A_2177 = tpu.vector_load %arg22[%get3A_2176] {strides = array<i32>} : memref<112xf32, #tpu.memory_space<vmem>>, vector<16xf32>,
      %broadcast_in_dim3A_2178 = vector.broadcast %reduce_max3A_1984 : f32 to vector<16xf32>
      %select_n3A_2179 = arith.select %lt3A_2169, %get3A_2177, %broadcast_in_dim3A_2178 : vector<16xi1>, vector<16xf32>
      tpu.vector_store_idx %arg7[%mul3A_2175], %select_n3A_2179 : memref<1280xf32, #tpu.memory_space<vmem>>[vector<16xi32>], vector<16xf32>,
      %add3A_2180 = arith.constant 1 : i32
      %add3A_2181 = vector.broadcast %add3A_2180 : i32 to vector<16xi32>
      %add3A_2182 = arith.addi %mul3A_2175, %add3A_2181 : vector<16xi32>
      %get3A_2183 = arith.constant 48 : index
      %get3A_2184 = tpu.vector_load %arg23[%get3A_2183] {strides = array<i32>} : memref<112xf32, #tpu.memory_space<vmem>>, vector<16xf32>,
      %broadcast_in_dim3A_2185 = vector.broadcast %reduce_max3A_1997 : f32 to vector<16xf32>
      %select_n3A_2186 = arith.select %lt3A_2169, %get3A_2184, %broadcast_in_dim3A_2185 : vector<16xi1>, vector<16xf32>
      tpu.vector_store_idx %arg7[%add3A_2182], %select_n3A_2186 : memref<1280xf32, #tpu.memory_space<vmem>>[vector<16xi32>], vector<16xf32>,
      %add3A_2187 = arith.constant 2 : i32
      %add3A_2188 = vector.broadcast %add3A_2187 : i32 to vector<16xi32>
      %add3A_2189 = arith.addi %mul3A_2175, %add3A_2188 : vector<16xi32>
      %get3A_2190 = arith.constant 48 : index
      %get3A_2191 = tpu.vector_load %arg24[%get3A_2190] {strides = array<i32>} : memref<112xf32, #tpu.memory_space<vmem>>, vector<16xf32>,
      %broadcast_in_dim3A_2192 = vector.broadcast %reduce_max3A_2010 : f32 to vector<16xf32>
      %select_n3A_2193 = arith.select %lt3A_2169, %get3A_2191, %broadcast_in_dim3A_2192 : vector<16xi1>, vector<16xf32>
      tpu.vector_store_idx %arg7[%add3A_2189], %select_n3A_2193 : memref<1280xf32, #tpu.memory_space<vmem>>[vector<16xi32>], vector<16xf32>,
      %add3A_2194 = arith.constant 3 : i32
      %add3A_2195 = vector.broadcast %add3A_2194 : i32 to vector<16xi32>
      %add3A_2196 = arith.addi %mul3A_2175, %add3A_2195 : vector<16xi32>
      %get3A_2197 = arith.constant 48 : index
      %get3A_2198 = tpu.vector_load %arg25[%get3A_2197] {strides = array<i32>} : memref<112xf32, #tpu.memory_space<vmem>>, vector<16xf32>,
      %broadcast_in_dim3A_2199 = vector.broadcast %reduce_max3A_2023 : f32 to vector<16xf32>
      %select_n3A_2200 = arith.select %lt3A_2169, %get3A_2198, %broadcast_in_dim3A_2199 : vector<16xi1>, vector<16xf32>
      tpu.vector_store_idx %arg7[%add3A_2196], %select_n3A_2200 : memref<1280xf32, #tpu.memory_space<vmem>>[vector<16xi32>], vector<16xf32>,
      %add3A_2201 = arith.constant 4 : i32
      %add3A_2202 = vector.broadcast %add3A_2201 : i32 to vector<16xi32>
      %add3A_2203 = arith.addi %mul3A_2175, %add3A_2202 : vector<16xi32>
      %get3A_2204 = arith.constant 48 : index
      %get3A_2205 = tpu.vector_load %arg26[%get3A_2204] {strides = array<i32>} : memref<112xf32, #tpu.memory_space<vmem>>, vector<16xf32>,
      %broadcast_in_dim3A_2206 = vector.broadcast %reduce_max3A_2036 : f32 to vector<16xf32>
      %select_n3A_2207 = arith.select %lt3A_2169, %get3A_2205, %broadcast_in_dim3A_2206 : vector<16xi1>, vector<16xf32>
      tpu.vector_store_idx %arg7[%add3A_2203], %select_n3A_2207 : memref<1280xf32, #tpu.memory_space<vmem>>[vector<16xi32>], vector<16xf32>,
      %add3A_2208 = arith.constant 64 : i32
      %add3A_2209 = vector.broadcast %add3A_2208 : i32 to vector<16xi32>
      %add3A_2210 = arith.addi %add3A_2209, %iota3A : vector<16xi32>
      %lt3A_2211 = vector.broadcast %while3A_1971#0 : i32 to vector<16xi32>
      %lt3A_2212 = arith.cmpi slt, %add3A_2210, %lt3A_2211 : vector<16xi32>
      %add3A_2213 = arith.constant 64 : i32
      %add3A_2214 = vector.broadcast %add3A_2213 : i32 to vector<16xi32>
      %add3A_2215 = arith.addi %add3A_2214, %iota3A : vector<16xi32>
      %mul3A_2216 = arith.constant 5 : i32
      %mul3A_2217 = vector.broadcast %mul3A_2216 : i32 to vector<16xi32>
      %mul3A_2218 = arith.muli %add3A_2215, %mul3A_2217 : vector<16xi32>
      %get3A_2219 = arith.constant 64 : index
      %get3A_2220 = tpu.vector_load %arg22[%get3A_2219] {strides = array<i32>} : memref<112xf32, #tpu.memory_space<vmem>>, vector<16xf32>,
      %broadcast_in_dim3A_2221 = vector.broadcast %reduce_max3A_1984 : f32 to vector<16xf32>
      %select_n3A_2222 = arith.select %lt3A_2212, %get3A_2220, %broadcast_in_dim3A_2221 : vector<16xi1>, vector<16xf32>
      tpu.vector_store_idx %arg7[%mul3A_2218], %select_n3A_2222 : memref<1280xf32, #tpu.memory_space<vmem>>[vector<16xi32>], vector<16xf32>,
      %add3A_2223 = arith.constant 1 : i32
      %add3A_2224 = vector.broadcast %add3A_2223 : i32 to vector<16xi32>
      %add3A_2225 = arith.addi %mul3A_2218, %add3A_2224 : vector<16xi32>
      %get3A_2226 = arith.constant 64 : index
      %get3A_2227 = tpu.vector_load %arg23[%get3A_2226] {strides = array<i32>} : memref<112xf32, #tpu.memory_space<vmem>>, vector<16xf32>,
      %broadcast_in_dim3A_2228 = vector.broadcast %reduce_max3A_1997 : f32 to vector<16xf32>
      %select_n3A_2229 = arith.select %lt3A_2212, %get3A_2227, %broadcast_in_dim3A_2228 : vector<16xi1>, vector<16xf32>
      tpu.vector_store_idx %arg7[%add3A_2225], %select_n3A_2229 : memref<1280xf32, #tpu.memory_space<vmem>>[vector<16xi32>], vector<16xf32>,
      %add3A_2230 = arith.constant 2 : i32
      %add3A_2231 = vector.broadcast %add3A_2230 : i32 to vector<16xi32>
      %add3A_2232 = arith.addi %mul3A_2218, %add3A_2231 : vector<16xi32>
      %get3A_2233 = arith.constant 64 : index
      %get3A_2234 = tpu.vector_load %arg24[%get3A_2233] {strides = array<i32>} : memref<112xf32, #tpu.memory_space<vmem>>, vector<16xf32>,
      %broadcast_in_dim3A_2235 = vector.broadcast %reduce_max3A_2010 : f32 to vector<16xf32>
      %select_n3A_2236 = arith.select %lt3A_2212, %get3A_2234, %broadcast_in_dim3A_2235 : vector<16xi1>, vector<16xf32>
      tpu.vector_store_idx %arg7[%add3A_2232], %select_n3A_2236 : memref<1280xf32, #tpu.memory_space<vmem>>[vector<16xi32>], vector<16xf32>,
      %add3A_2237 = arith.constant 3 : i32
      %add3A_2238 = vector.broadcast %add3A_2237 : i32 to vector<16xi32>
      %add3A_2239 = arith.addi %mul3A_2218, %add3A_2238 : vector<16xi32>
      %get3A_2240 = arith.constant 64 : index
      %get3A_2241 = tpu.vector_load %arg25[%get3A_2240] {strides = array<i32>} : memref<112xf32, #tpu.memory_space<vmem>>, vector<16xf32>,
      %broadcast_in_dim3A_2242 = vector.broadcast %reduce_max3A_2023 : f32 to vector<16xf32>
      %select_n3A_2243 = arith.select %lt3A_2212, %get3A_2241, %broadcast_in_dim3A_2242 : vector<16xi1>, vector<16xf32>
      tpu.vector_store_idx %arg7[%add3A_2239], %select_n3A_2243 : memref<1280xf32, #tpu.memory_space<vmem>>[vector<16xi32>], vector<16xf32>,
      %add3A_2244 = arith.constant 4 : i32
      %add3A_2245 = vector.broadcast %add3A_2244 : i32 to vector<16xi32>
      %add3A_2246 = arith.addi %mul3A_2218, %add3A_2245 : vector<16xi32>
      %get3A_2247 = arith.constant 64 : index
      %get3A_2248 = tpu.vector_load %arg26[%get3A_2247] {strides = array<i32>} : memref<112xf32, #tpu.memory_space<vmem>>, vector<16xf32>,
      %broadcast_in_dim3A_2249 = vector.broadcast %reduce_max3A_2036 : f32 to vector<16xf32>
      %select_n3A_2250 = arith.select %lt3A_2212, %get3A_2248, %broadcast_in_dim3A_2249 : vector<16xi1>, vector<16xf32>
      tpu.vector_store_idx %arg7[%add3A_2246], %select_n3A_2250 : memref<1280xf32, #tpu.memory_space<vmem>>[vector<16xi32>], vector<16xf32>,
      %add3A_2251 = arith.constant 80 : i32
      %add3A_2252 = vector.broadcast %add3A_2251 : i32 to vector<16xi32>
      %add3A_2253 = arith.addi %add3A_2252, %iota3A : vector<16xi32>
      %lt3A_2254 = vector.broadcast %while3A_1971#0 : i32 to vector<16xi32>
      %lt3A_2255 = arith.cmpi slt, %add3A_2253, %lt3A_2254 : vector<16xi32>
      %add3A_2256 = arith.constant 80 : i32
      %add3A_2257 = vector.broadcast %add3A_2256 : i32 to vector<16xi32>
      %add3A_2258 = arith.addi %add3A_2257, %iota3A : vector<16xi32>
      %mul3A_2259 = arith.constant 5 : i32
      %mul3A_2260 = vector.broadcast %mul3A_2259 : i32 to vector<16xi32>
      %mul3A_2261 = arith.muli %add3A_2258, %mul3A_2260 : vector<16xi32>
      %get3A_2262 = arith.constant 80 : index
      %get3A_2263 = tpu.vector_load %arg22[%get3A_2262] {strides = array<i32>} : memref<112xf32, #tpu.memory_space<vmem>>, vector<16xf32>,
      %broadcast_in_dim3A_2264 = vector.broadcast %reduce_max3A_1984 : f32 to vector<16xf32>
      %select_n3A_2265 = arith.select %lt3A_2255, %get3A_2263, %broadcast_in_dim3A_2264 : vector<16xi1>, vector<16xf32>
      tpu.vector_store_idx %arg7[%mul3A_2261], %select_n3A_2265 : memref<1280xf32, #tpu.memory_space<vmem>>[vector<16xi32>], vector<16xf32>,
      %add3A_2266 = arith.constant 1 : i32
      %add3A_2267 = vector.broadcast %add3A_2266 : i32 to vector<16xi32>
      %add3A_2268 = arith.addi %mul3A_2261, %add3A_2267 : vector<16xi32>
      %get3A_2269 = arith.constant 80 : index
      %get3A_2270 = tpu.vector_load %arg23[%get3A_2269] {strides = array<i32>} : memref<112xf32, #tpu.memory_space<vmem>>, vector<16xf32>,
      %broadcast_in_dim3A_2271 = vector.broadcast %reduce_max3A_1997 : f32 to vector<16xf32>
      %select_n3A_2272 = arith.select %lt3A_2255, %get3A_2270, %broadcast_in_dim3A_2271 : vector<16xi1>, vector<16xf32>
      tpu.vector_store_idx %arg7[%add3A_2268], %select_n3A_2272 : memref<1280xf32, #tpu.memory_space<vmem>>[vector<16xi32>], vector<16xf32>,
      %add3A_2273 = arith.constant 2 : i32
      %add3A_2274 = vector.broadcast %add3A_2273 : i32 to vector<16xi32>
      %add3A_2275 = arith.addi %mul3A_2261, %add3A_2274 : vector<16xi32>
      %get3A_2276 = arith.constant 80 : index
      %get3A_2277 = tpu.vector_load %arg24[%get3A_2276] {strides = array<i32>} : memref<112xf32, #tpu.memory_space<vmem>>, vector<16xf32>,
      %broadcast_in_dim3A_2278 = vector.broadcast %reduce_max3A_2010 : f32 to vector<16xf32>
      %select_n3A_2279 = arith.select %lt3A_2255, %get3A_2277, %broadcast_in_dim3A_2278 : vector<16xi1>, vector<16xf32>
      tpu.vector_store_idx %arg7[%add3A_2275], %select_n3A_2279 : memref<1280xf32, #tpu.memory_space<vmem>>[vector<16xi32>], vector<16xf32>,
      %add3A_2280 = arith.constant 3 : i32
      %add3A_2281 = vector.broadcast %add3A_2280 : i32 to vector<16xi32>
      %add3A_2282 = arith.addi %mul3A_2261, %add3A_2281 : vector<16xi32>
      %get3A_2283 = arith.constant 80 : index
      %get3A_2284 = tpu.vector_load %arg25[%get3A_2283] {strides = array<i32>} : memref<112xf32, #tpu.memory_space<vmem>>, vector<16xf32>,
      %broadcast_in_dim3A_2285 = vector.broadcast %reduce_max3A_2023 : f32 to vector<16xf32>
      %select_n3A_2286 = arith.select %lt3A_2255, %get3A_2284, %broadcast_in_dim3A_2285 : vector<16xi1>, vector<16xf32>
      tpu.vector_store_idx %arg7[%add3A_2282], %select_n3A_2286 : memref<1280xf32, #tpu.memory_space<vmem>>[vector<16xi32>], vector<16xf32>,
      %add3A_2287 = arith.constant 4 : i32
      %add3A_2288 = vector.broadcast %add3A_2287 : i32 to vector<16xi32>
      %add3A_2289 = arith.addi %mul3A_2261, %add3A_2288 : vector<16xi32>
      %get3A_2290 = arith.constant 80 : index
      %get3A_2291 = tpu.vector_load %arg26[%get3A_2290] {strides = array<i32>} : memref<112xf32, #tpu.memory_space<vmem>>, vector<16xf32>,
      %broadcast_in_dim3A_2292 = vector.broadcast %reduce_max3A_2036 : f32 to vector<16xf32>
      %select_n3A_2293 = arith.select %lt3A_2255, %get3A_2291, %broadcast_in_dim3A_2292 : vector<16xi1>, vector<16xf32>
      tpu.vector_store_idx %arg7[%add3A_2289], %select_n3A_2293 : memref<1280xf32, #tpu.memory_space<vmem>>[vector<16xi32>], vector<16xf32>,
      %add3A_2294 = arith.constant 96 : i32
      %add3A_2295 = vector.broadcast %add3A_2294 : i32 to vector<16xi32>
      %add3A_2296 = arith.addi %add3A_2295, %iota3A : vector<16xi32>
      %lt3A_2297 = vector.broadcast %while3A_1971#0 : i32 to vector<16xi32>
      %lt3A_2298 = arith.cmpi slt, %add3A_2296, %lt3A_2297 : vector<16xi32>
      %add3A_2299 = arith.constant 96 : i32
      %add3A_2300 = vector.broadcast %add3A_2299 : i32 to vector<16xi32>
      %add3A_2301 = arith.addi %add3A_2300, %iota3A : vector<16xi32>
      %mul3A_2302 = arith.constant 5 : i32
      %mul3A_2303 = vector.broadcast %mul3A_2302 : i32 to vector<16xi32>
      %mul3A_2304 = arith.muli %add3A_2301, %mul3A_2303 : vector<16xi32>
      %get3A_2305 = arith.constant 96 : index
      %get3A_2306 = tpu.vector_load %arg22[%get3A_2305] {strides = array<i32>} : memref<112xf32, #tpu.memory_space<vmem>>, vector<16xf32>,
      %broadcast_in_dim3A_2307 = vector.broadcast %reduce_max3A_1984 : f32 to vector<16xf32>
      %select_n3A_2308 = arith.select %lt3A_2298, %get3A_2306, %broadcast_in_dim3A_2307 : vector<16xi1>, vector<16xf32>
      tpu.vector_store_idx %arg7[%mul3A_2304], %select_n3A_2308 : memref<1280xf32, #tpu.memory_space<vmem>>[vector<16xi32>], vector<16xf32>,
      %add3A_2309 = arith.constant 1 : i32
      %add3A_2310 = vector.broadcast %add3A_2309 : i32 to vector<16xi32>
      %add3A_2311 = arith.addi %mul3A_2304, %add3A_2310 : vector<16xi32>
      %get3A_2312 = arith.constant 96 : index
      %get3A_2313 = tpu.vector_load %arg23[%get3A_2312] {strides = array<i32>} : memref<112xf32, #tpu.memory_space<vmem>>, vector<16xf32>,
      %broadcast_in_dim3A_2314 = vector.broadcast %reduce_max3A_1997 : f32 to vector<16xf32>
      %select_n3A_2315 = arith.select %lt3A_2298, %get3A_2313, %broadcast_in_dim3A_2314 : vector<16xi1>, vector<16xf32>
      tpu.vector_store_idx %arg7[%add3A_2311], %select_n3A_2315 : memref<1280xf32, #tpu.memory_space<vmem>>[vector<16xi32>], vector<16xf32>,
      %add3A_2316 = arith.constant 2 : i32
      %add3A_2317 = vector.broadcast %add3A_2316 : i32 to vector<16xi32>
      %add3A_2318 = arith.addi %mul3A_2304, %add3A_2317 : vector<16xi32>
      %get3A_2319 = arith.constant 96 : index
      %get3A_2320 = tpu.vector_load %arg24[%get3A_2319] {strides = array<i32>} : memref<112xf32, #tpu.memory_space<vmem>>, vector<16xf32>,
      %broadcast_in_dim3A_2321 = vector.broadcast %reduce_max3A_2010 : f32 to vector<16xf32>
      %select_n3A_2322 = arith.select %lt3A_2298, %get3A_2320, %broadcast_in_dim3A_2321 : vector<16xi1>, vector<16xf32>
      tpu.vector_store_idx %arg7[%add3A_2318], %select_n3A_2322 : memref<1280xf32, #tpu.memory_space<vmem>>[vector<16xi32>], vector<16xf32>,
      %add3A_2323 = arith.constant 3 : i32
      %add3A_2324 = vector.broadcast %add3A_2323 : i32 to vector<16xi32>
      %add3A_2325 = arith.addi %mul3A_2304, %add3A_2324 : vector<16xi32>
      %get3A_2326 = arith.constant 96 : index
      %get3A_2327 = tpu.vector_load %arg25[%get3A_2326] {strides = array<i32>} : memref<112xf32, #tpu.memory_space<vmem>>, vector<16xf32>,
      %broadcast_in_dim3A_2328 = vector.broadcast %reduce_max3A_2023 : f32 to vector<16xf32>
      %select_n3A_2329 = arith.select %lt3A_2298, %get3A_2327, %broadcast_in_dim3A_2328 : vector<16xi1>, vector<16xf32>
      tpu.vector_store_idx %arg7[%add3A_2325], %select_n3A_2329 : memref<1280xf32, #tpu.memory_space<vmem>>[vector<16xi32>], vector<16xf32>,
      %add3A_2330 = arith.constant 4 : i32
      %add3A_2331 = vector.broadcast %add3A_2330 : i32 to vector<16xi32>
      %add3A_2332 = arith.addi %mul3A_2304, %add3A_2331 : vector<16xi32>
      %get3A_2333 = arith.constant 96 : index
      %get3A_2334 = tpu.vector_load %arg26[%get3A_2333] {strides = array<i32>} : memref<112xf32, #tpu.memory_space<vmem>>, vector<16xf32>,
      %broadcast_in_dim3A_2335 = vector.broadcast %reduce_max3A_2036 : f32 to vector<16xf32>
      %select_n3A_2336 = arith.select %lt3A_2298, %get3A_2334, %broadcast_in_dim3A_2335 : vector<16xi1>, vector<16xf32>
      tpu.vector_store_idx %arg7[%add3A_2332], %select_n3A_2336 : memref<1280xf32, #tpu.memory_space<vmem>>[vector<16xi32>], vector<16xf32>,
      "tpu.region"() ({
        %run_scoped3A = tpu.sem_alloc : memref<!tpu.dma_semaphore, #tpu.memory_space<semaphore_mem>>
        %dma_start3A_2337 = arith.constant 0 : i32
        %dma_start3A_2338 = tpu.memref_slice %arg7[%dma_start3A_2337] : memref<1280xf32, #tpu.memory_space<vmem>> -> memref<560xf32, #tpu.memory_space<vmem>>
        %dma_start3A_2339 = arith.constant 0 : i32
        %dma_start3A_2340 = tpu.memref_slice %arg7[%dma_start3A_2339] : memref<1280xf32, #tpu.memory_space<vmem>> -> memref<560xf32, #tpu.memory_space<vmem>>
        tpu.enqueue_dma source(%dma_start3A_2340 : memref<560xf32, #tpu.memory_space<vmem>>) target(%arg4 : memref<560xf32, #tpu.memory_space<hbm>>) target_semaphore(%run_scoped3A : memref<!tpu.dma_semaphore, #tpu.memory_space<semaphore_mem>>)
        %dma_wait3A_2341 = arith.constant 0 : i32
        %dma_wait3A_2342 = tpu.memref_slice %arg7[%dma_wait3A_2341] : memref<1280xf32, #tpu.memory_space<vmem>> -> memref<560xf32, #tpu.memory_space<vmem>>
        %dma_wait3A_2343 = arith.constant 0 : i32
        %dma_wait3A_2344 = tpu.memref_slice %arg7[%dma_wait3A_2343] : memref<1280xf32, #tpu.memory_space<vmem>> -> memref<560xf32, #tpu.memory_space<vmem>>
        tpu.wait_dma2 semaphore(%run_scoped3A : memref<!tpu.dma_semaphore, #tpu.memory_space<semaphore_mem>>) src(%dma_wait3A_2344 : memref<560xf32, #tpu.memory_space<vmem>>) dst(%arg4 : memref<560xf32, #tpu.memory_space<hbm>>)
        tpu.yield
      }) : () -> ()
    } else {
    }
    return
  }
}

</mosaic_0001>

<sc_bundles>
// kernel: kernel.3.cloned.1.call-start
scs
__scs_entry_jumppad:
0x0: {  	(pc) =	sbr.rel $0x88, $3  }
0x1: {  	(tag) =	ssettag $0x0;
	lr =	simm.s32 $0x1  }
0x2: {  	[smem:$0x3F9C] =	sst lr;
	_ =	strace $0xD0000000  }
0x3: {  	_ = 	snop  }
0x4: {  	_ = 	snop  }
0x5: {  	_ = 	snop  }
0x6: {  	_ = 	snop  }
0x7: {  	_ = 	snop  }
__scs_overlays_trampoline_lowered:
0x8: {  	[smem:$0x3FAB] =	sst s0  }
0x9: {  	[smem:$0x3FAC] =	sst s1  }
0xa: {  	[smem:$0x3FAD] =	sst s2  }
0xb: {  	[smem:$0x3FAE] =	sst s3  }
0xc: {  	[smem:$0x3FAF] =	sst s4  }
0xd: {  	[smem:$0x3FB0] =	sst s5  }
0xe: {  	[smem:$0x3FB1] =	sst s6  }
0xf: {  	[smem:$0x3FB2] =	sst s7  }
0x10: {  	[smem:$0x3FB3] =	sst s8  }
0x11: {  	[smem:$0x3FB4] =	sst s9;
	s0 =	simm.s32 @!p0 $0x0  }
0x12: {  	s1 =	sld [smem:$0x3F9A];
	s0 =	simm.s32 @p0 $0x1  }
0x13: {  	[smem:$0x3FB5] =	sst s0;
	s0 =	simm.s32 @!p1 $0x0  }
0x14: {  	s2 =	sld [smem:$0x3F99];
	s0 =	simm.s32 @p1 $0x1  }
0x15: {  	[smem:$0x3FB6] =	sst s0;
	s0 =	simm.s32 @!p2 $0x0  }
0x16: {  	s3 =	sld [smem:$0x3FDB];
	s0 =	simm.s32 @p2 $0x1  }
0x17: {  	s4 =	simm.s32 $0x1BF5;
	[smem:$0x3FB8] =	sst s0  }
0x18: {  	s0 =	sld [smem:$0x3F9B];
	_ =	swait.ge [sflag:s4], $0x0  }
0x19: {  	s7 =	sld [smem:$0x3F9C]  }
0x1a: {  	s8 =	sadd.s32 $0xFFFFE003, lr  }
0x1b: {  	s9 =	sadd.s32 $0xFFFFFEF7, lr;
	s5 =	simm.s32 $0xFFFFFFFF;
	p2 =	slt.u32 s8, $0xFFFFF086  }
0x1c: {  	p1 =	slt.u32 s9, $0xF7A;
	s5 =	simm.s32 @!p2 $0x0  }
0x1d: {  	s5 =	simm.s32 @p1 $0x1;
	p0 =	seq.s32 s7, s2  }
0x1e: {  	s7 =	smul.u32 @!p0 $0xF7A, s2;
	p2 =	seq.s32 @!p0 s5, $0x0  }
0x1f: {  	s9 =	smul.u32 $0xF7A, s1;
	s8 =	simm.s32 @!p0 $0x1BF5;
	p2 =	por !p2, p0  }
0x20: {  	[sflag:s8] =	ssyncset.s32 @!p0 $0xFFFFF086;
	s6 =	sadd.s32 @!p0 s3, s7;
	s7 =	simm.s32 @!p0 $0x108  }
0x21: {  	s3 =	sadd.s32 s3, s9;
	s6 =	sadd.s32 @!p0 $0x88, s6;
	s7 =	simm.s32 @p2 $0x1082  }
0x22: {  	[simem:s7], [sflag:s8] =	dma.local @!p0 [hbm:s6], $0xF7A  }
0x23: {  	s9 =	sor.u32 $0xD0000000, s2;
	s6 =	simm.s32 $0x108;
	_ =	swait.ge @!p0 [sflag:s8], $0x0  }
0x24: {  	s3 =	sadd.s32 $0x88, s3;
	s6 =	simm.s32 @!p1 $0x1082;
	[sflag:s4] =	ssyncset.s32 $0xFFFFF086  }
0x25: {  	[simem:s6], [sflag:s4] =	dma.local [hbm:s3], $0xF7A  }
0x26: {  	[smem:$0x3F9C] =	sst s1;
	(tag) =	ssettag s2;
	_ =	strace s9  }
0x27: {  	s1 =	sld [smem:$0x3FAC]  }
0x28: {  	s2 =	sld [smem:$0x3FAD]  }
0x29: {  	s4 =	sld [smem:$0x3FAF]  }
0x2a: {  	p0 =	seq.s32 s5, $0x0;
	s5 =	sld [smem:$0x3FB0]  }
0x2b: {  	s6 =	sld [smem:$0x3FB1]  }
0x2c: {  	s7 =	sld [smem:$0x3FB2]  }
0x2d: {  	s3 =	simm.s32 $0x108;
	s8 =	sld [smem:$0x3FB3]  }
0x2e: {  	s3 =	simm.s32 @!p0 $0x1082;
	s9 =	sld [smem:$0x3FB4]  }
0x2f: {  	lr =	sadd.s32 s0, s3;
	s0 =	sld [smem:$0x3FAB]  }
0x30: {  	s3 =	sld [smem:$0x3FAE]  }
0x31: {  	[smem:$0x3FB7] =	sst s10  }
0x32: {  	s10 =	sld [smem:$0x3FB5];
	_ =	sdelay $0x3  }
0x33: {  	p0 =	seq.s32 s10, $0x1;
	s10 =	sld [smem:$0x3FB7];
	_ =	sdelay $0x3  }
0x34: {  	[smem:$0x3FB7] =	sst s10  }
0x35: {  	s10 =	sld [smem:$0x3FB6];
	_ =	sdelay $0x3  }
0x36: {  	p1 =	seq.s32 s10, $0x1;
	s10 =	sld [smem:$0x3FB7];
	_ =	sdelay $0x3  }
0x37: {  	[smem:$0x3FB7] =	sst s10  }
0x38: {  	s10 =	sld [smem:$0x3FB8]  }
0x39: {  	_ = 	snop;
	(pc) =	sbr.ind lr, $3  }
0x3a: {  	_ = 	snop  }
0x3b: {  	_ = 	snop  }
0x3c: {  	p2 =	seq.s32 s10, $0x1;
	s10 =	sld [smem:$0x3FB7]  }
0x3d: {  	_ =	shalt  }
0x3e: {  	_ =	shalt  }
0x3f: {  	_ =	shalt  }
0x40: {  	_ =	shalt  }
0x41: {  	_ =	shalt  }
0x42: {  	_ =	shalt  }
0x43: {  	_ =	shalt  }
0x44: {  	_ =	shalt  }
0x45: {  	_ =	shalt  }
0x46: {  	_ =	shalt  }
0x47: {  	_ =	shalt  }
0x48: {  	_ =	shalt  }
0x49: {  	_ =	shalt  }
0x4a: {  	_ =	shalt  }
0x4b: {  	_ =	shalt  }
0x4c: {  	_ =	shalt  }
0x4d: {  	_ =	shalt  }
0x4e: {  	_ =	shalt  }
0x4f: {  	_ =	shalt  }
0x50: {  	_ =	shalt  }
0x51: {  	_ =	shalt  }
0x52: {  	_ =	shalt  }
0x53: {  	_ =	shalt  }
0x54: {  	_ =	shalt  }
0x55: {  	_ =	shalt  }
0x56: {  	_ =	shalt  }
0x57: {  	_ =	shalt  }
0x58: {  	_ =	shalt  }
0x59: {  	_ =	shalt  }
0x5a: {  	_ =	shalt  }
0x5b: {  	_ =	shalt  }
0x5c: {  	_ =	shalt  }
0x5d: {  	_ =	shalt  }
0x5e: {  	_ =	shalt  }
0x5f: {  	_ =	shalt  }
0x60: {  	_ =	shalt  }
0x61: {  	_ =	shalt  }
0x62: {  	_ =	shalt  }
0x63: {  	_ =	shalt  }
0x64: {  	_ =	shalt  }
0x65: {  	_ =	shalt  }
0x66: {  	_ =	shalt  }
0x67: {  	_ =	shalt  }
0x68: {  	_ =	shalt  }
0x69: {  	_ =	shalt  }
0x6a: {  	_ =	shalt  }
0x6b: {  	_ =	shalt  }
0x6c: {  	_ =	shalt  }
0x6d: {  	_ =	shalt  }
0x6e: {  	_ =	shalt  }
0x6f: {  	_ =	shalt  }
0x70: {  	_ =	shalt  }
0x71: {  	_ =	shalt  }
0x72: {  	_ =	shalt  }
0x73: {  	_ =	shalt  }
0x74: {  	_ =	shalt  }
0x75: {  	_ =	shalt  }
0x76: {  	_ =	shalt  }
0x77: {  	_ =	shalt  }
0x78: {  	_ =	shalt  }
0x79: {  	_ =	shalt  }
0x7a: {  	_ =	shalt  }
0x7b: {  	_ =	shalt  }
0x7c: {  	_ =	shalt  }
0x7d: {  	_ =	shalt  }
0x7e: {  	_ =	shalt  }
0x7f: {  	_ =	shalt  }
0x80: {  	_ =	shalt  }
0x81: {  	_ =	shalt  }
0x82: {  	_ =	shalt  }
0x83: {  	_ =	shalt  }
0x84: {  	_ =	shalt  }
0x85: {  	_ =	shalt  }
0x86: {  	_ =	shalt  }
0x87: {  	_ =	shalt  }
.Lfunc_end0:
.L_simem_size_0:
called_computation_lowered:
.L_overlay_start_0:
0x88: {  	s0 =	sld [smem:$0x3FD9]  }
0x89: {  	s1 =	sld [smem:$0x3FFE];
	_ =	sdelay $0x3  }
0x8a: {  	s0 =	sadd.s32 s1, s0  }
0x8b: {  	[smem:$0x3FC3] =	sst s0  }
0x8c: {  	_ = 	snop  }
0x8d: {  	s0 =	sld [smem:$0x3FD0];
	(tm) =	ssettm $0x1  }
0x8e: {  	s16 =	sld [smem:$0x3FFB];
	_ =	sdelay $0x3  }
0x8f: {  	_ =	strace s16  }
0x90: {  	s1 =	sld [smem:$0x3FFC];
	_ =	sdelay $0x3  }
0x91: {  	_ =	strace s1  }
0x92: {  	s1 =	sld [smem:$0x3FFD];
	_ =	sdelay $0x3  }
0x93: {  	_ =	strace s1  }
0x94: {  	_ =	strace $0x8FFFFFFF  }
0x95: {  	s17 =	sld [smem:$0x3FDB];
	_ =	sdelay $0x1  }
0x96: {  	s2 =	simm.s32 $_scs_section_size  }
0x97: {  	s3 =	simm.s32 $_size__tile_overlayer_lowered;
	s4 =	simm.s32 $_tile_overlayer_lowered  }
0x98: {  	s20 =	simm.s32 $0x1BFF;
	s19 =	sshll.u32 s4, $0x1;
	s1 =	sadd.s32 s2, s17  }
0x99: {  	s5 =	simm.s32 $0x0;
	s18 =	sshll.u32 s3, $0x1;
	s3 =	sadd.s32 s19, s1  }
0x9a: {  	[timem:s5], [sflag:s20] =	dma.local [hbm:s3], s18  }
0x9b: {  	_ =	swait.ge [sflag:s20], s18  }
0x9c: {  	s2 =	ssub.s32 $0x0, s18;
	[sflag:s20] =	ssyncset.done $0x0  }
0x9d: {  	[sflag:s20] =	ssyncadd.s32 s2;
	_ =	sdelay $0x1  }
0x9e: {  	s21 =	simm.s32 $0x1B8B  }
0x9f: {  	_ =	swait.ge [sflag:s21], $0x1  }
0xa0: {  	[sflag:s21] =	ssyncset.done $0x0  }
0xa1: {  	s23 =	simm.s32 $0x1B8E;
	s22 =	sld [smem:$0x3FFE];
	[sflag:s21] =	ssyncadd.s32 $0xFFFFFFFF  }
0xa2: {  	s24 =	simm.s32 $execute0_lowered;
	[smem:$0x3FD2] =	sst s23  }
0xa3: {  	s3 =	sshll.u32 s24, $0x1;
	_ =	strace $0x80000046;
	[dreg:$0x1] =	wrdreg $0xFFFFFFFF  }
0xa4: {  	s25 =	simm.s32 $_size_execute0_lowered;
	s1 =	sadd.s32 s1, s3;
	[dreg:$0x0] =	wrdreg $0x0  }
0xa5: {  	s3 =	sshll.u32 s25, $0x1;
	[dreg:$0x2] =	wrdreg s1  }
0xa6: {  	[dreg:$0x3] =	wrdreg s3  }
0xa7: {  	[dreg:$0x4] =	wrdreg $0xC0  }
0xa8: {  	_ =	task [dreg:s5], $0x5FFFF  }
0xa9: {  	[dreg:$0x1] =	wrdreg $0xFFFFFFFF  }
0xaa: {  	[dreg:$0x0] =	wrdreg $0x60  }
0xab: {  	[dreg:$0x2] =	wrdreg s22  }
0xac: {  	[dreg:$0x3] =	wrdreg s0  }
0xad: {  	[dreg:$0x4] =	wrdreg $0x1C5800  }
0xae: {  	[dreg:$0x5] =	wrdreg $0x1CA800  }
0xaf: {  	[dreg:$0x6] =	wrdreg $0x1CF800  }
0xb0: {  	[dreg:$0x7] =	wrdreg $0x1D4800  }
0xb1: {  	[dreg:$0x8] =	wrdreg $0x1D9800  }
0xb2: {  	[dreg:$0x9] =	wrdreg $0x1DE800  }
0xb3: {  	[dreg:$0xa] =	wrdreg $0x9  }
0xb4: {  	_ =	task.clear_ibuf [dreg:s5], $0xBFFFF;
	_ =	strace $0x90000046  }
0xb5: {  	s26 =	simm.s32 $0x9;
	_ =	strace $0x80000048  }
0xb6: {  	_ =	swait.ge [sflag:s26], $0x1  }
0xb7: {  	[sflag:s26] =	ssyncadd.s32 $0xFFFFFFFF  }
0xb8: {  	_ =	strace $0x90000048  }
0xb9: {  	_ =	sfence  }
0xba: {  	s28 =	sld [smem:$0x0];
	_ =	sdelay $0x1  }
0xbb: {  	s29 =	srdreg.scid  }
0xbc: {  	s30 =	sshll.u32 s29, $0xD;
	s31 =	sshrl.u32 s29, $0x2  }
0xbd: {  	s2 =	sand.u32 $0x4000, s30;
	s1 =	sand.u32 $0x1, s29;
	s0 =	sadd.s32 s31, s28  }
0xbe: {  	s1 =	sor.u32 s2, s1;
	s0 =	sshll.u32 s0, $0x11  }
0xbf: {  	s0 =	sor.u32 s0, s1  }
0xc0: {  	s0 =	sadd.s32 $0x8F2B, s0  }
0xc1: {  	[sflag:s0] =	ssyncadd.remote.s32 $0x1  }
0xc2: {  	_ =	sfence.sel $0xFFFF  }
0xc3: {  	[dreg:$0x0] =	wrdreg $0xFFFFFFFF;
	(pc) =	sbr.abs _section_cstart, $3  }
0xc4: {  	[dreg:$0x1] =	wrdreg $0xFFFFFFFF  }
0xc5: {  	_ =	task.clear_ibuf [dreg:s5], $0x2FFFF;
	_ =	strace $0x9FFFFFFF  }
0xc6: {  	(tm) =	ssettm $0x7FFFFFFF  }
0xc7: {  	_ =	shalt  }
tec
execute0_lowered:
.L_overlay_start_1:
0x0: {  	(tag) =	ssettag $0x1  }
0x1: {  	s2 =	rddreg [dreg:$0x0]  }
0x2: {  	s1 =	rddreg [dreg:$0x1]  }
0x3: {  	s7 =	rddreg [dreg:$0x2]  }
0x4: {  	s6 =	rddreg [dreg:$0x3]  }
0x5: {  	s5 =	rddreg [dreg:$0x4];
	s9 =	stileid.u32  }
0x6: {  	s3 =	rddreg [dreg:$0x5];
	s10 =	smul.u32 $0x500, s9  }
0x7: {  	s4 =	rddreg [dreg:$0x6]  }
0x8: {  	s8 =	rddreg [dreg:$0x7];
	s11 =	simm.s32 $0x0;
	s12 =	sshrl.u32 s10, $0x3  }
0x9: {  	[smem:$0x7FF] =	sst s11;
	s12 =	sadd.s32 s12, s2  }
0xa: {  	s0 =	rddreg [dreg:$0x8];
	_ =	strace $0x80000047;
	s13 =	sadd.s32 $0x600, s12  }
0xb: {  	[tilespmem:s11], [sflag:$0x1] =	stream.linear.gather [hbm4b:s13+s11], $0x500, $0x38;
	[tilespmem:$0x1DED0] =	vst v63  }
0xc: {  	s14 =	simm.s32 $0x500;
	s31 =	sadd.s32 $0x1000, s12  }
0xd: {  	[tilespmem:s14], [sflag:$0x1] =	stream.linear.gather [hbm4b:s31+s11], $0x500, $0x38;
	[tilespmem:$0x1DED0] =	vst v63  }
0xe: {  	s15 =	simm.s32 $0xA00;
	s14 =	sadd.s32 $0x1A00, s12  }
0xf: {  	[tilespmem:s15], [sflag:$0x1] =	stream.linear.gather [hbm4b:s14+s11], $0x500, $0x38;
	[tilespmem:$0x1DED0] =	vst v63  }
0x10: {  	s17 =	simm.s32 $0xF00;
	s16 =	sadd.s32 $0x2400, s12  }
0x11: {  	[tilespmem:s17], [sflag:$0x1] =	stream.linear.gather [hbm4b:s16+s11], $0x500, $0x38;
	[tilespmem:$0x1DED0] =	vst v63  }
0x12: {  	s19 =	simm.s32 $0x1400;
	s18 =	sadd.s32 $0x2E00, s12  }
0x13: {  	[tilespmem:s19], [sflag:$0x1] =	stream.linear.gather [hbm4b:s18+s11], $0x500, $0x38;
	[tilespmem:$0x1DED0] =	vst v63  }
0x14: {  	s21 =	simm.s32 $0x1900;
	s20 =	sadd.s32 $0x3800, s12  }
0x15: {  	v0 =	vimm.f32 $2.000000000e+00;
	[tilespmem:s21], [sflag:$0x1] =	stream.linear.gather [hbm4b:s20+s11], $0x500, $0x38;
	[tilespmem:$0x1DED0] =	vst v63  }
0x16: {  	s23 =	simm.s32 $0x1E00;
	(erf) = vrcp.f32 v0;
	s22 =	sadd.s32 $0x4200, s12  }
0x17: {  	[tilespmem:s23], [sflag:$0x1] =	stream.linear.gather [hbm4b:s22+s11], $0x500, $0x38;
	[tilespmem:$0x1DED0] =	vst v63  }
0x18: {  	s25 =	simm.s32 $0x2300;
	s24 =	sadd.s32 $0x4C00, s12  }
0x19: {  	[tilespmem:s25], [sflag:$0x1] =	stream.linear.gather [hbm4b:s24+s11], $0x500, $0x38;
	[tilespmem:$0x1DED0] =	vst v63  }
0x1a: {  	s28 =	simm.s32 $0x2800;
	s26 =	sadd.s32 $0x5600, s12  }
0x1b: {  	[tilespmem:s28], [sflag:$0x1] =	stream.linear.gather [hbm4b:s26+s11], $0x500, $0x38;
	[tilespmem:$0x1DED0] =	vst v63  }
0x1c: {  	s29 =	simm.s32 $0x2D00;
	s12 =	sadd.s32 $0x6000, s12  }
0x1d: {  	[tilespmem:s29], [sflag:$0x1] =	stream.linear.gather [hbm4b:s12+s11], $0x500, $0x38;
	[tilespmem:$0x1DED0] =	vst v63  }
0x1e: {  	s30 =	simm.s32 $0x3200;
	s2 =	sadd.s32 $0x6A00, s2;
	s31 =	simm.s32 $0x1  }
0x1f: {  	v0 =	vpop (erf);
	[tilespmem:s30], [sflag:$0x1] =	stream.linear.gather [hbm4b:s2+s11], $0x80, $0x38;
	[tilespmem:$0x1DED0] =	vst v63  }
0x20: {  	_ =	swait.ge [sflag:s31], $0x500  }
0x21: {  	[sflag:s31] =	ssyncset.done $0x0  }
0x22: {  	[sflag:s31] =	ssyncadd.s32 $0xFFFFFB00  }
0x23: {  	_ =	swait.ge [sflag:s31], $0x500  }
0x24: {  	[sflag:s31] =	ssyncset.done $0x0  }
0x25: {  	[sflag:s31] =	ssyncadd.s32 $0xFFFFFB00  }
0x26: {  	_ =	swait.ge [sflag:s31], $0x500  }
0x27: {  	[sflag:s31] =	ssyncset.done $0x0  }
0x28: {  	[sflag:s31] =	ssyncadd.s32 $0xFFFFFB00  }
0x29: {  	_ =	swait.ge [sflag:s31], $0x500  }
0x2a: {  	[sflag:s31] =	ssyncset.done $0x0  }
0x2b: {  	[sflag:s31] =	ssyncadd.s32 $0xFFFFFB00  }
0x2c: {  	_ =	swait.ge [sflag:s31], $0x500  }
0x2d: {  	[sflag:s31] =	ssyncset.done $0x0  }
0x2e: {  	[sflag:s31] =	ssyncadd.s32 $0xFFFFFB00  }
0x2f: {  	_ =	swait.ge [sflag:s31], $0x500  }
0x30: {  	[sflag:s31] =	ssyncset.done $0x0  }
0x31: {  	[sflag:s31] =	ssyncadd.s32 $0xFFFFFB00  }
0x32: {  	_ =	swait.ge [sflag:s31], $0x500  }
0x33: {  	[sflag:s31] =	ssyncset.done $0x0  }
0x34: {  	[sflag:s31] =	ssyncadd.s32 $0xFFFFFB00  }
0x35: {  	_ =	swait.ge [sflag:s31], $0x500  }
0x36: {  	[sflag:s31] =	ssyncset.done $0x0  }
0x37: {  	[sflag:s31] =	ssyncadd.s32 $0xFFFFFB00  }
0x38: {  	_ =	swait.ge [sflag:s31], $0x500  }
0x39: {  	[sflag:s31] =	ssyncset.done $0x0  }
0x3a: {  	[sflag:s31] =	ssyncadd.s32 $0xFFFFFB00  }
0x3b: {  	_ =	swait.ge [sflag:s31], $0x500  }
0x3c: {  	[sflag:s31] =	ssyncset.done $0x0  }
0x3d: {  	[sflag:s31] =	ssyncadd.s32 $0xFFFFFB00  }
0x3e: {  	_ =	swait.ge [sflag:s31], $0x80  }
0x3f: {  	[sflag:s31] =	ssyncset.done $0x0  }
0x40: {  	[sflag:s31] =	ssyncadd.s32 $0xFFFFFF80  }
0x41: {  	v1 =	vld [tilespmem:$0x0]  }
0x42: {  	v2 =	vld [tilespmem:$0x500];
	_ =	sdelay $0x4  }
0x43: {  	v3 =	vmax.f32 v1, v2  }
0x44: {  	v2 =	vsub.f32 v2, v3  }
0x45: {  	v1 =	vsub.f32 v1, v3  }
0x46: {  	v2 =	vmul.f32 $1.442695020e+00, v2  }
0x47: {  	v1 =	vmul.f32 $1.442695020e+00, v1  }
0x48: {  	(erf) = vpow2.f32 v2  }
0x49: {  	(erf) = vpow2.f32 v1;
	_ =	sdelay $0x7  }
0x4a: {  	v1 =	vpop (erf)  }
0x4b: {  	v2 =	vpop (erf)  }
0x4c: {  	v2 =	vadd.f32 v1, v2;
	_ =	sdelay $0x1  }
0x4d: {  	(erf) = vrcp.f32 v2;
	_ =	sdelay $0x8  }
0x4e: {  	v2 =	vpop (erf)  }
0x4f: {  	v1 =	vmul.f32 v2, v1;
	_ =	sdelay $0x1  }
0x50: {  	s2 =	simm.s32 $0x0;
	[tilespmem:$0x3280] =	vst v1  }
0x51: {  	v1 =	vld [tilespmem:s2+$0x500]  }
0x52: {  	v2 =	vld [tilespmem:s2+$0x0];
	_ =	sdelay $0x3  }
0x53: {  	v3 =	vld [tilespmem:s2+$0x1900]  }
0x54: {  	v4 =	vmax.f32 v2, v1  }
0x55: {  	v2 =	vsub.f32 v2, v4  }
0x56: {  	v5 =	vld [tilespmem:s2+$0x1400];
	v1 =	vsub.f32 v1, v4  }
0x57: {  	v2 =	vmul.f32 $1.442695020e+00, v2  }
0x58: {  	v3 =	vmul.f32 $2.000000030e-01, v3;
	v1 =	vmul.f32 $1.442695020e+00, v1  }
0x59: {  	(erf) = vpow2.f32 v2  }
0x5a: {  	(erf) = vpow2.f32 v1;
	v1 =	vmul.f32 $1.442695020e+00, v3;
	v3 =	vld [tilespmem:$0x3200]  }
0x5b: {  	v2 =	vmul.f32 $2.000000030e-01, v5  }
0x5c: {  	(erf) = vpow2.f32 v1  }
0x5d: {  	v2 =	vmul.f32 $1.442695020e+00, v2  }
0x5e: {  	vm0 =	vmmov $0x1;
	v1 =	vld [tilespmem:s2+$0xF00]  }
0x5f: {  	vm1 =	vcmask $0x308;
	(erf) = vpow2.f32 v2;
	v2 =	vnsel vm0, $0xCE6E6B28, v3  }
0x60: {  	(xrf0) =	vmax.scan.msk.f32 $0xffff, v2;
	v2 =	vsel vm1, $0xCE6E6B28, v3;
	v3 =	vld [tilespmem:s2+$0x2D00];
	_ =	sdelay $0x1  }
0x61: {  	v4 =	vld [tilespmem:s2+$0xA00];
	v5 =	vpop (erf)  }
0x62: {  	v7 =	vld [tilespmem:s2+$0x2300];
	(xrf0) =	vmax.scan.msk.f32 $0xffff, v2;
	v1 =	vmul.f32 $1.000000010e-01, v1;
	v6 =	vpop (erf)  }
0x63: {  	v2 =	vld [tilespmem:s2+$0x2800];
	v5 =	vadd.f32 v6, v5  }
0x64: {  	v8 =	vpop (erf);
	v1 =	vmul.f32 v3, v1  }
0x65: {  	v9 =	vld [tilespmem:s2+$0x1E00];
	(erf) = vrcp.f32 v5;
	v3 =	vmul.f32 v3, v8  }
0x66: {  	v4 =	vmul.f32 $1.000000010e-01, v4;
	v61, _, _ =	vpop (xrf0)  }
0x67: {  	v5 =	vpop (erf);
	v3 =	vmul.f32 v3, v0  }
0x68: {  	v10, _, _ =	vpop (xrf0);
	v5 =	vmul.f32 v2, v5;
	v2 =	vmul.f32 v2, v4;
	v4 =	vadd.f32 v1, v7  }
0x69: {  	v1 =	vbroadcast v10, $0xF  }
0x6a: {  	v5 =	vmul.f32 v5, v0;
	v7 =	vsub.f32 v4, v3;
	v9 =	vadd.f32 v2, v9  }
0x6b: {  	v3 =	vadd.f32 v3, v4  }
0x6c: {  	v2 =	vbroadcast v61, $0xF;
	v4 =	vmul.f32 v7, v1;
	v62 =	vsub.f32 v9, v5  }
0x6d: {  	v3 =	vmul.f32 v3, v1;
	v5 =	vadd.f32 v5, v9  }
0x6e: {  	[tilespmem:s2+$0xA00] =	vst v4;
	v4 =	vmul.f32 v62, v2;
	v63 =	vpop (erf)  }
0x6f: {  	vm1 =	vmxor vm1, vm1;
	v5 =	vmul.f32 v5, v2;
	[tilespmem:s2+$0x1400] =	vst v3;
	v3 =	vmul.f32 v63, v6  }
0x70: {  	p0 =	slt.u32 s10, $0x4E20;
	vm2 =	vmmov vm1;
	[tilespmem:s2+$0x500] =	vst v4  }
0x71: {  	s12 =	smov.u32 s10;
	s11 =	simm.s32 $0x40;
	vm2 =	vmneg @p0 vm2;
	[tilespmem:s2+$0xF00] =	vst v5;
	vm3 =	vgt.f32 v3, $9.999999770e-03  }
.LBB2_1:
0x72: {  	p0 =	sne.s32 s11, $0x13C0  }
0x73: {  	vm2 =	vmand vm2, vm3;
	s12 =	sadd.s32 $0x10, s12;
	s13 =	smov.u32 s11;
	s11 =	sadd.s32 $0x40, s11  }
0x74: {  	s13 =	sshra.s32 s13, $0x2;
	v3 =	vnsel vm2, $0xCE6E6B28, v3  }
0x75: {  	v4 =	vld [tilespmem:s13+$0x500];
	[tilespmem:s2+$0x0] =	vst v3;
	s2 =	smov.u32 s13  }
0x76: {  	v3 =	vld [tilespmem:s2+$0x0]  }
0x77: {  	v5 =	vld [tilespmem:s2+$0x1400]  }
0x78: {  	v6 =	vld [tilespmem:s2+$0x1900];
	_ =	sdelay $0x2  }
0x79: {  	v7 =	vmax.f32 v3, v4  }
0x7a: {  	v3 =	vsub.f32 v3, v7;
	v4 =	vsub.f32 v4, v7;
	v5 =	vmul.f32 $2.000000030e-01, v5  }
0x7b: {  	v6 =	vmul.f32 $2.000000030e-01, v6  }
0x7c: {  	v3 =	vmul.f32 $1.442695020e+00, v3;
	v4 =	vmul.f32 $1.442695020e+00, v4  }
0x7d: {  	v5 =	vmul.f32 $1.442695020e+00, v5;
	v6 =	vmul.f32 $1.442695020e+00, v6  }
0x7e: {  	(erf) = vpow2.f32 v3  }
0x7f: {  	(erf) = vpow2.f32 v4  }
0x80: {  	(erf) = vpow2.f32 v6  }
0x81: {  	(erf) = vpow2.f32 v5;
	_ =	sdelay $0x1  }
0x82: {  	v3 =	vld [tilespmem:s2+$0xF00]  }
0x83: {  	v4 =	vld [tilespmem:s2+$0xA00]  }
0x84: {  	v5 =	vld [tilespmem:s2+$0x2D00]  }
0x85: {  	v6 =	vld [tilespmem:s2+$0x2800]  }
0x86: {  	v7 =	vld [tilespmem:s2+$0x2300];
	v8 =	vpop (erf)  }
0x87: {  	v3 =	vmul.f32 $1.000000010e-01, v3;
	v9 =	vpop (erf)  }
0x88: {  	v8 =	vadd.f32 v9, v8;
	v4 =	vmul.f32 $1.000000010e-01, v4;
	v10 =	vpop (erf)  }
0x89: {  	v11 =	vld [tilespmem:s2+$0x1E00];
	v3 =	vmul.f32 v5, v3;
	v5 =	vmul.f32 v5, v10;
	v10 =	vpop (erf)  }
0x8a: {  	v10 =	vmul.f32 v6, v10;
	(erf) = vrcp.f32 v8  }
0x8b: {  	v4 =	vmul.f32 v6, v4;
	v3 =	vadd.f32 v3, v7;
	v5 =	vmul.f32 v5, v0  }
0x8c: {  	v6 =	vmul.f32 v10, v0  }
0x8d: {  	v7 =	vsub.f32 v3, v5;
	v3 =	vadd.f32 v5, v3  }
0x8e: {  	v4 =	vadd.f32 v4, v11  }
0x8f: {  	v5 =	vmul.f32 v7, v1;
	v3 =	vmul.f32 v3, v1  }
0x90: {  	v7 =	vsub.f32 v4, v6;
	v4 =	vadd.f32 v6, v4  }
0x91: {  	[tilespmem:s2+$0xA00] =	vst v5  }
.Ltmp0:
0x92: {  	v5 =	vmul.f32 v7, v2;
	v4 =	vmul.f32 v4, v2;
	[tilespmem:s2+$0x1400] =	vst v3;
	(pc) =	sbr.rel @p0 .LBB2_1-.Ltmp0, $4  }
0x93: {  	v3 =	vpop (erf)  }
0x94: {  	v3 =	vmul.f32 v3, v9;
	[tilespmem:s2+$0x500] =	vst v5  }
0x95: {  	p1 =	slt.u32 s12, $0x4E20;
	vm2 =	vmmov vm1;
	[tilespmem:s2+$0xF00] =	vst v4  }
0x96: {  	vm2 =	vmneg @p1 vm2;
	vm3 =	vgt.f32 v3, $9.999999770e-03  }
0x97: {  	v0 =	vlaneseq.u32  }
0x98: {  	v0 =	vmul.u32 $0x10, v0;
	_ =	sdelay $0x1  }
0x99: {  	v2 =	vor.u32 $0x1, v0  }
0x9a: {  	vm1 =	vmand vm2, vm3;
	v4 =	vor.u32 $0x2, v0  }
0x9b: {  	v1 =	vnsel vm1, $0xCE6E6B28, v3;
	v5 =	vor.u32 $0x3, v0  }
0x9c: {  	[tilespmem:s2+$0x0] =	vst v1;
	s2 =	simm.s32 $0x0;
	v6 =	vor.u32 $0x4, v0  }
0x9d: {  	v7 =	vor.u32 $0x5, v0;
	v1 =	vld.idx.msk [tilespmem:v0+s2+$0x0], $0xffff  }
0x9e: {  	v8 =	vor.u32 $0x6, v0;
	[tilespmem:$0x1FEA0] =	vst v2;
	v2 =	vld.idx.msk [tilespmem:v2+s2+$0x0], $0xffff  }
0x9f: {  	v9 =	vor.u32 $0x7, v0;
	[tilespmem:$0x1FEB0] =	vst v4;
	v3 =	vld.idx.msk [tilespmem:v4+s2+$0x0], $0xffff  }
0xa0: {  	v10 =	vor.u32 $0x8, v0;
	[tilespmem:$0x1FEC0] =	vst v5;
	v4 =	vld.idx.msk [tilespmem:v5+s2+$0x0], $0xffff  }
0xa1: {  	v11 =	vor.u32 $0x9, v0;
	[tilespmem:$0x1FED0] =	vst v6;
	v5 =	vld.idx.msk [tilespmem:v6+s2+$0x0], $0xffff  }
0xa2: {  	[tilespmem:$0x1FEE0] =	vst v7;
	v6 =	vld.idx.msk [tilespmem:v7+s2+$0x0], $0xffff;
	v7 =	vor.u32 $0xA, v0  }
0xa3: {  	[tilespmem:$0x1FEF0] =	vst v8;
	v1 =	vmax.f32 v1, v2;
	v2 =	vld.idx.msk [tilespmem:v8+s2+$0x0], $0xffff;
	v8 =	vor.u32 $0xB, v0  }
0xa4: {  	[tilespmem:$0x1FF00] =	vst v9;
	v1 =	vmax.f32 v1, v3;
	v3 =	vld.idx.msk [tilespmem:v9+s2+$0x0], $0xffff;
	v9 =	vor.u32 $0xC, v0  }
0xa5: {  	[tilespmem:$0x1FF10] =	vst v10;
	v1 =	vmax.f32 v1, v4;
	v4 =	vld.idx.msk [tilespmem:v10+s2+$0x0], $0xffff;
	v10 =	vor.u32 $0xD, v0  }
0xa6: {  	[tilespmem:$0x1FF20] =	vst v11;
	v1 =	vmax.f32 v1, v5;
	v5 =	vld.idx.msk [tilespmem:v11+s2+$0x0], $0xffff;
	v11 =	vor.u32 $0xE, v0  }
0xa7: {  	[tilespmem:$0x1FF30] =	vst v7;
	v1 =	vmax.f32 v1, v6;
	v6 =	vld.idx.msk [tilespmem:v7+s2+$0x0], $0xffff;
	v7 =	vor.u32 $0xF, v0  }
0xa8: {  	v1 =	vmax.f32 v1, v2;
	v2 =	vld.idx.msk [tilespmem:v8+s2+$0x0], $0xffff  }
0xa9: {  	v1 =	vmax.f32 v1, v3;
	v3 =	vld.idx.msk [tilespmem:v9+s2+$0x0], $0xffff  }
0xaa: {  	v1 =	vmax.f32 v1, v4;
	v4 =	vld.idx.msk [tilespmem:v10+s2+$0x0], $0xffff  }
0xab: {  	v1 =	vmax.f32 v1, v5;
	v5 =	vld.idx.msk [tilespmem:v11+s2+$0x0], $0xffff  }
0xac: {  	v1 =	vmax.f32 v1, v6;
	v6 =	vld.idx.msk [tilespmem:v7+s2+$0x0], $0xffff  }
0xad: {  	v1 =	vmax.f32 v1, v2  }
0xae: {  	v2 =	vor.u32 $0x100, v0;
	v1 =	vmax.f32 v1, v3  }
0xaf: {  	v3 =	vor.u32 $0x101, v0;
	v1 =	vmax.f32 v1, v4  }
0xb0: {  	v4 =	vor.u32 $0x102, v0;
	v1 =	vmax.f32 v1, v5  }
0xb1: {  	[tilespmem:$0x1FF40] =	vst v8;
	v5 =	vor.u32 $0x103, v0;
	v1 =	vmax.f32 v1, v6  }
0xb2: {  	v6 =	vor.u32 $0x104, v0;
	[tilespmem:$0x1900] =	vst v1  }
0xb3: {  	[tilespmem:$0x1FF80] =	vst v7;
	v7 =	vor.u32 $0x105, v0;
	v1 =	vld.idx.msk [tilespmem:v2+s2+$0x0], $0xffff  }
0xb4: {  	v8 =	vor.u32 $0x106, v0;
	[tilespmem:$0x1FF90] =	vst v2;
	v2 =	vld.idx.msk [tilespmem:v3+s2+$0x0], $0xffff  }
0xb5: {  	v23 =	vor.u32 $0x107, v0;
	[tilespmem:$0x1FFA0] =	vst v3;
	v3 =	vld.idx.msk [tilespmem:v4+s2+$0x0], $0xffff  }
0xb6: {  	v24 =	vor.u32 $0x108, v0;
	[tilespmem:$0x1FFB0] =	vst v4;
	v4 =	vld.idx.msk [tilespmem:v5+s2+$0x0], $0xffff  }
0xb7: {  	v25 =	vor.u32 $0x109, v0;
	[tilespmem:$0x1FFC0] =	vst v5;
	v5 =	vld.idx.msk [tilespmem:v6+s2+$0x0], $0xffff  }
0xb8: {  	v26 =	vor.u32 $0x10A, v0;
	[tilespmem:$0x1FFD0] =	vst v6;
	v6 =	vld.idx.msk [tilespmem:v7+s2+$0x0], $0xffff  }
0xb9: {  	v27 =	vor.u32 $0x10B, v0;
	v1 =	vmax.f32 v1, v2;
	v2 =	vld.idx.msk [tilespmem:v8+s2+$0x0], $0xffff  }
0xba: {  	v28 =	vor.u32 $0x10C, v0;
	v1 =	vmax.f32 v1, v3;
	v3 =	vld.idx.msk [tilespmem:v23+s2+$0x0], $0xffff  }
0xbb: {  	v29 =	vor.u32 $0x10D, v0;
	v1 =	vmax.f32 v1, v4;
	v4 =	vld.idx.msk [tilespmem:v24+s2+$0x0], $0xffff  }
0xbc: {  	v30 =	vor.u32 $0x10E, v0;
	v1 =	vmax.f32 v1, v5;
	v5 =	vld.idx.msk [tilespmem:v25+s2+$0x0], $0xffff  }
0xbd: {  	v31 =	vor.u32 $0x10F, v0;
	v1 =	vmax.f32 v1, v6;
	v6 =	vld.idx.msk [tilespmem:v26+s2+$0x0], $0xffff  }
0xbe: {  	v1 =	vmax.f32 v1, v2;
	v2 =	vld.idx.msk [tilespmem:v27+s2+$0x0], $0xffff  }
0xbf: {  	v1 =	vmax.f32 v1, v3;
	v3 =	vld.idx.msk [tilespmem:v28+s2+$0x0], $0xffff  }
0xc0: {  	v1 =	vmax.f32 v1, v4;
	v4 =	vld.idx.msk [tilespmem:v29+s2+$0x0], $0xffff  }
0xc1: {  	v1 =	vmax.f32 v1, v5;
	v5 =	vld.idx.msk [tilespmem:v30+s2+$0x0], $0xffff  }
0xc2: {  	v1 =	vmax.f32 v1, v6;
	v6 =	vld.idx.msk [tilespmem:v31+s2+$0x0], $0xffff  }
0xc3: {  	v1 =	vmax.f32 v1, v2  }
0xc4: {  	v32 =	vor.u32 $0x200, v0;
	v1 =	vmax.f32 v1, v3  }
0xc5: {  	v33 =	vor.u32 $0x201, v0;
	v1 =	vmax.f32 v1, v4  }
0xc6: {  	v34 =	vor.u32 $0x202, v0;
	v1 =	vmax.f32 v1, v5  }
0xc7: {  	v35 =	vor.u32 $0x203, v0;
	v1 =	vmax.f32 v1, v6  }
0xc8: {  	v36 =	vor.u32 $0x204, v0;
	[tilespmem:$0x1910] =	vst v1  }
0xc9: {  	v37 =	vor.u32 $0x205, v0;
	v1 =	vld.idx.msk [tilespmem:v32+s2+$0x0], $0xffff  }
0xca: {  	v38 =	vor.u32 $0x206, v0;
	v2 =	vld.idx.msk [tilespmem:v33+s2+$0x0], $0xffff  }
0xcb: {  	v39 =	vor.u32 $0x207, v0;
	v3 =	vld.idx.msk [tilespmem:v34+s2+$0x0], $0xffff  }
0xcc: {  	v40 =	vor.u32 $0x208, v0;
	v4 =	vld.idx.msk [tilespmem:v35+s2+$0x0], $0xffff  }
0xcd: {  	v41 =	vor.u32 $0x209, v0;
	v5 =	vld.idx.msk [tilespmem:v36+s2+$0x0], $0xffff  }
0xce: {  	v42 =	vor.u32 $0x20A, v0;
	v6 =	vld.idx.msk [tilespmem:v37+s2+$0x0], $0xffff  }
0xcf: {  	v43 =	vor.u32 $0x20B, v0;
	v1 =	vmax.f32 v1, v2;
	v2 =	vld.idx.msk [tilespmem:v38+s2+$0x0], $0xffff  }
0xd0: {  	v44 =	vor.u32 $0x20C, v0;
	v1 =	vmax.f32 v1, v3;
	v3 =	vld.idx.msk [tilespmem:v39+s2+$0x0], $0xffff  }
0xd1: {  	v45 =	vor.u32 $0x20D, v0;
	v1 =	vmax.f32 v1, v4;
	v4 =	vld.idx.msk [tilespmem:v40+s2+$0x0], $0xffff  }
0xd2: {  	v46 =	vor.u32 $0x20E, v0;
	v1 =	vmax.f32 v1, v5;
	v5 =	vld.idx.msk [tilespmem:v41+s2+$0x0], $0xffff  }
0xd3: {  	v47 =	vor.u32 $0x20F, v0;
	v1 =	vmax.f32 v1, v6;
	v6 =	vld.idx.msk [tilespmem:v42+s2+$0x0], $0xffff  }
0xd4: {  	v1 =	vmax.f32 v1, v2;
	v2 =	vld.idx.msk [tilespmem:v43+s2+$0x0], $0xffff  }
0xd5: {  	v1 =	vmax.f32 v1, v3;
	v3 =	vld.idx.msk [tilespmem:v44+s2+$0x0], $0xffff  }
0xd6: {  	v1 =	vmax.f32 v1, v4;
	v4 =	vld.idx.msk [tilespmem:v45+s2+$0x0], $0xffff  }
0xd7: {  	v1 =	vmax.f32 v1, v5;
	v5 =	vld.idx.msk [tilespmem:v46+s2+$0x0], $0xffff  }
0xd8: {  	v1 =	vmax.f32 v1, v6;
	v6 =	vld.idx.msk [tilespmem:v47+s2+$0x0], $0xffff  }
0xd9: {  	v1 =	vmax.f32 v1, v2  }
0xda: {  	v48 =	vor.u32 $0x300, v0;
	v1 =	vmax.f32 v1, v3  }
0xdb: {  	v49 =	vor.u32 $0x301, v0;
	v1 =	vmax.f32 v1, v4  }
0xdc: {  	v50 =	vor.u32 $0x302, v0;
	v1 =	vmax.f32 v1, v5  }
0xdd: {  	v51 =	vor.u32 $0x303, v0;
	v1 =	vmax.f32 v1, v6  }
0xde: {  	v52 =	vor.u32 $0x304, v0;
	[tilespmem:$0x1920] =	vst v1  }
0xdf: {  	v53 =	vor.u32 $0x305, v0;
	v1 =	vld.idx.msk [tilespmem:v48+s2+$0x0], $0xffff  }
0xe0: {  	v54 =	vor.u32 $0x306, v0;
	v2 =	vld.idx.msk [tilespmem:v49+s2+$0x0], $0xffff  }
0xe1: {  	v55 =	vor.u32 $0x307, v0;
	v3 =	vld.idx.msk [tilespmem:v50+s2+$0x0], $0xffff  }
0xe2: {  	v56 =	vor.u32 $0x308, v0;
	v4 =	vld.idx.msk [tilespmem:v51+s2+$0x0], $0xffff  }
0xe3: {  	v57 =	vor.u32 $0x309, v0;
	v5 =	vld.idx.msk [tilespmem:v52+s2+$0x0], $0xffff  }
0xe4: {  	v58 =	vor.u32 $0x30A, v0;
	v6 =	vld.idx.msk [tilespmem:v53+s2+$0x0], $0xffff  }
0xe5: {  	v59 =	vor.u32 $0x30B, v0;
	v1 =	vmax.f32 v1, v2;
	v2 =	vld.idx.msk [tilespmem:v54+s2+$0x0], $0xffff  }
0xe6: {  	v60 =	vor.u32 $0x30C, v0;
	v1 =	vmax.f32 v1, v3;
	v3 =	vld.idx.msk [tilespmem:v55+s2+$0x0], $0xffff  }
0xe7: {  	v61 =	vor.u32 $0x30D, v0;
	v1 =	vmax.f32 v1, v4;
	v4 =	vld.idx.msk [tilespmem:v56+s2+$0x0], $0xffff  }
0xe8: {  	v62 =	vor.u32 $0x30E, v0;
	v1 =	vmax.f32 v1, v5;
	v5 =	vld.idx.msk [tilespmem:v57+s2+$0x0], $0xffff  }
0xe9: {  	v63 =	vor.u32 $0x30F, v0;
	v1 =	vmax.f32 v1, v6;
	v6 =	vld.idx.msk [tilespmem:v58+s2+$0x0], $0xffff  }
0xea: {  	v1 =	vmax.f32 v1, v2;
	v2 =	vld.idx.msk [tilespmem:v59+s2+$0x0], $0xffff  }
0xeb: {  	v1 =	vmax.f32 v1, v3;
	v3 =	vld.idx.msk [tilespmem:v60+s2+$0x0], $0xffff  }
0xec: {  	v1 =	vmax.f32 v1, v4;
	v4 =	vld.idx.msk [tilespmem:v61+s2+$0x0], $0xffff  }
0xed: {  	v1 =	vmax.f32 v1, v5;
	v5 =	vld.idx.msk [tilespmem:v62+s2+$0x0], $0xffff  }
0xee: {  	v1 =	vmax.f32 v1, v6;
	v6 =	vld.idx.msk [tilespmem:v63+s2+$0x0], $0xffff  }
0xef: {  	v1 =	vmax.f32 v1, v2  }
0xf0: {  	v2 =	vmax.f32 v1, v3;
	v1 =	vor.u32 $0x400, v0  }
0xf1: {  	v3 =	vmax.f32 v2, v4;
	v2 =	vor.u32 $0x401, v0  }
0xf2: {  	v4 =	vmax.f32 v3, v5;
	v3 =	vor.u32 $0x402, v0  }
0xf3: {  	v5 =	vmax.f32 v4, v6;
	v4 =	vor.u32 $0x403, v0  }
0xf4: {  	[tilespmem:$0x1930] =	vst v5;
	v5 =	vor.u32 $0x404, v0  }
0xf5: {  	v6 =	vor.u32 $0x405, v0;
	v12 =	vld.idx.msk [tilespmem:v1+s2+$0x0], $0xffff  }
0xf6: {  	[tilespmem:$0x1FFE0] =	vst v7;
	v7 =	vor.u32 $0x406, v0;
	v13 =	vld.idx.msk [tilespmem:v2+s2+$0x0], $0xffff  }
0xf7: {  	[tilespmem:$0x1FFF0] =	vst v8;
	v8 =	vor.u32 $0x407, v0;
	v14 =	vld.idx.msk [tilespmem:v3+s2+$0x0], $0xffff  }
0xf8: {  	[tilespmem:$0x1FF50] =	vst v9;
	v9 =	vor.u32 $0x408, v0;
	v15 =	vld.idx.msk [tilespmem:v4+s2+$0x0], $0xffff  }
0xf9: {  	[tilespmem:$0x1FF60] =	vst v10;
	v10 =	vor.u32 $0x409, v0;
	v16 =	vld.idx.msk [tilespmem:v5+s2+$0x0], $0xffff  }
0xfa: {  	[tilespmem:$0x1FF70] =	vst v11;
	v11 =	vor.u32 $0x40A, v0;
	v17 =	vld.idx.msk [tilespmem:v6+s2+$0x0], $0xffff  }
0xfb: {  	v18 =	vld.idx.msk [tilespmem:v7+s2+$0x0], $0xffff;
	v13 =	vmax.f32 v12, v13;
	v12 =	vor.u32 $0x40B, v0  }
0xfc: {  	v19 =	vld.idx.msk [tilespmem:v8+s2+$0x0], $0xffff;
	v14 =	vmax.f32 v13, v14;
	v13 =	vor.u32 $0x40C, v0  }
0xfd: {  	v20 =	vld.idx.msk [tilespmem:v9+s2+$0x0], $0xffff;
	v15 =	vmax.f32 v14, v15;
	v14 =	vor.u32 $0x40D, v0  }
0xfe: {  	v21 =	vld.idx.msk [tilespmem:v10+s2+$0x0], $0xffff;
	v16 =	vmax.f32 v15, v16;
	v15 =	vor.u32 $0x40E, v0  }
0xff: {  	v22 =	vld.idx.msk [tilespmem:v11+s2+$0x0], $0xffff;
	v17 =	vmax.f32 v16, v17;
	v16 =	vor.u32 $0x40F, v0  }
0x100: {  	v17 =	vmax.f32 v17, v18;
	v18 =	vld.idx.msk [tilespmem:v12+s2+$0x0], $0xffff  }
0x101: {  	v17 =	vmax.f32 v17, v19;
	v19 =	vld.idx.msk [tilespmem:v13+s2+$0x0], $0xffff  }
0x102: {  	v17 =	vmax.f32 v17, v20;
	v20 =	vld.idx.msk [tilespmem:v14+s2+$0x0], $0xffff  }
0x103: {  	v17 =	vmax.f32 v17, v21;
	v21 =	vld.idx.msk [tilespmem:v15+s2+$0x0], $0xffff  }
0x104: {  	v17 =	vmax.f32 v17, v22;
	v22 =	vld.idx.msk [tilespmem:v16+s2+$0x0], $0xffff  }
0x105: {  	v17 =	vmax.f32 v17, v18  }
0x106: {  	v17 =	vmax.f32 v17, v19  }
0x107: {  	v17 =	vmax.f32 v17, v20  }
0x108: {  	v17 =	vmax.f32 v17, v21  }
0x109: {  	v17 =	vmax.f32 v17, v22  }
0x10a: {  	s11 =	sadd.s32 s10, s7;
	[tilespmem:$0x1940] =	vst v17  }
0x10b: {  	[spmem:s11] =	stream.linear.scatter [tilespmem:s2], [sflag:$0x1], $0x500, $0x38;
	[tilespmem:$0x1DED0] =	vst v63  }
0x10c: {  	s21 =	sadd.s32 s10, s6;
	s12 =	simm.s32 $0x500  }
0x10d: {  	[spmem:s21] =	stream.linear.scatter [tilespmem:s12], [sflag:$0x1], $0x500, $0x38;
	[tilespmem:$0x1DED0] =	vst v63  }
0x10e: {  	s22 =	sadd.s32 s10, s5;
	s23 =	simm.s32 $0xA00  }
0x10f: {  	[spmem:s22] =	stream.linear.scatter [tilespmem:s23], [sflag:$0x1], $0x500, $0x38;
	[tilespmem:$0x1DED0] =	vst v63  }
0x110: {  	s24 =	sadd.s32 s10, s3;
	s25 =	smul.u32 $0x140, s9;
	s13 =	simm.s32 $0xF00  }
0x111: {  	[spmem:s24] =	stream.linear.scatter [tilespmem:s13], [sflag:$0x1], $0x500, $0x38;
	[tilespmem:$0x1DED0] =	vst v63  }
0x112: {  	s26 =	sadd.s32 s10, s4;
	s29 =	simm.s32 $0x1400;
	s28 =	sshrl.u32 s25, $0x2  }
0x113: {  	[spmem:s26] =	stream.linear.scatter [tilespmem:s29], [sflag:$0x1], $0x500, $0x38;
	[tilespmem:$0x1DED0] =	vst v63  }
0x114: {  	s31 =	simm.s32 $0x1900;
	s30 =	sadd.s32 s28, s8;
	s11 =	simm.s32 $0x1  }
0x115: {  	[spmem:s30] =	stream.linear.scatter [tilespmem:s31], [sflag:$0x1], $0x50, $0x38;
	[tilespmem:$0x1DED0] =	vst v63  }
0x116: {  	_ =	swait.ge [sflag:s11], $0x500  }
0x117: {  	[sflag:s11] =	ssyncset.done $0x0  }
0x118: {  	[sflag:s11] =	ssyncadd.s32 $0xFFFFFB00  }
0x119: {  	_ =	swait.ge [sflag:s11], $0x500  }
0x11a: {  	[sflag:s11] =	ssyncset.done $0x0  }
0x11b: {  	[sflag:s11] =	ssyncadd.s32 $0xFFFFFB00  }
0x11c: {  	_ =	swait.ge [sflag:s11], $0x500  }
0x11d: {  	[sflag:s11] =	ssyncset.done $0x0  }
0x11e: {  	[sflag:s11] =	ssyncadd.s32 $0xFFFFFB00  }
0x11f: {  	_ =	swait.ge [sflag:s11], $0x500  }
0x120: {  	[sflag:s11] =	ssyncset.done $0x0  }
0x121: {  	[sflag:s11] =	ssyncadd.s32 $0xFFFFFB00  }
0x122: {  	_ =	swait.ge [sflag:s11], $0x500  }
0x123: {  	[sflag:s11] =	ssyncset.done $0x0  }
0x124: {  	[sflag:s11] =	ssyncadd.s32 $0xFFFFFB00  }
0x125: {  	_ =	swait.ge [sflag:s11], $0x50  }
0x126: {  	[sflag:s11] =	ssyncset.done $0x0  }
0x127: {  	[sflag:s11] =	ssyncadd.s32 $0xFFFFFFB0  }
0x128: {  	p0 =	sne.s32 s9, $0x0;
	[bflag:$0x0] =	sbarrier.arrive $0xFFFF  }
0x129: {  	_ =	sfence.sel @p0 $0x180000  }
0x12a: {  	[bflag:$0x0] =	sbarrier.arrive @p0 $0xFFFF  }
0x12b: {  	_ =	strace @p0 $0x90000047  }
0x12c: {  	[bflag:$0x2] =	sbarrier.arrive @p0 $0xFFFF  }
0x12d: {  	_ =	shalt @p0  }
.LBB2_3:
0x12e: {  	[tilespmem:s2], [sflag:$0x2] =	stream.linear.gather [spmem:s8], $0x500, $0x38;
	[tilespmem:$0x1DED0] =	vst v63  }
0x12f: {  	s29 =	simm.s32 $0x3300  }
0x130: {  	[tilespmem:s29], [sflag:$0x1] =	stream.linear.gather [spmem:s7], $0x5000, $0x38;
	[tilespmem:$0x1DED0] =	vst v63  }
0x131: {  	s7 =	simm.s32 $0x8300  }
0x132: {  	[tilespmem:s7], [sflag:$0x1] =	stream.linear.gather [spmem:s6], $0x5000, $0x38;
	[tilespmem:$0x1DED0] =	vst v63  }
0x133: {  	s6 =	simm.s32 $0xD300  }
0x134: {  	[tilespmem:s6], [sflag:$0x1] =	stream.linear.gather [spmem:s5], $0x5000, $0x38;
	[tilespmem:$0x1DED0] =	vst v63  }
0x135: {  	s5 =	simm.s32 $0x12300  }
0x136: {  	[tilespmem:s5], [sflag:$0x1] =	stream.linear.gather [spmem:s3], $0x5000, $0x38;
	[tilespmem:$0x1DED0] =	vst v63  }
0x137: {  	s30 =	simm.s32 $0x2;
	s3 =	simm.s32 $0x17300  }
0x138: {  	[tilespmem:s3], [sflag:$0x1] =	stream.linear.gather [spmem:s4], $0x5000, $0x38;
	[tilespmem:$0x1DED0] =	vst v63  }
0x139: {  	_ =	swait.ge [sflag:s30], $0x500  }
0x13a: {  	v17 =	vld [tilespmem:$0x1FEA0];
	_ =	sdelay $0x4  }
0x13b: {  	[sflag:s30] =	ssyncset.done $0x0;
	v22 =	vld [tilespmem:$0x1FEF0]  }
0x13c: {  	[sflag:s30] =	ssyncadd.s32 $0xFFFFFB00  }
0x13d: {  	v0 =	vld.idx.msk [tilespmem:v0+s2+$0x0], $0xffff  }
0x13e: {  	v17 =	vld.idx.msk [tilespmem:v17+s2+$0x0], $0xffff  }
0x13f: {  	v18 =	vld [tilespmem:$0x1FEB0];
	_ =	sdelay $0x3  }
0x140: {  	v0 =	vmax.f32 v0, v17;
	v17 =	vld.idx.msk [tilespmem:v22+s2+$0x0], $0xffff  }
0x141: {  	v22 =	vld [tilespmem:$0x1FF00];
	_ =	sdelay $0x2  }
0x142: {  	v18 =	vld.idx.msk [tilespmem:v18+s2+$0x0], $0xffff  }
0x143: {  	v19 =	vld [tilespmem:$0x1FEC0];
	_ =	sdelay $0x3  }
0x144: {  	v0 =	vmax.f32 v0, v18;
	v18 =	vld.idx.msk [tilespmem:v22+s2+$0x0], $0xffff  }
0x145: {  	v22 =	vld [tilespmem:$0x1FF10]  }
0x146: {  	v20 =	vld [tilespmem:$0x1FED0]  }
0x147: {  	v21 =	vld [tilespmem:$0x1FEE0]  }
0x148: {  	v19 =	vld.idx.msk [tilespmem:v19+s2+$0x0], $0xffff;
	_ =	sdelay $0x4  }
0x149: {  	v0 =	vmax.f32 v0, v19;
	v19 =	vld.idx.msk [tilespmem:v22+s2+$0x0], $0xffff  }
0x14a: {  	v22 =	vld [tilespmem:$0x1FF40]  }
0x14b: {  	v20 =	vld.idx.msk [tilespmem:v20+s2+$0x0], $0xffff  }
0x14c: {  	v21 =	vld.idx.msk [tilespmem:v21+s2+$0x0], $0xffff;
	_ =	sdelay $0x3  }
0x14d: {  	v0 =	vmax.f32 v0, v20;
	v20 =	vld [tilespmem:$0x1FF20]  }
0x14e: {  	v0 =	vmax.f32 v0, v21;
	v21 =	vld [tilespmem:$0x1FF30]  }
0x14f: {  	v0 =	vmax.f32 v0, v17;
	v17 =	vld.idx.msk [tilespmem:v22+s2+$0x0], $0xffff  }
0x150: {  	v22 =	vld [tilespmem:$0x1FF50];
	_ =	sdelay $0x4  }
0x151: {  	v20 =	vld.idx.msk [tilespmem:v20+s2+$0x0], $0xffff  }
0x152: {  	v21 =	vld.idx.msk [tilespmem:v21+s2+$0x0], $0xffff;
	_ =	sdelay $0x1  }
0x153: {  	v0 =	vmax.f32 v0, v18;
	v18 =	vld.idx.msk [tilespmem:v22+s2+$0x0], $0xffff  }
0x154: {  	v0 =	vmax.f32 v0, v19;
	v22 =	vld [tilespmem:$0x1FF60]  }
0x155: {  	v0 =	vmax.f32 v0, v20;
	v20 =	vld [tilespmem:$0x1FF70]  }
0x156: {  	v0 =	vmax.f32 v0, v21;
	v21 =	vld [tilespmem:$0x1FF80];
	_ =	sdelay $0x5  }
0x157: {  	v19 =	vld.idx.msk [tilespmem:v22+s2+$0x0], $0xffff  }
0x158: {  	v20 =	vld.idx.msk [tilespmem:v20+s2+$0x0], $0xffff  }
0x159: {  	v21 =	vld.idx.msk [tilespmem:v21+s2+$0x0], $0xffff  }
0x15a: {  	v0 =	vmax.f32 v0, v17  }
0x15b: {  	v0 =	vmax.f32 v0, v18  }
0x15c: {  	v0 =	vmax.f32 v0, v19  }
0x15d: {  	v0 =	vmax.f32 v0, v20;
	v20 =	vld [tilespmem:$0x1FF90]  }
0x15e: {  	v0 =	vmax.f32 v0, v21;
	v21 =	vld [tilespmem:$0x1FFA0]  }
0x15f: {  	v22 =	vld [tilespmem:$0x1FFB0];
	_ =	sdelay $0x4  }
0x160: {  	[tilespmem:$0x500] =	vst v0  }
0x161: {  	v17 =	vld.idx.msk [tilespmem:v20+s2+$0x0], $0xffff  }
0x162: {  	v18 =	vld.idx.msk [tilespmem:v21+s2+$0x0], $0xffff  }
0x163: {  	v19 =	vld.idx.msk [tilespmem:v22+s2+$0x0], $0xffff  }
0x164: {  	v20 =	vld [tilespmem:$0x1FFC0]  }
0x165: {  	v21 =	vld [tilespmem:$0x1FFD0]  }
0x166: {  	v22 =	vld [tilespmem:$0x1FFE0]  }
0x167: {  	v17 =	vmax.f32 v17, v18;
	v18 =	vld [tilespmem:$0x1FFF0];
	_ =	sdelay $0x4  }
0x168: {  	v20 =	vld.idx.msk [tilespmem:v20+s2+$0x0], $0xffff  }
0x169: {  	v21 =	vld.idx.msk [tilespmem:v21+s2+$0x0], $0xffff  }
0x16a: {  	v22 =	vld.idx.msk [tilespmem:v22+s2+$0x0], $0xffff  }
0x16b: {  	v18 =	vld.idx.msk [tilespmem:v18+s2+$0x0], $0xffff  }
0x16c: {  	v17 =	vmax.f32 v17, v19;
	v19 =	vld.idx.msk [tilespmem:v23+s2+$0x0], $0xffff  }
0x16d: {  	v24 =	vld.idx.msk [tilespmem:v24+s2+$0x0], $0xffff;
	v17 =	vmax.f32 v17, v20  }
0x16e: {  	v25 =	vld.idx.msk [tilespmem:v25+s2+$0x0], $0xffff;
	v17 =	vmax.f32 v17, v21  }
0x16f: {  	v26 =	vld.idx.msk [tilespmem:v26+s2+$0x0], $0xffff;
	v17 =	vmax.f32 v17, v22  }
0x170: {  	v27 =	vld.idx.msk [tilespmem:v27+s2+$0x0], $0xffff;
	v17 =	vmax.f32 v17, v18  }
0x171: {  	v28 =	vld.idx.msk [tilespmem:v28+s2+$0x0], $0xffff;
	v17 =	vmax.f32 v17, v19  }
0x172: {  	v29 =	vld.idx.msk [tilespmem:v29+s2+$0x0], $0xffff;
	v17 =	vmax.f32 v17, v24  }
0x173: {  	v30 =	vld.idx.msk [tilespmem:v30+s2+$0x0], $0xffff;
	v17 =	vmax.f32 v17, v25  }
0x174: {  	v31 =	vld.idx.msk [tilespmem:v31+s2+$0x0], $0xffff;
	v17 =	vmax.f32 v17, v26  }
0x175: {  	v17 =	vmax.f32 v17, v27  }
0x176: {  	v17 =	vmax.f32 v17, v28  }
0x177: {  	v17 =	vmax.f32 v17, v29  }
0x178: {  	v17 =	vmax.f32 v17, v30  }
0x179: {  	v17 =	vmax.f32 v17, v31  }
0x17a: {  	[tilespmem:$0x510] =	vst v17  }
0x17b: {  	v32 =	vld.idx.msk [tilespmem:v32+s2+$0x0], $0xffff  }
0x17c: {  	v33 =	vld.idx.msk [tilespmem:v33+s2+$0x0], $0xffff  }
0x17d: {  	v34 =	vld.idx.msk [tilespmem:v34+s2+$0x0], $0xffff  }
0x17e: {  	v35 =	vld.idx.msk [tilespmem:v35+s2+$0x0], $0xffff  }
0x17f: {  	v36 =	vld.idx.msk [tilespmem:v36+s2+$0x0], $0xffff  }
0x180: {  	v37 =	vld.idx.msk [tilespmem:v37+s2+$0x0], $0xffff  }
0x181: {  	v38 =	vld.idx.msk [tilespmem:v38+s2+$0x0], $0xffff;
	v18 =	vmax.f32 v32, v33  }
0x182: {  	v39 =	vld.idx.msk [tilespmem:v39+s2+$0x0], $0xffff;
	v18 =	vmax.f32 v18, v34  }
0x183: {  	v40 =	vld.idx.msk [tilespmem:v40+s2+$0x0], $0xffff;
	v18 =	vmax.f32 v18, v35  }
0x184: {  	v24 =	vld.idx.msk [tilespmem:v41+s2+$0x0], $0xffff;
	v18 =	vmax.f32 v18, v36  }
0x185: {  	v25 =	vld.idx.msk [tilespmem:v42+s2+$0x0], $0xffff;
	v18 =	vmax.f32 v18, v37  }
0x186: {  	v26 =	vld.idx.msk [tilespmem:v43+s2+$0x0], $0xffff;
	v18 =	vmax.f32 v18, v38  }
0x187: {  	v27 =	vld.idx.msk [tilespmem:v44+s2+$0x0], $0xffff;
	v18 =	vmax.f32 v18, v39  }
0x188: {  	v28 =	vld.idx.msk [tilespmem:v45+s2+$0x0], $0xffff;
	v18 =	vmax.f32 v18, v40  }
0x189: {  	v29 =	vld.idx.msk [tilespmem:v46+s2+$0x0], $0xffff;
	v18 =	vmax.f32 v18, v24  }
0x18a: {  	v30 =	vld.idx.msk [tilespmem:v47+s2+$0x0], $0xffff;
	v18 =	vmax.f32 v18, v25  }
0x18b: {  	v18 =	vmax.f32 v18, v26  }
0x18c: {  	v18 =	vmax.f32 v18, v27  }
0x18d: {  	v18 =	vmax.f32 v18, v28  }
0x18e: {  	v18 =	vmax.f32 v18, v29  }
0x18f: {  	v18 =	vmax.f32 v18, v30  }
0x190: {  	[tilespmem:$0x520] =	vst v18  }
0x191: {  	v31 =	vld.idx.msk [tilespmem:v48+s2+$0x0], $0xffff  }
0x192: {  	v32 =	vld.idx.msk [tilespmem:v49+s2+$0x0], $0xffff  }
0x193: {  	v33 =	vld.idx.msk [tilespmem:v50+s2+$0x0], $0xffff  }
0x194: {  	v34 =	vld.idx.msk [tilespmem:v51+s2+$0x0], $0xffff  }
0x195: {  	v35 =	vld.idx.msk [tilespmem:v52+s2+$0x0], $0xffff  }
0x196: {  	v36 =	vld.idx.msk [tilespmem:v53+s2+$0x0], $0xffff  }
0x197: {  	v37 =	vld.idx.msk [tilespmem:v54+s2+$0x0], $0xffff;
	v19 =	vmax.f32 v31, v32  }
0x198: {  	v38 =	vld.idx.msk [tilespmem:v55+s2+$0x0], $0xffff;
	v19 =	vmax.f32 v19, v33  }
0x199: {  	v39 =	vld.idx.msk [tilespmem:v56+s2+$0x0], $0xffff;
	v19 =	vmax.f32 v19, v34  }
0x19a: {  	v40 =	vld.idx.msk [tilespmem:v57+s2+$0x0], $0xffff;
	v19 =	vmax.f32 v19, v35  }
0x19b: {  	v41 =	vld.idx.msk [tilespmem:v58+s2+$0x0], $0xffff;
	v19 =	vmax.f32 v19, v36  }
0x19c: {  	v42 =	vld.idx.msk [tilespmem:v59+s2+$0x0], $0xffff;
	v19 =	vmax.f32 v19, v37  }
0x19d: {  	v43 =	vld.idx.msk [tilespmem:v60+s2+$0x0], $0xffff;
	v19 =	vmax.f32 v19, v38  }
0x19e: {  	v44 =	vld.idx.msk [tilespmem:v61+s2+$0x0], $0xffff;
	v19 =	vmax.f32 v19, v39  }
0x19f: {  	v45 =	vld.idx.msk [tilespmem:v62+s2+$0x0], $0xffff;
	v19 =	vmax.f32 v19, v40  }
0x1a0: {  	v46 =	vld.idx.msk [tilespmem:v63+s2+$0x0], $0xffff;
	v19 =	vmax.f32 v19, v41  }
0x1a1: {  	v19 =	vmax.f32 v19, v42  }
0x1a2: {  	v19 =	vmax.f32 v19, v43  }
0x1a3: {  	v19 =	vmax.f32 v19, v44  }
0x1a4: {  	v19 =	vmax.f32 v19, v45  }
0x1a5: {  	v19 =	vmax.f32 v19, v46  }
0x1a6: {  	[tilespmem:$0x530] =	vst v19  }
0x1a7: {  	v1 =	vld.idx.msk [tilespmem:v1+s2+$0x0], $0xffff  }
0x1a8: {  	v2 =	vld.idx.msk [tilespmem:v2+s2+$0x0], $0xffff  }
0x1a9: {  	v3 =	vld.idx.msk [tilespmem:v3+s2+$0x0], $0xffff  }
0x1aa: {  	v4 =	vld.idx.msk [tilespmem:v4+s2+$0x0], $0xffff  }
0x1ab: {  	v5 =	vld.idx.msk [tilespmem:v5+s2+$0x0], $0xffff  }
0x1ac: {  	v6 =	vld.idx.msk [tilespmem:v6+s2+$0x0], $0xffff  }
0x1ad: {  	v47 =	vld.idx.msk [tilespmem:v7+s2+$0x0], $0xffff;
	v1 =	vmax.f32 v1, v2  }
0x1ae: {  	v48 =	vld.idx.msk [tilespmem:v8+s2+$0x0], $0xffff;
	v1 =	vmax.f32 v1, v3  }
0x1af: {  	v49 =	vld.idx.msk [tilespmem:v9+s2+$0x0], $0xffff;
	v1 =	vmax.f32 v1, v4  }
0x1b0: {  	v50 =	vld.idx.msk [tilespmem:v10+s2+$0x0], $0xffff;
	v1 =	vmax.f32 v1, v5  }
0x1b1: {  	v51 =	vld.idx.msk [tilespmem:v11+s2+$0x0], $0xffff;
	v1 =	vmax.f32 v1, v6  }
0x1b2: {  	v52 =	vld.idx.msk [tilespmem:v12+s2+$0x0], $0xffff;
	v1 =	vmax.f32 v1, v47  }
0x1b3: {  	v53 =	vld.idx.msk [tilespmem:v13+s2+$0x0], $0xffff;
	v1 =	vmax.f32 v1, v48  }
0x1b4: {  	v54 =	vld.idx.msk [tilespmem:v14+s2+$0x0], $0xffff;
	v1 =	vmax.f32 v1, v49  }
0x1b5: {  	v55 =	vld.idx.msk [tilespmem:v15+s2+$0x0], $0xffff;
	v1 =	vmax.f32 v1, v50  }
0x1b6: {  	v56 =	vld.idx.msk [tilespmem:v16+s2+$0x0], $0xffff;
	v1 =	vmax.f32 v1, v51  }
0x1b7: {  	v1 =	vmax.f32 v1, v52  }
0x1b8: {  	(xrf0) =	vmax.scan.msk.f32 $0xffff, v0;
	v1 =	vmax.f32 v1, v53  }
0x1b9: {  	(xrf0) =	vmax.scan.msk.f32 $0xffff, v17;
	v57 =	vmax.f32 v1, v54  }
0x1ba: {  	(xrf0) =	vmax.scan.msk.f32 $0xffff, v18;
	v0 =	vmax.f32 v57, v55  }
0x1bb: {  	(xrf0) =	vmax.scan.msk.f32 $0xffff, v19;
	v0 =	vmax.f32 v0, v56  }
0x1bc: {  	(xrf0) =	vmax.scan.msk.f32 $0xffff, v0;
	_ =	sdelay $0x1  }
0x1bd: {  	v58, _, _ =	vpop (xrf0)  }
0x1be: {  	(v2sf) =	vpush v58, $0xF;
	v59, _, _ =	vpop (xrf0)  }
0x1bf: {  	(v2sf) =	vpush v59, $0xF;
	v60, _, _ =	vpop (xrf0)  }
0x1c0: {  	(v2sf) =	vpush v60, $0xF;
	v61, _, _ =	vpop (xrf0)  }
0x1c1: {  	(v2sf) =	vpush v61, $0xF;
	v62, _, _ =	vpop (xrf0)  }
0x1c2: {  	(v2sf) =	vpush v62, $0xF;
	_ =	sdelay $0xa  }
0x1c3: {  	s16 =	spop (v2sf)  }
0x1c4: {  	s4 =	spop (v2sf)  }
0x1c5: {  	s8 =	spop (v2sf)  }
0x1c6: {  	s9 =	spop (v2sf)  }
0x1c7: {  	[tilespmem:$0x540] =	vst v0;
	s10 =	spop (v2sf)  }
0x1c8: {  	_ =	swait.ge [sflag:s11], $0x5000  }
0x1c9: {  	[sflag:s11] =	ssyncset.done $0x0  }
0x1ca: {  	[sflag:s11] =	ssyncadd.s32 $0xFFFFB000  }
0x1cb: {  	_ =	swait.ge [sflag:s11], $0x5000  }
0x1cc: {  	[sflag:s11] =	ssyncset.done $0x0  }
0x1cd: {  	[sflag:s11] =	ssyncadd.s32 $0xFFFFB000  }
0x1ce: {  	_ =	swait.ge [sflag:s11], $0x5000  }
0x1cf: {  	[sflag:s11] =	ssyncset.done $0x0  }
0x1d0: {  	[sflag:s11] =	ssyncadd.s32 $0xFFFFB000  }
0x1d1: {  	_ =	swait.ge [sflag:s11], $0x5000  }
0x1d2: {  	[sflag:s11] =	ssyncset.done $0x0  }
0x1d3: {  	[sflag:s11] =	ssyncadd.s32 $0xFFFFB000  }
0x1d4: {  	_ =	swait.ge [sflag:s11], $0x5000  }
0x1d5: {  	[sflag:s11] =	ssyncset.done $0x0  }
0x1d6: {  	v63 =	vimm.f32 $-1.000000000e+06;
	[sflag:s11] =	ssyncadd.s32 $0xFFFFB000  }
0x1d7: {  	[tilespmem:$0x1C300] =	vst v63  }
0x1d8: {  	[tilespmem:$0x1C380] =	vst v63  }
0x1d9: {  	[tilespmem:$0x1C400] =	vst v63  }
0x1da: {  	[tilespmem:$0x1C480] =	vst v63  }
0x1db: {  	[tilespmem:$0x1C500] =	vst v63  }
0x1dc: {  	[tilespmem:$0x1C310] =	vst v63  }
0x1dd: {  	[tilespmem:$0x1C390] =	vst v63  }
0x1de: {  	[tilespmem:$0x1C410] =	vst v63  }
0x1df: {  	[tilespmem:$0x1C490] =	vst v63  }
0x1e0: {  	[tilespmem:$0x1C510] =	vst v63  }
0x1e1: {  	[tilespmem:$0x1C320] =	vst v63  }
0x1e2: {  	[tilespmem:$0x1C3A0] =	vst v63  }
0x1e3: {  	[tilespmem:$0x1C420] =	vst v63  }
0x1e4: {  	[tilespmem:$0x1C4A0] =	vst v63  }
0x1e5: {  	[tilespmem:$0x1C520] =	vst v63  }
0x1e6: {  	[tilespmem:$0x1C330] =	vst v63  }
0x1e7: {  	[tilespmem:$0x1C3B0] =	vst v63  }
0x1e8: {  	[tilespmem:$0x1C430] =	vst v63  }
0x1e9: {  	[tilespmem:$0x1C4B0] =	vst v63  }
0x1ea: {  	[tilespmem:$0x1C530] =	vst v63  }
0x1eb: {  	[tilespmem:$0x1C340] =	vst v63  }
0x1ec: {  	[tilespmem:$0x1C3C0] =	vst v63  }
0x1ed: {  	[tilespmem:$0x1C440] =	vst v63  }
0x1ee: {  	[tilespmem:$0x1C4C0] =	vst v63  }
0x1ef: {  	[tilespmem:$0x1C540] =	vst v63  }
0x1f0: {  	[tilespmem:$0x1C350] =	vst v63  }
0x1f1: {  	s31 =	smax.f32 s16, s4;
	s12 =	smax.f32 s8, s9;
	[tilespmem:$0x1C3D0] =	vst v63  }
0x1f2: {  	s11 =	smax.f32 s31, s12;
	[tilespmem:$0x1C450] =	vst v63  }
0x1f3: {  	[tilespmem:$0x1C4D0] =	vst v63;
	s11 =	smax.f32 s11, s10  }
0x1f4: {  	[tilespmem:$0x1C550] =	vst v63;
	p0 =	sgt.f32 s11, $-1.000000000e+09  }
.Ltmp1:
0x1f5: {  	[tilespmem:$0x1C360] =	vst v63;
	(pc) =	sbr.rel @!p0 .LBB2_7-.Ltmp1, $4  }
0x1f6: {  	[tilespmem:$0x1C3E0] =	vst v63  }
0x1f7: {  	[tilespmem:$0x1C460] =	vst v63  }
0x1f8: {  	[tilespmem:$0x1C4E0] =	vst v63  }
0x1f9: {  	[tilespmem:$0x1C560] =	vst v63  }
0x1fa: {  	v0 =	vlaneseq.u32  }
.LBB2_5:
0x1fb: {  	p0 =	seq.f32 s9, s11  }
0x1fc: {  	p2 =	seq.f32 s8, s11;
	s12 =	simm.s32 $0x30  }
0x1fd: {  	p1 =	seq.f32 s4, s11;
	s12 =	simm.s32 @!p0 $0x40  }
0x1fe: {  	p0 =	sne.f32 s16, s11;
	s12 =	simm.s32 @p2 $0x20  }
0x1ff: {  	s12 =	simm.s32 @p1 $0x10  }
0x200: {  	s12 =	simm.s32 @!p0 $0x0  }
0x201: {  	v5 =	vld [tilespmem:s12+$0x500];
	_ =	sdelay $0x4  }
0x202: {  	vm1 =	veq.f32 v5, s11  }
0x203: {  	v6 =	vmctz.xlane vm1;
	_ =	sdelay $0x1  }
0x204: {  	(v2sf) =	vpush v6, $0x0;
	_ =	sdelay $0xe  }
0x205: {  	s13 =	spop (v2sf)  }
0x206: {  	s13 =	sadd.s32 s12, s13  }
0x207: {  	s13 =	sshll.u32 s13, $0x4  }
0x208: {  	v7 =	vld [tilespmem:s13+$0x0];
	_ =	sdelay $0x4  }
0x209: {  	vm1 =	veq.f32 v7, s11  }
0x20a: {  	v1 =	vmctz.xlane vm1;
	_ =	sdelay $0x1  }
0x20b: {  	(v2sf) =	vpush v1, $0x0;
	_ =	sdelay $0xe  }
0x20c: {  	s28 =	spop (v2sf)  }
0x20d: {  	s14 =	sadd.s32 s28, s13  }
0x20e: {  	s14 =	sshll.u32 s14, $0x4  }
0x20f: {  	v8 =	vld [tilespmem:s14+$0x3300];
	_ =	sdelay $0x2  }
0x210: {  	v10 =	vld [tilespmem:$0x1C300]  }
0x211: {  	v11 =	vld [tilespmem:$0x1C380]  }
0x212: {  	v12 =	vld [tilespmem:$0x1C400];
	vm1 =	veq.f32 v8, s11  }
0x213: {  	v13 =	vld [tilespmem:$0x1C480];
	v9 =	vmctz.xlane vm1  }
0x214: {  	v53 =	vld [tilespmem:$0x1C310]  }
0x215: {  	v54 =	vld [tilespmem:$0x1C390];
	v1 =	vadd.s32 s14, v9  }
0x216: {  	v56 =	vld [tilespmem:$0x1C410]  }
0x217: {  	v58 =	vld [tilespmem:$0x1C490]  }
0x218: {  	v59 =	vld [tilespmem:$0x1C320]  }
0x219: {  	v18 =	vld [tilespmem:$0x1C3A0]  }
0x21a: {  	v4 =	vld.idx.msk [tilespmem:v1+s7+$0x0], $0xffff  }
0x21b: {  	v3 =	vld.idx.msk [tilespmem:v1+s6+$0x0], $0xffff  }
0x21c: {  	v2 =	vld.idx.msk [tilespmem:v1+s5+$0x0], $0xffff  }
0x21d: {  	v1 =	vld.idx.msk [tilespmem:v1+s3+$0x0], $0xffff  }
0x21e: {  	v20 =	vld [tilespmem:$0x1C420]  }
0x21f: {  	v24 =	vld [tilespmem:$0x1C4A0]  }
0x220: {  	v61 =	vld [tilespmem:$0x1C330]  }
0x221: {  	v62 =	vld [tilespmem:$0x1C3B0];
	v52 =	vsub.f32 v13, v11;
	vm1 =	veq.s32 v9, v0  }
0x222: {  	v63 =	vld [tilespmem:$0x1C430];
	v8 =	vsel vm1, $0xCE6E6B28, v8;
	v14 =	vsub.f32 v2, v4;
	v15 =	vsub.f32 v1, v3  }
0x223: {  	v25 =	vld [tilespmem:$0x1C4B0];
	v16 =	vmin.f32 v2, v12;
	v17 =	vmax.f32 v4, v10;
	v10 =	vsub.f32 v12, v10  }
0x224: {  	v26 =	vld [tilespmem:$0x1C340];
	v13 =	vmin.f32 v1, v13;
	v11 =	vmax.f32 v3, v11;
	v12 =	vmax.f32 v52, $0.0e+00  }
0x225: {  	v40 =	vld [tilespmem:$0x1C440];
	v19 =	vmin.f32 v2, v56;
	v21 =	vmax.f32 v4, v53;
	v22 =	vmin.f32 v1, v58  }
0x226: {  	v38 =	vld [tilespmem:$0x1C3C0];
	v23 =	vmax.f32 v3, v54;
	v32 =	vmin.f32 v2, v20;
	v33 =	vmax.f32 v4, v59  }
0x227: {  	v29 =	vld [tilespmem:$0x1C4C0];
	v34 =	vmin.f32 v1, v24;
	v35 =	vmax.f32 v3, v18;
	v18 =	vsub.f32 v24, v18  }
0x228: {  	v47 =	vld [tilespmem:$0x1C350];
	v39 =	vmin.f32 v2, v63;
	v41 =	vmax.f32 v4, v61;
	v27 =	vmin.f32 v1, v25  }
0x229: {  	v50 =	vld [tilespmem:$0x1C3D0];
	v28 =	vmax.f32 v3, v62;
	v16 =	vsub.f32 v16, v17;
	v11 =	vsub.f32 v13, v11  }
0x22a: {  	v30 =	vld [tilespmem:$0x1C450];
	v48 =	vmin.f32 v2, v40;
	v19 =	vsub.f32 v19, v21;
	v60 =	vsub.f32 v22, v23  }
0x22b: {  	v49 =	vmax.f32 v4, v26;
	v13 =	vsub.f32 v56, v53;
	v37 =	vsub.f32 v34, v35  }
0x22c: {  	v51 =	vmin.f32 v1, v29;
	v17 =	vsub.f32 v20, v59;
	v20 =	vsub.f32 v39, v41  }
0x22d: {  	v52 =	vmax.f32 v3, v38;
	v42 =	vsub.f32 v27, v28;
	v24 =	vsub.f32 v48, v49  }
0x22e: {  	s15 =	smov.u32 s16;
	s16 =	sand.u32 $0xF, s28;
	v31 =	vmax.f32 v3, v50;
	v53 =	vsub.f32 v51, v52;
	v23 =	vsub.f32 v40, v26  }
0x22f: {  	v59 =	vmin.f32 v2, v30;
	v22 =	vsub.f32 v30, v47;
	v48 =	vmov s16  }
0x230: {  	v14 =	vmax.f32 v14, $0.0e+00;
	v15 =	vmax.f32 v15, $0.0e+00;
	v10 =	vmax.f32 v10, $0.0e+00  }
0x231: {  	v44 =	vmax.f32 v18, $0.0e+00;
	vm1 =	veq.s32 v48, v0;
	v14 =	vmul.f32 v15, v14  }
0x232: {  	(xrf0) =	vmax.scan.msk.f32 $0xffff, v8;
	v12 =	vmul.f32 v12, v10;
	v55 =	vmax.f32 v16, $0.0e+00;
	v11 =	vmax.f32 v11, $0.0e+00  }
0x233: {  	v19 =	vmax.f32 v19, $0.0e+00;
	v21 =	vmax.f32 v60, $0.0e+00;
	v13 =	vmax.f32 v13, $0.0e+00  }
0x234: {  	v15 =	vsub.f32 v32, v33;
	v43 =	vmax.f32 v17, $0.0e+00;
	v45 =	vmax.f32 v20, $0.0e+00  }
0x235: {  	v46 =	vmax.f32 v42, $0.0e+00;
	v16 =	vsub.f32 v63, v61;
	v24 =	vmax.f32 v24, $0.0e+00  }
0x236: {  	v56 =	vld [tilespmem:$0x1C3E0];
	v18 =	vmax.f32 v53, $0.0e+00;
	v23 =	vmax.f32 v23, $0.0e+00;
	v61 =	vmax.f32 v4, v47  }
0x237: {  	v22 =	vmax.f32 v22, $0.0e+00;
	v10 =	vmul.f32 v11, v55;
	v19 =	vmul.f32 v21, v19  }
0x238: {  	v60 =	vld [tilespmem:$0x1C4E0];
	v47, _, _ =	vpop (xrf0);
	v17 =	vmul.f32 v46, v45;
	v21 =	vsub.f32 v29, v38;
	v63 =	vsub.f32 v59, v61  }
0x239: {  	v55 =	vld [tilespmem:$0x1C360];
	v9 =	vbroadcast v47, $0xF;
	v57 =	vadd.f32 v12, v14;
	v12 =	vsub.f32 v58, v54  }
0x23a: {  	v36 =	vmax.f32 v15, $0.0e+00;
	v15 =	vmax.f32 v37, $0.0e+00;
	v54 =	vld [tilespmem:$0x1C4D0];
	v16 =	vmax.f32 v16, $0.0e+00  }
0x23b: {  	v58 =	vld [tilespmem:$0x1C460];
	v21 =	vmax.f32 v21, $0.0e+00;
	v26 =	vmax.f32 v3, v56;
	v11 =	vsub.f32 v57, v10  }
0x23c: {  	v12 =	vmax.f32 v12, $0.0e+00;
	v57 =	vmul.f32 v18, v24;
	v21 =	vmul.f32 v21, v23  }
0x23d: {  	v7 =	vsel vm1, v9, v7;
	v12 =	vmul.f32 v12, v13;
	v13 =	vmul.f32 v15, v36  }
0x23e: {  	v15 =	vmul.f32 v44, v43;
	v35 =	vsub.f32 v60, v56;
	v36 =	vmin.f32 v1, v60  }
0x23f: {  	v11 =	vadd.f32 $9.999999710e-10, v11;
	v34 =	vmax.f32 v4, v55;
	v26 =	vsub.f32 v36, v26  }
0x240: {  	v21 =	vadd.f32 v21, v14;
	v20 =	vmin.f32 v1, v54;
	v18 =	vsub.f32 v58, v55  }
0x241: {  	v33 =	vmin.f32 v2, v58;
	v12 =	vadd.f32 v12, v14;
	v15 =	vadd.f32 v15, v14  }
0x242: {  	(erf) = vrcp.f32 v11;
	v11 =	vsub.f32 v25, v62;
	v62 =	vsub.f32 v54, v50  }
0x243: {  	v23 =	vmax.f32 v63, $0.0e+00;
	v20 =	vsub.f32 v20, v31;
	v24 =	vsub.f32 v33, v34  }
0x244: {  	v25 =	vmax.f32 v35, $0.0e+00;
	v40 =	vmax.f32 v26, $0.0e+00;
	v11 =	vmax.f32 v11, $0.0e+00  }
0x245: {  	v41 =	vsub.f32 v21, v57;
	v18 =	vmax.f32 v18, $0.0e+00;
	v11 =	vmul.f32 v11, v16  }
0x246: {  	v12 =	vsub.f32 v12, v19;
	v38 =	vsub.f32 v15, v13;
	v32 =	vmax.f32 v62, $0.0e+00  }
0x247: {  	v18 =	vmul.f32 v25, v18;
	v22 =	vmul.f32 v32, v22;
	v11 =	vadd.f32 v11, v14  }
0x248: {  	v20 =	vmax.f32 v20, $0.0e+00;
	v39 =	vmax.f32 v24, $0.0e+00;
	v37 =	vadd.f32 $9.999999710e-10, v12  }
0x249: {  	v20 =	vmul.f32 v20, v23;
	v22 =	vadd.f32 v22, v14;
	v11 =	vsub.f32 v11, v17  }
0x24a: {  	v15 =	vmul.f32 v40, v39;
	v12 =	vadd.f32 $9.999999710e-10, v38;
	v14 =	vadd.f32 v18, v14  }
0x24b: {  	(erf) = vrcp.f32 v37;
	v43 =	vsub.f32 v22, v20;
	v42 =	vadd.f32 $9.999999710e-10, v11  }
0x24c: {  	(xrf0) =	vmax.scan.msk.f32 $0xffff, v7;
	v44 =	vadd.f32 $9.999999710e-10, v41;
	(erf) = vrcp.f32 v12;
	v14 =	vsub.f32 v14, v15  }
0x24d: {  	v45 =	vadd.f32 $9.999999710e-10, v43;
	(erf) = vrcp.f32 v42  }
0x24e: {  	v46 =	vadd.f32 $9.999999710e-10, v14;
	(erf) = vrcp.f32 v44  }
0x24f: {  	(erf) = vrcp.f32 v45  }
0x250: {  	(erf) = vrcp.f32 v46;
	_ =	sdelay $0x1  }
0x251: {  	v60, _, _ =	vpop (xrf0)  }
0x252: {  	v49 =	vpop (erf)  }
0x253: {  	v10 =	vmul.f32 v49, v10;
	v50 =	vpop (erf)  }
0x254: {  	v51 =	vpop (erf);
	v9 =	vmul.f32 v50, v19  }
0x255: {  	v10 =	vmax.f32 v10, $0.0e+00;
	v11 =	vmul.f32 v51, v13;
	v52 =	vpop (erf)  }
0x256: {  	v6 =	vbroadcast v6, $0x0;
	v9 =	vmax.f32 v10, v9;
	v53 =	vpop (erf);
	v54 =	vmul.f32 v52, v17  }
0x257: {  	v61 =	vbroadcast v60, $0xF;
	v9 =	vmax.f32 v9, v11;
	v55 =	vpop (erf);
	v56 =	vmul.f32 v53, v57  }
0x258: {  	vm1 =	veq.s32 v6, v0;
	v9 =	vmax.f32 v9, v54;
	v57 =	vmul.f32 v55, v20;
	v58 =	vpop (erf)  }
0x259: {  	v5 =	vsel vm1, v61, v5;
	v9 =	vmax.f32 v9, v56;
	v59 =	vmul.f32 v58, v15  }
0x25a: {  	(xrf0) =	vmax.scan.msk.f32 $0xffff, v5;
	v9 =	vmax.f32 v9, v57  }
0x25b: {  	v9 =	vmax.f32 v9, v59  }
0x25c: {  	vm1 =	vgt.f32 v9, $5.000000000e-01  }
0x25d: {  	v62 =	vmpcnt.ones.xlane vm1;
	_ =	sdelay $0x1  }
0x25e: {  	(v2sf) =	vpush v62, $0x0  }
0x25f: {  	v63, _, _ =	vpop (xrf0)  }
0x260: {  	(v2sf) =	vpush v63, $0xF;
	_ =	sdelay $0xc  }
0x261: {  	s29 =	spop (v2sf)  }
0x262: {  	p2 =	sgt.s32 s29, $0x0  }
0x263: {  	s20 =	spop (v2sf);
	s17 =	sand.u32 @!p2 $0x70, s2;
	s18 =	sand.u32 @!p2 $0xF, s2  }
0x264: {  	s19 =	simm.s32 $0x1;
	s16 =	smov.u32 s20;
	v9 =	vld @!p2 [tilespmem:s17+$0x1C380];
	v11 =	vmov @!p2 s18;
	s18 =	smov.u32 s4  }
0x265: {  	p3 =	slt.s32 s29, $0x1;
	s16 =	smov.u32 @p0 s15;
	s18 =	smov.u32 @p1 s20  }
0x266: {  	v6 =	vld @!p2 [tilespmem:s17+$0x1C300];
	p1 =	seq.s32 s12, $0x30;
	s4 =	smov.u32 @p0 s18;
	p0 =	seq.s32 s12, $0x20  }
0x267: {  	v12 =	vlaneseq.u32 @!p2;
	s19 =	simm.s32 @!p3 $0x0;
	v10 =	vld @!p2 [tilespmem:s17+$0x1C400];
	s9 =	smov.u32 @p1 s20;
	s8 =	smov.u32 @p0 s20  }
0x268: {  	v13 =	vld @!p2 [tilespmem:s17+$0x1C480];
	vm1 =	veq.s32 @!p2 v11, v12;
	p0 =	seq.s32 s12, $0x40;
	s15 =	smax.f32 s16, s4;
	s30 =	smax.f32 s8, s9  }
0x269: {  	s2 =	sadd.s32 s19, s2;
	v11 =	vld @!p2 [tilespmem:s17+$0x1C500];
	s10 =	smov.u32 @p0 s20;
	v3 =	vsel @!p2 vm1, v3, v9;
	s31 =	smax.f32 s15, s30  }
0x26a: {  	p0 =	sgt.u32 s2, $0x63;
	[tilespmem:s17+$0x1C380] =	vst @!p2 v3;
	v3 =	vmov s11;
	s11 =	smax.f32 s31, s10  }
0x26b: {  	v4 =	vsel @!p2 vm1, v4, v6;
	p1 =	sgt.f32 @!p0 s11, $-1.000000000e+09  }
0x26c: {  	v2 =	vsel @!p2 vm1, v2, v10;
	[tilespmem:s17+$0x1C300] =	vst @!p2 v4  }
0x26d: {  	v1 =	vsel @!p2 vm1, v1, v13;
	[tilespmem:s17+$0x1C400] =	vst @!p2 v2;
	p1 =	por p0, !p1  }
.Ltmp2:
0x26e: {  	[tilespmem:s17+$0x1C480] =	vst @!p2 v1;
	v1 =	vsel @!p2 vm1, v3, v11;
	(pc) =	sbr.rel @!p1 .LBB2_5-.Ltmp2, $4  }
0x26f: {  	[tilespmem:s17+$0x1C500] =	vst @!p2 v1  }
0x270: {  	[tilespmem:s14+$0x3300] =	vst v8  }
0x271: {  	[tilespmem:s13+$0x0] =	vst v7  }
0x272: {  	[tilespmem:s12+$0x500] =	vst v5  }
0x273: {  	s2 =	smov.u32 @p0 s2  }
.LBB2_7:
0x274: {  	v0 =	vld [tilespmem:$0x8300];
	_ =	sdelay $0x4  }
0x275: {  	v0 =	vnsel vm0, $0xCE6E6B28, v0  }
0x276: {  	(xrf0) =	vmax.scan.msk.f32 $0xffff, v0  }
0x277: {  	v2 =	vld [tilespmem:$0xD300];
	_ =	sdelay $0x1  }
0x278: {  	v1 =	vlaneseq.u32  }
0x279: {  	v4 =	vld [tilespmem:$0x1C300];
	v15 =	vmul.u32 $0x5, v1;
	_ =	sdelay $0x1  }
0x27a: {  	v2 =	vnsel vm0, $0xCE6E6B28, v2;
	v3, _, _ =	vpop (xrf0)  }
0x27b: {  	v16 =	vmov s2;
	(xrf0) =	vmax.scan.msk.f32 $0xffff, v2;
	v3 =	vbroadcast v3, $0xF  }
0x27c: {  	v5 =	vld [tilespmem:$0x12300];
	vm1 =	vgt.u32 v16, v1  }
0x27d: {  	v6 =	vld [tilespmem:$0x17300];
	s30 =	simm.s32 $0xA00;
	v4 =	vsel vm1, v4, v3  }
0x27e: {  	v7 =	vld [tilespmem:$0x3280];
	[tilespmem:v15+s30+$0x0] =	vst.idx.msk $0xffff, v4  }
0x27f: {  	v8 =	vld [tilespmem:$0x1C380]  }
0x280: {  	v9 =	vadd.s32 $0x1, v15  }
0x281: {  	v5 =	vnsel vm0, $0xCE6E6B28, v5;
	v17, _, _ =	vpop (xrf0)  }
0x282: {  	(xrf0) =	vmax.scan.msk.f32 $0xffff, v5;
	v4 =	vbroadcast v17, $0xF;
	_ =	sdelay $0x1  }
0x283: {  	v18 =	vsel vm1, v8, v4  }
0x284: {  	[tilespmem:v9+s30+$0x0] =	vst.idx.msk $0xffff, v18  }
0x285: {  	v19 =	vld [tilespmem:$0x1C400]  }
0x286: {  	v20 =	vadd.s32 $0x2, v15  }
0x287: {  	v6 =	vnsel vm0, $0xCE6E6B28, v6;
	v21, _, _ =	vpop (xrf0)  }
0x288: {  	(xrf0) =	vmax.scan.msk.f32 $0xffff, v6;
	v5 =	vbroadcast v21, $0xF;
	_ =	sdelay $0x1  }
0x289: {  	v22 =	vsel vm1, v19, v5  }
0x28a: {  	[tilespmem:v20+s30+$0x0] =	vst.idx.msk $0xffff, v22  }
0x28b: {  	v23 =	vld [tilespmem:$0x1C480]  }
0x28c: {  	v24 =	vadd.s32 $0x3, v15  }
0x28d: {  	v25 =	vnsel vm0, $0xCE6E6B28, v7;
	v26, _, _ =	vpop (xrf0)  }
0x28e: {  	(xrf0) =	vmax.scan.msk.f32 $0xffff, v25;
	v27 =	vbroadcast v26, $0xF;
	_ =	sdelay $0x1  }
0x28f: {  	v7 =	vsel vm1, v23, v27  }
0x290: {  	[tilespmem:v24+s30+$0x0] =	vst.idx.msk $0xffff, v7  }
0x291: {  	v28 =	vld [tilespmem:$0x1C500]  }
0x292: {  	v29 =	vadd.s32 $0x4, v15  }
0x293: {  	v30, _, _ =	vpop (xrf0)  }
0x294: {  	v7 =	vbroadcast v30, $0xF;
	_ =	sdelay $0x1  }
0x295: {  	v8 =	vsel vm1, v28, v7  }
0x296: {  	[tilespmem:v29+s30+$0x0] =	vst.idx.msk $0xffff, v8  }
0x297: {  	v8 =	vld [tilespmem:$0x1C310]  }
0x298: {  	v31 =	vadd.s32 $0x50, v15;
	_ =	sdelay $0x1  }
0x299: {  	v10 =	vor.u32 $0x10, v1  }
0x29a: {  	vm10 =	vgt.u32 v16, v10  }
0x29b: {  	v8 =	vsel vm10, v8, v3  }
0x29c: {  	[tilespmem:v31+s30+$0x0] =	vst.idx.msk $0xffff, v8  }
0x29d: {  	v8 =	vld [tilespmem:$0x1C390]  }
0x29e: {  	v32 =	vadd.s32 $0x51, v15;
	_ =	sdelay $0x3  }
0x29f: {  	v8 =	vsel vm10, v8, v4  }
0x2a0: {  	[tilespmem:v32+s30+$0x0] =	vst.idx.msk $0xffff, v8  }
0x2a1: {  	v8 =	vld [tilespmem:$0x1C410]  }
0x2a2: {  	v33 =	vadd.s32 $0x52, v15;
	_ =	sdelay $0x3  }
0x2a3: {  	v8 =	vsel vm10, v8, v5  }
0x2a4: {  	[tilespmem:v33+s30+$0x0] =	vst.idx.msk $0xffff, v8  }
0x2a5: {  	v8 =	vld [tilespmem:$0x1C490]  }
0x2a6: {  	v34 =	vadd.s32 $0x53, v15;
	_ =	sdelay $0x3  }
0x2a7: {  	v8 =	vsel vm10, v8, v27  }
0x2a8: {  	[tilespmem:v34+s30+$0x0] =	vst.idx.msk $0xffff, v8  }
0x2a9: {  	v8 =	vld [tilespmem:$0x1C510]  }
0x2aa: {  	v35 =	vadd.s32 $0x54, v15;
	_ =	sdelay $0x3  }
0x2ab: {  	v8 =	vsel vm10, v8, v7  }
0x2ac: {  	[tilespmem:v35+s30+$0x0] =	vst.idx.msk $0xffff, v8  }
0x2ad: {  	v8 =	vld [tilespmem:$0x1C320]  }
0x2ae: {  	v36 =	vadd.s32 $0xA0, v15;
	_ =	sdelay $0x1  }
0x2af: {  	v37 =	vor.u32 $0x20, v1  }
0x2b0: {  	vm11 =	vgt.u32 v16, v37  }
0x2b1: {  	v8 =	vsel vm11, v8, v3  }
0x2b2: {  	[tilespmem:v36+s30+$0x0] =	vst.idx.msk $0xffff, v8  }
0x2b3: {  	v8 =	vld [tilespmem:$0x1C3A0]  }
0x2b4: {  	v38 =	vadd.s32 $0xA1, v15;
	_ =	sdelay $0x3  }
0x2b5: {  	v8 =	vsel vm11, v8, v4  }
0x2b6: {  	[tilespmem:v38+s30+$0x0] =	vst.idx.msk $0xffff, v8  }
0x2b7: {  	v8 =	vld [tilespmem:$0x1C420]  }
0x2b8: {  	v39 =	vadd.s32 $0xA2, v15;
	_ =	sdelay $0x3  }
0x2b9: {  	v8 =	vsel vm11, v8, v5  }
0x2ba: {  	[tilespmem:v39+s30+$0x0] =	vst.idx.msk $0xffff, v8  }
0x2bb: {  	v8 =	vld [tilespmem:$0x1C4A0]  }
0x2bc: {  	v40 =	vadd.s32 $0xA3, v15;
	_ =	sdelay $0x3  }
0x2bd: {  	v8 =	vsel vm11, v8, v27  }
0x2be: {  	[tilespmem:v40+s30+$0x0] =	vst.idx.msk $0xffff, v8  }
0x2bf: {  	v8 =	vld [tilespmem:$0x1C520]  }
0x2c0: {  	v41 =	vadd.s32 $0xA4, v15;
	_ =	sdelay $0x3  }
0x2c1: {  	v8 =	vsel vm11, v8, v7  }
0x2c2: {  	[tilespmem:v41+s30+$0x0] =	vst.idx.msk $0xffff, v8  }
0x2c3: {  	v8 =	vld [tilespmem:$0x1C330]  }
0x2c4: {  	v42 =	vadd.s32 $0xF0, v15;
	_ =	sdelay $0x1  }
0x2c5: {  	v43 =	vor.u32 $0x30, v1  }
0x2c6: {  	vm12 =	vgt.u32 v16, v43  }
0x2c7: {  	v8 =	vsel vm12, v8, v3  }
0x2c8: {  	[tilespmem:v42+s30+$0x0] =	vst.idx.msk $0xffff, v8  }
0x2c9: {  	v8 =	vld [tilespmem:$0x1C3B0]  }
0x2ca: {  	v44 =	vadd.s32 $0xF1, v15;
	_ =	sdelay $0x3  }
0x2cb: {  	v8 =	vsel vm12, v8, v4  }
0x2cc: {  	[tilespmem:v44+s30+$0x0] =	vst.idx.msk $0xffff, v8  }
0x2cd: {  	v8 =	vld [tilespmem:$0x1C430]  }
0x2ce: {  	v45 =	vadd.s32 $0xF2, v15;
	_ =	sdelay $0x3  }
0x2cf: {  	v8 =	vsel vm12, v8, v5  }
0x2d0: {  	[tilespmem:v45+s30+$0x0] =	vst.idx.msk $0xffff, v8  }
0x2d1: {  	v8 =	vld [tilespmem:$0x1C4B0]  }
0x2d2: {  	v46 =	vadd.s32 $0xF3, v15;
	_ =	sdelay $0x3  }
0x2d3: {  	v8 =	vsel vm12, v8, v27  }
0x2d4: {  	[tilespmem:v46+s30+$0x0] =	vst.idx.msk $0xffff, v8  }
0x2d5: {  	v8 =	vld [tilespmem:$0x1C530]  }
0x2d6: {  	v47 =	vadd.s32 $0xF4, v15;
	_ =	sdelay $0x3  }
0x2d7: {  	v8 =	vsel vm12, v8, v7  }
0x2d8: {  	[tilespmem:v47+s30+$0x0] =	vst.idx.msk $0xffff, v8  }
0x2d9: {  	v8 =	vld [tilespmem:$0x1C340]  }
0x2da: {  	v48 =	vadd.s32 $0x140, v15;
	_ =	sdelay $0x1  }
0x2db: {  	v49 =	vor.u32 $0x40, v1  }
0x2dc: {  	vm13 =	vgt.u32 v16, v49  }
0x2dd: {  	v8 =	vsel vm13, v8, v3  }
0x2de: {  	[tilespmem:v48+s30+$0x0] =	vst.idx.msk $0xffff, v8  }
0x2df: {  	v8 =	vld [tilespmem:$0x1C3C0]  }
0x2e0: {  	v50 =	vadd.s32 $0x141, v15;
	_ =	sdelay $0x3  }
0x2e1: {  	v8 =	vsel vm13, v8, v4  }
0x2e2: {  	[tilespmem:v50+s30+$0x0] =	vst.idx.msk $0xffff, v8  }
0x2e3: {  	v8 =	vld [tilespmem:$0x1C440]  }
0x2e4: {  	v51 =	vadd.s32 $0x142, v15;
	_ =	sdelay $0x3  }
0x2e5: {  	v8 =	vsel vm13, v8, v5  }
0x2e6: {  	[tilespmem:v51+s30+$0x0] =	vst.idx.msk $0xffff, v8  }
0x2e7: {  	v8 =	vld [tilespmem:$0x1C4C0]  }
0x2e8: {  	v52 =	vadd.s32 $0x143, v15;
	_ =	sdelay $0x3  }
0x2e9: {  	v8 =	vsel vm13, v8, v27  }
0x2ea: {  	[tilespmem:v52+s30+$0x0] =	vst.idx.msk $0xffff, v8  }
0x2eb: {  	v8 =	vld [tilespmem:$0x1C540]  }
0x2ec: {  	v53 =	vadd.s32 $0x144, v15;
	_ =	sdelay $0x3  }
0x2ed: {  	v8 =	vsel vm13, v8, v7  }
0x2ee: {  	[tilespmem:v53+s30+$0x0] =	vst.idx.msk $0xffff, v8  }
0x2ef: {  	v8 =	vld [tilespmem:$0x1C350]  }
0x2f0: {  	v54 =	vadd.s32 $0x190, v15;
	_ =	sdelay $0x1  }
0x2f1: {  	v55 =	vor.u32 $0x50, v1  }
0x2f2: {  	vm14 =	vgt.u32 v16, v55  }
0x2f3: {  	v8 =	vsel vm14, v8, v3  }
0x2f4: {  	[tilespmem:v54+s30+$0x0] =	vst.idx.msk $0xffff, v8  }
0x2f5: {  	v8 =	vld [tilespmem:$0x1C3D0]  }
0x2f6: {  	v56 =	vadd.s32 $0x191, v15;
	_ =	sdelay $0x3  }
0x2f7: {  	v8 =	vsel vm14, v8, v4  }
0x2f8: {  	[tilespmem:v56+s30+$0x0] =	vst.idx.msk $0xffff, v8  }
0x2f9: {  	v8 =	vld [tilespmem:$0x1C450]  }
0x2fa: {  	v57 =	vadd.s32 $0x192, v15;
	_ =	sdelay $0x3  }
0x2fb: {  	v8 =	vsel vm14, v8, v5  }
0x2fc: {  	[tilespmem:v57+s30+$0x0] =	vst.idx.msk $0xffff, v8  }
0x2fd: {  	v8 =	vld [tilespmem:$0x1C4D0]  }
0x2fe: {  	v58 =	vadd.s32 $0x193, v15;
	_ =	sdelay $0x3  }
0x2ff: {  	v8 =	vsel vm14, v8, v27  }
0x300: {  	[tilespmem:v58+s30+$0x0] =	vst.idx.msk $0xffff, v8  }
0x301: {  	v8 =	vld [tilespmem:$0x1C550]  }
0x302: {  	v59 =	vadd.s32 $0x194, v15;
	_ =	sdelay $0x3  }
0x303: {  	v8 =	vsel vm14, v8, v7  }
0x304: {  	[tilespmem:v59+s30+$0x0] =	vst.idx.msk $0xffff, v8  }
0x305: {  	v8 =	vld [tilespmem:$0x1C360]  }
0x306: {  	v60 =	vadd.s32 $0x1E0, v15;
	_ =	sdelay $0x1  }
0x307: {  	v1 =	vor.u32 $0x60, v1  }
0x308: {  	vm15 =	vgt.u32 v16, v1  }
0x309: {  	v1 =	vsel vm15, v8, v3  }
0x30a: {  	[tilespmem:v60+s30+$0x0] =	vst.idx.msk $0xffff, v1  }
0x30b: {  	v1 =	vld [tilespmem:$0x1C3E0]  }
0x30c: {  	v61 =	vadd.s32 $0x1E1, v15;
	_ =	sdelay $0x3  }
0x30d: {  	v1 =	vsel vm15, v1, v4  }
0x30e: {  	[tilespmem:v61+s30+$0x0] =	vst.idx.msk $0xffff, v1  }
0x30f: {  	v1 =	vld [tilespmem:$0x1C460]  }
0x310: {  	v62 =	vadd.s32 $0x1E2, v15;
	_ =	sdelay $0x3  }
0x311: {  	v1 =	vsel vm15, v1, v5  }
0x312: {  	[tilespmem:v62+s30+$0x0] =	vst.idx.msk $0xffff, v1  }
0x313: {  	v1 =	vld [tilespmem:$0x1C4E0]  }
0x314: {  	v63 =	vadd.s32 $0x1E3, v15;
	_ =	sdelay $0x3  }
0x315: {  	v1 =	vsel vm15, v1, v27  }
0x316: {  	[tilespmem:v63+s30+$0x0] =	vst.idx.msk $0xffff, v1  }
0x317: {  	v1 =	vld [tilespmem:$0x1C560]  }
0x318: {  	v0 =	vadd.s32 $0x1E4, v15;
	_ =	sdelay $0x3  }
0x319: {  	v1 =	vsel vm15, v1, v7  }
0x31a: {  	s3 =	simm.s32 $0x0;
	s31 =	simm.s32 $0x3;
	[tilespmem:v0+s30+$0x0] =	vst.idx.msk $0xffff, v1  }
0x31b: {  	[hbm4b:s1+s3] =	stream.linear.scatter [tilespmem:s30], [sflag:$0x3], $0x230, $0x38;
	[tilespmem:$0x1DED0] =	vst v63  }
0x31c: {  	_ =	swait.ge [sflag:s31], $0x230  }
0x31d: {  	[sflag:s31] =	ssyncset.done $0x0  }
0x31e: {  	[sflag:s31] =	ssyncadd.s32 $0xFFFFFDD0  }
0x31f: {  	_ =	sfence.sel $0x180000  }
0x320: {  	[bflag:$0x0] =	sbarrier.arrive $0xFFFF  }
0x321: {  	_ =	strace $0x90000047  }
0x322: {  	s0 =	sadd.s32 $0x100000, s0;
	[bflag:$0x2] =	sbarrier.arrive $0xFFFF  }
0x323: {  	[sflag:s0] =	ssyncadd.tile.s32 $0x1;
	_ =	shalt  }
.Lfunc_end2:
_tile_overlayer_lowered:
.L_overlay_start_2:
0x324: {  	(tag) =	ssettag $0x2  }
0x325: {  	s0 =	rddreg [dreg:$0x0];
	s2 =	stileid.u32  }
0x326: {  	s1 =	rddreg [dreg:$0x1];
	p0 =	sne.s32 s2, $0x0  }
0x327: {  	s3 =	rddreg [dreg:$0x2];
	[bflag:$0x3] =	sbarrier.arrive $0xFFFF;
	s2 =	simm.s32 @!p0 $0x1C03  }
0x328: {  	[timem:s3], [sflag:s2] =	dma.local @!p0 [hbm:s0], s1  }
0x329: {  	s0 =	simm.s32 @!p0 $0x3  }
0x32a: {  	_ =	swait.ge @!p0 [sflag:s0], s1  }
0x32b: {  	s1 =	ssub.s32 @!p0 $0x0, s1;
	[sflag:s0] =	ssyncset.done @!p0 $0x0  }
0x32c: {  	[sflag:s0] =	ssyncadd.s32 @!p0 s1  }
0x32d: {  	[bflag:$0x3] =	sbarrier.arrive $0xFFFF  }
0x32e: {  	_ =	shalt  }

</sc_bundles>
